<compile_context>
chip_gen: v7x
topology: tpu7x:2x2x1
jax: 0.10.2.dev20260603
libtpu: 0.0.44.dev20260713+nightly
codegen_flags: <defaults>
</compile_context>

<pallas_src>
import functools

import jax
import jax.numpy as jnp
from jax import lax
from jax.experimental import pallas as pl
from jax.experimental.pallas import tpu as pltpu
from jax.experimental.pallas import tpu_sc as plsc

B = 16384
R_IN = 7
R_OUT = 6
D = 128
LANES = 16

_info = plsc.get_sparse_core_info()
NC, NS = _info.num_cores, _info.num_subcores
NW = NC * NS
PER_W = B // NW
NCHUNK = 32
NSTEPS = PER_W // NCHUNK


def _body(xt_hbm, out_hbm, in0, in1, out0, out1, si0, si1, so0, so1):
    wid = lax.axis_index("s") * NC + lax.axis_index("c")
    base = wid * PER_W
    in_bufs = (in0, in1)
    out_bufs = (out0, out1)
    in_sems = (si0, si1)
    out_sems = (so0, so1)

    def start_in(step, par):
        off = base + step * NCHUNK
        return pltpu.async_copy(
            xt_hbm.at[pl.ds(0, R_IN), pl.ds(off, NCHUNK)],
            in_bufs[par], in_sems[par])

    def wait_in(par):
        pltpu.make_async_copy(
            xt_hbm.at[pl.ds(0, R_IN), pl.ds(0, NCHUNK)],
            in_bufs[par], in_sems[par]).wait()

    def start_out(step, par):
        off = base + step * NCHUNK
        return pltpu.async_copy(
            out_bufs[par], out_hbm.at[pl.ds(off, NCHUNK)], out_sems[par])

    def wait_out(par):
        pltpu.make_async_copy(
            out_bufs[par], out_hbm.at[pl.ds(0, NCHUNK)], out_sems[par]).wait()

    def run_compute(par):
        in_buf, out_buf = in_bufs[par], out_bufs[par]

        @plsc.parallel_loop(0, NCHUNK, unroll=4)
        def compute_one(i):
            for k in range(R_OUT):
                for v in range(D // LANES):
                    sl = pl.ds(v * LANES, LANES)
                    out_buf[i, k // 2, k % 2, sl] = (
                        in_buf[k, i, sl] + in_buf[k + 1, i, sl])

    start_in(0, 0)

    def pair_body(g, carry):
        s0 = 2 * g
        start_in(s0 + 1, 1)
        wait_in(0)

        @pl.when(g > 0)
        def _():
            wait_out(0)
        run_compute(0)
        start_out(s0, 0)

        @pl.when(s0 + 2 < NSTEPS)
        def _():
            start_in(s0 + 2, 0)
        wait_in(1)

        @pl.when(g > 0)
        def _():
            wait_out(1)
        run_compute(1)
        start_out(s0 + 1, 1)
        return carry

    lax.fori_loop(0, NSTEPS // 2, pair_body, 0)
    wait_out(0)
    wait_out(1)


def kernel(x):
    xt = jnp.transpose(x, (1, 0, 2))
    mesh = plsc.VectorSubcoreMesh(core_axis_name="c", subcore_axis_name="s")
    run = functools.partial(
        pl.kernel,
        mesh=mesh,
        out_type=jax.ShapeDtypeStruct((B, 3, 2, D), jnp.float32),
        compiler_params=pltpu.CompilerParams(use_tc_tiling_on_sc=True),
        scratch_types=[
            pltpu.VMEM((R_IN, NCHUNK, D), jnp.float32),
            pltpu.VMEM((R_IN, NCHUNK, D), jnp.float32),
            pltpu.VMEM((NCHUNK, 3, 2, D), jnp.float32),
            pltpu.VMEM((NCHUNK, 3, 2, D), jnp.float32),
            pltpu.SemaphoreType.DMA,
            pltpu.SemaphoreType.DMA,
            pltpu.SemaphoreType.DMA,
            pltpu.SemaphoreType.DMA,
        ],
    )(_body)
    return run(xt)

# --- scband reference (transcript-rebuilt; emitter-appended) ---
"""Pipeline reference for scband-index-48773648614243 (READ-ONLY COPY).

The authoritative reference and input builder live on the scoring server;
editing this copy changes nothing except your own understanding.
"""

import jax, jax.numpy as jnp
import numpy as np

IDX0 = jnp.array([[0, 1], [2, 3], [4, 5]], dtype=jnp.int32)
IDX1 = jnp.array([[1, 2], [3, 4], [5, 6]], dtype=jnp.int32)


def setup_inputs(seed: int = 0) -> dict:
    key = jax.random.key(seed)
    x = jax.random.normal(key, (16384, 20, 128), dtype=jnp.float32)
    return {"x": x}


def reference(x):
    # axis == 1 dispatch: x[:, idx0] + x[:, idx1]
    # gather along axis 1 with 2-D index tensors -> output [B, 3, 2, D]
    g0 = jnp.take(x, IDX0, axis=1)
    g1 = jnp.take(x, IDX1, axis=1)
    return g0 + g1

if __name__ == "__main__":
    import jax
    _d = setup_inputs()
    print(jax.jit(kernel)(*tuple(_d.values())))

</pallas_src>

<mosaic_0001>
#map = affine_map<(d0, d1) -> (0, 0, 0)>
#map1 = affine_map<(d0, d1) -> (0, 0, 0, 0)>
module attributes {stable_mosaic.version = 14 : i64} {
  func.func @_body(%arg0: i32, %arg1: i32, %arg2: memref<20x16384x128xf32, #tpu.memory_space<hbm>>, %arg3: memref<16384x3x2x128xf32, #tpu.memory_space<hbm>>, %arg4: memref<7x32x128xf32, #tpu.memory_space<vmem>>, %arg5: memref<7x32x128xf32, #tpu.memory_space<vmem>>, %arg6: memref<32x3x2x128xf32, #tpu.memory_space<vmem>>, %arg7: memref<32x3x2x128xf32, #tpu.memory_space<vmem>>, %arg8: memref<!tpu.dma_semaphore, #tpu.memory_space<semaphore_mem>>, %arg9: memref<!tpu.dma_semaphore, #tpu.memory_space<semaphore_mem>>, %arg10: memref<!tpu.dma_semaphore, #tpu.memory_space<semaphore_mem>>, %arg11: memref<!tpu.dma_semaphore, #tpu.memory_space<semaphore_mem>>) attributes {dimension_semantics = [#tpu.dimension_semantics<core_parallel>, #tpu.dimension_semantics<subcore_parallel>], iteration_bounds = array<i64: 2, 16>, scalar_prefetch = 0 : i64, scratch_operands = 8 : i64, tpu.core_type = #tpu.core_type<sc_vector_subcore>, window_params = [{transform_indices = #map}, {transform_indices = #map1}]} {
    %mul3A = arith.constant 2 : i32
    %mul3A_0 = arith.muli %arg1, %mul3A : i32
    %add3A = arith.addi %mul3A_0, %arg0 : i32
    %mul3A_1 = arith.constant 512 : i32
    %mul3A_2 = arith.muli %add3A, %mul3A_1 : i32
    %add3A_3 = arith.constant 0 : i32
    %add3A_4 = arith.addi %mul3A_2, %add3A_3 : i32
    %dma_start3A = arith.constant 0 : i32
    %dma_start3A_5 = arith.constant 0 : i32
    %dma_start3A_6 = tpu.memref_slice %arg2[%dma_start3A, %add3A_4, %dma_start3A_5] : memref<20x16384x128xf32, #tpu.memory_space<hbm>> -> memref<7x32x128xf32, #tpu.memory_space<hbm>>
    %dma_start3A_7 = arith.constant 0 : i32
    %dma_start3A_8 = arith.constant 0 : i32
    %dma_start3A_9 = tpu.memref_slice %arg2[%dma_start3A_7, %add3A_4, %dma_start3A_8] : memref<20x16384x128xf32, #tpu.memory_space<hbm>> -> memref<7x32x128xf32, #tpu.memory_space<hbm>>
    tpu.enqueue_dma source(%dma_start3A_9 : memref<7x32x128xf32, #tpu.memory_space<hbm>>) target(%arg4 : memref<7x32x128xf32, #tpu.memory_space<vmem>>) target_semaphore(%arg8 : memref<!tpu.dma_semaphore, #tpu.memory_space<semaphore_mem>>)
    %scan3A = arith.constant 0 : i32
    %scan3A_10 = arith.constant 0 : i32
    %scan3A_11 = arith.constant 8 : i32
    %scan3A_12 = arith.addi %scan3A_10, %scan3A_11 : i32
    %scan3A_13 = arith.constant 1 : i32
    scf.for %scan3A_34 = %scan3A_10 to %scan3A_12 step %scan3A_13  : i32 {
      %mul3A_35 = arith.constant 2 : i32
      %mul3A_36 = arith.muli %mul3A_35, %scan3A_34 : i32
      %add3A_37 = arith.constant 1 : i32
      %add3A_38 = arith.addi %mul3A_36, %add3A_37 : i32
      %mul3A_39 = arith.constant 32 : i32
      %mul3A_40 = arith.muli %add3A_38, %mul3A_39 : i32
      %add3A_41 = arith.addi %mul3A_2, %mul3A_40 : i32
      %dma_start3A_42 = arith.constant 0 : i32
      %dma_start3A_43 = arith.constant 0 : i32
      %dma_start3A_44 = tpu.memref_slice %arg2[%dma_start3A_42, %add3A_41, %dma_start3A_43] : memref<20x16384x128xf32, #tpu.memory_space<hbm>> -> memref<7x32x128xf32, #tpu.memory_space<hbm>>
      %dma_start3A_45 = arith.constant 0 : i32
      %dma_start3A_46 = arith.constant 0 : i32
      %dma_start3A_47 = tpu.memref_slice %arg2[%dma_start3A_45, %add3A_41, %dma_start3A_46] : memref<20x16384x128xf32, #tpu.memory_space<hbm>> -> memref<7x32x128xf32, #tpu.memory_space<hbm>>
      tpu.enqueue_dma source(%dma_start3A_47 : memref<7x32x128xf32, #tpu.memory_space<hbm>>) target(%arg5 : memref<7x32x128xf32, #tpu.memory_space<vmem>>) target_semaphore(%arg9 : memref<!tpu.dma_semaphore, #tpu.memory_space<semaphore_mem>>)
      %dma_wait3A_48 = arith.constant 0 : i32
      %dma_wait3A_49 = arith.constant 0 : i32
      %dma_wait3A_50 = arith.constant 0 : i32
      %dma_wait3A_51 = tpu.memref_slice %arg2[%dma_wait3A_48, %dma_wait3A_49, %dma_wait3A_50] : memref<20x16384x128xf32, #tpu.memory_space<hbm>> -> memref<7x32x128xf32, #tpu.memory_space<hbm>>
      %dma_wait3A_52 = arith.constant 0 : i32
      %dma_wait3A_53 = arith.constant 0 : i32
      %dma_wait3A_54 = arith.constant 0 : i32
      %dma_wait3A_55 = tpu.memref_slice %arg2[%dma_wait3A_52, %dma_wait3A_53, %dma_wait3A_54] : memref<20x16384x128xf32, #tpu.memory_space<hbm>> -> memref<7x32x128xf32, #tpu.memory_space<hbm>>
      tpu.wait_dma2 semaphore(%arg8 : memref<!tpu.dma_semaphore, #tpu.memory_space<semaphore_mem>>) src(%dma_wait3A_55 : memref<7x32x128xf32, #tpu.memory_space<hbm>>) dst(%arg4 : memref<7x32x128xf32, #tpu.memory_space<vmem>>)
      %gt3A = arith.constant 0 : i32
      %gt3A_56 = arith.cmpi sgt, %scan3A_34, %gt3A : i32
      %convert_element_type3A = arith.extui %gt3A_56 : i1 to i32
      %cond3A = arith.constant 0 : i32
      %cond3A_57 = arith.cmpi ne, %convert_element_type3A, %cond3A : i32
      scf.if %cond3A_57 {
        %dma_wait3A_106 = arith.constant 0 : i32
        %dma_wait3A_107 = arith.constant 0 : i32
        %dma_wait3A_108 = arith.constant 0 : i32
        %dma_wait3A_109 = arith.constant 0 : i32
        %dma_wait3A_110 = tpu.memref_slice %arg3[%dma_wait3A_106, %dma_wait3A_107, %dma_wait3A_108, %dma_wait3A_109] : memref<16384x3x2x128xf32, #tpu.memory_space<hbm>> -> memref<32x3x2x128xf32, #tpu.memory_space<hbm>>
        %dma_wait3A_111 = arith.constant 0 : i32
        %dma_wait3A_112 = arith.constant 0 : i32
        %dma_wait3A_113 = arith.constant 0 : i32
        %dma_wait3A_114 = arith.constant 0 : i32
        %dma_wait3A_115 = tpu.memref_slice %arg3[%dma_wait3A_111, %dma_wait3A_112, %dma_wait3A_113, %dma_wait3A_114] : memref<16384x3x2x128xf32, #tpu.memory_space<hbm>> -> memref<32x3x2x128xf32, #tpu.memory_space<hbm>>
        tpu.wait_dma2 semaphore(%arg10 : memref<!tpu.dma_semaphore, #tpu.memory_space<semaphore_mem>>) src(%arg6 : memref<32x3x2x128xf32, #tpu.memory_space<vmem>>) dst(%dma_wait3A_115 : memref<32x3x2x128xf32, #tpu.memory_space<hbm>>)
      } else {
      }
      %parallel_loop3A = arith.constant 0 : i32
      %parallel_loop3A_58 = arith.constant 32 : i32
      %parallel_loop3A_59 = arith.constant 1 : i32
      scf.for %parallel_loop3A_106 = %parallel_loop3A to %parallel_loop3A_58 step %parallel_loop3A_59  : i32 {
        %parallel_loop3A_107 = arith.constant 0 : i32
        %parallel_loop3A_108 = arith.index_cast %parallel_loop3A_107 : i32 to index
        %parallel_loop3A_109 = arith.index_cast %parallel_loop3A_106 : i32 to index
        %parallel_loop3A_110 = arith.constant 0 : index
        %parallel_loop3A_111 = tpu.vector_load %arg4[%parallel_loop3A_108, %parallel_loop3A_109, %parallel_loop3A_110] {strides = array<i32>} : memref<7x32x128xf32, #tpu.memory_space<vmem>>, vector<1x1x16xf32>,
        %parallel_loop3A_112 = vector.shape_cast %parallel_loop3A_111 : vector<1x1x16xf32> to vector<16xf32>
        %parallel_loop3A_113 = arith.constant 1 : i32
        %parallel_loop3A_114 = arith.index_cast %parallel_loop3A_113 : i32 to index
        %parallel_loop3A_115 = arith.index_cast %parallel_loop3A_106 : i32 to index
        %parallel_loop3A_116 = arith.constant 0 : index
        %parallel_loop3A_117 = tpu.vector_load %arg4[%parallel_loop3A_114, %parallel_loop3A_115, %parallel_loop3A_116] {strides = array<i32>} : memref<7x32x128xf32, #tpu.memory_space<vmem>>, vector<1x1x16xf32>,
        %parallel_loop3A_118 = vector.shape_cast %parallel_loop3A_117 : vector<1x1x16xf32> to vector<16xf32>
        %parallel_loop3A_119 = arith.addf %parallel_loop3A_112, %parallel_loop3A_118 : vector<16xf32>
        %parallel_loop3A_120 = arith.constant 0 : i32
        %parallel_loop3A_121 = arith.constant 0 : i32
        %parallel_loop3A_122 = arith.index_cast %parallel_loop3A_106 : i32 to index
        %parallel_loop3A_123 = arith.index_cast %parallel_loop3A_120 : i32 to index
        %parallel_loop3A_124 = arith.index_cast %parallel_loop3A_121 : i32 to index
        %parallel_loop3A_125 = arith.constant 0 : index
        %parallel_loop3A_126 = tpu.vector_load %arg6[%parallel_loop3A_122, %parallel_loop3A_123, %parallel_loop3A_124, %parallel_loop3A_125] {strides = array<i32>} : memref<32x3x2x128xf32, #tpu.memory_space<vmem>>, vector<1x1x1x16xf32>,
        %parallel_loop3A_127 = vector.shape_cast %parallel_loop3A_126 : vector<1x1x1x16xf32> to vector<16xf32>
        %parallel_loop3A_128 = vector.shape_cast %parallel_loop3A_119 : vector<16xf32> to vector<1x1x1x16xf32>
        tpu.vector_store %arg6[%parallel_loop3A_122, %parallel_loop3A_123, %parallel_loop3A_124, %parallel_loop3A_125], %parallel_loop3A_128 {strides = array<i32>} : memref<32x3x2x128xf32, #tpu.memory_space<vmem>>, vector<1x1x1x16xf32>,
        %parallel_loop3A_129 = arith.constant 0 : i32
        %parallel_loop3A_130 = arith.index_cast %parallel_loop3A_129 : i32 to index
        %parallel_loop3A_131 = arith.index_cast %parallel_loop3A_106 : i32 to index
        %parallel_loop3A_132 = arith.constant 16 : index
        %parallel_loop3A_133 = tpu.vector_load %arg4[%parallel_loop3A_130, %parallel_loop3A_131, %parallel_loop3A_132] {strides = array<i32>} : memref<7x32x128xf32, #tpu.memory_space<vmem>>, vector<1x1x16xf32>,
        %parallel_loop3A_134 = vector.shape_cast %parallel_loop3A_133 : vector<1x1x16xf32> to vector<16xf32>
        %parallel_loop3A_135 = arith.constant 1 : i32
        %parallel_loop3A_136 = arith.index_cast %parallel_loop3A_135 : i32 to index
        %parallel_loop3A_137 = arith.index_cast %parallel_loop3A_106 : i32 to index
        %parallel_loop3A_138 = arith.constant 16 : index
        %parallel_loop3A_139 = tpu.vector_load %arg4[%parallel_loop3A_136, %parallel_loop3A_137, %parallel_loop3A_138] {strides = array<i32>} : memref<7x32x128xf32, #tpu.memory_space<vmem>>, vector<1x1x16xf32>,
        %parallel_loop3A_140 = vector.shape_cast %parallel_loop3A_139 : vector<1x1x16xf32> to vector<16xf32>
        %parallel_loop3A_141 = arith.addf %parallel_loop3A_134, %parallel_loop3A_140 : vector<16xf32>
        %parallel_loop3A_142 = arith.constant 0 : i32
        %parallel_loop3A_143 = arith.constant 0 : i32
        %parallel_loop3A_144 = arith.index_cast %parallel_loop3A_106 : i32 to index
        %parallel_loop3A_145 = arith.index_cast %parallel_loop3A_142 : i32 to index
        %parallel_loop3A_146 = arith.index_cast %parallel_loop3A_143 : i32 to index
        %parallel_loop3A_147 = arith.constant 16 : index
        %parallel_loop3A_148 = tpu.vector_load %arg6[%parallel_loop3A_144, %parallel_loop3A_145, %parallel_loop3A_146, %parallel_loop3A_147] {strides = array<i32>} : memref<32x3x2x128xf32, #tpu.memory_space<vmem>>, vector<1x1x1x16xf32>,
        %parallel_loop3A_149 = vector.shape_cast %parallel_loop3A_148 : vector<1x1x1x16xf32> to vector<16xf32>
        %parallel_loop3A_150 = vector.shape_cast %parallel_loop3A_141 : vector<16xf32> to vector<1x1x1x16xf32>
        tpu.vector_store %arg6[%parallel_loop3A_144, %parallel_loop3A_145, %parallel_loop3A_146, %parallel_loop3A_147], %parallel_loop3A_150 {strides = array<i32>} : memref<32x3x2x128xf32, #tpu.memory_space<vmem>>, vector<1x1x1x16xf32>,
        %parallel_loop3A_151 = arith.constant 0 : i32
        %parallel_loop3A_152 = arith.index_cast %parallel_loop3A_151 : i32 to index
        %parallel_loop3A_153 = arith.index_cast %parallel_loop3A_106 : i32 to index
        %parallel_loop3A_154 = arith.constant 32 : index
        %parallel_loop3A_155 = tpu.vector_load %arg4[%parallel_loop3A_152, %parallel_loop3A_153, %parallel_loop3A_154] {strides = array<i32>} : memref<7x32x128xf32, #tpu.memory_space<vmem>>, vector<1x1x16xf32>,
        %parallel_loop3A_156 = vector.shape_cast %parallel_loop3A_155 : vector<1x1x16xf32> to vector<16xf32>
        %parallel_loop3A_157 = arith.constant 1 : i32
        %parallel_loop3A_158 = arith.index_cast %parallel_loop3A_157 : i32 to index
        %parallel_loop3A_159 = arith.index_cast %parallel_loop3A_106 : i32 to index
        %parallel_loop3A_160 = arith.constant 32 : index
        %parallel_loop3A_161 = tpu.vector_load %arg4[%parallel_loop3A_158, %parallel_loop3A_159, %parallel_loop3A_160] {strides = array<i32>} : memref<7x32x128xf32, #tpu.memory_space<vmem>>, vector<1x1x16xf32>,
        %parallel_loop3A_162 = vector.shape_cast %parallel_loop3A_161 : vector<1x1x16xf32> to vector<16xf32>
        %parallel_loop3A_163 = arith.addf %parallel_loop3A_156, %parallel_loop3A_162 : vector<16xf32>
        %parallel_loop3A_164 = arith.constant 0 : i32
        %parallel_loop3A_165 = arith.constant 0 : i32
        %parallel_loop3A_166 = arith.index_cast %parallel_loop3A_106 : i32 to index
        %parallel_loop3A_167 = arith.index_cast %parallel_loop3A_164 : i32 to index
        %parallel_loop3A_168 = arith.index_cast %parallel_loop3A_165 : i32 to index
        %parallel_loop3A_169 = arith.constant 32 : index
        %parallel_loop3A_170 = tpu.vector_load %arg6[%parallel_loop3A_166, %parallel_loop3A_167, %parallel_loop3A_168, %parallel_loop3A_169] {strides = array<i32>} : memref<32x3x2x128xf32, #tpu.memory_space<vmem>>, vector<1x1x1x16xf32>,
        %parallel_loop3A_171 = vector.shape_cast %parallel_loop3A_170 : vector<1x1x1x16xf32> to vector<16xf32>
        %parallel_loop3A_172 = vector.shape_cast %parallel_loop3A_163 : vector<16xf32> to vector<1x1x1x16xf32>
        tpu.vector_store %arg6[%parallel_loop3A_166, %parallel_loop3A_167, %parallel_loop3A_168, %parallel_loop3A_169], %parallel_loop3A_172 {strides = array<i32>} : memref<32x3x2x128xf32, #tpu.memory_space<vmem>>, vector<1x1x1x16xf32>,
        %parallel_loop3A_173 = arith.constant 0 : i32
        %parallel_loop3A_174 = arith.index_cast %parallel_loop3A_173 : i32 to index
        %parallel_loop3A_175 = arith.index_cast %parallel_loop3A_106 : i32 to index
        %parallel_loop3A_176 = arith.constant 48 : index
        %parallel_loop3A_177 = tpu.vector_load %arg4[%parallel_loop3A_174, %parallel_loop3A_175, %parallel_loop3A_176] {strides = array<i32>} : memref<7x32x128xf32, #tpu.memory_space<vmem>>, vector<1x1x16xf32>,
        %parallel_loop3A_178 = vector.shape_cast %parallel_loop3A_177 : vector<1x1x16xf32> to vector<16xf32>
        %parallel_loop3A_179 = arith.constant 1 : i32
        %parallel_loop3A_180 = arith.index_cast %parallel_loop3A_179 : i32 to index
        %parallel_loop3A_181 = arith.index_cast %parallel_loop3A_106 : i32 to index
        %parallel_loop3A_182 = arith.constant 48 : index
        %parallel_loop3A_183 = tpu.vector_load %arg4[%parallel_loop3A_180, %parallel_loop3A_181, %parallel_loop3A_182] {strides = array<i32>} : memref<7x32x128xf32, #tpu.memory_space<vmem>>, vector<1x1x16xf32>,
        %parallel_loop3A_184 = vector.shape_cast %parallel_loop3A_183 : vector<1x1x16xf32> to vector<16xf32>
        %parallel_loop3A_185 = arith.addf %parallel_loop3A_178, %parallel_loop3A_184 : vector<16xf32>
        %parallel_loop3A_186 = arith.constant 0 : i32
        %parallel_loop3A_187 = arith.constant 0 : i32
        %parallel_loop3A_188 = arith.index_cast %parallel_loop3A_106 : i32 to index
        %parallel_loop3A_189 = arith.index_cast %parallel_loop3A_186 : i32 to index
        %parallel_loop3A_190 = arith.index_cast %parallel_loop3A_187 : i32 to index
        %parallel_loop3A_191 = arith.constant 48 : index
        %parallel_loop3A_192 = tpu.vector_load %arg6[%parallel_loop3A_188, %parallel_loop3A_189, %parallel_loop3A_190, %parallel_loop3A_191] {strides = array<i32>} : memref<32x3x2x128xf32, #tpu.memory_space<vmem>>, vector<1x1x1x16xf32>,
        %parallel_loop3A_193 = vector.shape_cast %parallel_loop3A_192 : vector<1x1x1x16xf32> to vector<16xf32>
        %parallel_loop3A_194 = vector.shape_cast %parallel_loop3A_185 : vector<16xf32> to vector<1x1x1x16xf32>
        tpu.vector_store %arg6[%parallel_loop3A_188, %parallel_loop3A_189, %parallel_loop3A_190, %parallel_loop3A_191], %parallel_loop3A_194 {strides = array<i32>} : memref<32x3x2x128xf32, #tpu.memory_space<vmem>>, vector<1x1x1x16xf32>,
        %parallel_loop3A_195 = arith.constant 0 : i32
        %parallel_loop3A_196 = arith.index_cast %parallel_loop3A_195 : i32 to index
        %parallel_loop3A_197 = arith.index_cast %parallel_loop3A_106 : i32 to index
        %parallel_loop3A_198 = arith.constant 64 : index
        %parallel_loop3A_199 = tpu.vector_load %arg4[%parallel_loop3A_196, %parallel_loop3A_197, %parallel_loop3A_198] {strides = array<i32>} : memref<7x32x128xf32, #tpu.memory_space<vmem>>, vector<1x1x16xf32>,
        %parallel_loop3A_200 = vector.shape_cast %parallel_loop3A_199 : vector<1x1x16xf32> to vector<16xf32>
        %parallel_loop3A_201 = arith.constant 1 : i32
        %parallel_loop3A_202 = arith.index_cast %parallel_loop3A_201 : i32 to index
        %parallel_loop3A_203 = arith.index_cast %parallel_loop3A_106 : i32 to index
        %parallel_loop3A_204 = arith.constant 64 : index
        %parallel_loop3A_205 = tpu.vector_load %arg4[%parallel_loop3A_202, %parallel_loop3A_203, %parallel_loop3A_204] {strides = array<i32>} : memref<7x32x128xf32, #tpu.memory_space<vmem>>, vector<1x1x16xf32>,
        %parallel_loop3A_206 = vector.shape_cast %parallel_loop3A_205 : vector<1x1x16xf32> to vector<16xf32>
        %parallel_loop3A_207 = arith.addf %parallel_loop3A_200, %parallel_loop3A_206 : vector<16xf32>
        %parallel_loop3A_208 = arith.constant 0 : i32
        %parallel_loop3A_209 = arith.constant 0 : i32
        %parallel_loop3A_210 = arith.index_cast %parallel_loop3A_106 : i32 to index
        %parallel_loop3A_211 = arith.index_cast %parallel_loop3A_208 : i32 to index
        %parallel_loop3A_212 = arith.index_cast %parallel_loop3A_209 : i32 to index
        %parallel_loop3A_213 = arith.constant 64 : index
        %parallel_loop3A_214 = tpu.vector_load %arg6[%parallel_loop3A_210, %parallel_loop3A_211, %parallel_loop3A_212, %parallel_loop3A_213] {strides = array<i32>} : memref<32x3x2x128xf32, #tpu.memory_space<vmem>>, vector<1x1x1x16xf32>,
        %parallel_loop3A_215 = vector.shape_cast %parallel_loop3A_214 : vector<1x1x1x16xf32> to vector<16xf32>
        %parallel_loop3A_216 = vector.shape_cast %parallel_loop3A_207 : vector<16xf32> to vector<1x1x1x16xf32>
        tpu.vector_store %arg6[%parallel_loop3A_210, %parallel_loop3A_211, %parallel_loop3A_212, %parallel_loop3A_213], %parallel_loop3A_216 {strides = array<i32>} : memref<32x3x2x128xf32, #tpu.memory_space<vmem>>, vector<1x1x1x16xf32>,
        %parallel_loop3A_217 = arith.constant 0 : i32
        %parallel_loop3A_218 = arith.index_cast %parallel_loop3A_217 : i32 to index
        %parallel_loop3A_219 = arith.index_cast %parallel_loop3A_106 : i32 to index
        %parallel_loop3A_220 = arith.constant 80 : index
        %parallel_loop3A_221 = tpu.vector_load %arg4[%parallel_loop3A_218, %parallel_loop3A_219, %parallel_loop3A_220] {strides = array<i32>} : memref<7x32x128xf32, #tpu.memory_space<vmem>>, vector<1x1x16xf32>,
        %parallel_loop3A_222 = vector.shape_cast %parallel_loop3A_221 : vector<1x1x16xf32> to vector<16xf32>
        %parallel_loop3A_223 = arith.constant 1 : i32
        %parallel_loop3A_224 = arith.index_cast %parallel_loop3A_223 : i32 to index
        %parallel_loop3A_225 = arith.index_cast %parallel_loop3A_106 : i32 to index
        %parallel_loop3A_226 = arith.constant 80 : index
        %parallel_loop3A_227 = tpu.vector_load %arg4[%parallel_loop3A_224, %parallel_loop3A_225, %parallel_loop3A_226] {strides = array<i32>} : memref<7x32x128xf32, #tpu.memory_space<vmem>>, vector<1x1x16xf32>,
        %parallel_loop3A_228 = vector.shape_cast %parallel_loop3A_227 : vector<1x1x16xf32> to vector<16xf32>
        %parallel_loop3A_229 = arith.addf %parallel_loop3A_222, %parallel_loop3A_228 : vector<16xf32>
        %parallel_loop3A_230 = arith.constant 0 : i32
        %parallel_loop3A_231 = arith.constant 0 : i32
        %parallel_loop3A_232 = arith.index_cast %parallel_loop3A_106 : i32 to index
        %parallel_loop3A_233 = arith.index_cast %parallel_loop3A_230 : i32 to index
        %parallel_loop3A_234 = arith.index_cast %parallel_loop3A_231 : i32 to index
        %parallel_loop3A_235 = arith.constant 80 : index
        %parallel_loop3A_236 = tpu.vector_load %arg6[%parallel_loop3A_232, %parallel_loop3A_233, %parallel_loop3A_234, %parallel_loop3A_235] {strides = array<i32>} : memref<32x3x2x128xf32, #tpu.memory_space<vmem>>, vector<1x1x1x16xf32>,
        %parallel_loop3A_237 = vector.shape_cast %parallel_loop3A_236 : vector<1x1x1x16xf32> to vector<16xf32>
        %parallel_loop3A_238 = vector.shape_cast %parallel_loop3A_229 : vector<16xf32> to vector<1x1x1x16xf32>
        tpu.vector_store %arg6[%parallel_loop3A_232, %parallel_loop3A_233, %parallel_loop3A_234, %parallel_loop3A_235], %parallel_loop3A_238 {strides = array<i32>} : memref<32x3x2x128xf32, #tpu.memory_space<vmem>>, vector<1x1x1x16xf32>,
        %parallel_loop3A_239 = arith.constant 0 : i32
        %parallel_loop3A_240 = arith.index_cast %parallel_loop3A_239 : i32 to index
        %parallel_loop3A_241 = arith.index_cast %parallel_loop3A_106 : i32 to index
        %parallel_loop3A_242 = arith.constant 96 : index
        %parallel_loop3A_243 = tpu.vector_load %arg4[%parallel_loop3A_240, %parallel_loop3A_241, %parallel_loop3A_242] {strides = array<i32>} : memref<7x32x128xf32, #tpu.memory_space<vmem>>, vector<1x1x16xf32>,
        %parallel_loop3A_244 = vector.shape_cast %parallel_loop3A_243 : vector<1x1x16xf32> to vector<16xf32>
        %parallel_loop3A_245 = arith.constant 1 : i32
        %parallel_loop3A_246 = arith.index_cast %parallel_loop3A_245 : i32 to index
        %parallel_loop3A_247 = arith.index_cast %parallel_loop3A_106 : i32 to index
        %parallel_loop3A_248 = arith.constant 96 : index
        %parallel_loop3A_249 = tpu.vector_load %arg4[%parallel_loop3A_246, %parallel_loop3A_247, %parallel_loop3A_248] {strides = array<i32>} : memref<7x32x128xf32, #tpu.memory_space<vmem>>, vector<1x1x16xf32>,
        %parallel_loop3A_250 = vector.shape_cast %parallel_loop3A_249 : vector<1x1x16xf32> to vector<16xf32>
        %parallel_loop3A_251 = arith.addf %parallel_loop3A_244, %parallel_loop3A_250 : vector<16xf32>
        %parallel_loop3A_252 = arith.constant 0 : i32
        %parallel_loop3A_253 = arith.constant 0 : i32
        %parallel_loop3A_254 = arith.index_cast %parallel_loop3A_106 : i32 to index
        %parallel_loop3A_255 = arith.index_cast %parallel_loop3A_252 : i32 to index
        %parallel_loop3A_256 = arith.index_cast %parallel_loop3A_253 : i32 to index
        %parallel_loop3A_257 = arith.constant 96 : index
        %parallel_loop3A_258 = tpu.vector_load %arg6[%parallel_loop3A_254, %parallel_loop3A_255, %parallel_loop3A_256, %parallel_loop3A_257] {strides = array<i32>} : memref<32x3x2x128xf32, #tpu.memory_space<vmem>>, vector<1x1x1x16xf32>,
        %parallel_loop3A_259 = vector.shape_cast %parallel_loop3A_258 : vector<1x1x1x16xf32> to vector<16xf32>
        %parallel_loop3A_260 = vector.shape_cast %parallel_loop3A_251 : vector<16xf32> to vector<1x1x1x16xf32>
        tpu.vector_store %arg6[%parallel_loop3A_254, %parallel_loop3A_255, %parallel_loop3A_256, %parallel_loop3A_257], %parallel_loop3A_260 {strides = array<i32>} : memref<32x3x2x128xf32, #tpu.memory_space<vmem>>, vector<1x1x1x16xf32>,
        %parallel_loop3A_261 = arith.constant 0 : i32
        %parallel_loop3A_262 = arith.index_cast %parallel_loop3A_261 : i32 to index
        %parallel_loop3A_263 = arith.index_cast %parallel_loop3A_106 : i32 to index
        %parallel_loop3A_264 = arith.constant 112 : index
        %parallel_loop3A_265 = tpu.vector_load %arg4[%parallel_loop3A_262, %parallel_loop3A_263, %parallel_loop3A_264] {strides = array<i32>} : memref<7x32x128xf32, #tpu.memory_space<vmem>>, vector<1x1x16xf32>,
        %parallel_loop3A_266 = vector.shape_cast %parallel_loop3A_265 : vector<1x1x16xf32> to vector<16xf32>
        %parallel_loop3A_267 = arith.constant 1 : i32
        %parallel_loop3A_268 = arith.index_cast %parallel_loop3A_267 : i32 to index
        %parallel_loop3A_269 = arith.index_cast %parallel_loop3A_106 : i32 to index
        %parallel_loop3A_270 = arith.constant 112 : index
        %parallel_loop3A_271 = tpu.vector_load %arg4[%parallel_loop3A_268, %parallel_loop3A_269, %parallel_loop3A_270] {strides = array<i32>} : memref<7x32x128xf32, #tpu.memory_space<vmem>>, vector<1x1x16xf32>,
        %parallel_loop3A_272 = vector.shape_cast %parallel_loop3A_271 : vector<1x1x16xf32> to vector<16xf32>
        %parallel_loop3A_273 = arith.addf %parallel_loop3A_266, %parallel_loop3A_272 : vector<16xf32>
        %parallel_loop3A_274 = arith.constant 0 : i32
        %parallel_loop3A_275 = arith.constant 0 : i32
        %parallel_loop3A_276 = arith.index_cast %parallel_loop3A_106 : i32 to index
        %parallel_loop3A_277 = arith.index_cast %parallel_loop3A_274 : i32 to index
        %parallel_loop3A_278 = arith.index_cast %parallel_loop3A_275 : i32 to index
        %parallel_loop3A_279 = arith.constant 112 : index
        %parallel_loop3A_280 = tpu.vector_load %arg6[%parallel_loop3A_276, %parallel_loop3A_277, %parallel_loop3A_278, %parallel_loop3A_279] {strides = array<i32>} : memref<32x3x2x128xf32, #tpu.memory_space<vmem>>, vector<1x1x1x16xf32>,
        %parallel_loop3A_281 = vector.shape_cast %parallel_loop3A_280 : vector<1x1x1x16xf32> to vector<16xf32>
        %parallel_loop3A_282 = vector.shape_cast %parallel_loop3A_273 : vector<16xf32> to vector<1x1x1x16xf32>
        tpu.vector_store %arg6[%parallel_loop3A_276, %parallel_loop3A_277, %parallel_loop3A_278, %parallel_loop3A_279], %parallel_loop3A_282 {strides = array<i32>} : memref<32x3x2x128xf32, #tpu.memory_space<vmem>>, vector<1x1x1x16xf32>,
        %parallel_loop3A_283 = arith.constant 1 : i32
        %parallel_loop3A_284 = arith.index_cast %parallel_loop3A_283 : i32 to index
        %parallel_loop3A_285 = arith.index_cast %parallel_loop3A_106 : i32 to index
        %parallel_loop3A_286 = arith.constant 0 : index
        %parallel_loop3A_287 = tpu.vector_load %arg4[%parallel_loop3A_284, %parallel_loop3A_285, %parallel_loop3A_286] {strides = array<i32>} : memref<7x32x128xf32, #tpu.memory_space<vmem>>, vector<1x1x16xf32>,
        %parallel_loop3A_288 = vector.shape_cast %parallel_loop3A_287 : vector<1x1x16xf32> to vector<16xf32>
        %parallel_loop3A_289 = arith.constant 2 : i32
        %parallel_loop3A_290 = arith.index_cast %parallel_loop3A_289 : i32 to index
        %parallel_loop3A_291 = arith.index_cast %parallel_loop3A_106 : i32 to index
        %parallel_loop3A_292 = arith.constant 0 : index
        %parallel_loop3A_293 = tpu.vector_load %arg4[%parallel_loop3A_290, %parallel_loop3A_291, %parallel_loop3A_292] {strides = array<i32>} : memref<7x32x128xf32, #tpu.memory_space<vmem>>, vector<1x1x16xf32>,
        %parallel_loop3A_294 = vector.shape_cast %parallel_loop3A_293 : vector<1x1x16xf32> to vector<16xf32>
        %parallel_loop3A_295 = arith.addf %parallel_loop3A_288, %parallel_loop3A_294 : vector<16xf32>
        %parallel_loop3A_296 = arith.constant 0 : i32
        %parallel_loop3A_297 = arith.constant 1 : i32
        %parallel_loop3A_298 = arith.index_cast %parallel_loop3A_106 : i32 to index
        %parallel_loop3A_299 = arith.index_cast %parallel_loop3A_296 : i32 to index
        %parallel_loop3A_300 = arith.index_cast %parallel_loop3A_297 : i32 to index
        %parallel_loop3A_301 = arith.constant 0 : index
        %parallel_loop3A_302 = tpu.vector_load %arg6[%parallel_loop3A_298, %parallel_loop3A_299, %parallel_loop3A_300, %parallel_loop3A_301] {strides = array<i32>} : memref<32x3x2x128xf32, #tpu.memory_space<vmem>>, vector<1x1x1x16xf32>,
        %parallel_loop3A_303 = vector.shape_cast %parallel_loop3A_302 : vector<1x1x1x16xf32> to vector<16xf32>
        %parallel_loop3A_304 = vector.shape_cast %parallel_loop3A_295 : vector<16xf32> to vector<1x1x1x16xf32>
        tpu.vector_store %arg6[%parallel_loop3A_298, %parallel_loop3A_299, %parallel_loop3A_300, %parallel_loop3A_301], %parallel_loop3A_304 {strides = array<i32>} : memref<32x3x2x128xf32, #tpu.memory_space<vmem>>, vector<1x1x1x16xf32>,
        %parallel_loop3A_305 = arith.constant 1 : i32
        %parallel_loop3A_306 = arith.index_cast %parallel_loop3A_305 : i32 to index
        %parallel_loop3A_307 = arith.index_cast %parallel_loop3A_106 : i32 to index
        %parallel_loop3A_308 = arith.constant 16 : index
        %parallel_loop3A_309 = tpu.vector_load %arg4[%parallel_loop3A_306, %parallel_loop3A_307, %parallel_loop3A_308] {strides = array<i32>} : memref<7x32x128xf32, #tpu.memory_space<vmem>>, vector<1x1x16xf32>,
        %parallel_loop3A_310 = vector.shape_cast %parallel_loop3A_309 : vector<1x1x16xf32> to vector<16xf32>
        %parallel_loop3A_311 = arith.constant 2 : i32
        %parallel_loop3A_312 = arith.index_cast %parallel_loop3A_311 : i32 to index
        %parallel_loop3A_313 = arith.index_cast %parallel_loop3A_106 : i32 to index
        %parallel_loop3A_314 = arith.constant 16 : index
        %parallel_loop3A_315 = tpu.vector_load %arg4[%parallel_loop3A_312, %parallel_loop3A_313, %parallel_loop3A_314] {strides = array<i32>} : memref<7x32x128xf32, #tpu.memory_space<vmem>>, vector<1x1x16xf32>,
        %parallel_loop3A_316 = vector.shape_cast %parallel_loop3A_315 : vector<1x1x16xf32> to vector<16xf32>
        %parallel_loop3A_317 = arith.addf %parallel_loop3A_310, %parallel_loop3A_316 : vector<16xf32>
        %parallel_loop3A_318 = arith.constant 0 : i32
        %parallel_loop3A_319 = arith.constant 1 : i32
        %parallel_loop3A_320 = arith.index_cast %parallel_loop3A_106 : i32 to index
        %parallel_loop3A_321 = arith.index_cast %parallel_loop3A_318 : i32 to index
        %parallel_loop3A_322 = arith.index_cast %parallel_loop3A_319 : i32 to index
        %parallel_loop3A_323 = arith.constant 16 : index
        %parallel_loop3A_324 = tpu.vector_load %arg6[%parallel_loop3A_320, %parallel_loop3A_321, %parallel_loop3A_322, %parallel_loop3A_323] {strides = array<i32>} : memref<32x3x2x128xf32, #tpu.memory_space<vmem>>, vector<1x1x1x16xf32>,
        %parallel_loop3A_325 = vector.shape_cast %parallel_loop3A_324 : vector<1x1x1x16xf32> to vector<16xf32>
        %parallel_loop3A_326 = vector.shape_cast %parallel_loop3A_317 : vector<16xf32> to vector<1x1x1x16xf32>
        tpu.vector_store %arg6[%parallel_loop3A_320, %parallel_loop3A_321, %parallel_loop3A_322, %parallel_loop3A_323], %parallel_loop3A_326 {strides = array<i32>} : memref<32x3x2x128xf32, #tpu.memory_space<vmem>>, vector<1x1x1x16xf32>,
        %parallel_loop3A_327 = arith.constant 1 : i32
        %parallel_loop3A_328 = arith.index_cast %parallel_loop3A_327 : i32 to index
        %parallel_loop3A_329 = arith.index_cast %parallel_loop3A_106 : i32 to index
        %parallel_loop3A_330 = arith.constant 32 : index
        %parallel_loop3A_331 = tpu.vector_load %arg4[%parallel_loop3A_328, %parallel_loop3A_329, %parallel_loop3A_330] {strides = array<i32>} : memref<7x32x128xf32, #tpu.memory_space<vmem>>, vector<1x1x16xf32>,
        %parallel_loop3A_332 = vector.shape_cast %parallel_loop3A_331 : vector<1x1x16xf32> to vector<16xf32>
        %parallel_loop3A_333 = arith.constant 2 : i32
        %parallel_loop3A_334 = arith.index_cast %parallel_loop3A_333 : i32 to index
        %parallel_loop3A_335 = arith.index_cast %parallel_loop3A_106 : i32 to index
        %parallel_loop3A_336 = arith.constant 32 : index
        %parallel_loop3A_337 = tpu.vector_load %arg4[%parallel_loop3A_334, %parallel_loop3A_335, %parallel_loop3A_336] {strides = array<i32>} : memref<7x32x128xf32, #tpu.memory_space<vmem>>, vector<1x1x16xf32>,
        %parallel_loop3A_338 = vector.shape_cast %parallel_loop3A_337 : vector<1x1x16xf32> to vector<16xf32>
        %parallel_loop3A_339 = arith.addf %parallel_loop3A_332, %parallel_loop3A_338 : vector<16xf32>
        %parallel_loop3A_340 = arith.constant 0 : i32
        %parallel_loop3A_341 = arith.constant 1 : i32
        %parallel_loop3A_342 = arith.index_cast %parallel_loop3A_106 : i32 to index
        %parallel_loop3A_343 = arith.index_cast %parallel_loop3A_340 : i32 to index
        %parallel_loop3A_344 = arith.index_cast %parallel_loop3A_341 : i32 to index
        %parallel_loop3A_345 = arith.constant 32 : index
        %parallel_loop3A_346 = tpu.vector_load %arg6[%parallel_loop3A_342, %parallel_loop3A_343, %parallel_loop3A_344, %parallel_loop3A_345] {strides = array<i32>} : memref<32x3x2x128xf32, #tpu.memory_space<vmem>>, vector<1x1x1x16xf32>,
        %parallel_loop3A_347 = vector.shape_cast %parallel_loop3A_346 : vector<1x1x1x16xf32> to vector<16xf32>
        %parallel_loop3A_348 = vector.shape_cast %parallel_loop3A_339 : vector<16xf32> to vector<1x1x1x16xf32>
        tpu.vector_store %arg6[%parallel_loop3A_342, %parallel_loop3A_343, %parallel_loop3A_344, %parallel_loop3A_345], %parallel_loop3A_348 {strides = array<i32>} : memref<32x3x2x128xf32, #tpu.memory_space<vmem>>, vector<1x1x1x16xf32>,
        %parallel_loop3A_349 = arith.constant 1 : i32
        %parallel_loop3A_350 = arith.index_cast %parallel_loop3A_349 : i32 to index
        %parallel_loop3A_351 = arith.index_cast %parallel_loop3A_106 : i32 to index
        %parallel_loop3A_352 = arith.constant 48 : index
        %parallel_loop3A_353 = tpu.vector_load %arg4[%parallel_loop3A_350, %parallel_loop3A_351, %parallel_loop3A_352] {strides = array<i32>} : memref<7x32x128xf32, #tpu.memory_space<vmem>>, vector<1x1x16xf32>,
        %parallel_loop3A_354 = vector.shape_cast %parallel_loop3A_353 : vector<1x1x16xf32> to vector<16xf32>
        %parallel_loop3A_355 = arith.constant 2 : i32
        %parallel_loop3A_356 = arith.index_cast %parallel_loop3A_355 : i32 to index
        %parallel_loop3A_357 = arith.index_cast %parallel_loop3A_106 : i32 to index
        %parallel_loop3A_358 = arith.constant 48 : index
        %parallel_loop3A_359 = tpu.vector_load %arg4[%parallel_loop3A_356, %parallel_loop3A_357, %parallel_loop3A_358] {strides = array<i32>} : memref<7x32x128xf32, #tpu.memory_space<vmem>>, vector<1x1x16xf32>,
        %parallel_loop3A_360 = vector.shape_cast %parallel_loop3A_359 : vector<1x1x16xf32> to vector<16xf32>
        %parallel_loop3A_361 = arith.addf %parallel_loop3A_354, %parallel_loop3A_360 : vector<16xf32>
        %parallel_loop3A_362 = arith.constant 0 : i32
        %parallel_loop3A_363 = arith.constant 1 : i32
        %parallel_loop3A_364 = arith.index_cast %parallel_loop3A_106 : i32 to index
        %parallel_loop3A_365 = arith.index_cast %parallel_loop3A_362 : i32 to index
        %parallel_loop3A_366 = arith.index_cast %parallel_loop3A_363 : i32 to index
        %parallel_loop3A_367 = arith.constant 48 : index
        %parallel_loop3A_368 = tpu.vector_load %arg6[%parallel_loop3A_364, %parallel_loop3A_365, %parallel_loop3A_366, %parallel_loop3A_367] {strides = array<i32>} : memref<32x3x2x128xf32, #tpu.memory_space<vmem>>, vector<1x1x1x16xf32>,
        %parallel_loop3A_369 = vector.shape_cast %parallel_loop3A_368 : vector<1x1x1x16xf32> to vector<16xf32>
        %parallel_loop3A_370 = vector.shape_cast %parallel_loop3A_361 : vector<16xf32> to vector<1x1x1x16xf32>
        tpu.vector_store %arg6[%parallel_loop3A_364, %parallel_loop3A_365, %parallel_loop3A_366, %parallel_loop3A_367], %parallel_loop3A_370 {strides = array<i32>} : memref<32x3x2x128xf32, #tpu.memory_space<vmem>>, vector<1x1x1x16xf32>,
        %parallel_loop3A_371 = arith.constant 1 : i32
        %parallel_loop3A_372 = arith.index_cast %parallel_loop3A_371 : i32 to index
        %parallel_loop3A_373 = arith.index_cast %parallel_loop3A_106 : i32 to index
        %parallel_loop3A_374 = arith.constant 64 : index
        %parallel_loop3A_375 = tpu.vector_load %arg4[%parallel_loop3A_372, %parallel_loop3A_373, %parallel_loop3A_374] {strides = array<i32>} : memref<7x32x128xf32, #tpu.memory_space<vmem>>, vector<1x1x16xf32>,
        %parallel_loop3A_376 = vector.shape_cast %parallel_loop3A_375 : vector<1x1x16xf32> to vector<16xf32>
        %parallel_loop3A_377 = arith.constant 2 : i32
        %parallel_loop3A_378 = arith.index_cast %parallel_loop3A_377 : i32 to index
        %parallel_loop3A_379 = arith.index_cast %parallel_loop3A_106 : i32 to index
        %parallel_loop3A_380 = arith.constant 64 : index
        %parallel_loop3A_381 = tpu.vector_load %arg4[%parallel_loop3A_378, %parallel_loop3A_379, %parallel_loop3A_380] {strides = array<i32>} : memref<7x32x128xf32, #tpu.memory_space<vmem>>, vector<1x1x16xf32>,
        %parallel_loop3A_382 = vector.shape_cast %parallel_loop3A_381 : vector<1x1x16xf32> to vector<16xf32>
        %parallel_loop3A_383 = arith.addf %parallel_loop3A_376, %parallel_loop3A_382 : vector<16xf32>
        %parallel_loop3A_384 = arith.constant 0 : i32
        %parallel_loop3A_385 = arith.constant 1 : i32
        %parallel_loop3A_386 = arith.index_cast %parallel_loop3A_106 : i32 to index
        %parallel_loop3A_387 = arith.index_cast %parallel_loop3A_384 : i32 to index
        %parallel_loop3A_388 = arith.index_cast %parallel_loop3A_385 : i32 to index
        %parallel_loop3A_389 = arith.constant 64 : index
        %parallel_loop3A_390 = tpu.vector_load %arg6[%parallel_loop3A_386, %parallel_loop3A_387, %parallel_loop3A_388, %parallel_loop3A_389] {strides = array<i32>} : memref<32x3x2x128xf32, #tpu.memory_space<vmem>>, vector<1x1x1x16xf32>,
        %parallel_loop3A_391 = vector.shape_cast %parallel_loop3A_390 : vector<1x1x1x16xf32> to vector<16xf32>
        %parallel_loop3A_392 = vector.shape_cast %parallel_loop3A_383 : vector<16xf32> to vector<1x1x1x16xf32>
        tpu.vector_store %arg6[%parallel_loop3A_386, %parallel_loop3A_387, %parallel_loop3A_388, %parallel_loop3A_389], %parallel_loop3A_392 {strides = array<i32>} : memref<32x3x2x128xf32, #tpu.memory_space<vmem>>, vector<1x1x1x16xf32>,
        %parallel_loop3A_393 = arith.constant 1 : i32
        %parallel_loop3A_394 = arith.index_cast %parallel_loop3A_393 : i32 to index
        %parallel_loop3A_395 = arith.index_cast %parallel_loop3A_106 : i32 to index
        %parallel_loop3A_396 = arith.constant 80 : index
        %parallel_loop3A_397 = tpu.vector_load %arg4[%parallel_loop3A_394, %parallel_loop3A_395, %parallel_loop3A_396] {strides = array<i32>} : memref<7x32x128xf32, #tpu.memory_space<vmem>>, vector<1x1x16xf32>,
        %parallel_loop3A_398 = vector.shape_cast %parallel_loop3A_397 : vector<1x1x16xf32> to vector<16xf32>
        %parallel_loop3A_399 = arith.constant 2 : i32
        %parallel_loop3A_400 = arith.index_cast %parallel_loop3A_399 : i32 to index
        %parallel_loop3A_401 = arith.index_cast %parallel_loop3A_106 : i32 to index
        %parallel_loop3A_402 = arith.constant 80 : index
        %parallel_loop3A_403 = tpu.vector_load %arg4[%parallel_loop3A_400, %parallel_loop3A_401, %parallel_loop3A_402] {strides = array<i32>} : memref<7x32x128xf32, #tpu.memory_space<vmem>>, vector<1x1x16xf32>,
        %parallel_loop3A_404 = vector.shape_cast %parallel_loop3A_403 : vector<1x1x16xf32> to vector<16xf32>
        %parallel_loop3A_405 = arith.addf %parallel_loop3A_398, %parallel_loop3A_404 : vector<16xf32>
        %parallel_loop3A_406 = arith.constant 0 : i32
        %parallel_loop3A_407 = arith.constant 1 : i32
        %parallel_loop3A_408 = arith.index_cast %parallel_loop3A_106 : i32 to index
        %parallel_loop3A_409 = arith.index_cast %parallel_loop3A_406 : i32 to index
        %parallel_loop3A_410 = arith.index_cast %parallel_loop3A_407 : i32 to index
        %parallel_loop3A_411 = arith.constant 80 : index
        %parallel_loop3A_412 = tpu.vector_load %arg6[%parallel_loop3A_408, %parallel_loop3A_409, %parallel_loop3A_410, %parallel_loop3A_411] {strides = array<i32>} : memref<32x3x2x128xf32, #tpu.memory_space<vmem>>, vector<1x1x1x16xf32>,
        %parallel_loop3A_413 = vector.shape_cast %parallel_loop3A_412 : vector<1x1x1x16xf32> to vector<16xf32>
        %parallel_loop3A_414 = vector.shape_cast %parallel_loop3A_405 : vector<16xf32> to vector<1x1x1x16xf32>
        tpu.vector_store %arg6[%parallel_loop3A_408, %parallel_loop3A_409, %parallel_loop3A_410, %parallel_loop3A_411], %parallel_loop3A_414 {strides = array<i32>} : memref<32x3x2x128xf32, #tpu.memory_space<vmem>>, vector<1x1x1x16xf32>,
        %parallel_loop3A_415 = arith.constant 1 : i32
        %parallel_loop3A_416 = arith.index_cast %parallel_loop3A_415 : i32 to index
        %parallel_loop3A_417 = arith.index_cast %parallel_loop3A_106 : i32 to index
        %parallel_loop3A_418 = arith.constant 96 : index
        %parallel_loop3A_419 = tpu.vector_load %arg4[%parallel_loop3A_416, %parallel_loop3A_417, %parallel_loop3A_418] {strides = array<i32>} : memref<7x32x128xf32, #tpu.memory_space<vmem>>, vector<1x1x16xf32>,
        %parallel_loop3A_420 = vector.shape_cast %parallel_loop3A_419 : vector<1x1x16xf32> to vector<16xf32>
        %parallel_loop3A_421 = arith.constant 2 : i32
        %parallel_loop3A_422 = arith.index_cast %parallel_loop3A_421 : i32 to index
        %parallel_loop3A_423 = arith.index_cast %parallel_loop3A_106 : i32 to index
        %parallel_loop3A_424 = arith.constant 96 : index
        %parallel_loop3A_425 = tpu.vector_load %arg4[%parallel_loop3A_422, %parallel_loop3A_423, %parallel_loop3A_424] {strides = array<i32>} : memref<7x32x128xf32, #tpu.memory_space<vmem>>, vector<1x1x16xf32>,
        %parallel_loop3A_426 = vector.shape_cast %parallel_loop3A_425 : vector<1x1x16xf32> to vector<16xf32>
        %parallel_loop3A_427 = arith.addf %parallel_loop3A_420, %parallel_loop3A_426 : vector<16xf32>
        %parallel_loop3A_428 = arith.constant 0 : i32
        %parallel_loop3A_429 = arith.constant 1 : i32
        %parallel_loop3A_430 = arith.index_cast %parallel_loop3A_106 : i32 to index
        %parallel_loop3A_431 = arith.index_cast %parallel_loop3A_428 : i32 to index
        %parallel_loop3A_432 = arith.index_cast %parallel_loop3A_429 : i32 to index
        %parallel_loop3A_433 = arith.constant 96 : index
        %parallel_loop3A_434 = tpu.vector_load %arg6[%parallel_loop3A_430, %parallel_loop3A_431, %parallel_loop3A_432, %parallel_loop3A_433] {strides = array<i32>} : memref<32x3x2x128xf32, #tpu.memory_space<vmem>>, vector<1x1x1x16xf32>,
        %parallel_loop3A_435 = vector.shape_cast %parallel_loop3A_434 : vector<1x1x1x16xf32> to vector<16xf32>
        %parallel_loop3A_436 = vector.shape_cast %parallel_loop3A_427 : vector<16xf32> to vector<1x1x1x16xf32>
        tpu.vector_store %arg6[%parallel_loop3A_430, %parallel_loop3A_431, %parallel_loop3A_432, %parallel_loop3A_433], %parallel_loop3A_436 {strides = array<i32>} : memref<32x3x2x128xf32, #tpu.memory_space<vmem>>, vector<1x1x1x16xf32>,
        %parallel_loop3A_437 = arith.constant 1 : i32
        %parallel_loop3A_438 = arith.index_cast %parallel_loop3A_437 : i32 to index
        %parallel_loop3A_439 = arith.index_cast %parallel_loop3A_106 : i32 to index
        %parallel_loop3A_440 = arith.constant 112 : index
        %parallel_loop3A_441 = tpu.vector_load %arg4[%parallel_loop3A_438, %parallel_loop3A_439, %parallel_loop3A_440] {strides = array<i32>} : memref<7x32x128xf32, #tpu.memory_space<vmem>>, vector<1x1x16xf32>,
        %parallel_loop3A_442 = vector.shape_cast %parallel_loop3A_441 : vector<1x1x16xf32> to vector<16xf32>
        %parallel_loop3A_443 = arith.constant 2 : i32
        %parallel_loop3A_444 = arith.index_cast %parallel_loop3A_443 : i32 to index
        %parallel_loop3A_445 = arith.index_cast %parallel_loop3A_106 : i32 to index
        %parallel_loop3A_446 = arith.constant 112 : index
        %parallel_loop3A_447 = tpu.vector_load %arg4[%parallel_loop3A_444, %parallel_loop3A_445, %parallel_loop3A_446] {strides = array<i32>} : memref<7x32x128xf32, #tpu.memory_space<vmem>>, vector<1x1x16xf32>,
        %parallel_loop3A_448 = vector.shape_cast %parallel_loop3A_447 : vector<1x1x16xf32> to vector<16xf32>
        %parallel_loop3A_449 = arith.addf %parallel_loop3A_442, %parallel_loop3A_448 : vector<16xf32>
        %parallel_loop3A_450 = arith.constant 0 : i32
        %parallel_loop3A_451 = arith.constant 1 : i32
        %parallel_loop3A_452 = arith.index_cast %parallel_loop3A_106 : i32 to index
        %parallel_loop3A_453 = arith.index_cast %parallel_loop3A_450 : i32 to index
        %parallel_loop3A_454 = arith.index_cast %parallel_loop3A_451 : i32 to index
        %parallel_loop3A_455 = arith.constant 112 : index
        %parallel_loop3A_456 = tpu.vector_load %arg6[%parallel_loop3A_452, %parallel_loop3A_453, %parallel_loop3A_454, %parallel_loop3A_455] {strides = array<i32>} : memref<32x3x2x128xf32, #tpu.memory_space<vmem>>, vector<1x1x1x16xf32>,
        %parallel_loop3A_457 = vector.shape_cast %parallel_loop3A_456 : vector<1x1x1x16xf32> to vector<16xf32>
        %parallel_loop3A_458 = vector.shape_cast %parallel_loop3A_449 : vector<16xf32> to vector<1x1x1x16xf32>
        tpu.vector_store %arg6[%parallel_loop3A_452, %parallel_loop3A_453, %parallel_loop3A_454, %parallel_loop3A_455], %parallel_loop3A_458 {strides = array<i32>} : memref<32x3x2x128xf32, #tpu.memory_space<vmem>>, vector<1x1x1x16xf32>,
        %parallel_loop3A_459 = arith.constant 2 : i32
        %parallel_loop3A_460 = arith.index_cast %parallel_loop3A_459 : i32 to index
        %parallel_loop3A_461 = arith.index_cast %parallel_loop3A_106 : i32 to index
        %parallel_loop3A_462 = arith.constant 0 : index
        %parallel_loop3A_463 = tpu.vector_load %arg4[%parallel_loop3A_460, %parallel_loop3A_461, %parallel_loop3A_462] {strides = array<i32>} : memref<7x32x128xf32, #tpu.memory_space<vmem>>, vector<1x1x16xf32>,
        %parallel_loop3A_464 = vector.shape_cast %parallel_loop3A_463 : vector<1x1x16xf32> to vector<16xf32>
        %parallel_loop3A_465 = arith.constant 3 : i32
        %parallel_loop3A_466 = arith.index_cast %parallel_loop3A_465 : i32 to index
        %parallel_loop3A_467 = arith.index_cast %parallel_loop3A_106 : i32 to index
        %parallel_loop3A_468 = arith.constant 0 : index
        %parallel_loop3A_469 = tpu.vector_load %arg4[%parallel_loop3A_466, %parallel_loop3A_467, %parallel_loop3A_468] {strides = array<i32>} : memref<7x32x128xf32, #tpu.memory_space<vmem>>, vector<1x1x16xf32>,
        %parallel_loop3A_470 = vector.shape_cast %parallel_loop3A_469 : vector<1x1x16xf32> to vector<16xf32>
        %parallel_loop3A_471 = arith.addf %parallel_loop3A_464, %parallel_loop3A_470 : vector<16xf32>
        %parallel_loop3A_472 = arith.constant 1 : i32
        %parallel_loop3A_473 = arith.constant 0 : i32
        %parallel_loop3A_474 = arith.index_cast %parallel_loop3A_106 : i32 to index
        %parallel_loop3A_475 = arith.index_cast %parallel_loop3A_472 : i32 to index
        %parallel_loop3A_476 = arith.index_cast %parallel_loop3A_473 : i32 to index
        %parallel_loop3A_477 = arith.constant 0 : index
        %parallel_loop3A_478 = tpu.vector_load %arg6[%parallel_loop3A_474, %parallel_loop3A_475, %parallel_loop3A_476, %parallel_loop3A_477] {strides = array<i32>} : memref<32x3x2x128xf32, #tpu.memory_space<vmem>>, vector<1x1x1x16xf32>,
        %parallel_loop3A_479 = vector.shape_cast %parallel_loop3A_478 : vector<1x1x1x16xf32> to vector<16xf32>
        %parallel_loop3A_480 = vector.shape_cast %parallel_loop3A_471 : vector<16xf32> to vector<1x1x1x16xf32>
        tpu.vector_store %arg6[%parallel_loop3A_474, %parallel_loop3A_475, %parallel_loop3A_476, %parallel_loop3A_477], %parallel_loop3A_480 {strides = array<i32>} : memref<32x3x2x128xf32, #tpu.memory_space<vmem>>, vector<1x1x1x16xf32>,
        %parallel_loop3A_481 = arith.constant 2 : i32
        %parallel_loop3A_482 = arith.index_cast %parallel_loop3A_481 : i32 to index
        %parallel_loop3A_483 = arith.index_cast %parallel_loop3A_106 : i32 to index
        %parallel_loop3A_484 = arith.constant 16 : index
        %parallel_loop3A_485 = tpu.vector_load %arg4[%parallel_loop3A_482, %parallel_loop3A_483, %parallel_loop3A_484] {strides = array<i32>} : memref<7x32x128xf32, #tpu.memory_space<vmem>>, vector<1x1x16xf32>,
        %parallel_loop3A_486 = vector.shape_cast %parallel_loop3A_485 : vector<1x1x16xf32> to vector<16xf32>
        %parallel_loop3A_487 = arith.constant 3 : i32
        %parallel_loop3A_488 = arith.index_cast %parallel_loop3A_487 : i32 to index
        %parallel_loop3A_489 = arith.index_cast %parallel_loop3A_106 : i32 to index
        %parallel_loop3A_490 = arith.constant 16 : index
        %parallel_loop3A_491 = tpu.vector_load %arg4[%parallel_loop3A_488, %parallel_loop3A_489, %parallel_loop3A_490] {strides = array<i32>} : memref<7x32x128xf32, #tpu.memory_space<vmem>>, vector<1x1x16xf32>,
        %parallel_loop3A_492 = vector.shape_cast %parallel_loop3A_491 : vector<1x1x16xf32> to vector<16xf32>
        %parallel_loop3A_493 = arith.addf %parallel_loop3A_486, %parallel_loop3A_492 : vector<16xf32>
        %parallel_loop3A_494 = arith.constant 1 : i32
        %parallel_loop3A_495 = arith.constant 0 : i32
        %parallel_loop3A_496 = arith.index_cast %parallel_loop3A_106 : i32 to index
        %parallel_loop3A_497 = arith.index_cast %parallel_loop3A_494 : i32 to index
        %parallel_loop3A_498 = arith.index_cast %parallel_loop3A_495 : i32 to index
        %parallel_loop3A_499 = arith.constant 16 : index
        %parallel_loop3A_500 = tpu.vector_load %arg6[%parallel_loop3A_496, %parallel_loop3A_497, %parallel_loop3A_498, %parallel_loop3A_499] {strides = array<i32>} : memref<32x3x2x128xf32, #tpu.memory_space<vmem>>, vector<1x1x1x16xf32>,
        %parallel_loop3A_501 = vector.shape_cast %parallel_loop3A_500 : vector<1x1x1x16xf32> to vector<16xf32>
        %parallel_loop3A_502 = vector.shape_cast %parallel_loop3A_493 : vector<16xf32> to vector<1x1x1x16xf32>
        tpu.vector_store %arg6[%parallel_loop3A_496, %parallel_loop3A_497, %parallel_loop3A_498, %parallel_loop3A_499], %parallel_loop3A_502 {strides = array<i32>} : memref<32x3x2x128xf32, #tpu.memory_space<vmem>>, vector<1x1x1x16xf32>,
        %parallel_loop3A_503 = arith.constant 2 : i32
        %parallel_loop3A_504 = arith.index_cast %parallel_loop3A_503 : i32 to index
        %parallel_loop3A_505 = arith.index_cast %parallel_loop3A_106 : i32 to index
        %parallel_loop3A_506 = arith.constant 32 : index
        %parallel_loop3A_507 = tpu.vector_load %arg4[%parallel_loop3A_504, %parallel_loop3A_505, %parallel_loop3A_506] {strides = array<i32>} : memref<7x32x128xf32, #tpu.memory_space<vmem>>, vector<1x1x16xf32>,
        %parallel_loop3A_508 = vector.shape_cast %parallel_loop3A_507 : vector<1x1x16xf32> to vector<16xf32>
        %parallel_loop3A_509 = arith.constant 3 : i32
        %parallel_loop3A_510 = arith.index_cast %parallel_loop3A_509 : i32 to index
        %parallel_loop3A_511 = arith.index_cast %parallel_loop3A_106 : i32 to index
        %parallel_loop3A_512 = arith.constant 32 : index
        %parallel_loop3A_513 = tpu.vector_load %arg4[%parallel_loop3A_510, %parallel_loop3A_511, %parallel_loop3A_512] {strides = array<i32>} : memref<7x32x128xf32, #tpu.memory_space<vmem>>, vector<1x1x16xf32>,
        %parallel_loop3A_514 = vector.shape_cast %parallel_loop3A_513 : vector<1x1x16xf32> to vector<16xf32>
        %parallel_loop3A_515 = arith.addf %parallel_loop3A_508, %parallel_loop3A_514 : vector<16xf32>
        %parallel_loop3A_516 = arith.constant 1 : i32
        %parallel_loop3A_517 = arith.constant 0 : i32
        %parallel_loop3A_518 = arith.index_cast %parallel_loop3A_106 : i32 to index
        %parallel_loop3A_519 = arith.index_cast %parallel_loop3A_516 : i32 to index
        %parallel_loop3A_520 = arith.index_cast %parallel_loop3A_517 : i32 to index
        %parallel_loop3A_521 = arith.constant 32 : index
        %parallel_loop3A_522 = tpu.vector_load %arg6[%parallel_loop3A_518, %parallel_loop3A_519, %parallel_loop3A_520, %parallel_loop3A_521] {strides = array<i32>} : memref<32x3x2x128xf32, #tpu.memory_space<vmem>>, vector<1x1x1x16xf32>,
        %parallel_loop3A_523 = vector.shape_cast %parallel_loop3A_522 : vector<1x1x1x16xf32> to vector<16xf32>
        %parallel_loop3A_524 = vector.shape_cast %parallel_loop3A_515 : vector<16xf32> to vector<1x1x1x16xf32>
        tpu.vector_store %arg6[%parallel_loop3A_518, %parallel_loop3A_519, %parallel_loop3A_520, %parallel_loop3A_521], %parallel_loop3A_524 {strides = array<i32>} : memref<32x3x2x128xf32, #tpu.memory_space<vmem>>, vector<1x1x1x16xf32>,
        %parallel_loop3A_525 = arith.constant 2 : i32
        %parallel_loop3A_526 = arith.index_cast %parallel_loop3A_525 : i32 to index
        %parallel_loop3A_527 = arith.index_cast %parallel_loop3A_106 : i32 to index
        %parallel_loop3A_528 = arith.constant 48 : index
        %parallel_loop3A_529 = tpu.vector_load %arg4[%parallel_loop3A_526, %parallel_loop3A_527, %parallel_loop3A_528] {strides = array<i32>} : memref<7x32x128xf32, #tpu.memory_space<vmem>>, vector<1x1x16xf32>,
        %parallel_loop3A_530 = vector.shape_cast %parallel_loop3A_529 : vector<1x1x16xf32> to vector<16xf32>
        %parallel_loop3A_531 = arith.constant 3 : i32
        %parallel_loop3A_532 = arith.index_cast %parallel_loop3A_531 : i32 to index
        %parallel_loop3A_533 = arith.index_cast %parallel_loop3A_106 : i32 to index
        %parallel_loop3A_534 = arith.constant 48 : index
        %parallel_loop3A_535 = tpu.vector_load %arg4[%parallel_loop3A_532, %parallel_loop3A_533, %parallel_loop3A_534] {strides = array<i32>} : memref<7x32x128xf32, #tpu.memory_space<vmem>>, vector<1x1x16xf32>,
        %parallel_loop3A_536 = vector.shape_cast %parallel_loop3A_535 : vector<1x1x16xf32> to vector<16xf32>
        %parallel_loop3A_537 = arith.addf %parallel_loop3A_530, %parallel_loop3A_536 : vector<16xf32>
        %parallel_loop3A_538 = arith.constant 1 : i32
        %parallel_loop3A_539 = arith.constant 0 : i32
        %parallel_loop3A_540 = arith.index_cast %parallel_loop3A_106 : i32 to index
        %parallel_loop3A_541 = arith.index_cast %parallel_loop3A_538 : i32 to index
        %parallel_loop3A_542 = arith.index_cast %parallel_loop3A_539 : i32 to index
        %parallel_loop3A_543 = arith.constant 48 : index
        %parallel_loop3A_544 = tpu.vector_load %arg6[%parallel_loop3A_540, %parallel_loop3A_541, %parallel_loop3A_542, %parallel_loop3A_543] {strides = array<i32>} : memref<32x3x2x128xf32, #tpu.memory_space<vmem>>, vector<1x1x1x16xf32>,
        %parallel_loop3A_545 = vector.shape_cast %parallel_loop3A_544 : vector<1x1x1x16xf32> to vector<16xf32>
        %parallel_loop3A_546 = vector.shape_cast %parallel_loop3A_537 : vector<16xf32> to vector<1x1x1x16xf32>
        tpu.vector_store %arg6[%parallel_loop3A_540, %parallel_loop3A_541, %parallel_loop3A_542, %parallel_loop3A_543], %parallel_loop3A_546 {strides = array<i32>} : memref<32x3x2x128xf32, #tpu.memory_space<vmem>>, vector<1x1x1x16xf32>,
        %parallel_loop3A_547 = arith.constant 2 : i32
        %parallel_loop3A_548 = arith.index_cast %parallel_loop3A_547 : i32 to index
        %parallel_loop3A_549 = arith.index_cast %parallel_loop3A_106 : i32 to index
        %parallel_loop3A_550 = arith.constant 64 : index
        %parallel_loop3A_551 = tpu.vector_load %arg4[%parallel_loop3A_548, %parallel_loop3A_549, %parallel_loop3A_550] {strides = array<i32>} : memref<7x32x128xf32, #tpu.memory_space<vmem>>, vector<1x1x16xf32>,
        %parallel_loop3A_552 = vector.shape_cast %parallel_loop3A_551 : vector<1x1x16xf32> to vector<16xf32>
        %parallel_loop3A_553 = arith.constant 3 : i32
        %parallel_loop3A_554 = arith.index_cast %parallel_loop3A_553 : i32 to index
        %parallel_loop3A_555 = arith.index_cast %parallel_loop3A_106 : i32 to index
        %parallel_loop3A_556 = arith.constant 64 : index
        %parallel_loop3A_557 = tpu.vector_load %arg4[%parallel_loop3A_554, %parallel_loop3A_555, %parallel_loop3A_556] {strides = array<i32>} : memref<7x32x128xf32, #tpu.memory_space<vmem>>, vector<1x1x16xf32>,
        %parallel_loop3A_558 = vector.shape_cast %parallel_loop3A_557 : vector<1x1x16xf32> to vector<16xf32>
        %parallel_loop3A_559 = arith.addf %parallel_loop3A_552, %parallel_loop3A_558 : vector<16xf32>
        %parallel_loop3A_560 = arith.constant 1 : i32
        %parallel_loop3A_561 = arith.constant 0 : i32
        %parallel_loop3A_562 = arith.index_cast %parallel_loop3A_106 : i32 to index
        %parallel_loop3A_563 = arith.index_cast %parallel_loop3A_560 : i32 to index
        %parallel_loop3A_564 = arith.index_cast %parallel_loop3A_561 : i32 to index
        %parallel_loop3A_565 = arith.constant 64 : index
        %parallel_loop3A_566 = tpu.vector_load %arg6[%parallel_loop3A_562, %parallel_loop3A_563, %parallel_loop3A_564, %parallel_loop3A_565] {strides = array<i32>} : memref<32x3x2x128xf32, #tpu.memory_space<vmem>>, vector<1x1x1x16xf32>,
        %parallel_loop3A_567 = vector.shape_cast %parallel_loop3A_566 : vector<1x1x1x16xf32> to vector<16xf32>
        %parallel_loop3A_568 = vector.shape_cast %parallel_loop3A_559 : vector<16xf32> to vector<1x1x1x16xf32>
        tpu.vector_store %arg6[%parallel_loop3A_562, %parallel_loop3A_563, %parallel_loop3A_564, %parallel_loop3A_565], %parallel_loop3A_568 {strides = array<i32>} : memref<32x3x2x128xf32, #tpu.memory_space<vmem>>, vector<1x1x1x16xf32>,
        %parallel_loop3A_569 = arith.constant 2 : i32
        %parallel_loop3A_570 = arith.index_cast %parallel_loop3A_569 : i32 to index
        %parallel_loop3A_571 = arith.index_cast %parallel_loop3A_106 : i32 to index
        %parallel_loop3A_572 = arith.constant 80 : index
        %parallel_loop3A_573 = tpu.vector_load %arg4[%parallel_loop3A_570, %parallel_loop3A_571, %parallel_loop3A_572] {strides = array<i32>} : memref<7x32x128xf32, #tpu.memory_space<vmem>>, vector<1x1x16xf32>,
        %parallel_loop3A_574 = vector.shape_cast %parallel_loop3A_573 : vector<1x1x16xf32> to vector<16xf32>
        %parallel_loop3A_575 = arith.constant 3 : i32
        %parallel_loop3A_576 = arith.index_cast %parallel_loop3A_575 : i32 to index
        %parallel_loop3A_577 = arith.index_cast %parallel_loop3A_106 : i32 to index
        %parallel_loop3A_578 = arith.constant 80 : index
        %parallel_loop3A_579 = tpu.vector_load %arg4[%parallel_loop3A_576, %parallel_loop3A_577, %parallel_loop3A_578] {strides = array<i32>} : memref<7x32x128xf32, #tpu.memory_space<vmem>>, vector<1x1x16xf32>,
        %parallel_loop3A_580 = vector.shape_cast %parallel_loop3A_579 : vector<1x1x16xf32> to vector<16xf32>
        %parallel_loop3A_581 = arith.addf %parallel_loop3A_574, %parallel_loop3A_580 : vector<16xf32>
        %parallel_loop3A_582 = arith.constant 1 : i32
        %parallel_loop3A_583 = arith.constant 0 : i32
        %parallel_loop3A_584 = arith.index_cast %parallel_loop3A_106 : i32 to index
        %parallel_loop3A_585 = arith.index_cast %parallel_loop3A_582 : i32 to index
        %parallel_loop3A_586 = arith.index_cast %parallel_loop3A_583 : i32 to index
        %parallel_loop3A_587 = arith.constant 80 : index
        %parallel_loop3A_588 = tpu.vector_load %arg6[%parallel_loop3A_584, %parallel_loop3A_585, %parallel_loop3A_586, %parallel_loop3A_587] {strides = array<i32>} : memref<32x3x2x128xf32, #tpu.memory_space<vmem>>, vector<1x1x1x16xf32>,
        %parallel_loop3A_589 = vector.shape_cast %parallel_loop3A_588 : vector<1x1x1x16xf32> to vector<16xf32>
        %parallel_loop3A_590 = vector.shape_cast %parallel_loop3A_581 : vector<16xf32> to vector<1x1x1x16xf32>
        tpu.vector_store %arg6[%parallel_loop3A_584, %parallel_loop3A_585, %parallel_loop3A_586, %parallel_loop3A_587], %parallel_loop3A_590 {strides = array<i32>} : memref<32x3x2x128xf32, #tpu.memory_space<vmem>>, vector<1x1x1x16xf32>,
        %parallel_loop3A_591 = arith.constant 2 : i32
        %parallel_loop3A_592 = arith.index_cast %parallel_loop3A_591 : i32 to index
        %parallel_loop3A_593 = arith.index_cast %parallel_loop3A_106 : i32 to index
        %parallel_loop3A_594 = arith.constant 96 : index
        %parallel_loop3A_595 = tpu.vector_load %arg4[%parallel_loop3A_592, %parallel_loop3A_593, %parallel_loop3A_594] {strides = array<i32>} : memref<7x32x128xf32, #tpu.memory_space<vmem>>, vector<1x1x16xf32>,
        %parallel_loop3A_596 = vector.shape_cast %parallel_loop3A_595 : vector<1x1x16xf32> to vector<16xf32>
        %parallel_loop3A_597 = arith.constant 3 : i32
        %parallel_loop3A_598 = arith.index_cast %parallel_loop3A_597 : i32 to index
        %parallel_loop3A_599 = arith.index_cast %parallel_loop3A_106 : i32 to index
        %parallel_loop3A_600 = arith.constant 96 : index
        %parallel_loop3A_601 = tpu.vector_load %arg4[%parallel_loop3A_598, %parallel_loop3A_599, %parallel_loop3A_600] {strides = array<i32>} : memref<7x32x128xf32, #tpu.memory_space<vmem>>, vector<1x1x16xf32>,
        %parallel_loop3A_602 = vector.shape_cast %parallel_loop3A_601 : vector<1x1x16xf32> to vector<16xf32>
        %parallel_loop3A_603 = arith.addf %parallel_loop3A_596, %parallel_loop3A_602 : vector<16xf32>
        %parallel_loop3A_604 = arith.constant 1 : i32
        %parallel_loop3A_605 = arith.constant 0 : i32
        %parallel_loop3A_606 = arith.index_cast %parallel_loop3A_106 : i32 to index
        %parallel_loop3A_607 = arith.index_cast %parallel_loop3A_604 : i32 to index
        %parallel_loop3A_608 = arith.index_cast %parallel_loop3A_605 : i32 to index
        %parallel_loop3A_609 = arith.constant 96 : index
        %parallel_loop3A_610 = tpu.vector_load %arg6[%parallel_loop3A_606, %parallel_loop3A_607, %parallel_loop3A_608, %parallel_loop3A_609] {strides = array<i32>} : memref<32x3x2x128xf32, #tpu.memory_space<vmem>>, vector<1x1x1x16xf32>,
        %parallel_loop3A_611 = vector.shape_cast %parallel_loop3A_610 : vector<1x1x1x16xf32> to vector<16xf32>
        %parallel_loop3A_612 = vector.shape_cast %parallel_loop3A_603 : vector<16xf32> to vector<1x1x1x16xf32>
        tpu.vector_store %arg6[%parallel_loop3A_606, %parallel_loop3A_607, %parallel_loop3A_608, %parallel_loop3A_609], %parallel_loop3A_612 {strides = array<i32>} : memref<32x3x2x128xf32, #tpu.memory_space<vmem>>, vector<1x1x1x16xf32>,
        %parallel_loop3A_613 = arith.constant 2 : i32
        %parallel_loop3A_614 = arith.index_cast %parallel_loop3A_613 : i32 to index
        %parallel_loop3A_615 = arith.index_cast %parallel_loop3A_106 : i32 to index
        %parallel_loop3A_616 = arith.constant 112 : index
        %parallel_loop3A_617 = tpu.vector_load %arg4[%parallel_loop3A_614, %parallel_loop3A_615, %parallel_loop3A_616] {strides = array<i32>} : memref<7x32x128xf32, #tpu.memory_space<vmem>>, vector<1x1x16xf32>,
        %parallel_loop3A_618 = vector.shape_cast %parallel_loop3A_617 : vector<1x1x16xf32> to vector<16xf32>
        %parallel_loop3A_619 = arith.constant 3 : i32
        %parallel_loop3A_620 = arith.index_cast %parallel_loop3A_619 : i32 to index
        %parallel_loop3A_621 = arith.index_cast %parallel_loop3A_106 : i32 to index
        %parallel_loop3A_622 = arith.constant 112 : index
        %parallel_loop3A_623 = tpu.vector_load %arg4[%parallel_loop3A_620, %parallel_loop3A_621, %parallel_loop3A_622] {strides = array<i32>} : memref<7x32x128xf32, #tpu.memory_space<vmem>>, vector<1x1x16xf32>,
        %parallel_loop3A_624 = vector.shape_cast %parallel_loop3A_623 : vector<1x1x16xf32> to vector<16xf32>
        %parallel_loop3A_625 = arith.addf %parallel_loop3A_618, %parallel_loop3A_624 : vector<16xf32>
        %parallel_loop3A_626 = arith.constant 1 : i32
        %parallel_loop3A_627 = arith.constant 0 : i32
        %parallel_loop3A_628 = arith.index_cast %parallel_loop3A_106 : i32 to index
        %parallel_loop3A_629 = arith.index_cast %parallel_loop3A_626 : i32 to index
        %parallel_loop3A_630 = arith.index_cast %parallel_loop3A_627 : i32 to index
        %parallel_loop3A_631 = arith.constant 112 : index
        %parallel_loop3A_632 = tpu.vector_load %arg6[%parallel_loop3A_628, %parallel_loop3A_629, %parallel_loop3A_630, %parallel_loop3A_631] {strides = array<i32>} : memref<32x3x2x128xf32, #tpu.memory_space<vmem>>, vector<1x1x1x16xf32>,
        %parallel_loop3A_633 = vector.shape_cast %parallel_loop3A_632 : vector<1x1x1x16xf32> to vector<16xf32>
        %parallel_loop3A_634 = vector.shape_cast %parallel_loop3A_625 : vector<16xf32> to vector<1x1x1x16xf32>
        tpu.vector_store %arg6[%parallel_loop3A_628, %parallel_loop3A_629, %parallel_loop3A_630, %parallel_loop3A_631], %parallel_loop3A_634 {strides = array<i32>} : memref<32x3x2x128xf32, #tpu.memory_space<vmem>>, vector<1x1x1x16xf32>,
        %parallel_loop3A_635 = arith.constant 3 : i32
        %parallel_loop3A_636 = arith.index_cast %parallel_loop3A_635 : i32 to index
        %parallel_loop3A_637 = arith.index_cast %parallel_loop3A_106 : i32 to index
        %parallel_loop3A_638 = arith.constant 0 : index
        %parallel_loop3A_639 = tpu.vector_load %arg4[%parallel_loop3A_636, %parallel_loop3A_637, %parallel_loop3A_638] {strides = array<i32>} : memref<7x32x128xf32, #tpu.memory_space<vmem>>, vector<1x1x16xf32>,
        %parallel_loop3A_640 = vector.shape_cast %parallel_loop3A_639 : vector<1x1x16xf32> to vector<16xf32>
        %parallel_loop3A_641 = arith.constant 4 : i32
        %parallel_loop3A_642 = arith.index_cast %parallel_loop3A_641 : i32 to index
        %parallel_loop3A_643 = arith.index_cast %parallel_loop3A_106 : i32 to index
        %parallel_loop3A_644 = arith.constant 0 : index
        %parallel_loop3A_645 = tpu.vector_load %arg4[%parallel_loop3A_642, %parallel_loop3A_643, %parallel_loop3A_644] {strides = array<i32>} : memref<7x32x128xf32, #tpu.memory_space<vmem>>, vector<1x1x16xf32>,
        %parallel_loop3A_646 = vector.shape_cast %parallel_loop3A_645 : vector<1x1x16xf32> to vector<16xf32>
        %parallel_loop3A_647 = arith.addf %parallel_loop3A_640, %parallel_loop3A_646 : vector<16xf32>
        %parallel_loop3A_648 = arith.constant 1 : i32
        %parallel_loop3A_649 = arith.constant 1 : i32
        %parallel_loop3A_650 = arith.index_cast %parallel_loop3A_106 : i32 to index
        %parallel_loop3A_651 = arith.index_cast %parallel_loop3A_648 : i32 to index
        %parallel_loop3A_652 = arith.index_cast %parallel_loop3A_649 : i32 to index
        %parallel_loop3A_653 = arith.constant 0 : index
        %parallel_loop3A_654 = tpu.vector_load %arg6[%parallel_loop3A_650, %parallel_loop3A_651, %parallel_loop3A_652, %parallel_loop3A_653] {strides = array<i32>} : memref<32x3x2x128xf32, #tpu.memory_space<vmem>>, vector<1x1x1x16xf32>,
        %parallel_loop3A_655 = vector.shape_cast %parallel_loop3A_654 : vector<1x1x1x16xf32> to vector<16xf32>
        %parallel_loop3A_656 = vector.shape_cast %parallel_loop3A_647 : vector<16xf32> to vector<1x1x1x16xf32>
        tpu.vector_store %arg6[%parallel_loop3A_650, %parallel_loop3A_651, %parallel_loop3A_652, %parallel_loop3A_653], %parallel_loop3A_656 {strides = array<i32>} : memref<32x3x2x128xf32, #tpu.memory_space<vmem>>, vector<1x1x1x16xf32>,
        %parallel_loop3A_657 = arith.constant 3 : i32
        %parallel_loop3A_658 = arith.index_cast %parallel_loop3A_657 : i32 to index
        %parallel_loop3A_659 = arith.index_cast %parallel_loop3A_106 : i32 to index
        %parallel_loop3A_660 = arith.constant 16 : index
        %parallel_loop3A_661 = tpu.vector_load %arg4[%parallel_loop3A_658, %parallel_loop3A_659, %parallel_loop3A_660] {strides = array<i32>} : memref<7x32x128xf32, #tpu.memory_space<vmem>>, vector<1x1x16xf32>,
        %parallel_loop3A_662 = vector.shape_cast %parallel_loop3A_661 : vector<1x1x16xf32> to vector<16xf32>
        %parallel_loop3A_663 = arith.constant 4 : i32
        %parallel_loop3A_664 = arith.index_cast %parallel_loop3A_663 : i32 to index
        %parallel_loop3A_665 = arith.index_cast %parallel_loop3A_106 : i32 to index
        %parallel_loop3A_666 = arith.constant 16 : index
        %parallel_loop3A_667 = tpu.vector_load %arg4[%parallel_loop3A_664, %parallel_loop3A_665, %parallel_loop3A_666] {strides = array<i32>} : memref<7x32x128xf32, #tpu.memory_space<vmem>>, vector<1x1x16xf32>,
        %parallel_loop3A_668 = vector.shape_cast %parallel_loop3A_667 : vector<1x1x16xf32> to vector<16xf32>
        %parallel_loop3A_669 = arith.addf %parallel_loop3A_662, %parallel_loop3A_668 : vector<16xf32>
        %parallel_loop3A_670 = arith.constant 1 : i32
        %parallel_loop3A_671 = arith.constant 1 : i32
        %parallel_loop3A_672 = arith.index_cast %parallel_loop3A_106 : i32 to index
        %parallel_loop3A_673 = arith.index_cast %parallel_loop3A_670 : i32 to index
        %parallel_loop3A_674 = arith.index_cast %parallel_loop3A_671 : i32 to index
        %parallel_loop3A_675 = arith.constant 16 : index
        %parallel_loop3A_676 = tpu.vector_load %arg6[%parallel_loop3A_672, %parallel_loop3A_673, %parallel_loop3A_674, %parallel_loop3A_675] {strides = array<i32>} : memref<32x3x2x128xf32, #tpu.memory_space<vmem>>, vector<1x1x1x16xf32>,
        %parallel_loop3A_677 = vector.shape_cast %parallel_loop3A_676 : vector<1x1x1x16xf32> to vector<16xf32>
        %parallel_loop3A_678 = vector.shape_cast %parallel_loop3A_669 : vector<16xf32> to vector<1x1x1x16xf32>
        tpu.vector_store %arg6[%parallel_loop3A_672, %parallel_loop3A_673, %parallel_loop3A_674, %parallel_loop3A_675], %parallel_loop3A_678 {strides = array<i32>} : memref<32x3x2x128xf32, #tpu.memory_space<vmem>>, vector<1x1x1x16xf32>,
        %parallel_loop3A_679 = arith.constant 3 : i32
        %parallel_loop3A_680 = arith.index_cast %parallel_loop3A_679 : i32 to index
        %parallel_loop3A_681 = arith.index_cast %parallel_loop3A_106 : i32 to index
        %parallel_loop3A_682 = arith.constant 32 : index
        %parallel_loop3A_683 = tpu.vector_load %arg4[%parallel_loop3A_680, %parallel_loop3A_681, %parallel_loop3A_682] {strides = array<i32>} : memref<7x32x128xf32, #tpu.memory_space<vmem>>, vector<1x1x16xf32>,
        %parallel_loop3A_684 = vector.shape_cast %parallel_loop3A_683 : vector<1x1x16xf32> to vector<16xf32>
        %parallel_loop3A_685 = arith.constant 4 : i32
        %parallel_loop3A_686 = arith.index_cast %parallel_loop3A_685 : i32 to index
        %parallel_loop3A_687 = arith.index_cast %parallel_loop3A_106 : i32 to index
        %parallel_loop3A_688 = arith.constant 32 : index
        %parallel_loop3A_689 = tpu.vector_load %arg4[%parallel_loop3A_686, %parallel_loop3A_687, %parallel_loop3A_688] {strides = array<i32>} : memref<7x32x128xf32, #tpu.memory_space<vmem>>, vector<1x1x16xf32>,
        %parallel_loop3A_690 = vector.shape_cast %parallel_loop3A_689 : vector<1x1x16xf32> to vector<16xf32>
        %parallel_loop3A_691 = arith.addf %parallel_loop3A_684, %parallel_loop3A_690 : vector<16xf32>
        %parallel_loop3A_692 = arith.constant 1 : i32
        %parallel_loop3A_693 = arith.constant 1 : i32
        %parallel_loop3A_694 = arith.index_cast %parallel_loop3A_106 : i32 to index
        %parallel_loop3A_695 = arith.index_cast %parallel_loop3A_692 : i32 to index
        %parallel_loop3A_696 = arith.index_cast %parallel_loop3A_693 : i32 to index
        %parallel_loop3A_697 = arith.constant 32 : index
        %parallel_loop3A_698 = tpu.vector_load %arg6[%parallel_loop3A_694, %parallel_loop3A_695, %parallel_loop3A_696, %parallel_loop3A_697] {strides = array<i32>} : memref<32x3x2x128xf32, #tpu.memory_space<vmem>>, vector<1x1x1x16xf32>,
        %parallel_loop3A_699 = vector.shape_cast %parallel_loop3A_698 : vector<1x1x1x16xf32> to vector<16xf32>
        %parallel_loop3A_700 = vector.shape_cast %parallel_loop3A_691 : vector<16xf32> to vector<1x1x1x16xf32>
        tpu.vector_store %arg6[%parallel_loop3A_694, %parallel_loop3A_695, %parallel_loop3A_696, %parallel_loop3A_697], %parallel_loop3A_700 {strides = array<i32>} : memref<32x3x2x128xf32, #tpu.memory_space<vmem>>, vector<1x1x1x16xf32>,
        %parallel_loop3A_701 = arith.constant 3 : i32
        %parallel_loop3A_702 = arith.index_cast %parallel_loop3A_701 : i32 to index
        %parallel_loop3A_703 = arith.index_cast %parallel_loop3A_106 : i32 to index
        %parallel_loop3A_704 = arith.constant 48 : index
        %parallel_loop3A_705 = tpu.vector_load %arg4[%parallel_loop3A_702, %parallel_loop3A_703, %parallel_loop3A_704] {strides = array<i32>} : memref<7x32x128xf32, #tpu.memory_space<vmem>>, vector<1x1x16xf32>,
        %parallel_loop3A_706 = vector.shape_cast %parallel_loop3A_705 : vector<1x1x16xf32> to vector<16xf32>
        %parallel_loop3A_707 = arith.constant 4 : i32
        %parallel_loop3A_708 = arith.index_cast %parallel_loop3A_707 : i32 to index
        %parallel_loop3A_709 = arith.index_cast %parallel_loop3A_106 : i32 to index
        %parallel_loop3A_710 = arith.constant 48 : index
        %parallel_loop3A_711 = tpu.vector_load %arg4[%parallel_loop3A_708, %parallel_loop3A_709, %parallel_loop3A_710] {strides = array<i32>} : memref<7x32x128xf32, #tpu.memory_space<vmem>>, vector<1x1x16xf32>,
        %parallel_loop3A_712 = vector.shape_cast %parallel_loop3A_711 : vector<1x1x16xf32> to vector<16xf32>
        %parallel_loop3A_713 = arith.addf %parallel_loop3A_706, %parallel_loop3A_712 : vector<16xf32>
        %parallel_loop3A_714 = arith.constant 1 : i32
        %parallel_loop3A_715 = arith.constant 1 : i32
        %parallel_loop3A_716 = arith.index_cast %parallel_loop3A_106 : i32 to index
        %parallel_loop3A_717 = arith.index_cast %parallel_loop3A_714 : i32 to index
        %parallel_loop3A_718 = arith.index_cast %parallel_loop3A_715 : i32 to index
        %parallel_loop3A_719 = arith.constant 48 : index
        %parallel_loop3A_720 = tpu.vector_load %arg6[%parallel_loop3A_716, %parallel_loop3A_717, %parallel_loop3A_718, %parallel_loop3A_719] {strides = array<i32>} : memref<32x3x2x128xf32, #tpu.memory_space<vmem>>, vector<1x1x1x16xf32>,
        %parallel_loop3A_721 = vector.shape_cast %parallel_loop3A_720 : vector<1x1x1x16xf32> to vector<16xf32>
        %parallel_loop3A_722 = vector.shape_cast %parallel_loop3A_713 : vector<16xf32> to vector<1x1x1x16xf32>
        tpu.vector_store %arg6[%parallel_loop3A_716, %parallel_loop3A_717, %parallel_loop3A_718, %parallel_loop3A_719], %parallel_loop3A_722 {strides = array<i32>} : memref<32x3x2x128xf32, #tpu.memory_space<vmem>>, vector<1x1x1x16xf32>,
        %parallel_loop3A_723 = arith.constant 3 : i32
        %parallel_loop3A_724 = arith.index_cast %parallel_loop3A_723 : i32 to index
        %parallel_loop3A_725 = arith.index_cast %parallel_loop3A_106 : i32 to index
        %parallel_loop3A_726 = arith.constant 64 : index
        %parallel_loop3A_727 = tpu.vector_load %arg4[%parallel_loop3A_724, %parallel_loop3A_725, %parallel_loop3A_726] {strides = array<i32>} : memref<7x32x128xf32, #tpu.memory_space<vmem>>, vector<1x1x16xf32>,
        %parallel_loop3A_728 = vector.shape_cast %parallel_loop3A_727 : vector<1x1x16xf32> to vector<16xf32>
        %parallel_loop3A_729 = arith.constant 4 : i32
        %parallel_loop3A_730 = arith.index_cast %parallel_loop3A_729 : i32 to index
        %parallel_loop3A_731 = arith.index_cast %parallel_loop3A_106 : i32 to index
        %parallel_loop3A_732 = arith.constant 64 : index
        %parallel_loop3A_733 = tpu.vector_load %arg4[%parallel_loop3A_730, %parallel_loop3A_731, %parallel_loop3A_732] {strides = array<i32>} : memref<7x32x128xf32, #tpu.memory_space<vmem>>, vector<1x1x16xf32>,
        %parallel_loop3A_734 = vector.shape_cast %parallel_loop3A_733 : vector<1x1x16xf32> to vector<16xf32>
        %parallel_loop3A_735 = arith.addf %parallel_loop3A_728, %parallel_loop3A_734 : vector<16xf32>
        %parallel_loop3A_736 = arith.constant 1 : i32
        %parallel_loop3A_737 = arith.constant 1 : i32
        %parallel_loop3A_738 = arith.index_cast %parallel_loop3A_106 : i32 to index
        %parallel_loop3A_739 = arith.index_cast %parallel_loop3A_736 : i32 to index
        %parallel_loop3A_740 = arith.index_cast %parallel_loop3A_737 : i32 to index
        %parallel_loop3A_741 = arith.constant 64 : index
        %parallel_loop3A_742 = tpu.vector_load %arg6[%parallel_loop3A_738, %parallel_loop3A_739, %parallel_loop3A_740, %parallel_loop3A_741] {strides = array<i32>} : memref<32x3x2x128xf32, #tpu.memory_space<vmem>>, vector<1x1x1x16xf32>,
        %parallel_loop3A_743 = vector.shape_cast %parallel_loop3A_742 : vector<1x1x1x16xf32> to vector<16xf32>
        %parallel_loop3A_744 = vector.shape_cast %parallel_loop3A_735 : vector<16xf32> to vector<1x1x1x16xf32>
        tpu.vector_store %arg6[%parallel_loop3A_738, %parallel_loop3A_739, %parallel_loop3A_740, %parallel_loop3A_741], %parallel_loop3A_744 {strides = array<i32>} : memref<32x3x2x128xf32, #tpu.memory_space<vmem>>, vector<1x1x1x16xf32>,
        %parallel_loop3A_745 = arith.constant 3 : i32
        %parallel_loop3A_746 = arith.index_cast %parallel_loop3A_745 : i32 to index
        %parallel_loop3A_747 = arith.index_cast %parallel_loop3A_106 : i32 to index
        %parallel_loop3A_748 = arith.constant 80 : index
        %parallel_loop3A_749 = tpu.vector_load %arg4[%parallel_loop3A_746, %parallel_loop3A_747, %parallel_loop3A_748] {strides = array<i32>} : memref<7x32x128xf32, #tpu.memory_space<vmem>>, vector<1x1x16xf32>,
        %parallel_loop3A_750 = vector.shape_cast %parallel_loop3A_749 : vector<1x1x16xf32> to vector<16xf32>
        %parallel_loop3A_751 = arith.constant 4 : i32
        %parallel_loop3A_752 = arith.index_cast %parallel_loop3A_751 : i32 to index
        %parallel_loop3A_753 = arith.index_cast %parallel_loop3A_106 : i32 to index
        %parallel_loop3A_754 = arith.constant 80 : index
        %parallel_loop3A_755 = tpu.vector_load %arg4[%parallel_loop3A_752, %parallel_loop3A_753, %parallel_loop3A_754] {strides = array<i32>} : memref<7x32x128xf32, #tpu.memory_space<vmem>>, vector<1x1x16xf32>,
        %parallel_loop3A_756 = vector.shape_cast %parallel_loop3A_755 : vector<1x1x16xf32> to vector<16xf32>
        %parallel_loop3A_757 = arith.addf %parallel_loop3A_750, %parallel_loop3A_756 : vector<16xf32>
        %parallel_loop3A_758 = arith.constant 1 : i32
        %parallel_loop3A_759 = arith.constant 1 : i32
        %parallel_loop3A_760 = arith.index_cast %parallel_loop3A_106 : i32 to index
        %parallel_loop3A_761 = arith.index_cast %parallel_loop3A_758 : i32 to index
        %parallel_loop3A_762 = arith.index_cast %parallel_loop3A_759 : i32 to index
        %parallel_loop3A_763 = arith.constant 80 : index
        %parallel_loop3A_764 = tpu.vector_load %arg6[%parallel_loop3A_760, %parallel_loop3A_761, %parallel_loop3A_762, %parallel_loop3A_763] {strides = array<i32>} : memref<32x3x2x128xf32, #tpu.memory_space<vmem>>, vector<1x1x1x16xf32>,
        %parallel_loop3A_765 = vector.shape_cast %parallel_loop3A_764 : vector<1x1x1x16xf32> to vector<16xf32>
        %parallel_loop3A_766 = vector.shape_cast %parallel_loop3A_757 : vector<16xf32> to vector<1x1x1x16xf32>
        tpu.vector_store %arg6[%parallel_loop3A_760, %parallel_loop3A_761, %parallel_loop3A_762, %parallel_loop3A_763], %parallel_loop3A_766 {strides = array<i32>} : memref<32x3x2x128xf32, #tpu.memory_space<vmem>>, vector<1x1x1x16xf32>,
        %parallel_loop3A_767 = arith.constant 3 : i32
        %parallel_loop3A_768 = arith.index_cast %parallel_loop3A_767 : i32 to index
        %parallel_loop3A_769 = arith.index_cast %parallel_loop3A_106 : i32 to index
        %parallel_loop3A_770 = arith.constant 96 : index
        %parallel_loop3A_771 = tpu.vector_load %arg4[%parallel_loop3A_768, %parallel_loop3A_769, %parallel_loop3A_770] {strides = array<i32>} : memref<7x32x128xf32, #tpu.memory_space<vmem>>, vector<1x1x16xf32>,
        %parallel_loop3A_772 = vector.shape_cast %parallel_loop3A_771 : vector<1x1x16xf32> to vector<16xf32>
        %parallel_loop3A_773 = arith.constant 4 : i32
        %parallel_loop3A_774 = arith.index_cast %parallel_loop3A_773 : i32 to index
        %parallel_loop3A_775 = arith.index_cast %parallel_loop3A_106 : i32 to index
        %parallel_loop3A_776 = arith.constant 96 : index
        %parallel_loop3A_777 = tpu.vector_load %arg4[%parallel_loop3A_774, %parallel_loop3A_775, %parallel_loop3A_776] {strides = array<i32>} : memref<7x32x128xf32, #tpu.memory_space<vmem>>, vector<1x1x16xf32>,
        %parallel_loop3A_778 = vector.shape_cast %parallel_loop3A_777 : vector<1x1x16xf32> to vector<16xf32>
        %parallel_loop3A_779 = arith.addf %parallel_loop3A_772, %parallel_loop3A_778 : vector<16xf32>
        %parallel_loop3A_780 = arith.constant 1 : i32
        %parallel_loop3A_781 = arith.constant 1 : i32
        %parallel_loop3A_782 = arith.index_cast %parallel_loop3A_106 : i32 to index
        %parallel_loop3A_783 = arith.index_cast %parallel_loop3A_780 : i32 to index
        %parallel_loop3A_784 = arith.index_cast %parallel_loop3A_781 : i32 to index
        %parallel_loop3A_785 = arith.constant 96 : index
        %parallel_loop3A_786 = tpu.vector_load %arg6[%parallel_loop3A_782, %parallel_loop3A_783, %parallel_loop3A_784, %parallel_loop3A_785] {strides = array<i32>} : memref<32x3x2x128xf32, #tpu.memory_space<vmem>>, vector<1x1x1x16xf32>,
        %parallel_loop3A_787 = vector.shape_cast %parallel_loop3A_786 : vector<1x1x1x16xf32> to vector<16xf32>
        %parallel_loop3A_788 = vector.shape_cast %parallel_loop3A_779 : vector<16xf32> to vector<1x1x1x16xf32>
        tpu.vector_store %arg6[%parallel_loop3A_782, %parallel_loop3A_783, %parallel_loop3A_784, %parallel_loop3A_785], %parallel_loop3A_788 {strides = array<i32>} : memref<32x3x2x128xf32, #tpu.memory_space<vmem>>, vector<1x1x1x16xf32>,
        %parallel_loop3A_789 = arith.constant 3 : i32
        %parallel_loop3A_790 = arith.index_cast %parallel_loop3A_789 : i32 to index
        %parallel_loop3A_791 = arith.index_cast %parallel_loop3A_106 : i32 to index
        %parallel_loop3A_792 = arith.constant 112 : index
        %parallel_loop3A_793 = tpu.vector_load %arg4[%parallel_loop3A_790, %parallel_loop3A_791, %parallel_loop3A_792] {strides = array<i32>} : memref<7x32x128xf32, #tpu.memory_space<vmem>>, vector<1x1x16xf32>,
        %parallel_loop3A_794 = vector.shape_cast %parallel_loop3A_793 : vector<1x1x16xf32> to vector<16xf32>
        %parallel_loop3A_795 = arith.constant 4 : i32
        %parallel_loop3A_796 = arith.index_cast %parallel_loop3A_795 : i32 to index
        %parallel_loop3A_797 = arith.index_cast %parallel_loop3A_106 : i32 to index
        %parallel_loop3A_798 = arith.constant 112 : index
        %parallel_loop3A_799 = tpu.vector_load %arg4[%parallel_loop3A_796, %parallel_loop3A_797, %parallel_loop3A_798] {strides = array<i32>} : memref<7x32x128xf32, #tpu.memory_space<vmem>>, vector<1x1x16xf32>,
        %parallel_loop3A_800 = vector.shape_cast %parallel_loop3A_799 : vector<1x1x16xf32> to vector<16xf32>
        %parallel_loop3A_801 = arith.addf %parallel_loop3A_794, %parallel_loop3A_800 : vector<16xf32>
        %parallel_loop3A_802 = arith.constant 1 : i32
        %parallel_loop3A_803 = arith.constant 1 : i32
        %parallel_loop3A_804 = arith.index_cast %parallel_loop3A_106 : i32 to index
        %parallel_loop3A_805 = arith.index_cast %parallel_loop3A_802 : i32 to index
        %parallel_loop3A_806 = arith.index_cast %parallel_loop3A_803 : i32 to index
        %parallel_loop3A_807 = arith.constant 112 : index
        %parallel_loop3A_808 = tpu.vector_load %arg6[%parallel_loop3A_804, %parallel_loop3A_805, %parallel_loop3A_806, %parallel_loop3A_807] {strides = array<i32>} : memref<32x3x2x128xf32, #tpu.memory_space<vmem>>, vector<1x1x1x16xf32>,
        %parallel_loop3A_809 = vector.shape_cast %parallel_loop3A_808 : vector<1x1x1x16xf32> to vector<16xf32>
        %parallel_loop3A_810 = vector.shape_cast %parallel_loop3A_801 : vector<16xf32> to vector<1x1x1x16xf32>
        tpu.vector_store %arg6[%parallel_loop3A_804, %parallel_loop3A_805, %parallel_loop3A_806, %parallel_loop3A_807], %parallel_loop3A_810 {strides = array<i32>} : memref<32x3x2x128xf32, #tpu.memory_space<vmem>>, vector<1x1x1x16xf32>,
        %parallel_loop3A_811 = arith.constant 4 : i32
        %parallel_loop3A_812 = arith.index_cast %parallel_loop3A_811 : i32 to index
        %parallel_loop3A_813 = arith.index_cast %parallel_loop3A_106 : i32 to index
        %parallel_loop3A_814 = arith.constant 0 : index
        %parallel_loop3A_815 = tpu.vector_load %arg4[%parallel_loop3A_812, %parallel_loop3A_813, %parallel_loop3A_814] {strides = array<i32>} : memref<7x32x128xf32, #tpu.memory_space<vmem>>, vector<1x1x16xf32>,
        %parallel_loop3A_816 = vector.shape_cast %parallel_loop3A_815 : vector<1x1x16xf32> to vector<16xf32>
        %parallel_loop3A_817 = arith.constant 5 : i32
        %parallel_loop3A_818 = arith.index_cast %parallel_loop3A_817 : i32 to index
        %parallel_loop3A_819 = arith.index_cast %parallel_loop3A_106 : i32 to index
        %parallel_loop3A_820 = arith.constant 0 : index
        %parallel_loop3A_821 = tpu.vector_load %arg4[%parallel_loop3A_818, %parallel_loop3A_819, %parallel_loop3A_820] {strides = array<i32>} : memref<7x32x128xf32, #tpu.memory_space<vmem>>, vector<1x1x16xf32>,
        %parallel_loop3A_822 = vector.shape_cast %parallel_loop3A_821 : vector<1x1x16xf32> to vector<16xf32>
        %parallel_loop3A_823 = arith.addf %parallel_loop3A_816, %parallel_loop3A_822 : vector<16xf32>
        %parallel_loop3A_824 = arith.constant 2 : i32
        %parallel_loop3A_825 = arith.constant 0 : i32
        %parallel_loop3A_826 = arith.index_cast %parallel_loop3A_106 : i32 to index
        %parallel_loop3A_827 = arith.index_cast %parallel_loop3A_824 : i32 to index
        %parallel_loop3A_828 = arith.index_cast %parallel_loop3A_825 : i32 to index
        %parallel_loop3A_829 = arith.constant 0 : index
        %parallel_loop3A_830 = tpu.vector_load %arg6[%parallel_loop3A_826, %parallel_loop3A_827, %parallel_loop3A_828, %parallel_loop3A_829] {strides = array<i32>} : memref<32x3x2x128xf32, #tpu.memory_space<vmem>>, vector<1x1x1x16xf32>,
        %parallel_loop3A_831 = vector.shape_cast %parallel_loop3A_830 : vector<1x1x1x16xf32> to vector<16xf32>
        %parallel_loop3A_832 = vector.shape_cast %parallel_loop3A_823 : vector<16xf32> to vector<1x1x1x16xf32>
        tpu.vector_store %arg6[%parallel_loop3A_826, %parallel_loop3A_827, %parallel_loop3A_828, %parallel_loop3A_829], %parallel_loop3A_832 {strides = array<i32>} : memref<32x3x2x128xf32, #tpu.memory_space<vmem>>, vector<1x1x1x16xf32>,
        %parallel_loop3A_833 = arith.constant 4 : i32
        %parallel_loop3A_834 = arith.index_cast %parallel_loop3A_833 : i32 to index
        %parallel_loop3A_835 = arith.index_cast %parallel_loop3A_106 : i32 to index
        %parallel_loop3A_836 = arith.constant 16 : index
        %parallel_loop3A_837 = tpu.vector_load %arg4[%parallel_loop3A_834, %parallel_loop3A_835, %parallel_loop3A_836] {strides = array<i32>} : memref<7x32x128xf32, #tpu.memory_space<vmem>>, vector<1x1x16xf32>,
        %parallel_loop3A_838 = vector.shape_cast %parallel_loop3A_837 : vector<1x1x16xf32> to vector<16xf32>
        %parallel_loop3A_839 = arith.constant 5 : i32
        %parallel_loop3A_840 = arith.index_cast %parallel_loop3A_839 : i32 to index
        %parallel_loop3A_841 = arith.index_cast %parallel_loop3A_106 : i32 to index
        %parallel_loop3A_842 = arith.constant 16 : index
        %parallel_loop3A_843 = tpu.vector_load %arg4[%parallel_loop3A_840, %parallel_loop3A_841, %parallel_loop3A_842] {strides = array<i32>} : memref<7x32x128xf32, #tpu.memory_space<vmem>>, vector<1x1x16xf32>,
        %parallel_loop3A_844 = vector.shape_cast %parallel_loop3A_843 : vector<1x1x16xf32> to vector<16xf32>
        %parallel_loop3A_845 = arith.addf %parallel_loop3A_838, %parallel_loop3A_844 : vector<16xf32>
        %parallel_loop3A_846 = arith.constant 2 : i32
        %parallel_loop3A_847 = arith.constant 0 : i32
        %parallel_loop3A_848 = arith.index_cast %parallel_loop3A_106 : i32 to index
        %parallel_loop3A_849 = arith.index_cast %parallel_loop3A_846 : i32 to index
        %parallel_loop3A_850 = arith.index_cast %parallel_loop3A_847 : i32 to index
        %parallel_loop3A_851 = arith.constant 16 : index
        %parallel_loop3A_852 = tpu.vector_load %arg6[%parallel_loop3A_848, %parallel_loop3A_849, %parallel_loop3A_850, %parallel_loop3A_851] {strides = array<i32>} : memref<32x3x2x128xf32, #tpu.memory_space<vmem>>, vector<1x1x1x16xf32>,
        %parallel_loop3A_853 = vector.shape_cast %parallel_loop3A_852 : vector<1x1x1x16xf32> to vector<16xf32>
        %parallel_loop3A_854 = vector.shape_cast %parallel_loop3A_845 : vector<16xf32> to vector<1x1x1x16xf32>
        tpu.vector_store %arg6[%parallel_loop3A_848, %parallel_loop3A_849, %parallel_loop3A_850, %parallel_loop3A_851], %parallel_loop3A_854 {strides = array<i32>} : memref<32x3x2x128xf32, #tpu.memory_space<vmem>>, vector<1x1x1x16xf32>,
        %parallel_loop3A_855 = arith.constant 4 : i32
        %parallel_loop3A_856 = arith.index_cast %parallel_loop3A_855 : i32 to index
        %parallel_loop3A_857 = arith.index_cast %parallel_loop3A_106 : i32 to index
        %parallel_loop3A_858 = arith.constant 32 : index
        %parallel_loop3A_859 = tpu.vector_load %arg4[%parallel_loop3A_856, %parallel_loop3A_857, %parallel_loop3A_858] {strides = array<i32>} : memref<7x32x128xf32, #tpu.memory_space<vmem>>, vector<1x1x16xf32>,
        %parallel_loop3A_860 = vector.shape_cast %parallel_loop3A_859 : vector<1x1x16xf32> to vector<16xf32>
        %parallel_loop3A_861 = arith.constant 5 : i32
        %parallel_loop3A_862 = arith.index_cast %parallel_loop3A_861 : i32 to index
        %parallel_loop3A_863 = arith.index_cast %parallel_loop3A_106 : i32 to index
        %parallel_loop3A_864 = arith.constant 32 : index
        %parallel_loop3A_865 = tpu.vector_load %arg4[%parallel_loop3A_862, %parallel_loop3A_863, %parallel_loop3A_864] {strides = array<i32>} : memref<7x32x128xf32, #tpu.memory_space<vmem>>, vector<1x1x16xf32>,
        %parallel_loop3A_866 = vector.shape_cast %parallel_loop3A_865 : vector<1x1x16xf32> to vector<16xf32>
        %parallel_loop3A_867 = arith.addf %parallel_loop3A_860, %parallel_loop3A_866 : vector<16xf32>
        %parallel_loop3A_868 = arith.constant 2 : i32
        %parallel_loop3A_869 = arith.constant 0 : i32
        %parallel_loop3A_870 = arith.index_cast %parallel_loop3A_106 : i32 to index
        %parallel_loop3A_871 = arith.index_cast %parallel_loop3A_868 : i32 to index
        %parallel_loop3A_872 = arith.index_cast %parallel_loop3A_869 : i32 to index
        %parallel_loop3A_873 = arith.constant 32 : index
        %parallel_loop3A_874 = tpu.vector_load %arg6[%parallel_loop3A_870, %parallel_loop3A_871, %parallel_loop3A_872, %parallel_loop3A_873] {strides = array<i32>} : memref<32x3x2x128xf32, #tpu.memory_space<vmem>>, vector<1x1x1x16xf32>,
        %parallel_loop3A_875 = vector.shape_cast %parallel_loop3A_874 : vector<1x1x1x16xf32> to vector<16xf32>
        %parallel_loop3A_876 = vector.shape_cast %parallel_loop3A_867 : vector<16xf32> to vector<1x1x1x16xf32>
        tpu.vector_store %arg6[%parallel_loop3A_870, %parallel_loop3A_871, %parallel_loop3A_872, %parallel_loop3A_873], %parallel_loop3A_876 {strides = array<i32>} : memref<32x3x2x128xf32, #tpu.memory_space<vmem>>, vector<1x1x1x16xf32>,
        %parallel_loop3A_877 = arith.constant 4 : i32
        %parallel_loop3A_878 = arith.index_cast %parallel_loop3A_877 : i32 to index
        %parallel_loop3A_879 = arith.index_cast %parallel_loop3A_106 : i32 to index
        %parallel_loop3A_880 = arith.constant 48 : index
        %parallel_loop3A_881 = tpu.vector_load %arg4[%parallel_loop3A_878, %parallel_loop3A_879, %parallel_loop3A_880] {strides = array<i32>} : memref<7x32x128xf32, #tpu.memory_space<vmem>>, vector<1x1x16xf32>,
        %parallel_loop3A_882 = vector.shape_cast %parallel_loop3A_881 : vector<1x1x16xf32> to vector<16xf32>
        %parallel_loop3A_883 = arith.constant 5 : i32
        %parallel_loop3A_884 = arith.index_cast %parallel_loop3A_883 : i32 to index
        %parallel_loop3A_885 = arith.index_cast %parallel_loop3A_106 : i32 to index
        %parallel_loop3A_886 = arith.constant 48 : index
        %parallel_loop3A_887 = tpu.vector_load %arg4[%parallel_loop3A_884, %parallel_loop3A_885, %parallel_loop3A_886] {strides = array<i32>} : memref<7x32x128xf32, #tpu.memory_space<vmem>>, vector<1x1x16xf32>,
        %parallel_loop3A_888 = vector.shape_cast %parallel_loop3A_887 : vector<1x1x16xf32> to vector<16xf32>
        %parallel_loop3A_889 = arith.addf %parallel_loop3A_882, %parallel_loop3A_888 : vector<16xf32>
        %parallel_loop3A_890 = arith.constant 2 : i32
        %parallel_loop3A_891 = arith.constant 0 : i32
        %parallel_loop3A_892 = arith.index_cast %parallel_loop3A_106 : i32 to index
        %parallel_loop3A_893 = arith.index_cast %parallel_loop3A_890 : i32 to index
        %parallel_loop3A_894 = arith.index_cast %parallel_loop3A_891 : i32 to index
        %parallel_loop3A_895 = arith.constant 48 : index
        %parallel_loop3A_896 = tpu.vector_load %arg6[%parallel_loop3A_892, %parallel_loop3A_893, %parallel_loop3A_894, %parallel_loop3A_895] {strides = array<i32>} : memref<32x3x2x128xf32, #tpu.memory_space<vmem>>, vector<1x1x1x16xf32>,
        %parallel_loop3A_897 = vector.shape_cast %parallel_loop3A_896 : vector<1x1x1x16xf32> to vector<16xf32>
        %parallel_loop3A_898 = vector.shape_cast %parallel_loop3A_889 : vector<16xf32> to vector<1x1x1x16xf32>
        tpu.vector_store %arg6[%parallel_loop3A_892, %parallel_loop3A_893, %parallel_loop3A_894, %parallel_loop3A_895], %parallel_loop3A_898 {strides = array<i32>} : memref<32x3x2x128xf32, #tpu.memory_space<vmem>>, vector<1x1x1x16xf32>,
        %parallel_loop3A_899 = arith.constant 4 : i32
        %parallel_loop3A_900 = arith.index_cast %parallel_loop3A_899 : i32 to index
        %parallel_loop3A_901 = arith.index_cast %parallel_loop3A_106 : i32 to index
        %parallel_loop3A_902 = arith.constant 64 : index
        %parallel_loop3A_903 = tpu.vector_load %arg4[%parallel_loop3A_900, %parallel_loop3A_901, %parallel_loop3A_902] {strides = array<i32>} : memref<7x32x128xf32, #tpu.memory_space<vmem>>, vector<1x1x16xf32>,
        %parallel_loop3A_904 = vector.shape_cast %parallel_loop3A_903 : vector<1x1x16xf32> to vector<16xf32>
        %parallel_loop3A_905 = arith.constant 5 : i32
        %parallel_loop3A_906 = arith.index_cast %parallel_loop3A_905 : i32 to index
        %parallel_loop3A_907 = arith.index_cast %parallel_loop3A_106 : i32 to index
        %parallel_loop3A_908 = arith.constant 64 : index
        %parallel_loop3A_909 = tpu.vector_load %arg4[%parallel_loop3A_906, %parallel_loop3A_907, %parallel_loop3A_908] {strides = array<i32>} : memref<7x32x128xf32, #tpu.memory_space<vmem>>, vector<1x1x16xf32>,
        %parallel_loop3A_910 = vector.shape_cast %parallel_loop3A_909 : vector<1x1x16xf32> to vector<16xf32>
        %parallel_loop3A_911 = arith.addf %parallel_loop3A_904, %parallel_loop3A_910 : vector<16xf32>
        %parallel_loop3A_912 = arith.constant 2 : i32
        %parallel_loop3A_913 = arith.constant 0 : i32
        %parallel_loop3A_914 = arith.index_cast %parallel_loop3A_106 : i32 to index
        %parallel_loop3A_915 = arith.index_cast %parallel_loop3A_912 : i32 to index
        %parallel_loop3A_916 = arith.index_cast %parallel_loop3A_913 : i32 to index
        %parallel_loop3A_917 = arith.constant 64 : index
        %parallel_loop3A_918 = tpu.vector_load %arg6[%parallel_loop3A_914, %parallel_loop3A_915, %parallel_loop3A_916, %parallel_loop3A_917] {strides = array<i32>} : memref<32x3x2x128xf32, #tpu.memory_space<vmem>>, vector<1x1x1x16xf32>,
        %parallel_loop3A_919 = vector.shape_cast %parallel_loop3A_918 : vector<1x1x1x16xf32> to vector<16xf32>
        %parallel_loop3A_920 = vector.shape_cast %parallel_loop3A_911 : vector<16xf32> to vector<1x1x1x16xf32>
        tpu.vector_store %arg6[%parallel_loop3A_914, %parallel_loop3A_915, %parallel_loop3A_916, %parallel_loop3A_917], %parallel_loop3A_920 {strides = array<i32>} : memref<32x3x2x128xf32, #tpu.memory_space<vmem>>, vector<1x1x1x16xf32>,
        %parallel_loop3A_921 = arith.constant 4 : i32
        %parallel_loop3A_922 = arith.index_cast %parallel_loop3A_921 : i32 to index
        %parallel_loop3A_923 = arith.index_cast %parallel_loop3A_106 : i32 to index
        %parallel_loop3A_924 = arith.constant 80 : index
        %parallel_loop3A_925 = tpu.vector_load %arg4[%parallel_loop3A_922, %parallel_loop3A_923, %parallel_loop3A_924] {strides = array<i32>} : memref<7x32x128xf32, #tpu.memory_space<vmem>>, vector<1x1x16xf32>,
        %parallel_loop3A_926 = vector.shape_cast %parallel_loop3A_925 : vector<1x1x16xf32> to vector<16xf32>
        %parallel_loop3A_927 = arith.constant 5 : i32
        %parallel_loop3A_928 = arith.index_cast %parallel_loop3A_927 : i32 to index
        %parallel_loop3A_929 = arith.index_cast %parallel_loop3A_106 : i32 to index
        %parallel_loop3A_930 = arith.constant 80 : index
        %parallel_loop3A_931 = tpu.vector_load %arg4[%parallel_loop3A_928, %parallel_loop3A_929, %parallel_loop3A_930] {strides = array<i32>} : memref<7x32x128xf32, #tpu.memory_space<vmem>>, vector<1x1x16xf32>,
        %parallel_loop3A_932 = vector.shape_cast %parallel_loop3A_931 : vector<1x1x16xf32> to vector<16xf32>
        %parallel_loop3A_933 = arith.addf %parallel_loop3A_926, %parallel_loop3A_932 : vector<16xf32>
        %parallel_loop3A_934 = arith.constant 2 : i32
        %parallel_loop3A_935 = arith.constant 0 : i32
        %parallel_loop3A_936 = arith.index_cast %parallel_loop3A_106 : i32 to index
        %parallel_loop3A_937 = arith.index_cast %parallel_loop3A_934 : i32 to index
        %parallel_loop3A_938 = arith.index_cast %parallel_loop3A_935 : i32 to index
        %parallel_loop3A_939 = arith.constant 80 : index
        %parallel_loop3A_940 = tpu.vector_load %arg6[%parallel_loop3A_936, %parallel_loop3A_937, %parallel_loop3A_938, %parallel_loop3A_939] {strides = array<i32>} : memref<32x3x2x128xf32, #tpu.memory_space<vmem>>, vector<1x1x1x16xf32>,
        %parallel_loop3A_941 = vector.shape_cast %parallel_loop3A_940 : vector<1x1x1x16xf32> to vector<16xf32>
        %parallel_loop3A_942 = vector.shape_cast %parallel_loop3A_933 : vector<16xf32> to vector<1x1x1x16xf32>
        tpu.vector_store %arg6[%parallel_loop3A_936, %parallel_loop3A_937, %parallel_loop3A_938, %parallel_loop3A_939], %parallel_loop3A_942 {strides = array<i32>} : memref<32x3x2x128xf32, #tpu.memory_space<vmem>>, vector<1x1x1x16xf32>,
        %parallel_loop3A_943 = arith.constant 4 : i32
        %parallel_loop3A_944 = arith.index_cast %parallel_loop3A_943 : i32 to index
        %parallel_loop3A_945 = arith.index_cast %parallel_loop3A_106 : i32 to index
        %parallel_loop3A_946 = arith.constant 96 : index
        %parallel_loop3A_947 = tpu.vector_load %arg4[%parallel_loop3A_944, %parallel_loop3A_945, %parallel_loop3A_946] {strides = array<i32>} : memref<7x32x128xf32, #tpu.memory_space<vmem>>, vector<1x1x16xf32>,
        %parallel_loop3A_948 = vector.shape_cast %parallel_loop3A_947 : vector<1x1x16xf32> to vector<16xf32>
        %parallel_loop3A_949 = arith.constant 5 : i32
        %parallel_loop3A_950 = arith.index_cast %parallel_loop3A_949 : i32 to index
        %parallel_loop3A_951 = arith.index_cast %parallel_loop3A_106 : i32 to index
        %parallel_loop3A_952 = arith.constant 96 : index
        %parallel_loop3A_953 = tpu.vector_load %arg4[%parallel_loop3A_950, %parallel_loop3A_951, %parallel_loop3A_952] {strides = array<i32>} : memref<7x32x128xf32, #tpu.memory_space<vmem>>, vector<1x1x16xf32>,
        %parallel_loop3A_954 = vector.shape_cast %parallel_loop3A_953 : vector<1x1x16xf32> to vector<16xf32>
        %parallel_loop3A_955 = arith.addf %parallel_loop3A_948, %parallel_loop3A_954 : vector<16xf32>
        %parallel_loop3A_956 = arith.constant 2 : i32
        %parallel_loop3A_957 = arith.constant 0 : i32
        %parallel_loop3A_958 = arith.index_cast %parallel_loop3A_106 : i32 to index
        %parallel_loop3A_959 = arith.index_cast %parallel_loop3A_956 : i32 to index
        %parallel_loop3A_960 = arith.index_cast %parallel_loop3A_957 : i32 to index
        %parallel_loop3A_961 = arith.constant 96 : index
        %parallel_loop3A_962 = tpu.vector_load %arg6[%parallel_loop3A_958, %parallel_loop3A_959, %parallel_loop3A_960, %parallel_loop3A_961] {strides = array<i32>} : memref<32x3x2x128xf32, #tpu.memory_space<vmem>>, vector<1x1x1x16xf32>,
        %parallel_loop3A_963 = vector.shape_cast %parallel_loop3A_962 : vector<1x1x1x16xf32> to vector<16xf32>
        %parallel_loop3A_964 = vector.shape_cast %parallel_loop3A_955 : vector<16xf32> to vector<1x1x1x16xf32>
        tpu.vector_store %arg6[%parallel_loop3A_958, %parallel_loop3A_959, %parallel_loop3A_960, %parallel_loop3A_961], %parallel_loop3A_964 {strides = array<i32>} : memref<32x3x2x128xf32, #tpu.memory_space<vmem>>, vector<1x1x1x16xf32>,
        %parallel_loop3A_965 = arith.constant 4 : i32
        %parallel_loop3A_966 = arith.index_cast %parallel_loop3A_965 : i32 to index
        %parallel_loop3A_967 = arith.index_cast %parallel_loop3A_106 : i32 to index
        %parallel_loop3A_968 = arith.constant 112 : index
        %parallel_loop3A_969 = tpu.vector_load %arg4[%parallel_loop3A_966, %parallel_loop3A_967, %parallel_loop3A_968] {strides = array<i32>} : memref<7x32x128xf32, #tpu.memory_space<vmem>>, vector<1x1x16xf32>,
        %parallel_loop3A_970 = vector.shape_cast %parallel_loop3A_969 : vector<1x1x16xf32> to vector<16xf32>
        %parallel_loop3A_971 = arith.constant 5 : i32
        %parallel_loop3A_972 = arith.index_cast %parallel_loop3A_971 : i32 to index
        %parallel_loop3A_973 = arith.index_cast %parallel_loop3A_106 : i32 to index
        %parallel_loop3A_974 = arith.constant 112 : index
        %parallel_loop3A_975 = tpu.vector_load %arg4[%parallel_loop3A_972, %parallel_loop3A_973, %parallel_loop3A_974] {strides = array<i32>} : memref<7x32x128xf32, #tpu.memory_space<vmem>>, vector<1x1x16xf32>,
        %parallel_loop3A_976 = vector.shape_cast %parallel_loop3A_975 : vector<1x1x16xf32> to vector<16xf32>
        %parallel_loop3A_977 = arith.addf %parallel_loop3A_970, %parallel_loop3A_976 : vector<16xf32>
        %parallel_loop3A_978 = arith.constant 2 : i32
        %parallel_loop3A_979 = arith.constant 0 : i32
        %parallel_loop3A_980 = arith.index_cast %parallel_loop3A_106 : i32 to index
        %parallel_loop3A_981 = arith.index_cast %parallel_loop3A_978 : i32 to index
        %parallel_loop3A_982 = arith.index_cast %parallel_loop3A_979 : i32 to index
        %parallel_loop3A_983 = arith.constant 112 : index
        %parallel_loop3A_984 = tpu.vector_load %arg6[%parallel_loop3A_980, %parallel_loop3A_981, %parallel_loop3A_982, %parallel_loop3A_983] {strides = array<i32>} : memref<32x3x2x128xf32, #tpu.memory_space<vmem>>, vector<1x1x1x16xf32>,
        %parallel_loop3A_985 = vector.shape_cast %parallel_loop3A_984 : vector<1x1x1x16xf32> to vector<16xf32>
        %parallel_loop3A_986 = vector.shape_cast %parallel_loop3A_977 : vector<16xf32> to vector<1x1x1x16xf32>
        tpu.vector_store %arg6[%parallel_loop3A_980, %parallel_loop3A_981, %parallel_loop3A_982, %parallel_loop3A_983], %parallel_loop3A_986 {strides = array<i32>} : memref<32x3x2x128xf32, #tpu.memory_space<vmem>>, vector<1x1x1x16xf32>,
        %parallel_loop3A_987 = arith.constant 5 : i32
        %parallel_loop3A_988 = arith.index_cast %parallel_loop3A_987 : i32 to index
        %parallel_loop3A_989 = arith.index_cast %parallel_loop3A_106 : i32 to index
        %parallel_loop3A_990 = arith.constant 0 : index
        %parallel_loop3A_991 = tpu.vector_load %arg4[%parallel_loop3A_988, %parallel_loop3A_989, %parallel_loop3A_990] {strides = array<i32>} : memref<7x32x128xf32, #tpu.memory_space<vmem>>, vector<1x1x16xf32>,
        %parallel_loop3A_992 = vector.shape_cast %parallel_loop3A_991 : vector<1x1x16xf32> to vector<16xf32>
        %parallel_loop3A_993 = arith.constant 6 : i32
        %parallel_loop3A_994 = arith.index_cast %parallel_loop3A_993 : i32 to index
        %parallel_loop3A_995 = arith.index_cast %parallel_loop3A_106 : i32 to index
        %parallel_loop3A_996 = arith.constant 0 : index
        %parallel_loop3A_997 = tpu.vector_load %arg4[%parallel_loop3A_994, %parallel_loop3A_995, %parallel_loop3A_996] {strides = array<i32>} : memref<7x32x128xf32, #tpu.memory_space<vmem>>, vector<1x1x16xf32>,
        %parallel_loop3A_998 = vector.shape_cast %parallel_loop3A_997 : vector<1x1x16xf32> to vector<16xf32>
        %parallel_loop3A_999 = arith.addf %parallel_loop3A_992, %parallel_loop3A_998 : vector<16xf32>
        %parallel_loop3A_1000 = arith.constant 2 : i32
        %parallel_loop3A_1001 = arith.constant 1 : i32
        %parallel_loop3A_1002 = arith.index_cast %parallel_loop3A_106 : i32 to index
        %parallel_loop3A_1003 = arith.index_cast %parallel_loop3A_1000 : i32 to index
        %parallel_loop3A_1004 = arith.index_cast %parallel_loop3A_1001 : i32 to index
        %parallel_loop3A_1005 = arith.constant 0 : index
        %parallel_loop3A_1006 = tpu.vector_load %arg6[%parallel_loop3A_1002, %parallel_loop3A_1003, %parallel_loop3A_1004, %parallel_loop3A_1005] {strides = array<i32>} : memref<32x3x2x128xf32, #tpu.memory_space<vmem>>, vector<1x1x1x16xf32>,
        %parallel_loop3A_1007 = vector.shape_cast %parallel_loop3A_1006 : vector<1x1x1x16xf32> to vector<16xf32>
        %parallel_loop3A_1008 = vector.shape_cast %parallel_loop3A_999 : vector<16xf32> to vector<1x1x1x16xf32>
        tpu.vector_store %arg6[%parallel_loop3A_1002, %parallel_loop3A_1003, %parallel_loop3A_1004, %parallel_loop3A_1005], %parallel_loop3A_1008 {strides = array<i32>} : memref<32x3x2x128xf32, #tpu.memory_space<vmem>>, vector<1x1x1x16xf32>,
        %parallel_loop3A_1009 = arith.constant 5 : i32
        %parallel_loop3A_1010 = arith.index_cast %parallel_loop3A_1009 : i32 to index
        %parallel_loop3A_1011 = arith.index_cast %parallel_loop3A_106 : i32 to index
        %parallel_loop3A_1012 = arith.constant 16 : index
        %parallel_loop3A_1013 = tpu.vector_load %arg4[%parallel_loop3A_1010, %parallel_loop3A_1011, %parallel_loop3A_1012] {strides = array<i32>} : memref<7x32x128xf32, #tpu.memory_space<vmem>>, vector<1x1x16xf32>,
        %parallel_loop3A_1014 = vector.shape_cast %parallel_loop3A_1013 : vector<1x1x16xf32> to vector<16xf32>
        %parallel_loop3A_1015 = arith.constant 6 : i32
        %parallel_loop3A_1016 = arith.index_cast %parallel_loop3A_1015 : i32 to index
        %parallel_loop3A_1017 = arith.index_cast %parallel_loop3A_106 : i32 to index
        %parallel_loop3A_1018 = arith.constant 16 : index
        %parallel_loop3A_1019 = tpu.vector_load %arg4[%parallel_loop3A_1016, %parallel_loop3A_1017, %parallel_loop3A_1018] {strides = array<i32>} : memref<7x32x128xf32, #tpu.memory_space<vmem>>, vector<1x1x16xf32>,
        %parallel_loop3A_1020 = vector.shape_cast %parallel_loop3A_1019 : vector<1x1x16xf32> to vector<16xf32>
        %parallel_loop3A_1021 = arith.addf %parallel_loop3A_1014, %parallel_loop3A_1020 : vector<16xf32>
        %parallel_loop3A_1022 = arith.constant 2 : i32
        %parallel_loop3A_1023 = arith.constant 1 : i32
        %parallel_loop3A_1024 = arith.index_cast %parallel_loop3A_106 : i32 to index
        %parallel_loop3A_1025 = arith.index_cast %parallel_loop3A_1022 : i32 to index
        %parallel_loop3A_1026 = arith.index_cast %parallel_loop3A_1023 : i32 to index
        %parallel_loop3A_1027 = arith.constant 16 : index
        %parallel_loop3A_1028 = tpu.vector_load %arg6[%parallel_loop3A_1024, %parallel_loop3A_1025, %parallel_loop3A_1026, %parallel_loop3A_1027] {strides = array<i32>} : memref<32x3x2x128xf32, #tpu.memory_space<vmem>>, vector<1x1x1x16xf32>,
        %parallel_loop3A_1029 = vector.shape_cast %parallel_loop3A_1028 : vector<1x1x1x16xf32> to vector<16xf32>
        %parallel_loop3A_1030 = vector.shape_cast %parallel_loop3A_1021 : vector<16xf32> to vector<1x1x1x16xf32>
        tpu.vector_store %arg6[%parallel_loop3A_1024, %parallel_loop3A_1025, %parallel_loop3A_1026, %parallel_loop3A_1027], %parallel_loop3A_1030 {strides = array<i32>} : memref<32x3x2x128xf32, #tpu.memory_space<vmem>>, vector<1x1x1x16xf32>,
        %parallel_loop3A_1031 = arith.constant 5 : i32
        %parallel_loop3A_1032 = arith.index_cast %parallel_loop3A_1031 : i32 to index
        %parallel_loop3A_1033 = arith.index_cast %parallel_loop3A_106 : i32 to index
        %parallel_loop3A_1034 = arith.constant 32 : index
        %parallel_loop3A_1035 = tpu.vector_load %arg4[%parallel_loop3A_1032, %parallel_loop3A_1033, %parallel_loop3A_1034] {strides = array<i32>} : memref<7x32x128xf32, #tpu.memory_space<vmem>>, vector<1x1x16xf32>,
        %parallel_loop3A_1036 = vector.shape_cast %parallel_loop3A_1035 : vector<1x1x16xf32> to vector<16xf32>
        %parallel_loop3A_1037 = arith.constant 6 : i32
        %parallel_loop3A_1038 = arith.index_cast %parallel_loop3A_1037 : i32 to index
        %parallel_loop3A_1039 = arith.index_cast %parallel_loop3A_106 : i32 to index
        %parallel_loop3A_1040 = arith.constant 32 : index
        %parallel_loop3A_1041 = tpu.vector_load %arg4[%parallel_loop3A_1038, %parallel_loop3A_1039, %parallel_loop3A_1040] {strides = array<i32>} : memref<7x32x128xf32, #tpu.memory_space<vmem>>, vector<1x1x16xf32>,
        %parallel_loop3A_1042 = vector.shape_cast %parallel_loop3A_1041 : vector<1x1x16xf32> to vector<16xf32>
        %parallel_loop3A_1043 = arith.addf %parallel_loop3A_1036, %parallel_loop3A_1042 : vector<16xf32>
        %parallel_loop3A_1044 = arith.constant 2 : i32
        %parallel_loop3A_1045 = arith.constant 1 : i32
        %parallel_loop3A_1046 = arith.index_cast %parallel_loop3A_106 : i32 to index
        %parallel_loop3A_1047 = arith.index_cast %parallel_loop3A_1044 : i32 to index
        %parallel_loop3A_1048 = arith.index_cast %parallel_loop3A_1045 : i32 to index
        %parallel_loop3A_1049 = arith.constant 32 : index
        %parallel_loop3A_1050 = tpu.vector_load %arg6[%parallel_loop3A_1046, %parallel_loop3A_1047, %parallel_loop3A_1048, %parallel_loop3A_1049] {strides = array<i32>} : memref<32x3x2x128xf32, #tpu.memory_space<vmem>>, vector<1x1x1x16xf32>,
        %parallel_loop3A_1051 = vector.shape_cast %parallel_loop3A_1050 : vector<1x1x1x16xf32> to vector<16xf32>
        %parallel_loop3A_1052 = vector.shape_cast %parallel_loop3A_1043 : vector<16xf32> to vector<1x1x1x16xf32>
        tpu.vector_store %arg6[%parallel_loop3A_1046, %parallel_loop3A_1047, %parallel_loop3A_1048, %parallel_loop3A_1049], %parallel_loop3A_1052 {strides = array<i32>} : memref<32x3x2x128xf32, #tpu.memory_space<vmem>>, vector<1x1x1x16xf32>,
        %parallel_loop3A_1053 = arith.constant 5 : i32
        %parallel_loop3A_1054 = arith.index_cast %parallel_loop3A_1053 : i32 to index
        %parallel_loop3A_1055 = arith.index_cast %parallel_loop3A_106 : i32 to index
        %parallel_loop3A_1056 = arith.constant 48 : index
        %parallel_loop3A_1057 = tpu.vector_load %arg4[%parallel_loop3A_1054, %parallel_loop3A_1055, %parallel_loop3A_1056] {strides = array<i32>} : memref<7x32x128xf32, #tpu.memory_space<vmem>>, vector<1x1x16xf32>,
        %parallel_loop3A_1058 = vector.shape_cast %parallel_loop3A_1057 : vector<1x1x16xf32> to vector<16xf32>
        %parallel_loop3A_1059 = arith.constant 6 : i32
        %parallel_loop3A_1060 = arith.index_cast %parallel_loop3A_1059 : i32 to index
        %parallel_loop3A_1061 = arith.index_cast %parallel_loop3A_106 : i32 to index
        %parallel_loop3A_1062 = arith.constant 48 : index
        %parallel_loop3A_1063 = tpu.vector_load %arg4[%parallel_loop3A_1060, %parallel_loop3A_1061, %parallel_loop3A_1062] {strides = array<i32>} : memref<7x32x128xf32, #tpu.memory_space<vmem>>, vector<1x1x16xf32>,
        %parallel_loop3A_1064 = vector.shape_cast %parallel_loop3A_1063 : vector<1x1x16xf32> to vector<16xf32>
        %parallel_loop3A_1065 = arith.addf %parallel_loop3A_1058, %parallel_loop3A_1064 : vector<16xf32>
        %parallel_loop3A_1066 = arith.constant 2 : i32
        %parallel_loop3A_1067 = arith.constant 1 : i32
        %parallel_loop3A_1068 = arith.index_cast %parallel_loop3A_106 : i32 to index
        %parallel_loop3A_1069 = arith.index_cast %parallel_loop3A_1066 : i32 to index
        %parallel_loop3A_1070 = arith.index_cast %parallel_loop3A_1067 : i32 to index
        %parallel_loop3A_1071 = arith.constant 48 : index
        %parallel_loop3A_1072 = tpu.vector_load %arg6[%parallel_loop3A_1068, %parallel_loop3A_1069, %parallel_loop3A_1070, %parallel_loop3A_1071] {strides = array<i32>} : memref<32x3x2x128xf32, #tpu.memory_space<vmem>>, vector<1x1x1x16xf32>,
        %parallel_loop3A_1073 = vector.shape_cast %parallel_loop3A_1072 : vector<1x1x1x16xf32> to vector<16xf32>
        %parallel_loop3A_1074 = vector.shape_cast %parallel_loop3A_1065 : vector<16xf32> to vector<1x1x1x16xf32>
        tpu.vector_store %arg6[%parallel_loop3A_1068, %parallel_loop3A_1069, %parallel_loop3A_1070, %parallel_loop3A_1071], %parallel_loop3A_1074 {strides = array<i32>} : memref<32x3x2x128xf32, #tpu.memory_space<vmem>>, vector<1x1x1x16xf32>,
        %parallel_loop3A_1075 = arith.constant 5 : i32
        %parallel_loop3A_1076 = arith.index_cast %parallel_loop3A_1075 : i32 to index
        %parallel_loop3A_1077 = arith.index_cast %parallel_loop3A_106 : i32 to index
        %parallel_loop3A_1078 = arith.constant 64 : index
        %parallel_loop3A_1079 = tpu.vector_load %arg4[%parallel_loop3A_1076, %parallel_loop3A_1077, %parallel_loop3A_1078] {strides = array<i32>} : memref<7x32x128xf32, #tpu.memory_space<vmem>>, vector<1x1x16xf32>,
        %parallel_loop3A_1080 = vector.shape_cast %parallel_loop3A_1079 : vector<1x1x16xf32> to vector<16xf32>
        %parallel_loop3A_1081 = arith.constant 6 : i32
        %parallel_loop3A_1082 = arith.index_cast %parallel_loop3A_1081 : i32 to index
        %parallel_loop3A_1083 = arith.index_cast %parallel_loop3A_106 : i32 to index
        %parallel_loop3A_1084 = arith.constant 64 : index
        %parallel_loop3A_1085 = tpu.vector_load %arg4[%parallel_loop3A_1082, %parallel_loop3A_1083, %parallel_loop3A_1084] {strides = array<i32>} : memref<7x32x128xf32, #tpu.memory_space<vmem>>, vector<1x1x16xf32>,
        %parallel_loop3A_1086 = vector.shape_cast %parallel_loop3A_1085 : vector<1x1x16xf32> to vector<16xf32>
        %parallel_loop3A_1087 = arith.addf %parallel_loop3A_1080, %parallel_loop3A_1086 : vector<16xf32>
        %parallel_loop3A_1088 = arith.constant 2 : i32
        %parallel_loop3A_1089 = arith.constant 1 : i32
        %parallel_loop3A_1090 = arith.index_cast %parallel_loop3A_106 : i32 to index
        %parallel_loop3A_1091 = arith.index_cast %parallel_loop3A_1088 : i32 to index
        %parallel_loop3A_1092 = arith.index_cast %parallel_loop3A_1089 : i32 to index
        %parallel_loop3A_1093 = arith.constant 64 : index
        %parallel_loop3A_1094 = tpu.vector_load %arg6[%parallel_loop3A_1090, %parallel_loop3A_1091, %parallel_loop3A_1092, %parallel_loop3A_1093] {strides = array<i32>} : memref<32x3x2x128xf32, #tpu.memory_space<vmem>>, vector<1x1x1x16xf32>,
        %parallel_loop3A_1095 = vector.shape_cast %parallel_loop3A_1094 : vector<1x1x1x16xf32> to vector<16xf32>
        %parallel_loop3A_1096 = vector.shape_cast %parallel_loop3A_1087 : vector<16xf32> to vector<1x1x1x16xf32>
        tpu.vector_store %arg6[%parallel_loop3A_1090, %parallel_loop3A_1091, %parallel_loop3A_1092, %parallel_loop3A_1093], %parallel_loop3A_1096 {strides = array<i32>} : memref<32x3x2x128xf32, #tpu.memory_space<vmem>>, vector<1x1x1x16xf32>,
        %parallel_loop3A_1097 = arith.constant 5 : i32
        %parallel_loop3A_1098 = arith.index_cast %parallel_loop3A_1097 : i32 to index
        %parallel_loop3A_1099 = arith.index_cast %parallel_loop3A_106 : i32 to index
        %parallel_loop3A_1100 = arith.constant 80 : index
        %parallel_loop3A_1101 = tpu.vector_load %arg4[%parallel_loop3A_1098, %parallel_loop3A_1099, %parallel_loop3A_1100] {strides = array<i32>} : memref<7x32x128xf32, #tpu.memory_space<vmem>>, vector<1x1x16xf32>,
        %parallel_loop3A_1102 = vector.shape_cast %parallel_loop3A_1101 : vector<1x1x16xf32> to vector<16xf32>
        %parallel_loop3A_1103 = arith.constant 6 : i32
        %parallel_loop3A_1104 = arith.index_cast %parallel_loop3A_1103 : i32 to index
        %parallel_loop3A_1105 = arith.index_cast %parallel_loop3A_106 : i32 to index
        %parallel_loop3A_1106 = arith.constant 80 : index
        %parallel_loop3A_1107 = tpu.vector_load %arg4[%parallel_loop3A_1104, %parallel_loop3A_1105, %parallel_loop3A_1106] {strides = array<i32>} : memref<7x32x128xf32, #tpu.memory_space<vmem>>, vector<1x1x16xf32>,
        %parallel_loop3A_1108 = vector.shape_cast %parallel_loop3A_1107 : vector<1x1x16xf32> to vector<16xf32>
        %parallel_loop3A_1109 = arith.addf %parallel_loop3A_1102, %parallel_loop3A_1108 : vector<16xf32>
        %parallel_loop3A_1110 = arith.constant 2 : i32
        %parallel_loop3A_1111 = arith.constant 1 : i32
        %parallel_loop3A_1112 = arith.index_cast %parallel_loop3A_106 : i32 to index
        %parallel_loop3A_1113 = arith.index_cast %parallel_loop3A_1110 : i32 to index
        %parallel_loop3A_1114 = arith.index_cast %parallel_loop3A_1111 : i32 to index
        %parallel_loop3A_1115 = arith.constant 80 : index
        %parallel_loop3A_1116 = tpu.vector_load %arg6[%parallel_loop3A_1112, %parallel_loop3A_1113, %parallel_loop3A_1114, %parallel_loop3A_1115] {strides = array<i32>} : memref<32x3x2x128xf32, #tpu.memory_space<vmem>>, vector<1x1x1x16xf32>,
        %parallel_loop3A_1117 = vector.shape_cast %parallel_loop3A_1116 : vector<1x1x1x16xf32> to vector<16xf32>
        %parallel_loop3A_1118 = vector.shape_cast %parallel_loop3A_1109 : vector<16xf32> to vector<1x1x1x16xf32>
        tpu.vector_store %arg6[%parallel_loop3A_1112, %parallel_loop3A_1113, %parallel_loop3A_1114, %parallel_loop3A_1115], %parallel_loop3A_1118 {strides = array<i32>} : memref<32x3x2x128xf32, #tpu.memory_space<vmem>>, vector<1x1x1x16xf32>,
        %parallel_loop3A_1119 = arith.constant 5 : i32
        %parallel_loop3A_1120 = arith.index_cast %parallel_loop3A_1119 : i32 to index
        %parallel_loop3A_1121 = arith.index_cast %parallel_loop3A_106 : i32 to index
        %parallel_loop3A_1122 = arith.constant 96 : index
        %parallel_loop3A_1123 = tpu.vector_load %arg4[%parallel_loop3A_1120, %parallel_loop3A_1121, %parallel_loop3A_1122] {strides = array<i32>} : memref<7x32x128xf32, #tpu.memory_space<vmem>>, vector<1x1x16xf32>,
        %parallel_loop3A_1124 = vector.shape_cast %parallel_loop3A_1123 : vector<1x1x16xf32> to vector<16xf32>
        %parallel_loop3A_1125 = arith.constant 6 : i32
        %parallel_loop3A_1126 = arith.index_cast %parallel_loop3A_1125 : i32 to index
        %parallel_loop3A_1127 = arith.index_cast %parallel_loop3A_106 : i32 to index
        %parallel_loop3A_1128 = arith.constant 96 : index
        %parallel_loop3A_1129 = tpu.vector_load %arg4[%parallel_loop3A_1126, %parallel_loop3A_1127, %parallel_loop3A_1128] {strides = array<i32>} : memref<7x32x128xf32, #tpu.memory_space<vmem>>, vector<1x1x16xf32>,
        %parallel_loop3A_1130 = vector.shape_cast %parallel_loop3A_1129 : vector<1x1x16xf32> to vector<16xf32>
        %parallel_loop3A_1131 = arith.addf %parallel_loop3A_1124, %parallel_loop3A_1130 : vector<16xf32>
        %parallel_loop3A_1132 = arith.constant 2 : i32
        %parallel_loop3A_1133 = arith.constant 1 : i32
        %parallel_loop3A_1134 = arith.index_cast %parallel_loop3A_106 : i32 to index
        %parallel_loop3A_1135 = arith.index_cast %parallel_loop3A_1132 : i32 to index
        %parallel_loop3A_1136 = arith.index_cast %parallel_loop3A_1133 : i32 to index
        %parallel_loop3A_1137 = arith.constant 96 : index
        %parallel_loop3A_1138 = tpu.vector_load %arg6[%parallel_loop3A_1134, %parallel_loop3A_1135, %parallel_loop3A_1136, %parallel_loop3A_1137] {strides = array<i32>} : memref<32x3x2x128xf32, #tpu.memory_space<vmem>>, vector<1x1x1x16xf32>,
        %parallel_loop3A_1139 = vector.shape_cast %parallel_loop3A_1138 : vector<1x1x1x16xf32> to vector<16xf32>
        %parallel_loop3A_1140 = vector.shape_cast %parallel_loop3A_1131 : vector<16xf32> to vector<1x1x1x16xf32>
        tpu.vector_store %arg6[%parallel_loop3A_1134, %parallel_loop3A_1135, %parallel_loop3A_1136, %parallel_loop3A_1137], %parallel_loop3A_1140 {strides = array<i32>} : memref<32x3x2x128xf32, #tpu.memory_space<vmem>>, vector<1x1x1x16xf32>,
        %parallel_loop3A_1141 = arith.constant 5 : i32
        %parallel_loop3A_1142 = arith.index_cast %parallel_loop3A_1141 : i32 to index
        %parallel_loop3A_1143 = arith.index_cast %parallel_loop3A_106 : i32 to index
        %parallel_loop3A_1144 = arith.constant 112 : index
        %parallel_loop3A_1145 = tpu.vector_load %arg4[%parallel_loop3A_1142, %parallel_loop3A_1143, %parallel_loop3A_1144] {strides = array<i32>} : memref<7x32x128xf32, #tpu.memory_space<vmem>>, vector<1x1x16xf32>,
        %parallel_loop3A_1146 = vector.shape_cast %parallel_loop3A_1145 : vector<1x1x16xf32> to vector<16xf32>
        %parallel_loop3A_1147 = arith.constant 6 : i32
        %parallel_loop3A_1148 = arith.index_cast %parallel_loop3A_1147 : i32 to index
        %parallel_loop3A_1149 = arith.index_cast %parallel_loop3A_106 : i32 to index
        %parallel_loop3A_1150 = arith.constant 112 : index
        %parallel_loop3A_1151 = tpu.vector_load %arg4[%parallel_loop3A_1148, %parallel_loop3A_1149, %parallel_loop3A_1150] {strides = array<i32>} : memref<7x32x128xf32, #tpu.memory_space<vmem>>, vector<1x1x16xf32>,
        %parallel_loop3A_1152 = vector.shape_cast %parallel_loop3A_1151 : vector<1x1x16xf32> to vector<16xf32>
        %parallel_loop3A_1153 = arith.addf %parallel_loop3A_1146, %parallel_loop3A_1152 : vector<16xf32>
        %parallel_loop3A_1154 = arith.constant 2 : i32
        %parallel_loop3A_1155 = arith.constant 1 : i32
        %parallel_loop3A_1156 = arith.index_cast %parallel_loop3A_106 : i32 to index
        %parallel_loop3A_1157 = arith.index_cast %parallel_loop3A_1154 : i32 to index
        %parallel_loop3A_1158 = arith.index_cast %parallel_loop3A_1155 : i32 to index
        %parallel_loop3A_1159 = arith.constant 112 : index
        %parallel_loop3A_1160 = tpu.vector_load %arg6[%parallel_loop3A_1156, %parallel_loop3A_1157, %parallel_loop3A_1158, %parallel_loop3A_1159] {strides = array<i32>} : memref<32x3x2x128xf32, #tpu.memory_space<vmem>>, vector<1x1x1x16xf32>,
        %parallel_loop3A_1161 = vector.shape_cast %parallel_loop3A_1160 : vector<1x1x1x16xf32> to vector<16xf32>
        %parallel_loop3A_1162 = vector.shape_cast %parallel_loop3A_1153 : vector<16xf32> to vector<1x1x1x16xf32>
        tpu.vector_store %arg6[%parallel_loop3A_1156, %parallel_loop3A_1157, %parallel_loop3A_1158, %parallel_loop3A_1159], %parallel_loop3A_1162 {strides = array<i32>} : memref<32x3x2x128xf32, #tpu.memory_space<vmem>>, vector<1x1x1x16xf32>,
      } {sc.loop_unroll_factor = 4 : i64, sc.parallel_access}
      %mul3A_60 = arith.constant 32 : i32
      %mul3A_61 = arith.muli %mul3A_36, %mul3A_60 : i32
      %add3A_62 = arith.addi %mul3A_2, %mul3A_61 : i32
      %dma_start3A_63 = arith.constant 0 : i32
      %dma_start3A_64 = arith.constant 0 : i32
      %dma_start3A_65 = arith.constant 0 : i32
      %dma_start3A_66 = tpu.memref_slice %arg3[%add3A_62, %dma_start3A_63, %dma_start3A_64, %dma_start3A_65] : memref<16384x3x2x128xf32, #tpu.memory_space<hbm>> -> memref<32x3x2x128xf32, #tpu.memory_space<hbm>>
      %dma_start3A_67 = arith.constant 0 : i32
      %dma_start3A_68 = arith.constant 0 : i32
      %dma_start3A_69 = arith.constant 0 : i32
      %dma_start3A_70 = tpu.memref_slice %arg3[%add3A_62, %dma_start3A_67, %dma_start3A_68, %dma_start3A_69] : memref<16384x3x2x128xf32, #tpu.memory_space<hbm>> -> memref<32x3x2x128xf32, #tpu.memory_space<hbm>>
      tpu.enqueue_dma source(%arg6 : memref<32x3x2x128xf32, #tpu.memory_space<vmem>>) target(%dma_start3A_70 : memref<32x3x2x128xf32, #tpu.memory_space<hbm>>) target_semaphore(%arg10 : memref<!tpu.dma_semaphore, #tpu.memory_space<semaphore_mem>>)
      %add3A_71 = arith.constant 2 : i32
      %add3A_72 = arith.addi %mul3A_36, %add3A_71 : i32
      %lt3A = arith.constant 16 : i32
      %lt3A_73 = arith.cmpi slt, %add3A_72, %lt3A : i32
      %convert_element_type3A_74 = arith.extui %lt3A_73 : i1 to i32
      %cond3A_75 = arith.constant 0 : i32
      %cond3A_76 = arith.cmpi ne, %convert_element_type3A_74, %cond3A_75 : i32
      scf.if %cond3A_76 {
        %add3A_106 = arith.constant 2 : i32
        %add3A_107 = arith.addi %mul3A_36, %add3A_106 : i32
        %mul3A_108 = arith.constant 32 : i32
        %mul3A_109 = arith.muli %add3A_107, %mul3A_108 : i32
        %add3A_110 = arith.addi %mul3A_2, %mul3A_109 : i32
        %dma_start3A_111 = arith.constant 0 : i32
        %dma_start3A_112 = arith.constant 0 : i32
        %dma_start3A_113 = tpu.memref_slice %arg2[%dma_start3A_111, %add3A_110, %dma_start3A_112] : memref<20x16384x128xf32, #tpu.memory_space<hbm>> -> memref<7x32x128xf32, #tpu.memory_space<hbm>>
        %dma_start3A_114 = arith.constant 0 : i32
        %dma_start3A_115 = arith.constant 0 : i32
        %dma_start3A_116 = tpu.memref_slice %arg2[%dma_start3A_114, %add3A_110, %dma_start3A_115] : memref<20x16384x128xf32, #tpu.memory_space<hbm>> -> memref<7x32x128xf32, #tpu.memory_space<hbm>>
        tpu.enqueue_dma source(%dma_start3A_116 : memref<7x32x128xf32, #tpu.memory_space<hbm>>) target(%arg4 : memref<7x32x128xf32, #tpu.memory_space<vmem>>) target_semaphore(%arg8 : memref<!tpu.dma_semaphore, #tpu.memory_space<semaphore_mem>>)
      } else {
      }
      %dma_wait3A_77 = arith.constant 0 : i32
      %dma_wait3A_78 = arith.constant 0 : i32
      %dma_wait3A_79 = arith.constant 0 : i32
      %dma_wait3A_80 = tpu.memref_slice %arg2[%dma_wait3A_77, %dma_wait3A_78, %dma_wait3A_79] : memref<20x16384x128xf32, #tpu.memory_space<hbm>> -> memref<7x32x128xf32, #tpu.memory_space<hbm>>
      %dma_wait3A_81 = arith.constant 0 : i32
      %dma_wait3A_82 = arith.constant 0 : i32
      %dma_wait3A_83 = arith.constant 0 : i32
      %dma_wait3A_84 = tpu.memref_slice %arg2[%dma_wait3A_81, %dma_wait3A_82, %dma_wait3A_83] : memref<20x16384x128xf32, #tpu.memory_space<hbm>> -> memref<7x32x128xf32, #tpu.memory_space<hbm>>
      tpu.wait_dma2 semaphore(%arg9 : memref<!tpu.dma_semaphore, #tpu.memory_space<semaphore_mem>>) src(%dma_wait3A_84 : memref<7x32x128xf32, #tpu.memory_space<hbm>>) dst(%arg5 : memref<7x32x128xf32, #tpu.memory_space<vmem>>)
      %gt3A_85 = arith.constant 0 : i32
      %gt3A_86 = arith.cmpi sgt, %scan3A_34, %gt3A_85 : i32
      %convert_element_type3A_87 = arith.extui %gt3A_86 : i1 to i32
      %cond3A_88 = arith.constant 0 : i32
      %cond3A_89 = arith.cmpi ne, %convert_element_type3A_87, %cond3A_88 : i32
      scf.if %cond3A_89 {
        %dma_wait3A_106 = arith.constant 0 : i32
        %dma_wait3A_107 = arith.constant 0 : i32
        %dma_wait3A_108 = arith.constant 0 : i32
        %dma_wait3A_109 = arith.constant 0 : i32
        %dma_wait3A_110 = tpu.memref_slice %arg3[%dma_wait3A_106, %dma_wait3A_107, %dma_wait3A_108, %dma_wait3A_109] : memref<16384x3x2x128xf32, #tpu.memory_space<hbm>> -> memref<32x3x2x128xf32, #tpu.memory_space<hbm>>
        %dma_wait3A_111 = arith.constant 0 : i32
        %dma_wait3A_112 = arith.constant 0 : i32
        %dma_wait3A_113 = arith.constant 0 : i32
        %dma_wait3A_114 = arith.constant 0 : i32
        %dma_wait3A_115 = tpu.memref_slice %arg3[%dma_wait3A_111, %dma_wait3A_112, %dma_wait3A_113, %dma_wait3A_114] : memref<16384x3x2x128xf32, #tpu.memory_space<hbm>> -> memref<32x3x2x128xf32, #tpu.memory_space<hbm>>
        tpu.wait_dma2 semaphore(%arg11 : memref<!tpu.dma_semaphore, #tpu.memory_space<semaphore_mem>>) src(%arg7 : memref<32x3x2x128xf32, #tpu.memory_space<vmem>>) dst(%dma_wait3A_115 : memref<32x3x2x128xf32, #tpu.memory_space<hbm>>)
      } else {
      }
      %parallel_loop3A_90 = arith.constant 0 : i32
      %parallel_loop3A_91 = arith.constant 32 : i32
      %parallel_loop3A_92 = arith.constant 1 : i32
      scf.for %parallel_loop3A_106 = %parallel_loop3A_90 to %parallel_loop3A_91 step %parallel_loop3A_92  : i32 {
        %parallel_loop3A_107 = arith.constant 0 : i32
        %parallel_loop3A_108 = arith.index_cast %parallel_loop3A_107 : i32 to index
        %parallel_loop3A_109 = arith.index_cast %parallel_loop3A_106 : i32 to index
        %parallel_loop3A_110 = arith.constant 0 : index
        %parallel_loop3A_111 = tpu.vector_load %arg5[%parallel_loop3A_108, %parallel_loop3A_109, %parallel_loop3A_110] {strides = array<i32>} : memref<7x32x128xf32, #tpu.memory_space<vmem>>, vector<1x1x16xf32>,
        %parallel_loop3A_112 = vector.shape_cast %parallel_loop3A_111 : vector<1x1x16xf32> to vector<16xf32>
        %parallel_loop3A_113 = arith.constant 1 : i32
        %parallel_loop3A_114 = arith.index_cast %parallel_loop3A_113 : i32 to index
        %parallel_loop3A_115 = arith.index_cast %parallel_loop3A_106 : i32 to index
        %parallel_loop3A_116 = arith.constant 0 : index
        %parallel_loop3A_117 = tpu.vector_load %arg5[%parallel_loop3A_114, %parallel_loop3A_115, %parallel_loop3A_116] {strides = array<i32>} : memref<7x32x128xf32, #tpu.memory_space<vmem>>, vector<1x1x16xf32>,
        %parallel_loop3A_118 = vector.shape_cast %parallel_loop3A_117 : vector<1x1x16xf32> to vector<16xf32>
        %parallel_loop3A_119 = arith.addf %parallel_loop3A_112, %parallel_loop3A_118 : vector<16xf32>
        %parallel_loop3A_120 = arith.constant 0 : i32
        %parallel_loop3A_121 = arith.constant 0 : i32
        %parallel_loop3A_122 = arith.index_cast %parallel_loop3A_106 : i32 to index
        %parallel_loop3A_123 = arith.index_cast %parallel_loop3A_120 : i32 to index
        %parallel_loop3A_124 = arith.index_cast %parallel_loop3A_121 : i32 to index
        %parallel_loop3A_125 = arith.constant 0 : index
        %parallel_loop3A_126 = tpu.vector_load %arg7[%parallel_loop3A_122, %parallel_loop3A_123, %parallel_loop3A_124, %parallel_loop3A_125] {strides = array<i32>} : memref<32x3x2x128xf32, #tpu.memory_space<vmem>>, vector<1x1x1x16xf32>,
        %parallel_loop3A_127 = vector.shape_cast %parallel_loop3A_126 : vector<1x1x1x16xf32> to vector<16xf32>
        %parallel_loop3A_128 = vector.shape_cast %parallel_loop3A_119 : vector<16xf32> to vector<1x1x1x16xf32>
        tpu.vector_store %arg7[%parallel_loop3A_122, %parallel_loop3A_123, %parallel_loop3A_124, %parallel_loop3A_125], %parallel_loop3A_128 {strides = array<i32>} : memref<32x3x2x128xf32, #tpu.memory_space<vmem>>, vector<1x1x1x16xf32>,
        %parallel_loop3A_129 = arith.constant 0 : i32
        %parallel_loop3A_130 = arith.index_cast %parallel_loop3A_129 : i32 to index
        %parallel_loop3A_131 = arith.index_cast %parallel_loop3A_106 : i32 to index
        %parallel_loop3A_132 = arith.constant 16 : index
        %parallel_loop3A_133 = tpu.vector_load %arg5[%parallel_loop3A_130, %parallel_loop3A_131, %parallel_loop3A_132] {strides = array<i32>} : memref<7x32x128xf32, #tpu.memory_space<vmem>>, vector<1x1x16xf32>,
        %parallel_loop3A_134 = vector.shape_cast %parallel_loop3A_133 : vector<1x1x16xf32> to vector<16xf32>
        %parallel_loop3A_135 = arith.constant 1 : i32
        %parallel_loop3A_136 = arith.index_cast %parallel_loop3A_135 : i32 to index
        %parallel_loop3A_137 = arith.index_cast %parallel_loop3A_106 : i32 to index
        %parallel_loop3A_138 = arith.constant 16 : index
        %parallel_loop3A_139 = tpu.vector_load %arg5[%parallel_loop3A_136, %parallel_loop3A_137, %parallel_loop3A_138] {strides = array<i32>} : memref<7x32x128xf32, #tpu.memory_space<vmem>>, vector<1x1x16xf32>,
        %parallel_loop3A_140 = vector.shape_cast %parallel_loop3A_139 : vector<1x1x16xf32> to vector<16xf32>
        %parallel_loop3A_141 = arith.addf %parallel_loop3A_134, %parallel_loop3A_140 : vector<16xf32>
        %parallel_loop3A_142 = arith.constant 0 : i32
        %parallel_loop3A_143 = arith.constant 0 : i32
        %parallel_loop3A_144 = arith.index_cast %parallel_loop3A_106 : i32 to index
        %parallel_loop3A_145 = arith.index_cast %parallel_loop3A_142 : i32 to index
        %parallel_loop3A_146 = arith.index_cast %parallel_loop3A_143 : i32 to index
        %parallel_loop3A_147 = arith.constant 16 : index
        %parallel_loop3A_148 = tpu.vector_load %arg7[%parallel_loop3A_144, %parallel_loop3A_145, %parallel_loop3A_146, %parallel_loop3A_147] {strides = array<i32>} : memref<32x3x2x128xf32, #tpu.memory_space<vmem>>, vector<1x1x1x16xf32>,
        %parallel_loop3A_149 = vector.shape_cast %parallel_loop3A_148 : vector<1x1x1x16xf32> to vector<16xf32>
        %parallel_loop3A_150 = vector.shape_cast %parallel_loop3A_141 : vector<16xf32> to vector<1x1x1x16xf32>
        tpu.vector_store %arg7[%parallel_loop3A_144, %parallel_loop3A_145, %parallel_loop3A_146, %parallel_loop3A_147], %parallel_loop3A_150 {strides = array<i32>} : memref<32x3x2x128xf32, #tpu.memory_space<vmem>>, vector<1x1x1x16xf32>,
        %parallel_loop3A_151 = arith.constant 0 : i32
        %parallel_loop3A_152 = arith.index_cast %parallel_loop3A_151 : i32 to index
        %parallel_loop3A_153 = arith.index_cast %parallel_loop3A_106 : i32 to index
        %parallel_loop3A_154 = arith.constant 32 : index
        %parallel_loop3A_155 = tpu.vector_load %arg5[%parallel_loop3A_152, %parallel_loop3A_153, %parallel_loop3A_154] {strides = array<i32>} : memref<7x32x128xf32, #tpu.memory_space<vmem>>, vector<1x1x16xf32>,
        %parallel_loop3A_156 = vector.shape_cast %parallel_loop3A_155 : vector<1x1x16xf32> to vector<16xf32>
        %parallel_loop3A_157 = arith.constant 1 : i32
        %parallel_loop3A_158 = arith.index_cast %parallel_loop3A_157 : i32 to index
        %parallel_loop3A_159 = arith.index_cast %parallel_loop3A_106 : i32 to index
        %parallel_loop3A_160 = arith.constant 32 : index
        %parallel_loop3A_161 = tpu.vector_load %arg5[%parallel_loop3A_158, %parallel_loop3A_159, %parallel_loop3A_160] {strides = array<i32>} : memref<7x32x128xf32, #tpu.memory_space<vmem>>, vector<1x1x16xf32>,
        %parallel_loop3A_162 = vector.shape_cast %parallel_loop3A_161 : vector<1x1x16xf32> to vector<16xf32>
        %parallel_loop3A_163 = arith.addf %parallel_loop3A_156, %parallel_loop3A_162 : vector<16xf32>
        %parallel_loop3A_164 = arith.constant 0 : i32
        %parallel_loop3A_165 = arith.constant 0 : i32
        %parallel_loop3A_166 = arith.index_cast %parallel_loop3A_106 : i32 to index
        %parallel_loop3A_167 = arith.index_cast %parallel_loop3A_164 : i32 to index
        %parallel_loop3A_168 = arith.index_cast %parallel_loop3A_165 : i32 to index
        %parallel_loop3A_169 = arith.constant 32 : index
        %parallel_loop3A_170 = tpu.vector_load %arg7[%parallel_loop3A_166, %parallel_loop3A_167, %parallel_loop3A_168, %parallel_loop3A_169] {strides = array<i32>} : memref<32x3x2x128xf32, #tpu.memory_space<vmem>>, vector<1x1x1x16xf32>,
        %parallel_loop3A_171 = vector.shape_cast %parallel_loop3A_170 : vector<1x1x1x16xf32> to vector<16xf32>
        %parallel_loop3A_172 = vector.shape_cast %parallel_loop3A_163 : vector<16xf32> to vector<1x1x1x16xf32>
        tpu.vector_store %arg7[%parallel_loop3A_166, %parallel_loop3A_167, %parallel_loop3A_168, %parallel_loop3A_169], %parallel_loop3A_172 {strides = array<i32>} : memref<32x3x2x128xf32, #tpu.memory_space<vmem>>, vector<1x1x1x16xf32>,
        %parallel_loop3A_173 = arith.constant 0 : i32
        %parallel_loop3A_174 = arith.index_cast %parallel_loop3A_173 : i32 to index
        %parallel_loop3A_175 = arith.index_cast %parallel_loop3A_106 : i32 to index
        %parallel_loop3A_176 = arith.constant 48 : index
        %parallel_loop3A_177 = tpu.vector_load %arg5[%parallel_loop3A_174, %parallel_loop3A_175, %parallel_loop3A_176] {strides = array<i32>} : memref<7x32x128xf32, #tpu.memory_space<vmem>>, vector<1x1x16xf32>,
        %parallel_loop3A_178 = vector.shape_cast %parallel_loop3A_177 : vector<1x1x16xf32> to vector<16xf32>
        %parallel_loop3A_179 = arith.constant 1 : i32
        %parallel_loop3A_180 = arith.index_cast %parallel_loop3A_179 : i32 to index
        %parallel_loop3A_181 = arith.index_cast %parallel_loop3A_106 : i32 to index
        %parallel_loop3A_182 = arith.constant 48 : index
        %parallel_loop3A_183 = tpu.vector_load %arg5[%parallel_loop3A_180, %parallel_loop3A_181, %parallel_loop3A_182] {strides = array<i32>} : memref<7x32x128xf32, #tpu.memory_space<vmem>>, vector<1x1x16xf32>,
        %parallel_loop3A_184 = vector.shape_cast %parallel_loop3A_183 : vector<1x1x16xf32> to vector<16xf32>
        %parallel_loop3A_185 = arith.addf %parallel_loop3A_178, %parallel_loop3A_184 : vector<16xf32>
        %parallel_loop3A_186 = arith.constant 0 : i32
        %parallel_loop3A_187 = arith.constant 0 : i32
        %parallel_loop3A_188 = arith.index_cast %parallel_loop3A_106 : i32 to index
        %parallel_loop3A_189 = arith.index_cast %parallel_loop3A_186 : i32 to index
        %parallel_loop3A_190 = arith.index_cast %parallel_loop3A_187 : i32 to index
        %parallel_loop3A_191 = arith.constant 48 : index
        %parallel_loop3A_192 = tpu.vector_load %arg7[%parallel_loop3A_188, %parallel_loop3A_189, %parallel_loop3A_190, %parallel_loop3A_191] {strides = array<i32>} : memref<32x3x2x128xf32, #tpu.memory_space<vmem>>, vector<1x1x1x16xf32>,
        %parallel_loop3A_193 = vector.shape_cast %parallel_loop3A_192 : vector<1x1x1x16xf32> to vector<16xf32>
        %parallel_loop3A_194 = vector.shape_cast %parallel_loop3A_185 : vector<16xf32> to vector<1x1x1x16xf32>
        tpu.vector_store %arg7[%parallel_loop3A_188, %parallel_loop3A_189, %parallel_loop3A_190, %parallel_loop3A_191], %parallel_loop3A_194 {strides = array<i32>} : memref<32x3x2x128xf32, #tpu.memory_space<vmem>>, vector<1x1x1x16xf32>,
        %parallel_loop3A_195 = arith.constant 0 : i32
        %parallel_loop3A_196 = arith.index_cast %parallel_loop3A_195 : i32 to index
        %parallel_loop3A_197 = arith.index_cast %parallel_loop3A_106 : i32 to index
        %parallel_loop3A_198 = arith.constant 64 : index
        %parallel_loop3A_199 = tpu.vector_load %arg5[%parallel_loop3A_196, %parallel_loop3A_197, %parallel_loop3A_198] {strides = array<i32>} : memref<7x32x128xf32, #tpu.memory_space<vmem>>, vector<1x1x16xf32>,
        %parallel_loop3A_200 = vector.shape_cast %parallel_loop3A_199 : vector<1x1x16xf32> to vector<16xf32>
        %parallel_loop3A_201 = arith.constant 1 : i32
        %parallel_loop3A_202 = arith.index_cast %parallel_loop3A_201 : i32 to index
        %parallel_loop3A_203 = arith.index_cast %parallel_loop3A_106 : i32 to index
        %parallel_loop3A_204 = arith.constant 64 : index
        %parallel_loop3A_205 = tpu.vector_load %arg5[%parallel_loop3A_202, %parallel_loop3A_203, %parallel_loop3A_204] {strides = array<i32>} : memref<7x32x128xf32, #tpu.memory_space<vmem>>, vector<1x1x16xf32>,
        %parallel_loop3A_206 = vector.shape_cast %parallel_loop3A_205 : vector<1x1x16xf32> to vector<16xf32>
        %parallel_loop3A_207 = arith.addf %parallel_loop3A_200, %parallel_loop3A_206 : vector<16xf32>
        %parallel_loop3A_208 = arith.constant 0 : i32
        %parallel_loop3A_209 = arith.constant 0 : i32
        %parallel_loop3A_210 = arith.index_cast %parallel_loop3A_106 : i32 to index
        %parallel_loop3A_211 = arith.index_cast %parallel_loop3A_208 : i32 to index
        %parallel_loop3A_212 = arith.index_cast %parallel_loop3A_209 : i32 to index
        %parallel_loop3A_213 = arith.constant 64 : index
        %parallel_loop3A_214 = tpu.vector_load %arg7[%parallel_loop3A_210, %parallel_loop3A_211, %parallel_loop3A_212, %parallel_loop3A_213] {strides = array<i32>} : memref<32x3x2x128xf32, #tpu.memory_space<vmem>>, vector<1x1x1x16xf32>,
        %parallel_loop3A_215 = vector.shape_cast %parallel_loop3A_214 : vector<1x1x1x16xf32> to vector<16xf32>
        %parallel_loop3A_216 = vector.shape_cast %parallel_loop3A_207 : vector<16xf32> to vector<1x1x1x16xf32>
        tpu.vector_store %arg7[%parallel_loop3A_210, %parallel_loop3A_211, %parallel_loop3A_212, %parallel_loop3A_213], %parallel_loop3A_216 {strides = array<i32>} : memref<32x3x2x128xf32, #tpu.memory_space<vmem>>, vector<1x1x1x16xf32>,
        %parallel_loop3A_217 = arith.constant 0 : i32
        %parallel_loop3A_218 = arith.index_cast %parallel_loop3A_217 : i32 to index
        %parallel_loop3A_219 = arith.index_cast %parallel_loop3A_106 : i32 to index
        %parallel_loop3A_220 = arith.constant 80 : index
        %parallel_loop3A_221 = tpu.vector_load %arg5[%parallel_loop3A_218, %parallel_loop3A_219, %parallel_loop3A_220] {strides = array<i32>} : memref<7x32x128xf32, #tpu.memory_space<vmem>>, vector<1x1x16xf32>,
        %parallel_loop3A_222 = vector.shape_cast %parallel_loop3A_221 : vector<1x1x16xf32> to vector<16xf32>
        %parallel_loop3A_223 = arith.constant 1 : i32
        %parallel_loop3A_224 = arith.index_cast %parallel_loop3A_223 : i32 to index
        %parallel_loop3A_225 = arith.index_cast %parallel_loop3A_106 : i32 to index
        %parallel_loop3A_226 = arith.constant 80 : index
        %parallel_loop3A_227 = tpu.vector_load %arg5[%parallel_loop3A_224, %parallel_loop3A_225, %parallel_loop3A_226] {strides = array<i32>} : memref<7x32x128xf32, #tpu.memory_space<vmem>>, vector<1x1x16xf32>,
        %parallel_loop3A_228 = vector.shape_cast %parallel_loop3A_227 : vector<1x1x16xf32> to vector<16xf32>
        %parallel_loop3A_229 = arith.addf %parallel_loop3A_222, %parallel_loop3A_228 : vector<16xf32>
        %parallel_loop3A_230 = arith.constant 0 : i32
        %parallel_loop3A_231 = arith.constant 0 : i32
        %parallel_loop3A_232 = arith.index_cast %parallel_loop3A_106 : i32 to index
        %parallel_loop3A_233 = arith.index_cast %parallel_loop3A_230 : i32 to index
        %parallel_loop3A_234 = arith.index_cast %parallel_loop3A_231 : i32 to index
        %parallel_loop3A_235 = arith.constant 80 : index
        %parallel_loop3A_236 = tpu.vector_load %arg7[%parallel_loop3A_232, %parallel_loop3A_233, %parallel_loop3A_234, %parallel_loop3A_235] {strides = array<i32>} : memref<32x3x2x128xf32, #tpu.memory_space<vmem>>, vector<1x1x1x16xf32>,
        %parallel_loop3A_237 = vector.shape_cast %parallel_loop3A_236 : vector<1x1x1x16xf32> to vector<16xf32>
        %parallel_loop3A_238 = vector.shape_cast %parallel_loop3A_229 : vector<16xf32> to vector<1x1x1x16xf32>
        tpu.vector_store %arg7[%parallel_loop3A_232, %parallel_loop3A_233, %parallel_loop3A_234, %parallel_loop3A_235], %parallel_loop3A_238 {strides = array<i32>} : memref<32x3x2x128xf32, #tpu.memory_space<vmem>>, vector<1x1x1x16xf32>,
        %parallel_loop3A_239 = arith.constant 0 : i32
        %parallel_loop3A_240 = arith.index_cast %parallel_loop3A_239 : i32 to index
        %parallel_loop3A_241 = arith.index_cast %parallel_loop3A_106 : i32 to index
        %parallel_loop3A_242 = arith.constant 96 : index
        %parallel_loop3A_243 = tpu.vector_load %arg5[%parallel_loop3A_240, %parallel_loop3A_241, %parallel_loop3A_242] {strides = array<i32>} : memref<7x32x128xf32, #tpu.memory_space<vmem>>, vector<1x1x16xf32>,
        %parallel_loop3A_244 = vector.shape_cast %parallel_loop3A_243 : vector<1x1x16xf32> to vector<16xf32>
        %parallel_loop3A_245 = arith.constant 1 : i32
        %parallel_loop3A_246 = arith.index_cast %parallel_loop3A_245 : i32 to index
        %parallel_loop3A_247 = arith.index_cast %parallel_loop3A_106 : i32 to index
        %parallel_loop3A_248 = arith.constant 96 : index
        %parallel_loop3A_249 = tpu.vector_load %arg5[%parallel_loop3A_246, %parallel_loop3A_247, %parallel_loop3A_248] {strides = array<i32>} : memref<7x32x128xf32, #tpu.memory_space<vmem>>, vector<1x1x16xf32>,
        %parallel_loop3A_250 = vector.shape_cast %parallel_loop3A_249 : vector<1x1x16xf32> to vector<16xf32>
        %parallel_loop3A_251 = arith.addf %parallel_loop3A_244, %parallel_loop3A_250 : vector<16xf32>
        %parallel_loop3A_252 = arith.constant 0 : i32
        %parallel_loop3A_253 = arith.constant 0 : i32
        %parallel_loop3A_254 = arith.index_cast %parallel_loop3A_106 : i32 to index
        %parallel_loop3A_255 = arith.index_cast %parallel_loop3A_252 : i32 to index
        %parallel_loop3A_256 = arith.index_cast %parallel_loop3A_253 : i32 to index
        %parallel_loop3A_257 = arith.constant 96 : index
        %parallel_loop3A_258 = tpu.vector_load %arg7[%parallel_loop3A_254, %parallel_loop3A_255, %parallel_loop3A_256, %parallel_loop3A_257] {strides = array<i32>} : memref<32x3x2x128xf32, #tpu.memory_space<vmem>>, vector<1x1x1x16xf32>,
        %parallel_loop3A_259 = vector.shape_cast %parallel_loop3A_258 : vector<1x1x1x16xf32> to vector<16xf32>
        %parallel_loop3A_260 = vector.shape_cast %parallel_loop3A_251 : vector<16xf32> to vector<1x1x1x16xf32>
        tpu.vector_store %arg7[%parallel_loop3A_254, %parallel_loop3A_255, %parallel_loop3A_256, %parallel_loop3A_257], %parallel_loop3A_260 {strides = array<i32>} : memref<32x3x2x128xf32, #tpu.memory_space<vmem>>, vector<1x1x1x16xf32>,
        %parallel_loop3A_261 = arith.constant 0 : i32
        %parallel_loop3A_262 = arith.index_cast %parallel_loop3A_261 : i32 to index
        %parallel_loop3A_263 = arith.index_cast %parallel_loop3A_106 : i32 to index
        %parallel_loop3A_264 = arith.constant 112 : index
        %parallel_loop3A_265 = tpu.vector_load %arg5[%parallel_loop3A_262, %parallel_loop3A_263, %parallel_loop3A_264] {strides = array<i32>} : memref<7x32x128xf32, #tpu.memory_space<vmem>>, vector<1x1x16xf32>,
        %parallel_loop3A_266 = vector.shape_cast %parallel_loop3A_265 : vector<1x1x16xf32> to vector<16xf32>
        %parallel_loop3A_267 = arith.constant 1 : i32
        %parallel_loop3A_268 = arith.index_cast %parallel_loop3A_267 : i32 to index
        %parallel_loop3A_269 = arith.index_cast %parallel_loop3A_106 : i32 to index
        %parallel_loop3A_270 = arith.constant 112 : index
        %parallel_loop3A_271 = tpu.vector_load %arg5[%parallel_loop3A_268, %parallel_loop3A_269, %parallel_loop3A_270] {strides = array<i32>} : memref<7x32x128xf32, #tpu.memory_space<vmem>>, vector<1x1x16xf32>,
        %parallel_loop3A_272 = vector.shape_cast %parallel_loop3A_271 : vector<1x1x16xf32> to vector<16xf32>
        %parallel_loop3A_273 = arith.addf %parallel_loop3A_266, %parallel_loop3A_272 : vector<16xf32>
        %parallel_loop3A_274 = arith.constant 0 : i32
        %parallel_loop3A_275 = arith.constant 0 : i32
        %parallel_loop3A_276 = arith.index_cast %parallel_loop3A_106 : i32 to index
        %parallel_loop3A_277 = arith.index_cast %parallel_loop3A_274 : i32 to index
        %parallel_loop3A_278 = arith.index_cast %parallel_loop3A_275 : i32 to index
        %parallel_loop3A_279 = arith.constant 112 : index
        %parallel_loop3A_280 = tpu.vector_load %arg7[%parallel_loop3A_276, %parallel_loop3A_277, %parallel_loop3A_278, %parallel_loop3A_279] {strides = array<i32>} : memref<32x3x2x128xf32, #tpu.memory_space<vmem>>, vector<1x1x1x16xf32>,
        %parallel_loop3A_281 = vector.shape_cast %parallel_loop3A_280 : vector<1x1x1x16xf32> to vector<16xf32>
        %parallel_loop3A_282 = vector.shape_cast %parallel_loop3A_273 : vector<16xf32> to vector<1x1x1x16xf32>
        tpu.vector_store %arg7[%parallel_loop3A_276, %parallel_loop3A_277, %parallel_loop3A_278, %parallel_loop3A_279], %parallel_loop3A_282 {strides = array<i32>} : memref<32x3x2x128xf32, #tpu.memory_space<vmem>>, vector<1x1x1x16xf32>,
        %parallel_loop3A_283 = arith.constant 1 : i32
        %parallel_loop3A_284 = arith.index_cast %parallel_loop3A_283 : i32 to index
        %parallel_loop3A_285 = arith.index_cast %parallel_loop3A_106 : i32 to index
        %parallel_loop3A_286 = arith.constant 0 : index
        %parallel_loop3A_287 = tpu.vector_load %arg5[%parallel_loop3A_284, %parallel_loop3A_285, %parallel_loop3A_286] {strides = array<i32>} : memref<7x32x128xf32, #tpu.memory_space<vmem>>, vector<1x1x16xf32>,
        %parallel_loop3A_288 = vector.shape_cast %parallel_loop3A_287 : vector<1x1x16xf32> to vector<16xf32>
        %parallel_loop3A_289 = arith.constant 2 : i32
        %parallel_loop3A_290 = arith.index_cast %parallel_loop3A_289 : i32 to index
        %parallel_loop3A_291 = arith.index_cast %parallel_loop3A_106 : i32 to index
        %parallel_loop3A_292 = arith.constant 0 : index
        %parallel_loop3A_293 = tpu.vector_load %arg5[%parallel_loop3A_290, %parallel_loop3A_291, %parallel_loop3A_292] {strides = array<i32>} : memref<7x32x128xf32, #tpu.memory_space<vmem>>, vector<1x1x16xf32>,
        %parallel_loop3A_294 = vector.shape_cast %parallel_loop3A_293 : vector<1x1x16xf32> to vector<16xf32>
        %parallel_loop3A_295 = arith.addf %parallel_loop3A_288, %parallel_loop3A_294 : vector<16xf32>
        %parallel_loop3A_296 = arith.constant 0 : i32
        %parallel_loop3A_297 = arith.constant 1 : i32
        %parallel_loop3A_298 = arith.index_cast %parallel_loop3A_106 : i32 to index
        %parallel_loop3A_299 = arith.index_cast %parallel_loop3A_296 : i32 to index
        %parallel_loop3A_300 = arith.index_cast %parallel_loop3A_297 : i32 to index
        %parallel_loop3A_301 = arith.constant 0 : index
        %parallel_loop3A_302 = tpu.vector_load %arg7[%parallel_loop3A_298, %parallel_loop3A_299, %parallel_loop3A_300, %parallel_loop3A_301] {strides = array<i32>} : memref<32x3x2x128xf32, #tpu.memory_space<vmem>>, vector<1x1x1x16xf32>,
        %parallel_loop3A_303 = vector.shape_cast %parallel_loop3A_302 : vector<1x1x1x16xf32> to vector<16xf32>
        %parallel_loop3A_304 = vector.shape_cast %parallel_loop3A_295 : vector<16xf32> to vector<1x1x1x16xf32>
        tpu.vector_store %arg7[%parallel_loop3A_298, %parallel_loop3A_299, %parallel_loop3A_300, %parallel_loop3A_301], %parallel_loop3A_304 {strides = array<i32>} : memref<32x3x2x128xf32, #tpu.memory_space<vmem>>, vector<1x1x1x16xf32>,
        %parallel_loop3A_305 = arith.constant 1 : i32
        %parallel_loop3A_306 = arith.index_cast %parallel_loop3A_305 : i32 to index
        %parallel_loop3A_307 = arith.index_cast %parallel_loop3A_106 : i32 to index
        %parallel_loop3A_308 = arith.constant 16 : index
        %parallel_loop3A_309 = tpu.vector_load %arg5[%parallel_loop3A_306, %parallel_loop3A_307, %parallel_loop3A_308] {strides = array<i32>} : memref<7x32x128xf32, #tpu.memory_space<vmem>>, vector<1x1x16xf32>,
        %parallel_loop3A_310 = vector.shape_cast %parallel_loop3A_309 : vector<1x1x16xf32> to vector<16xf32>
        %parallel_loop3A_311 = arith.constant 2 : i32
        %parallel_loop3A_312 = arith.index_cast %parallel_loop3A_311 : i32 to index
        %parallel_loop3A_313 = arith.index_cast %parallel_loop3A_106 : i32 to index
        %parallel_loop3A_314 = arith.constant 16 : index
        %parallel_loop3A_315 = tpu.vector_load %arg5[%parallel_loop3A_312, %parallel_loop3A_313, %parallel_loop3A_314] {strides = array<i32>} : memref<7x32x128xf32, #tpu.memory_space<vmem>>, vector<1x1x16xf32>,
        %parallel_loop3A_316 = vector.shape_cast %parallel_loop3A_315 : vector<1x1x16xf32> to vector<16xf32>
        %parallel_loop3A_317 = arith.addf %parallel_loop3A_310, %parallel_loop3A_316 : vector<16xf32>
        %parallel_loop3A_318 = arith.constant 0 : i32
        %parallel_loop3A_319 = arith.constant 1 : i32
        %parallel_loop3A_320 = arith.index_cast %parallel_loop3A_106 : i32 to index
        %parallel_loop3A_321 = arith.index_cast %parallel_loop3A_318 : i32 to index
        %parallel_loop3A_322 = arith.index_cast %parallel_loop3A_319 : i32 to index
        %parallel_loop3A_323 = arith.constant 16 : index
        %parallel_loop3A_324 = tpu.vector_load %arg7[%parallel_loop3A_320, %parallel_loop3A_321, %parallel_loop3A_322, %parallel_loop3A_323] {strides = array<i32>} : memref<32x3x2x128xf32, #tpu.memory_space<vmem>>, vector<1x1x1x16xf32>,
        %parallel_loop3A_325 = vector.shape_cast %parallel_loop3A_324 : vector<1x1x1x16xf32> to vector<16xf32>
        %parallel_loop3A_326 = vector.shape_cast %parallel_loop3A_317 : vector<16xf32> to vector<1x1x1x16xf32>
        tpu.vector_store %arg7[%parallel_loop3A_320, %parallel_loop3A_321, %parallel_loop3A_322, %parallel_loop3A_323], %parallel_loop3A_326 {strides = array<i32>} : memref<32x3x2x128xf32, #tpu.memory_space<vmem>>, vector<1x1x1x16xf32>,
        %parallel_loop3A_327 = arith.constant 1 : i32
        %parallel_loop3A_328 = arith.index_cast %parallel_loop3A_327 : i32 to index
        %parallel_loop3A_329 = arith.index_cast %parallel_loop3A_106 : i32 to index
        %parallel_loop3A_330 = arith.constant 32 : index
        %parallel_loop3A_331 = tpu.vector_load %arg5[%parallel_loop3A_328, %parallel_loop3A_329, %parallel_loop3A_330] {strides = array<i32>} : memref<7x32x128xf32, #tpu.memory_space<vmem>>, vector<1x1x16xf32>,
        %parallel_loop3A_332 = vector.shape_cast %parallel_loop3A_331 : vector<1x1x16xf32> to vector<16xf32>
        %parallel_loop3A_333 = arith.constant 2 : i32
        %parallel_loop3A_334 = arith.index_cast %parallel_loop3A_333 : i32 to index
        %parallel_loop3A_335 = arith.index_cast %parallel_loop3A_106 : i32 to index
        %parallel_loop3A_336 = arith.constant 32 : index
        %parallel_loop3A_337 = tpu.vector_load %arg5[%parallel_loop3A_334, %parallel_loop3A_335, %parallel_loop3A_336] {strides = array<i32>} : memref<7x32x128xf32, #tpu.memory_space<vmem>>, vector<1x1x16xf32>,
        %parallel_loop3A_338 = vector.shape_cast %parallel_loop3A_337 : vector<1x1x16xf32> to vector<16xf32>
        %parallel_loop3A_339 = arith.addf %parallel_loop3A_332, %parallel_loop3A_338 : vector<16xf32>
        %parallel_loop3A_340 = arith.constant 0 : i32
        %parallel_loop3A_341 = arith.constant 1 : i32
        %parallel_loop3A_342 = arith.index_cast %parallel_loop3A_106 : i32 to index
        %parallel_loop3A_343 = arith.index_cast %parallel_loop3A_340 : i32 to index
        %parallel_loop3A_344 = arith.index_cast %parallel_loop3A_341 : i32 to index
        %parallel_loop3A_345 = arith.constant 32 : index
        %parallel_loop3A_346 = tpu.vector_load %arg7[%parallel_loop3A_342, %parallel_loop3A_343, %parallel_loop3A_344, %parallel_loop3A_345] {strides = array<i32>} : memref<32x3x2x128xf32, #tpu.memory_space<vmem>>, vector<1x1x1x16xf32>,
        %parallel_loop3A_347 = vector.shape_cast %parallel_loop3A_346 : vector<1x1x1x16xf32> to vector<16xf32>
        %parallel_loop3A_348 = vector.shape_cast %parallel_loop3A_339 : vector<16xf32> to vector<1x1x1x16xf32>
        tpu.vector_store %arg7[%parallel_loop3A_342, %parallel_loop3A_343, %parallel_loop3A_344, %parallel_loop3A_345], %parallel_loop3A_348 {strides = array<i32>} : memref<32x3x2x128xf32, #tpu.memory_space<vmem>>, vector<1x1x1x16xf32>,
        %parallel_loop3A_349 = arith.constant 1 : i32
        %parallel_loop3A_350 = arith.index_cast %parallel_loop3A_349 : i32 to index
        %parallel_loop3A_351 = arith.index_cast %parallel_loop3A_106 : i32 to index
        %parallel_loop3A_352 = arith.constant 48 : index
        %parallel_loop3A_353 = tpu.vector_load %arg5[%parallel_loop3A_350, %parallel_loop3A_351, %parallel_loop3A_352] {strides = array<i32>} : memref<7x32x128xf32, #tpu.memory_space<vmem>>, vector<1x1x16xf32>,
        %parallel_loop3A_354 = vector.shape_cast %parallel_loop3A_353 : vector<1x1x16xf32> to vector<16xf32>
        %parallel_loop3A_355 = arith.constant 2 : i32
        %parallel_loop3A_356 = arith.index_cast %parallel_loop3A_355 : i32 to index
        %parallel_loop3A_357 = arith.index_cast %parallel_loop3A_106 : i32 to index
        %parallel_loop3A_358 = arith.constant 48 : index
        %parallel_loop3A_359 = tpu.vector_load %arg5[%parallel_loop3A_356, %parallel_loop3A_357, %parallel_loop3A_358] {strides = array<i32>} : memref<7x32x128xf32, #tpu.memory_space<vmem>>, vector<1x1x16xf32>,
        %parallel_loop3A_360 = vector.shape_cast %parallel_loop3A_359 : vector<1x1x16xf32> to vector<16xf32>
        %parallel_loop3A_361 = arith.addf %parallel_loop3A_354, %parallel_loop3A_360 : vector<16xf32>
        %parallel_loop3A_362 = arith.constant 0 : i32
        %parallel_loop3A_363 = arith.constant 1 : i32
        %parallel_loop3A_364 = arith.index_cast %parallel_loop3A_106 : i32 to index
        %parallel_loop3A_365 = arith.index_cast %parallel_loop3A_362 : i32 to index
        %parallel_loop3A_366 = arith.index_cast %parallel_loop3A_363 : i32 to index
        %parallel_loop3A_367 = arith.constant 48 : index
        %parallel_loop3A_368 = tpu.vector_load %arg7[%parallel_loop3A_364, %parallel_loop3A_365, %parallel_loop3A_366, %parallel_loop3A_367] {strides = array<i32>} : memref<32x3x2x128xf32, #tpu.memory_space<vmem>>, vector<1x1x1x16xf32>,
        %parallel_loop3A_369 = vector.shape_cast %parallel_loop3A_368 : vector<1x1x1x16xf32> to vector<16xf32>
        %parallel_loop3A_370 = vector.shape_cast %parallel_loop3A_361 : vector<16xf32> to vector<1x1x1x16xf32>
        tpu.vector_store %arg7[%parallel_loop3A_364, %parallel_loop3A_365, %parallel_loop3A_366, %parallel_loop3A_367], %parallel_loop3A_370 {strides = array<i32>} : memref<32x3x2x128xf32, #tpu.memory_space<vmem>>, vector<1x1x1x16xf32>,
        %parallel_loop3A_371 = arith.constant 1 : i32
        %parallel_loop3A_372 = arith.index_cast %parallel_loop3A_371 : i32 to index
        %parallel_loop3A_373 = arith.index_cast %parallel_loop3A_106 : i32 to index
        %parallel_loop3A_374 = arith.constant 64 : index
        %parallel_loop3A_375 = tpu.vector_load %arg5[%parallel_loop3A_372, %parallel_loop3A_373, %parallel_loop3A_374] {strides = array<i32>} : memref<7x32x128xf32, #tpu.memory_space<vmem>>, vector<1x1x16xf32>,
        %parallel_loop3A_376 = vector.shape_cast %parallel_loop3A_375 : vector<1x1x16xf32> to vector<16xf32>
        %parallel_loop3A_377 = arith.constant 2 : i32
        %parallel_loop3A_378 = arith.index_cast %parallel_loop3A_377 : i32 to index
        %parallel_loop3A_379 = arith.index_cast %parallel_loop3A_106 : i32 to index
        %parallel_loop3A_380 = arith.constant 64 : index
        %parallel_loop3A_381 = tpu.vector_load %arg5[%parallel_loop3A_378, %parallel_loop3A_379, %parallel_loop3A_380] {strides = array<i32>} : memref<7x32x128xf32, #tpu.memory_space<vmem>>, vector<1x1x16xf32>,
        %parallel_loop3A_382 = vector.shape_cast %parallel_loop3A_381 : vector<1x1x16xf32> to vector<16xf32>
        %parallel_loop3A_383 = arith.addf %parallel_loop3A_376, %parallel_loop3A_382 : vector<16xf32>
        %parallel_loop3A_384 = arith.constant 0 : i32
        %parallel_loop3A_385 = arith.constant 1 : i32
        %parallel_loop3A_386 = arith.index_cast %parallel_loop3A_106 : i32 to index
        %parallel_loop3A_387 = arith.index_cast %parallel_loop3A_384 : i32 to index
        %parallel_loop3A_388 = arith.index_cast %parallel_loop3A_385 : i32 to index
        %parallel_loop3A_389 = arith.constant 64 : index
        %parallel_loop3A_390 = tpu.vector_load %arg7[%parallel_loop3A_386, %parallel_loop3A_387, %parallel_loop3A_388, %parallel_loop3A_389] {strides = array<i32>} : memref<32x3x2x128xf32, #tpu.memory_space<vmem>>, vector<1x1x1x16xf32>,
        %parallel_loop3A_391 = vector.shape_cast %parallel_loop3A_390 : vector<1x1x1x16xf32> to vector<16xf32>
        %parallel_loop3A_392 = vector.shape_cast %parallel_loop3A_383 : vector<16xf32> to vector<1x1x1x16xf32>
        tpu.vector_store %arg7[%parallel_loop3A_386, %parallel_loop3A_387, %parallel_loop3A_388, %parallel_loop3A_389], %parallel_loop3A_392 {strides = array<i32>} : memref<32x3x2x128xf32, #tpu.memory_space<vmem>>, vector<1x1x1x16xf32>,
        %parallel_loop3A_393 = arith.constant 1 : i32
        %parallel_loop3A_394 = arith.index_cast %parallel_loop3A_393 : i32 to index
        %parallel_loop3A_395 = arith.index_cast %parallel_loop3A_106 : i32 to index
        %parallel_loop3A_396 = arith.constant 80 : index
        %parallel_loop3A_397 = tpu.vector_load %arg5[%parallel_loop3A_394, %parallel_loop3A_395, %parallel_loop3A_396] {strides = array<i32>} : memref<7x32x128xf32, #tpu.memory_space<vmem>>, vector<1x1x16xf32>,
        %parallel_loop3A_398 = vector.shape_cast %parallel_loop3A_397 : vector<1x1x16xf32> to vector<16xf32>
        %parallel_loop3A_399 = arith.constant 2 : i32
        %parallel_loop3A_400 = arith.index_cast %parallel_loop3A_399 : i32 to index
        %parallel_loop3A_401 = arith.index_cast %parallel_loop3A_106 : i32 to index
        %parallel_loop3A_402 = arith.constant 80 : index
        %parallel_loop3A_403 = tpu.vector_load %arg5[%parallel_loop3A_400, %parallel_loop3A_401, %parallel_loop3A_402] {strides = array<i32>} : memref<7x32x128xf32, #tpu.memory_space<vmem>>, vector<1x1x16xf32>,
        %parallel_loop3A_404 = vector.shape_cast %parallel_loop3A_403 : vector<1x1x16xf32> to vector<16xf32>
        %parallel_loop3A_405 = arith.addf %parallel_loop3A_398, %parallel_loop3A_404 : vector<16xf32>
        %parallel_loop3A_406 = arith.constant 0 : i32
        %parallel_loop3A_407 = arith.constant 1 : i32
        %parallel_loop3A_408 = arith.index_cast %parallel_loop3A_106 : i32 to index
        %parallel_loop3A_409 = arith.index_cast %parallel_loop3A_406 : i32 to index
        %parallel_loop3A_410 = arith.index_cast %parallel_loop3A_407 : i32 to index
        %parallel_loop3A_411 = arith.constant 80 : index
        %parallel_loop3A_412 = tpu.vector_load %arg7[%parallel_loop3A_408, %parallel_loop3A_409, %parallel_loop3A_410, %parallel_loop3A_411] {strides = array<i32>} : memref<32x3x2x128xf32, #tpu.memory_space<vmem>>, vector<1x1x1x16xf32>,
        %parallel_loop3A_413 = vector.shape_cast %parallel_loop3A_412 : vector<1x1x1x16xf32> to vector<16xf32>
        %parallel_loop3A_414 = vector.shape_cast %parallel_loop3A_405 : vector<16xf32> to vector<1x1x1x16xf32>
        tpu.vector_store %arg7[%parallel_loop3A_408, %parallel_loop3A_409, %parallel_loop3A_410, %parallel_loop3A_411], %parallel_loop3A_414 {strides = array<i32>} : memref<32x3x2x128xf32, #tpu.memory_space<vmem>>, vector<1x1x1x16xf32>,
        %parallel_loop3A_415 = arith.constant 1 : i32
        %parallel_loop3A_416 = arith.index_cast %parallel_loop3A_415 : i32 to index
        %parallel_loop3A_417 = arith.index_cast %parallel_loop3A_106 : i32 to index
        %parallel_loop3A_418 = arith.constant 96 : index
        %parallel_loop3A_419 = tpu.vector_load %arg5[%parallel_loop3A_416, %parallel_loop3A_417, %parallel_loop3A_418] {strides = array<i32>} : memref<7x32x128xf32, #tpu.memory_space<vmem>>, vector<1x1x16xf32>,
        %parallel_loop3A_420 = vector.shape_cast %parallel_loop3A_419 : vector<1x1x16xf32> to vector<16xf32>
        %parallel_loop3A_421 = arith.constant 2 : i32
        %parallel_loop3A_422 = arith.index_cast %parallel_loop3A_421 : i32 to index
        %parallel_loop3A_423 = arith.index_cast %parallel_loop3A_106 : i32 to index
        %parallel_loop3A_424 = arith.constant 96 : index
        %parallel_loop3A_425 = tpu.vector_load %arg5[%parallel_loop3A_422, %parallel_loop3A_423, %parallel_loop3A_424] {strides = array<i32>} : memref<7x32x128xf32, #tpu.memory_space<vmem>>, vector<1x1x16xf32>,
        %parallel_loop3A_426 = vector.shape_cast %parallel_loop3A_425 : vector<1x1x16xf32> to vector<16xf32>
        %parallel_loop3A_427 = arith.addf %parallel_loop3A_420, %parallel_loop3A_426 : vector<16xf32>
        %parallel_loop3A_428 = arith.constant 0 : i32
        %parallel_loop3A_429 = arith.constant 1 : i32
        %parallel_loop3A_430 = arith.index_cast %parallel_loop3A_106 : i32 to index
        %parallel_loop3A_431 = arith.index_cast %parallel_loop3A_428 : i32 to index
        %parallel_loop3A_432 = arith.index_cast %parallel_loop3A_429 : i32 to index
        %parallel_loop3A_433 = arith.constant 96 : index
        %parallel_loop3A_434 = tpu.vector_load %arg7[%parallel_loop3A_430, %parallel_loop3A_431, %parallel_loop3A_432, %parallel_loop3A_433] {strides = array<i32>} : memref<32x3x2x128xf32, #tpu.memory_space<vmem>>, vector<1x1x1x16xf32>,
        %parallel_loop3A_435 = vector.shape_cast %parallel_loop3A_434 : vector<1x1x1x16xf32> to vector<16xf32>
        %parallel_loop3A_436 = vector.shape_cast %parallel_loop3A_427 : vector<16xf32> to vector<1x1x1x16xf32>
        tpu.vector_store %arg7[%parallel_loop3A_430, %parallel_loop3A_431, %parallel_loop3A_432, %parallel_loop3A_433], %parallel_loop3A_436 {strides = array<i32>} : memref<32x3x2x128xf32, #tpu.memory_space<vmem>>, vector<1x1x1x16xf32>,
        %parallel_loop3A_437 = arith.constant 1 : i32
        %parallel_loop3A_438 = arith.index_cast %parallel_loop3A_437 : i32 to index
        %parallel_loop3A_439 = arith.index_cast %parallel_loop3A_106 : i32 to index
        %parallel_loop3A_440 = arith.constant 112 : index
        %parallel_loop3A_441 = tpu.vector_load %arg5[%parallel_loop3A_438, %parallel_loop3A_439, %parallel_loop3A_440] {strides = array<i32>} : memref<7x32x128xf32, #tpu.memory_space<vmem>>, vector<1x1x16xf32>,
        %parallel_loop3A_442 = vector.shape_cast %parallel_loop3A_441 : vector<1x1x16xf32> to vector<16xf32>
        %parallel_loop3A_443 = arith.constant 2 : i32
        %parallel_loop3A_444 = arith.index_cast %parallel_loop3A_443 : i32 to index
        %parallel_loop3A_445 = arith.index_cast %parallel_loop3A_106 : i32 to index
        %parallel_loop3A_446 = arith.constant 112 : index
        %parallel_loop3A_447 = tpu.vector_load %arg5[%parallel_loop3A_444, %parallel_loop3A_445, %parallel_loop3A_446] {strides = array<i32>} : memref<7x32x128xf32, #tpu.memory_space<vmem>>, vector<1x1x16xf32>,
        %parallel_loop3A_448 = vector.shape_cast %parallel_loop3A_447 : vector<1x1x16xf32> to vector<16xf32>
        %parallel_loop3A_449 = arith.addf %parallel_loop3A_442, %parallel_loop3A_448 : vector<16xf32>
        %parallel_loop3A_450 = arith.constant 0 : i32
        %parallel_loop3A_451 = arith.constant 1 : i32
        %parallel_loop3A_452 = arith.index_cast %parallel_loop3A_106 : i32 to index
        %parallel_loop3A_453 = arith.index_cast %parallel_loop3A_450 : i32 to index
        %parallel_loop3A_454 = arith.index_cast %parallel_loop3A_451 : i32 to index
        %parallel_loop3A_455 = arith.constant 112 : index
        %parallel_loop3A_456 = tpu.vector_load %arg7[%parallel_loop3A_452, %parallel_loop3A_453, %parallel_loop3A_454, %parallel_loop3A_455] {strides = array<i32>} : memref<32x3x2x128xf32, #tpu.memory_space<vmem>>, vector<1x1x1x16xf32>,
        %parallel_loop3A_457 = vector.shape_cast %parallel_loop3A_456 : vector<1x1x1x16xf32> to vector<16xf32>
        %parallel_loop3A_458 = vector.shape_cast %parallel_loop3A_449 : vector<16xf32> to vector<1x1x1x16xf32>
        tpu.vector_store %arg7[%parallel_loop3A_452, %parallel_loop3A_453, %parallel_loop3A_454, %parallel_loop3A_455], %parallel_loop3A_458 {strides = array<i32>} : memref<32x3x2x128xf32, #tpu.memory_space<vmem>>, vector<1x1x1x16xf32>,
        %parallel_loop3A_459 = arith.constant 2 : i32
        %parallel_loop3A_460 = arith.index_cast %parallel_loop3A_459 : i32 to index
        %parallel_loop3A_461 = arith.index_cast %parallel_loop3A_106 : i32 to index
        %parallel_loop3A_462 = arith.constant 0 : index
        %parallel_loop3A_463 = tpu.vector_load %arg5[%parallel_loop3A_460, %parallel_loop3A_461, %parallel_loop3A_462] {strides = array<i32>} : memref<7x32x128xf32, #tpu.memory_space<vmem>>, vector<1x1x16xf32>,
        %parallel_loop3A_464 = vector.shape_cast %parallel_loop3A_463 : vector<1x1x16xf32> to vector<16xf32>
        %parallel_loop3A_465 = arith.constant 3 : i32
        %parallel_loop3A_466 = arith.index_cast %parallel_loop3A_465 : i32 to index
        %parallel_loop3A_467 = arith.index_cast %parallel_loop3A_106 : i32 to index
        %parallel_loop3A_468 = arith.constant 0 : index
        %parallel_loop3A_469 = tpu.vector_load %arg5[%parallel_loop3A_466, %parallel_loop3A_467, %parallel_loop3A_468] {strides = array<i32>} : memref<7x32x128xf32, #tpu.memory_space<vmem>>, vector<1x1x16xf32>,
        %parallel_loop3A_470 = vector.shape_cast %parallel_loop3A_469 : vector<1x1x16xf32> to vector<16xf32>
        %parallel_loop3A_471 = arith.addf %parallel_loop3A_464, %parallel_loop3A_470 : vector<16xf32>
        %parallel_loop3A_472 = arith.constant 1 : i32
        %parallel_loop3A_473 = arith.constant 0 : i32
        %parallel_loop3A_474 = arith.index_cast %parallel_loop3A_106 : i32 to index
        %parallel_loop3A_475 = arith.index_cast %parallel_loop3A_472 : i32 to index
        %parallel_loop3A_476 = arith.index_cast %parallel_loop3A_473 : i32 to index
        %parallel_loop3A_477 = arith.constant 0 : index
        %parallel_loop3A_478 = tpu.vector_load %arg7[%parallel_loop3A_474, %parallel_loop3A_475, %parallel_loop3A_476, %parallel_loop3A_477] {strides = array<i32>} : memref<32x3x2x128xf32, #tpu.memory_space<vmem>>, vector<1x1x1x16xf32>,
        %parallel_loop3A_479 = vector.shape_cast %parallel_loop3A_478 : vector<1x1x1x16xf32> to vector<16xf32>
        %parallel_loop3A_480 = vector.shape_cast %parallel_loop3A_471 : vector<16xf32> to vector<1x1x1x16xf32>
        tpu.vector_store %arg7[%parallel_loop3A_474, %parallel_loop3A_475, %parallel_loop3A_476, %parallel_loop3A_477], %parallel_loop3A_480 {strides = array<i32>} : memref<32x3x2x128xf32, #tpu.memory_space<vmem>>, vector<1x1x1x16xf32>,
        %parallel_loop3A_481 = arith.constant 2 : i32
        %parallel_loop3A_482 = arith.index_cast %parallel_loop3A_481 : i32 to index
        %parallel_loop3A_483 = arith.index_cast %parallel_loop3A_106 : i32 to index
        %parallel_loop3A_484 = arith.constant 16 : index
        %parallel_loop3A_485 = tpu.vector_load %arg5[%parallel_loop3A_482, %parallel_loop3A_483, %parallel_loop3A_484] {strides = array<i32>} : memref<7x32x128xf32, #tpu.memory_space<vmem>>, vector<1x1x16xf32>,
        %parallel_loop3A_486 = vector.shape_cast %parallel_loop3A_485 : vector<1x1x16xf32> to vector<16xf32>
        %parallel_loop3A_487 = arith.constant 3 : i32
        %parallel_loop3A_488 = arith.index_cast %parallel_loop3A_487 : i32 to index
        %parallel_loop3A_489 = arith.index_cast %parallel_loop3A_106 : i32 to index
        %parallel_loop3A_490 = arith.constant 16 : index
        %parallel_loop3A_491 = tpu.vector_load %arg5[%parallel_loop3A_488, %parallel_loop3A_489, %parallel_loop3A_490] {strides = array<i32>} : memref<7x32x128xf32, #tpu.memory_space<vmem>>, vector<1x1x16xf32>,
        %parallel_loop3A_492 = vector.shape_cast %parallel_loop3A_491 : vector<1x1x16xf32> to vector<16xf32>
        %parallel_loop3A_493 = arith.addf %parallel_loop3A_486, %parallel_loop3A_492 : vector<16xf32>
        %parallel_loop3A_494 = arith.constant 1 : i32
        %parallel_loop3A_495 = arith.constant 0 : i32
        %parallel_loop3A_496 = arith.index_cast %parallel_loop3A_106 : i32 to index
        %parallel_loop3A_497 = arith.index_cast %parallel_loop3A_494 : i32 to index
        %parallel_loop3A_498 = arith.index_cast %parallel_loop3A_495 : i32 to index
        %parallel_loop3A_499 = arith.constant 16 : index
        %parallel_loop3A_500 = tpu.vector_load %arg7[%parallel_loop3A_496, %parallel_loop3A_497, %parallel_loop3A_498, %parallel_loop3A_499] {strides = array<i32>} : memref<32x3x2x128xf32, #tpu.memory_space<vmem>>, vector<1x1x1x16xf32>,
        %parallel_loop3A_501 = vector.shape_cast %parallel_loop3A_500 : vector<1x1x1x16xf32> to vector<16xf32>
        %parallel_loop3A_502 = vector.shape_cast %parallel_loop3A_493 : vector<16xf32> to vector<1x1x1x16xf32>
        tpu.vector_store %arg7[%parallel_loop3A_496, %parallel_loop3A_497, %parallel_loop3A_498, %parallel_loop3A_499], %parallel_loop3A_502 {strides = array<i32>} : memref<32x3x2x128xf32, #tpu.memory_space<vmem>>, vector<1x1x1x16xf32>,
        %parallel_loop3A_503 = arith.constant 2 : i32
        %parallel_loop3A_504 = arith.index_cast %parallel_loop3A_503 : i32 to index
        %parallel_loop3A_505 = arith.index_cast %parallel_loop3A_106 : i32 to index
        %parallel_loop3A_506 = arith.constant 32 : index
        %parallel_loop3A_507 = tpu.vector_load %arg5[%parallel_loop3A_504, %parallel_loop3A_505, %parallel_loop3A_506] {strides = array<i32>} : memref<7x32x128xf32, #tpu.memory_space<vmem>>, vector<1x1x16xf32>,
        %parallel_loop3A_508 = vector.shape_cast %parallel_loop3A_507 : vector<1x1x16xf32> to vector<16xf32>
        %parallel_loop3A_509 = arith.constant 3 : i32
        %parallel_loop3A_510 = arith.index_cast %parallel_loop3A_509 : i32 to index
        %parallel_loop3A_511 = arith.index_cast %parallel_loop3A_106 : i32 to index
        %parallel_loop3A_512 = arith.constant 32 : index
        %parallel_loop3A_513 = tpu.vector_load %arg5[%parallel_loop3A_510, %parallel_loop3A_511, %parallel_loop3A_512] {strides = array<i32>} : memref<7x32x128xf32, #tpu.memory_space<vmem>>, vector<1x1x16xf32>,
        %parallel_loop3A_514 = vector.shape_cast %parallel_loop3A_513 : vector<1x1x16xf32> to vector<16xf32>
        %parallel_loop3A_515 = arith.addf %parallel_loop3A_508, %parallel_loop3A_514 : vector<16xf32>
        %parallel_loop3A_516 = arith.constant 1 : i32
        %parallel_loop3A_517 = arith.constant 0 : i32
        %parallel_loop3A_518 = arith.index_cast %parallel_loop3A_106 : i32 to index
        %parallel_loop3A_519 = arith.index_cast %parallel_loop3A_516 : i32 to index
        %parallel_loop3A_520 = arith.index_cast %parallel_loop3A_517 : i32 to index
        %parallel_loop3A_521 = arith.constant 32 : index
        %parallel_loop3A_522 = tpu.vector_load %arg7[%parallel_loop3A_518, %parallel_loop3A_519, %parallel_loop3A_520, %parallel_loop3A_521] {strides = array<i32>} : memref<32x3x2x128xf32, #tpu.memory_space<vmem>>, vector<1x1x1x16xf32>,
        %parallel_loop3A_523 = vector.shape_cast %parallel_loop3A_522 : vector<1x1x1x16xf32> to vector<16xf32>
        %parallel_loop3A_524 = vector.shape_cast %parallel_loop3A_515 : vector<16xf32> to vector<1x1x1x16xf32>
        tpu.vector_store %arg7[%parallel_loop3A_518, %parallel_loop3A_519, %parallel_loop3A_520, %parallel_loop3A_521], %parallel_loop3A_524 {strides = array<i32>} : memref<32x3x2x128xf32, #tpu.memory_space<vmem>>, vector<1x1x1x16xf32>,
        %parallel_loop3A_525 = arith.constant 2 : i32
        %parallel_loop3A_526 = arith.index_cast %parallel_loop3A_525 : i32 to index
        %parallel_loop3A_527 = arith.index_cast %parallel_loop3A_106 : i32 to index
        %parallel_loop3A_528 = arith.constant 48 : index
        %parallel_loop3A_529 = tpu.vector_load %arg5[%parallel_loop3A_526, %parallel_loop3A_527, %parallel_loop3A_528] {strides = array<i32>} : memref<7x32x128xf32, #tpu.memory_space<vmem>>, vector<1x1x16xf32>,
        %parallel_loop3A_530 = vector.shape_cast %parallel_loop3A_529 : vector<1x1x16xf32> to vector<16xf32>
        %parallel_loop3A_531 = arith.constant 3 : i32
        %parallel_loop3A_532 = arith.index_cast %parallel_loop3A_531 : i32 to index
        %parallel_loop3A_533 = arith.index_cast %parallel_loop3A_106 : i32 to index
        %parallel_loop3A_534 = arith.constant 48 : index
        %parallel_loop3A_535 = tpu.vector_load %arg5[%parallel_loop3A_532, %parallel_loop3A_533, %parallel_loop3A_534] {strides = array<i32>} : memref<7x32x128xf32, #tpu.memory_space<vmem>>, vector<1x1x16xf32>,
        %parallel_loop3A_536 = vector.shape_cast %parallel_loop3A_535 : vector<1x1x16xf32> to vector<16xf32>
        %parallel_loop3A_537 = arith.addf %parallel_loop3A_530, %parallel_loop3A_536 : vector<16xf32>
        %parallel_loop3A_538 = arith.constant 1 : i32
        %parallel_loop3A_539 = arith.constant 0 : i32
        %parallel_loop3A_540 = arith.index_cast %parallel_loop3A_106 : i32 to index
        %parallel_loop3A_541 = arith.index_cast %parallel_loop3A_538 : i32 to index
        %parallel_loop3A_542 = arith.index_cast %parallel_loop3A_539 : i32 to index
        %parallel_loop3A_543 = arith.constant 48 : index
        %parallel_loop3A_544 = tpu.vector_load %arg7[%parallel_loop3A_540, %parallel_loop3A_541, %parallel_loop3A_542, %parallel_loop3A_543] {strides = array<i32>} : memref<32x3x2x128xf32, #tpu.memory_space<vmem>>, vector<1x1x1x16xf32>,
        %parallel_loop3A_545 = vector.shape_cast %parallel_loop3A_544 : vector<1x1x1x16xf32> to vector<16xf32>
        %parallel_loop3A_546 = vector.shape_cast %parallel_loop3A_537 : vector<16xf32> to vector<1x1x1x16xf32>
        tpu.vector_store %arg7[%parallel_loop3A_540, %parallel_loop3A_541, %parallel_loop3A_542, %parallel_loop3A_543], %parallel_loop3A_546 {strides = array<i32>} : memref<32x3x2x128xf32, #tpu.memory_space<vmem>>, vector<1x1x1x16xf32>,
        %parallel_loop3A_547 = arith.constant 2 : i32
        %parallel_loop3A_548 = arith.index_cast %parallel_loop3A_547 : i32 to index
        %parallel_loop3A_549 = arith.index_cast %parallel_loop3A_106 : i32 to index
        %parallel_loop3A_550 = arith.constant 64 : index
        %parallel_loop3A_551 = tpu.vector_load %arg5[%parallel_loop3A_548, %parallel_loop3A_549, %parallel_loop3A_550] {strides = array<i32>} : memref<7x32x128xf32, #tpu.memory_space<vmem>>, vector<1x1x16xf32>,
        %parallel_loop3A_552 = vector.shape_cast %parallel_loop3A_551 : vector<1x1x16xf32> to vector<16xf32>
        %parallel_loop3A_553 = arith.constant 3 : i32
        %parallel_loop3A_554 = arith.index_cast %parallel_loop3A_553 : i32 to index
        %parallel_loop3A_555 = arith.index_cast %parallel_loop3A_106 : i32 to index
        %parallel_loop3A_556 = arith.constant 64 : index
        %parallel_loop3A_557 = tpu.vector_load %arg5[%parallel_loop3A_554, %parallel_loop3A_555, %parallel_loop3A_556] {strides = array<i32>} : memref<7x32x128xf32, #tpu.memory_space<vmem>>, vector<1x1x16xf32>,
        %parallel_loop3A_558 = vector.shape_cast %parallel_loop3A_557 : vector<1x1x16xf32> to vector<16xf32>
        %parallel_loop3A_559 = arith.addf %parallel_loop3A_552, %parallel_loop3A_558 : vector<16xf32>
        %parallel_loop3A_560 = arith.constant 1 : i32
        %parallel_loop3A_561 = arith.constant 0 : i32
        %parallel_loop3A_562 = arith.index_cast %parallel_loop3A_106 : i32 to index
        %parallel_loop3A_563 = arith.index_cast %parallel_loop3A_560 : i32 to index
        %parallel_loop3A_564 = arith.index_cast %parallel_loop3A_561 : i32 to index
        %parallel_loop3A_565 = arith.constant 64 : index
        %parallel_loop3A_566 = tpu.vector_load %arg7[%parallel_loop3A_562, %parallel_loop3A_563, %parallel_loop3A_564, %parallel_loop3A_565] {strides = array<i32>} : memref<32x3x2x128xf32, #tpu.memory_space<vmem>>, vector<1x1x1x16xf32>,
        %parallel_loop3A_567 = vector.shape_cast %parallel_loop3A_566 : vector<1x1x1x16xf32> to vector<16xf32>
        %parallel_loop3A_568 = vector.shape_cast %parallel_loop3A_559 : vector<16xf32> to vector<1x1x1x16xf32>
        tpu.vector_store %arg7[%parallel_loop3A_562, %parallel_loop3A_563, %parallel_loop3A_564, %parallel_loop3A_565], %parallel_loop3A_568 {strides = array<i32>} : memref<32x3x2x128xf32, #tpu.memory_space<vmem>>, vector<1x1x1x16xf32>,
        %parallel_loop3A_569 = arith.constant 2 : i32
        %parallel_loop3A_570 = arith.index_cast %parallel_loop3A_569 : i32 to index
        %parallel_loop3A_571 = arith.index_cast %parallel_loop3A_106 : i32 to index
        %parallel_loop3A_572 = arith.constant 80 : index
        %parallel_loop3A_573 = tpu.vector_load %arg5[%parallel_loop3A_570, %parallel_loop3A_571, %parallel_loop3A_572] {strides = array<i32>} : memref<7x32x128xf32, #tpu.memory_space<vmem>>, vector<1x1x16xf32>,
        %parallel_loop3A_574 = vector.shape_cast %parallel_loop3A_573 : vector<1x1x16xf32> to vector<16xf32>
        %parallel_loop3A_575 = arith.constant 3 : i32
        %parallel_loop3A_576 = arith.index_cast %parallel_loop3A_575 : i32 to index
        %parallel_loop3A_577 = arith.index_cast %parallel_loop3A_106 : i32 to index
        %parallel_loop3A_578 = arith.constant 80 : index
        %parallel_loop3A_579 = tpu.vector_load %arg5[%parallel_loop3A_576, %parallel_loop3A_577, %parallel_loop3A_578] {strides = array<i32>} : memref<7x32x128xf32, #tpu.memory_space<vmem>>, vector<1x1x16xf32>,
        %parallel_loop3A_580 = vector.shape_cast %parallel_loop3A_579 : vector<1x1x16xf32> to vector<16xf32>
        %parallel_loop3A_581 = arith.addf %parallel_loop3A_574, %parallel_loop3A_580 : vector<16xf32>
        %parallel_loop3A_582 = arith.constant 1 : i32
        %parallel_loop3A_583 = arith.constant 0 : i32
        %parallel_loop3A_584 = arith.index_cast %parallel_loop3A_106 : i32 to index
        %parallel_loop3A_585 = arith.index_cast %parallel_loop3A_582 : i32 to index
        %parallel_loop3A_586 = arith.index_cast %parallel_loop3A_583 : i32 to index
        %parallel_loop3A_587 = arith.constant 80 : index
        %parallel_loop3A_588 = tpu.vector_load %arg7[%parallel_loop3A_584, %parallel_loop3A_585, %parallel_loop3A_586, %parallel_loop3A_587] {strides = array<i32>} : memref<32x3x2x128xf32, #tpu.memory_space<vmem>>, vector<1x1x1x16xf32>,
        %parallel_loop3A_589 = vector.shape_cast %parallel_loop3A_588 : vector<1x1x1x16xf32> to vector<16xf32>
        %parallel_loop3A_590 = vector.shape_cast %parallel_loop3A_581 : vector<16xf32> to vector<1x1x1x16xf32>
        tpu.vector_store %arg7[%parallel_loop3A_584, %parallel_loop3A_585, %parallel_loop3A_586, %parallel_loop3A_587], %parallel_loop3A_590 {strides = array<i32>} : memref<32x3x2x128xf32, #tpu.memory_space<vmem>>, vector<1x1x1x16xf32>,
        %parallel_loop3A_591 = arith.constant 2 : i32
        %parallel_loop3A_592 = arith.index_cast %parallel_loop3A_591 : i32 to index
        %parallel_loop3A_593 = arith.index_cast %parallel_loop3A_106 : i32 to index
        %parallel_loop3A_594 = arith.constant 96 : index
        %parallel_loop3A_595 = tpu.vector_load %arg5[%parallel_loop3A_592, %parallel_loop3A_593, %parallel_loop3A_594] {strides = array<i32>} : memref<7x32x128xf32, #tpu.memory_space<vmem>>, vector<1x1x16xf32>,
        %parallel_loop3A_596 = vector.shape_cast %parallel_loop3A_595 : vector<1x1x16xf32> to vector<16xf32>
        %parallel_loop3A_597 = arith.constant 3 : i32
        %parallel_loop3A_598 = arith.index_cast %parallel_loop3A_597 : i32 to index
        %parallel_loop3A_599 = arith.index_cast %parallel_loop3A_106 : i32 to index
        %parallel_loop3A_600 = arith.constant 96 : index
        %parallel_loop3A_601 = tpu.vector_load %arg5[%parallel_loop3A_598, %parallel_loop3A_599, %parallel_loop3A_600] {strides = array<i32>} : memref<7x32x128xf32, #tpu.memory_space<vmem>>, vector<1x1x16xf32>,
        %parallel_loop3A_602 = vector.shape_cast %parallel_loop3A_601 : vector<1x1x16xf32> to vector<16xf32>
        %parallel_loop3A_603 = arith.addf %parallel_loop3A_596, %parallel_loop3A_602 : vector<16xf32>
        %parallel_loop3A_604 = arith.constant 1 : i32
        %parallel_loop3A_605 = arith.constant 0 : i32
        %parallel_loop3A_606 = arith.index_cast %parallel_loop3A_106 : i32 to index
        %parallel_loop3A_607 = arith.index_cast %parallel_loop3A_604 : i32 to index
        %parallel_loop3A_608 = arith.index_cast %parallel_loop3A_605 : i32 to index
        %parallel_loop3A_609 = arith.constant 96 : index
        %parallel_loop3A_610 = tpu.vector_load %arg7[%parallel_loop3A_606, %parallel_loop3A_607, %parallel_loop3A_608, %parallel_loop3A_609] {strides = array<i32>} : memref<32x3x2x128xf32, #tpu.memory_space<vmem>>, vector<1x1x1x16xf32>,
        %parallel_loop3A_611 = vector.shape_cast %parallel_loop3A_610 : vector<1x1x1x16xf32> to vector<16xf32>
        %parallel_loop3A_612 = vector.shape_cast %parallel_loop3A_603 : vector<16xf32> to vector<1x1x1x16xf32>
        tpu.vector_store %arg7[%parallel_loop3A_606, %parallel_loop3A_607, %parallel_loop3A_608, %parallel_loop3A_609], %parallel_loop3A_612 {strides = array<i32>} : memref<32x3x2x128xf32, #tpu.memory_space<vmem>>, vector<1x1x1x16xf32>,
        %parallel_loop3A_613 = arith.constant 2 : i32
        %parallel_loop3A_614 = arith.index_cast %parallel_loop3A_613 : i32 to index
        %parallel_loop3A_615 = arith.index_cast %parallel_loop3A_106 : i32 to index
        %parallel_loop3A_616 = arith.constant 112 : index
        %parallel_loop3A_617 = tpu.vector_load %arg5[%parallel_loop3A_614, %parallel_loop3A_615, %parallel_loop3A_616] {strides = array<i32>} : memref<7x32x128xf32, #tpu.memory_space<vmem>>, vector<1x1x16xf32>,
        %parallel_loop3A_618 = vector.shape_cast %parallel_loop3A_617 : vector<1x1x16xf32> to vector<16xf32>
        %parallel_loop3A_619 = arith.constant 3 : i32
        %parallel_loop3A_620 = arith.index_cast %parallel_loop3A_619 : i32 to index
        %parallel_loop3A_621 = arith.index_cast %parallel_loop3A_106 : i32 to index
        %parallel_loop3A_622 = arith.constant 112 : index
        %parallel_loop3A_623 = tpu.vector_load %arg5[%parallel_loop3A_620, %parallel_loop3A_621, %parallel_loop3A_622] {strides = array<i32>} : memref<7x32x128xf32, #tpu.memory_space<vmem>>, vector<1x1x16xf32>,
        %parallel_loop3A_624 = vector.shape_cast %parallel_loop3A_623 : vector<1x1x16xf32> to vector<16xf32>
        %parallel_loop3A_625 = arith.addf %parallel_loop3A_618, %parallel_loop3A_624 : vector<16xf32>
        %parallel_loop3A_626 = arith.constant 1 : i32
        %parallel_loop3A_627 = arith.constant 0 : i32
        %parallel_loop3A_628 = arith.index_cast %parallel_loop3A_106 : i32 to index
        %parallel_loop3A_629 = arith.index_cast %parallel_loop3A_626 : i32 to index
        %parallel_loop3A_630 = arith.index_cast %parallel_loop3A_627 : i32 to index
        %parallel_loop3A_631 = arith.constant 112 : index
        %parallel_loop3A_632 = tpu.vector_load %arg7[%parallel_loop3A_628, %parallel_loop3A_629, %parallel_loop3A_630, %parallel_loop3A_631] {strides = array<i32>} : memref<32x3x2x128xf32, #tpu.memory_space<vmem>>, vector<1x1x1x16xf32>,
        %parallel_loop3A_633 = vector.shape_cast %parallel_loop3A_632 : vector<1x1x1x16xf32> to vector<16xf32>
        %parallel_loop3A_634 = vector.shape_cast %parallel_loop3A_625 : vector<16xf32> to vector<1x1x1x16xf32>
        tpu.vector_store %arg7[%parallel_loop3A_628, %parallel_loop3A_629, %parallel_loop3A_630, %parallel_loop3A_631], %parallel_loop3A_634 {strides = array<i32>} : memref<32x3x2x128xf32, #tpu.memory_space<vmem>>, vector<1x1x1x16xf32>,
        %parallel_loop3A_635 = arith.constant 3 : i32
        %parallel_loop3A_636 = arith.index_cast %parallel_loop3A_635 : i32 to index
        %parallel_loop3A_637 = arith.index_cast %parallel_loop3A_106 : i32 to index
        %parallel_loop3A_638 = arith.constant 0 : index
        %parallel_loop3A_639 = tpu.vector_load %arg5[%parallel_loop3A_636, %parallel_loop3A_637, %parallel_loop3A_638] {strides = array<i32>} : memref<7x32x128xf32, #tpu.memory_space<vmem>>, vector<1x1x16xf32>,
        %parallel_loop3A_640 = vector.shape_cast %parallel_loop3A_639 : vector<1x1x16xf32> to vector<16xf32>
        %parallel_loop3A_641 = arith.constant 4 : i32
        %parallel_loop3A_642 = arith.index_cast %parallel_loop3A_641 : i32 to index
        %parallel_loop3A_643 = arith.index_cast %parallel_loop3A_106 : i32 to index
        %parallel_loop3A_644 = arith.constant 0 : index
        %parallel_loop3A_645 = tpu.vector_load %arg5[%parallel_loop3A_642, %parallel_loop3A_643, %parallel_loop3A_644] {strides = array<i32>} : memref<7x32x128xf32, #tpu.memory_space<vmem>>, vector<1x1x16xf32>,
        %parallel_loop3A_646 = vector.shape_cast %parallel_loop3A_645 : vector<1x1x16xf32> to vector<16xf32>
        %parallel_loop3A_647 = arith.addf %parallel_loop3A_640, %parallel_loop3A_646 : vector<16xf32>
        %parallel_loop3A_648 = arith.constant 1 : i32
        %parallel_loop3A_649 = arith.constant 1 : i32
        %parallel_loop3A_650 = arith.index_cast %parallel_loop3A_106 : i32 to index
        %parallel_loop3A_651 = arith.index_cast %parallel_loop3A_648 : i32 to index
        %parallel_loop3A_652 = arith.index_cast %parallel_loop3A_649 : i32 to index
        %parallel_loop3A_653 = arith.constant 0 : index
        %parallel_loop3A_654 = tpu.vector_load %arg7[%parallel_loop3A_650, %parallel_loop3A_651, %parallel_loop3A_652, %parallel_loop3A_653] {strides = array<i32>} : memref<32x3x2x128xf32, #tpu.memory_space<vmem>>, vector<1x1x1x16xf32>,
        %parallel_loop3A_655 = vector.shape_cast %parallel_loop3A_654 : vector<1x1x1x16xf32> to vector<16xf32>
        %parallel_loop3A_656 = vector.shape_cast %parallel_loop3A_647 : vector<16xf32> to vector<1x1x1x16xf32>
        tpu.vector_store %arg7[%parallel_loop3A_650, %parallel_loop3A_651, %parallel_loop3A_652, %parallel_loop3A_653], %parallel_loop3A_656 {strides = array<i32>} : memref<32x3x2x128xf32, #tpu.memory_space<vmem>>, vector<1x1x1x16xf32>,
        %parallel_loop3A_657 = arith.constant 3 : i32
        %parallel_loop3A_658 = arith.index_cast %parallel_loop3A_657 : i32 to index
        %parallel_loop3A_659 = arith.index_cast %parallel_loop3A_106 : i32 to index
        %parallel_loop3A_660 = arith.constant 16 : index
        %parallel_loop3A_661 = tpu.vector_load %arg5[%parallel_loop3A_658, %parallel_loop3A_659, %parallel_loop3A_660] {strides = array<i32>} : memref<7x32x128xf32, #tpu.memory_space<vmem>>, vector<1x1x16xf32>,
        %parallel_loop3A_662 = vector.shape_cast %parallel_loop3A_661 : vector<1x1x16xf32> to vector<16xf32>
        %parallel_loop3A_663 = arith.constant 4 : i32
        %parallel_loop3A_664 = arith.index_cast %parallel_loop3A_663 : i32 to index
        %parallel_loop3A_665 = arith.index_cast %parallel_loop3A_106 : i32 to index
        %parallel_loop3A_666 = arith.constant 16 : index
        %parallel_loop3A_667 = tpu.vector_load %arg5[%parallel_loop3A_664, %parallel_loop3A_665, %parallel_loop3A_666] {strides = array<i32>} : memref<7x32x128xf32, #tpu.memory_space<vmem>>, vector<1x1x16xf32>,
        %parallel_loop3A_668 = vector.shape_cast %parallel_loop3A_667 : vector<1x1x16xf32> to vector<16xf32>
        %parallel_loop3A_669 = arith.addf %parallel_loop3A_662, %parallel_loop3A_668 : vector<16xf32>
        %parallel_loop3A_670 = arith.constant 1 : i32
        %parallel_loop3A_671 = arith.constant 1 : i32
        %parallel_loop3A_672 = arith.index_cast %parallel_loop3A_106 : i32 to index
        %parallel_loop3A_673 = arith.index_cast %parallel_loop3A_670 : i32 to index
        %parallel_loop3A_674 = arith.index_cast %parallel_loop3A_671 : i32 to index
        %parallel_loop3A_675 = arith.constant 16 : index
        %parallel_loop3A_676 = tpu.vector_load %arg7[%parallel_loop3A_672, %parallel_loop3A_673, %parallel_loop3A_674, %parallel_loop3A_675] {strides = array<i32>} : memref<32x3x2x128xf32, #tpu.memory_space<vmem>>, vector<1x1x1x16xf32>,
        %parallel_loop3A_677 = vector.shape_cast %parallel_loop3A_676 : vector<1x1x1x16xf32> to vector<16xf32>
        %parallel_loop3A_678 = vector.shape_cast %parallel_loop3A_669 : vector<16xf32> to vector<1x1x1x16xf32>
        tpu.vector_store %arg7[%parallel_loop3A_672, %parallel_loop3A_673, %parallel_loop3A_674, %parallel_loop3A_675], %parallel_loop3A_678 {strides = array<i32>} : memref<32x3x2x128xf32, #tpu.memory_space<vmem>>, vector<1x1x1x16xf32>,
        %parallel_loop3A_679 = arith.constant 3 : i32
        %parallel_loop3A_680 = arith.index_cast %parallel_loop3A_679 : i32 to index
        %parallel_loop3A_681 = arith.index_cast %parallel_loop3A_106 : i32 to index
        %parallel_loop3A_682 = arith.constant 32 : index
        %parallel_loop3A_683 = tpu.vector_load %arg5[%parallel_loop3A_680, %parallel_loop3A_681, %parallel_loop3A_682] {strides = array<i32>} : memref<7x32x128xf32, #tpu.memory_space<vmem>>, vector<1x1x16xf32>,
        %parallel_loop3A_684 = vector.shape_cast %parallel_loop3A_683 : vector<1x1x16xf32> to vector<16xf32>
        %parallel_loop3A_685 = arith.constant 4 : i32
        %parallel_loop3A_686 = arith.index_cast %parallel_loop3A_685 : i32 to index
        %parallel_loop3A_687 = arith.index_cast %parallel_loop3A_106 : i32 to index
        %parallel_loop3A_688 = arith.constant 32 : index
        %parallel_loop3A_689 = tpu.vector_load %arg5[%parallel_loop3A_686, %parallel_loop3A_687, %parallel_loop3A_688] {strides = array<i32>} : memref<7x32x128xf32, #tpu.memory_space<vmem>>, vector<1x1x16xf32>,
        %parallel_loop3A_690 = vector.shape_cast %parallel_loop3A_689 : vector<1x1x16xf32> to vector<16xf32>
        %parallel_loop3A_691 = arith.addf %parallel_loop3A_684, %parallel_loop3A_690 : vector<16xf32>
        %parallel_loop3A_692 = arith.constant 1 : i32
        %parallel_loop3A_693 = arith.constant 1 : i32
        %parallel_loop3A_694 = arith.index_cast %parallel_loop3A_106 : i32 to index
        %parallel_loop3A_695 = arith.index_cast %parallel_loop3A_692 : i32 to index
        %parallel_loop3A_696 = arith.index_cast %parallel_loop3A_693 : i32 to index
        %parallel_loop3A_697 = arith.constant 32 : index
        %parallel_loop3A_698 = tpu.vector_load %arg7[%parallel_loop3A_694, %parallel_loop3A_695, %parallel_loop3A_696, %parallel_loop3A_697] {strides = array<i32>} : memref<32x3x2x128xf32, #tpu.memory_space<vmem>>, vector<1x1x1x16xf32>,
        %parallel_loop3A_699 = vector.shape_cast %parallel_loop3A_698 : vector<1x1x1x16xf32> to vector<16xf32>
        %parallel_loop3A_700 = vector.shape_cast %parallel_loop3A_691 : vector<16xf32> to vector<1x1x1x16xf32>
        tpu.vector_store %arg7[%parallel_loop3A_694, %parallel_loop3A_695, %parallel_loop3A_696, %parallel_loop3A_697], %parallel_loop3A_700 {strides = array<i32>} : memref<32x3x2x128xf32, #tpu.memory_space<vmem>>, vector<1x1x1x16xf32>,
        %parallel_loop3A_701 = arith.constant 3 : i32
        %parallel_loop3A_702 = arith.index_cast %parallel_loop3A_701 : i32 to index
        %parallel_loop3A_703 = arith.index_cast %parallel_loop3A_106 : i32 to index
        %parallel_loop3A_704 = arith.constant 48 : index
        %parallel_loop3A_705 = tpu.vector_load %arg5[%parallel_loop3A_702, %parallel_loop3A_703, %parallel_loop3A_704] {strides = array<i32>} : memref<7x32x128xf32, #tpu.memory_space<vmem>>, vector<1x1x16xf32>,
        %parallel_loop3A_706 = vector.shape_cast %parallel_loop3A_705 : vector<1x1x16xf32> to vector<16xf32>
        %parallel_loop3A_707 = arith.constant 4 : i32
        %parallel_loop3A_708 = arith.index_cast %parallel_loop3A_707 : i32 to index
        %parallel_loop3A_709 = arith.index_cast %parallel_loop3A_106 : i32 to index
        %parallel_loop3A_710 = arith.constant 48 : index
        %parallel_loop3A_711 = tpu.vector_load %arg5[%parallel_loop3A_708, %parallel_loop3A_709, %parallel_loop3A_710] {strides = array<i32>} : memref<7x32x128xf32, #tpu.memory_space<vmem>>, vector<1x1x16xf32>,
        %parallel_loop3A_712 = vector.shape_cast %parallel_loop3A_711 : vector<1x1x16xf32> to vector<16xf32>
        %parallel_loop3A_713 = arith.addf %parallel_loop3A_706, %parallel_loop3A_712 : vector<16xf32>
        %parallel_loop3A_714 = arith.constant 1 : i32
        %parallel_loop3A_715 = arith.constant 1 : i32
        %parallel_loop3A_716 = arith.index_cast %parallel_loop3A_106 : i32 to index
        %parallel_loop3A_717 = arith.index_cast %parallel_loop3A_714 : i32 to index
        %parallel_loop3A_718 = arith.index_cast %parallel_loop3A_715 : i32 to index
        %parallel_loop3A_719 = arith.constant 48 : index
        %parallel_loop3A_720 = tpu.vector_load %arg7[%parallel_loop3A_716, %parallel_loop3A_717, %parallel_loop3A_718, %parallel_loop3A_719] {strides = array<i32>} : memref<32x3x2x128xf32, #tpu.memory_space<vmem>>, vector<1x1x1x16xf32>,
        %parallel_loop3A_721 = vector.shape_cast %parallel_loop3A_720 : vector<1x1x1x16xf32> to vector<16xf32>
        %parallel_loop3A_722 = vector.shape_cast %parallel_loop3A_713 : vector<16xf32> to vector<1x1x1x16xf32>
        tpu.vector_store %arg7[%parallel_loop3A_716, %parallel_loop3A_717, %parallel_loop3A_718, %parallel_loop3A_719], %parallel_loop3A_722 {strides = array<i32>} : memref<32x3x2x128xf32, #tpu.memory_space<vmem>>, vector<1x1x1x16xf32>,
        %parallel_loop3A_723 = arith.constant 3 : i32
        %parallel_loop3A_724 = arith.index_cast %parallel_loop3A_723 : i32 to index
        %parallel_loop3A_725 = arith.index_cast %parallel_loop3A_106 : i32 to index
        %parallel_loop3A_726 = arith.constant 64 : index
        %parallel_loop3A_727 = tpu.vector_load %arg5[%parallel_loop3A_724, %parallel_loop3A_725, %parallel_loop3A_726] {strides = array<i32>} : memref<7x32x128xf32, #tpu.memory_space<vmem>>, vector<1x1x16xf32>,
        %parallel_loop3A_728 = vector.shape_cast %parallel_loop3A_727 : vector<1x1x16xf32> to vector<16xf32>
        %parallel_loop3A_729 = arith.constant 4 : i32
        %parallel_loop3A_730 = arith.index_cast %parallel_loop3A_729 : i32 to index
        %parallel_loop3A_731 = arith.index_cast %parallel_loop3A_106 : i32 to index
        %parallel_loop3A_732 = arith.constant 64 : index
        %parallel_loop3A_733 = tpu.vector_load %arg5[%parallel_loop3A_730, %parallel_loop3A_731, %parallel_loop3A_732] {strides = array<i32>} : memref<7x32x128xf32, #tpu.memory_space<vmem>>, vector<1x1x16xf32>,
        %parallel_loop3A_734 = vector.shape_cast %parallel_loop3A_733 : vector<1x1x16xf32> to vector<16xf32>
        %parallel_loop3A_735 = arith.addf %parallel_loop3A_728, %parallel_loop3A_734 : vector<16xf32>
        %parallel_loop3A_736 = arith.constant 1 : i32
        %parallel_loop3A_737 = arith.constant 1 : i32
        %parallel_loop3A_738 = arith.index_cast %parallel_loop3A_106 : i32 to index
        %parallel_loop3A_739 = arith.index_cast %parallel_loop3A_736 : i32 to index
        %parallel_loop3A_740 = arith.index_cast %parallel_loop3A_737 : i32 to index
        %parallel_loop3A_741 = arith.constant 64 : index
        %parallel_loop3A_742 = tpu.vector_load %arg7[%parallel_loop3A_738, %parallel_loop3A_739, %parallel_loop3A_740, %parallel_loop3A_741] {strides = array<i32>} : memref<32x3x2x128xf32, #tpu.memory_space<vmem>>, vector<1x1x1x16xf32>,
        %parallel_loop3A_743 = vector.shape_cast %parallel_loop3A_742 : vector<1x1x1x16xf32> to vector<16xf32>
        %parallel_loop3A_744 = vector.shape_cast %parallel_loop3A_735 : vector<16xf32> to vector<1x1x1x16xf32>
        tpu.vector_store %arg7[%parallel_loop3A_738, %parallel_loop3A_739, %parallel_loop3A_740, %parallel_loop3A_741], %parallel_loop3A_744 {strides = array<i32>} : memref<32x3x2x128xf32, #tpu.memory_space<vmem>>, vector<1x1x1x16xf32>,
        %parallel_loop3A_745 = arith.constant 3 : i32
        %parallel_loop3A_746 = arith.index_cast %parallel_loop3A_745 : i32 to index
        %parallel_loop3A_747 = arith.index_cast %parallel_loop3A_106 : i32 to index
        %parallel_loop3A_748 = arith.constant 80 : index
        %parallel_loop3A_749 = tpu.vector_load %arg5[%parallel_loop3A_746, %parallel_loop3A_747, %parallel_loop3A_748] {strides = array<i32>} : memref<7x32x128xf32, #tpu.memory_space<vmem>>, vector<1x1x16xf32>,
        %parallel_loop3A_750 = vector.shape_cast %parallel_loop3A_749 : vector<1x1x16xf32> to vector<16xf32>
        %parallel_loop3A_751 = arith.constant 4 : i32
        %parallel_loop3A_752 = arith.index_cast %parallel_loop3A_751 : i32 to index
        %parallel_loop3A_753 = arith.index_cast %parallel_loop3A_106 : i32 to index
        %parallel_loop3A_754 = arith.constant 80 : index
        %parallel_loop3A_755 = tpu.vector_load %arg5[%parallel_loop3A_752, %parallel_loop3A_753, %parallel_loop3A_754] {strides = array<i32>} : memref<7x32x128xf32, #tpu.memory_space<vmem>>, vector<1x1x16xf32>,
        %parallel_loop3A_756 = vector.shape_cast %parallel_loop3A_755 : vector<1x1x16xf32> to vector<16xf32>
        %parallel_loop3A_757 = arith.addf %parallel_loop3A_750, %parallel_loop3A_756 : vector<16xf32>
        %parallel_loop3A_758 = arith.constant 1 : i32
        %parallel_loop3A_759 = arith.constant 1 : i32
        %parallel_loop3A_760 = arith.index_cast %parallel_loop3A_106 : i32 to index
        %parallel_loop3A_761 = arith.index_cast %parallel_loop3A_758 : i32 to index
        %parallel_loop3A_762 = arith.index_cast %parallel_loop3A_759 : i32 to index
        %parallel_loop3A_763 = arith.constant 80 : index
        %parallel_loop3A_764 = tpu.vector_load %arg7[%parallel_loop3A_760, %parallel_loop3A_761, %parallel_loop3A_762, %parallel_loop3A_763] {strides = array<i32>} : memref<32x3x2x128xf32, #tpu.memory_space<vmem>>, vector<1x1x1x16xf32>,
        %parallel_loop3A_765 = vector.shape_cast %parallel_loop3A_764 : vector<1x1x1x16xf32> to vector<16xf32>
        %parallel_loop3A_766 = vector.shape_cast %parallel_loop3A_757 : vector<16xf32> to vector<1x1x1x16xf32>
        tpu.vector_store %arg7[%parallel_loop3A_760, %parallel_loop3A_761, %parallel_loop3A_762, %parallel_loop3A_763], %parallel_loop3A_766 {strides = array<i32>} : memref<32x3x2x128xf32, #tpu.memory_space<vmem>>, vector<1x1x1x16xf32>,
        %parallel_loop3A_767 = arith.constant 3 : i32
        %parallel_loop3A_768 = arith.index_cast %parallel_loop3A_767 : i32 to index
        %parallel_loop3A_769 = arith.index_cast %parallel_loop3A_106 : i32 to index
        %parallel_loop3A_770 = arith.constant 96 : index
        %parallel_loop3A_771 = tpu.vector_load %arg5[%parallel_loop3A_768, %parallel_loop3A_769, %parallel_loop3A_770] {strides = array<i32>} : memref<7x32x128xf32, #tpu.memory_space<vmem>>, vector<1x1x16xf32>,
        %parallel_loop3A_772 = vector.shape_cast %parallel_loop3A_771 : vector<1x1x16xf32> to vector<16xf32>
        %parallel_loop3A_773 = arith.constant 4 : i32
        %parallel_loop3A_774 = arith.index_cast %parallel_loop3A_773 : i32 to index
        %parallel_loop3A_775 = arith.index_cast %parallel_loop3A_106 : i32 to index
        %parallel_loop3A_776 = arith.constant 96 : index
        %parallel_loop3A_777 = tpu.vector_load %arg5[%parallel_loop3A_774, %parallel_loop3A_775, %parallel_loop3A_776] {strides = array<i32>} : memref<7x32x128xf32, #tpu.memory_space<vmem>>, vector<1x1x16xf32>,
        %parallel_loop3A_778 = vector.shape_cast %parallel_loop3A_777 : vector<1x1x16xf32> to vector<16xf32>
        %parallel_loop3A_779 = arith.addf %parallel_loop3A_772, %parallel_loop3A_778 : vector<16xf32>
        %parallel_loop3A_780 = arith.constant 1 : i32
        %parallel_loop3A_781 = arith.constant 1 : i32
        %parallel_loop3A_782 = arith.index_cast %parallel_loop3A_106 : i32 to index
        %parallel_loop3A_783 = arith.index_cast %parallel_loop3A_780 : i32 to index
        %parallel_loop3A_784 = arith.index_cast %parallel_loop3A_781 : i32 to index
        %parallel_loop3A_785 = arith.constant 96 : index
        %parallel_loop3A_786 = tpu.vector_load %arg7[%parallel_loop3A_782, %parallel_loop3A_783, %parallel_loop3A_784, %parallel_loop3A_785] {strides = array<i32>} : memref<32x3x2x128xf32, #tpu.memory_space<vmem>>, vector<1x1x1x16xf32>,
        %parallel_loop3A_787 = vector.shape_cast %parallel_loop3A_786 : vector<1x1x1x16xf32> to vector<16xf32>
        %parallel_loop3A_788 = vector.shape_cast %parallel_loop3A_779 : vector<16xf32> to vector<1x1x1x16xf32>
        tpu.vector_store %arg7[%parallel_loop3A_782, %parallel_loop3A_783, %parallel_loop3A_784, %parallel_loop3A_785], %parallel_loop3A_788 {strides = array<i32>} : memref<32x3x2x128xf32, #tpu.memory_space<vmem>>, vector<1x1x1x16xf32>,
        %parallel_loop3A_789 = arith.constant 3 : i32
        %parallel_loop3A_790 = arith.index_cast %parallel_loop3A_789 : i32 to index
        %parallel_loop3A_791 = arith.index_cast %parallel_loop3A_106 : i32 to index
        %parallel_loop3A_792 = arith.constant 112 : index
        %parallel_loop3A_793 = tpu.vector_load %arg5[%parallel_loop3A_790, %parallel_loop3A_791, %parallel_loop3A_792] {strides = array<i32>} : memref<7x32x128xf32, #tpu.memory_space<vmem>>, vector<1x1x16xf32>,
        %parallel_loop3A_794 = vector.shape_cast %parallel_loop3A_793 : vector<1x1x16xf32> to vector<16xf32>
        %parallel_loop3A_795 = arith.constant 4 : i32
        %parallel_loop3A_796 = arith.index_cast %parallel_loop3A_795 : i32 to index
        %parallel_loop3A_797 = arith.index_cast %parallel_loop3A_106 : i32 to index
        %parallel_loop3A_798 = arith.constant 112 : index
        %parallel_loop3A_799 = tpu.vector_load %arg5[%parallel_loop3A_796, %parallel_loop3A_797, %parallel_loop3A_798] {strides = array<i32>} : memref<7x32x128xf32, #tpu.memory_space<vmem>>, vector<1x1x16xf32>,
        %parallel_loop3A_800 = vector.shape_cast %parallel_loop3A_799 : vector<1x1x16xf32> to vector<16xf32>
        %parallel_loop3A_801 = arith.addf %parallel_loop3A_794, %parallel_loop3A_800 : vector<16xf32>
        %parallel_loop3A_802 = arith.constant 1 : i32
        %parallel_loop3A_803 = arith.constant 1 : i32
        %parallel_loop3A_804 = arith.index_cast %parallel_loop3A_106 : i32 to index
        %parallel_loop3A_805 = arith.index_cast %parallel_loop3A_802 : i32 to index
        %parallel_loop3A_806 = arith.index_cast %parallel_loop3A_803 : i32 to index
        %parallel_loop3A_807 = arith.constant 112 : index
        %parallel_loop3A_808 = tpu.vector_load %arg7[%parallel_loop3A_804, %parallel_loop3A_805, %parallel_loop3A_806, %parallel_loop3A_807] {strides = array<i32>} : memref<32x3x2x128xf32, #tpu.memory_space<vmem>>, vector<1x1x1x16xf32>,
        %parallel_loop3A_809 = vector.shape_cast %parallel_loop3A_808 : vector<1x1x1x16xf32> to vector<16xf32>
        %parallel_loop3A_810 = vector.shape_cast %parallel_loop3A_801 : vector<16xf32> to vector<1x1x1x16xf32>
        tpu.vector_store %arg7[%parallel_loop3A_804, %parallel_loop3A_805, %parallel_loop3A_806, %parallel_loop3A_807], %parallel_loop3A_810 {strides = array<i32>} : memref<32x3x2x128xf32, #tpu.memory_space<vmem>>, vector<1x1x1x16xf32>,
        %parallel_loop3A_811 = arith.constant 4 : i32
        %parallel_loop3A_812 = arith.index_cast %parallel_loop3A_811 : i32 to index
        %parallel_loop3A_813 = arith.index_cast %parallel_loop3A_106 : i32 to index
        %parallel_loop3A_814 = arith.constant 0 : index
        %parallel_loop3A_815 = tpu.vector_load %arg5[%parallel_loop3A_812, %parallel_loop3A_813, %parallel_loop3A_814] {strides = array<i32>} : memref<7x32x128xf32, #tpu.memory_space<vmem>>, vector<1x1x16xf32>,
        %parallel_loop3A_816 = vector.shape_cast %parallel_loop3A_815 : vector<1x1x16xf32> to vector<16xf32>
        %parallel_loop3A_817 = arith.constant 5 : i32
        %parallel_loop3A_818 = arith.index_cast %parallel_loop3A_817 : i32 to index
        %parallel_loop3A_819 = arith.index_cast %parallel_loop3A_106 : i32 to index
        %parallel_loop3A_820 = arith.constant 0 : index
        %parallel_loop3A_821 = tpu.vector_load %arg5[%parallel_loop3A_818, %parallel_loop3A_819, %parallel_loop3A_820] {strides = array<i32>} : memref<7x32x128xf32, #tpu.memory_space<vmem>>, vector<1x1x16xf32>,
        %parallel_loop3A_822 = vector.shape_cast %parallel_loop3A_821 : vector<1x1x16xf32> to vector<16xf32>
        %parallel_loop3A_823 = arith.addf %parallel_loop3A_816, %parallel_loop3A_822 : vector<16xf32>
        %parallel_loop3A_824 = arith.constant 2 : i32
        %parallel_loop3A_825 = arith.constant 0 : i32
        %parallel_loop3A_826 = arith.index_cast %parallel_loop3A_106 : i32 to index
        %parallel_loop3A_827 = arith.index_cast %parallel_loop3A_824 : i32 to index
        %parallel_loop3A_828 = arith.index_cast %parallel_loop3A_825 : i32 to index
        %parallel_loop3A_829 = arith.constant 0 : index
        %parallel_loop3A_830 = tpu.vector_load %arg7[%parallel_loop3A_826, %parallel_loop3A_827, %parallel_loop3A_828, %parallel_loop3A_829] {strides = array<i32>} : memref<32x3x2x128xf32, #tpu.memory_space<vmem>>, vector<1x1x1x16xf32>,
        %parallel_loop3A_831 = vector.shape_cast %parallel_loop3A_830 : vector<1x1x1x16xf32> to vector<16xf32>
        %parallel_loop3A_832 = vector.shape_cast %parallel_loop3A_823 : vector<16xf32> to vector<1x1x1x16xf32>
        tpu.vector_store %arg7[%parallel_loop3A_826, %parallel_loop3A_827, %parallel_loop3A_828, %parallel_loop3A_829], %parallel_loop3A_832 {strides = array<i32>} : memref<32x3x2x128xf32, #tpu.memory_space<vmem>>, vector<1x1x1x16xf32>,
        %parallel_loop3A_833 = arith.constant 4 : i32
        %parallel_loop3A_834 = arith.index_cast %parallel_loop3A_833 : i32 to index
        %parallel_loop3A_835 = arith.index_cast %parallel_loop3A_106 : i32 to index
        %parallel_loop3A_836 = arith.constant 16 : index
        %parallel_loop3A_837 = tpu.vector_load %arg5[%parallel_loop3A_834, %parallel_loop3A_835, %parallel_loop3A_836] {strides = array<i32>} : memref<7x32x128xf32, #tpu.memory_space<vmem>>, vector<1x1x16xf32>,
        %parallel_loop3A_838 = vector.shape_cast %parallel_loop3A_837 : vector<1x1x16xf32> to vector<16xf32>
        %parallel_loop3A_839 = arith.constant 5 : i32
        %parallel_loop3A_840 = arith.index_cast %parallel_loop3A_839 : i32 to index
        %parallel_loop3A_841 = arith.index_cast %parallel_loop3A_106 : i32 to index
        %parallel_loop3A_842 = arith.constant 16 : index
        %parallel_loop3A_843 = tpu.vector_load %arg5[%parallel_loop3A_840, %parallel_loop3A_841, %parallel_loop3A_842] {strides = array<i32>} : memref<7x32x128xf32, #tpu.memory_space<vmem>>, vector<1x1x16xf32>,
        %parallel_loop3A_844 = vector.shape_cast %parallel_loop3A_843 : vector<1x1x16xf32> to vector<16xf32>
        %parallel_loop3A_845 = arith.addf %parallel_loop3A_838, %parallel_loop3A_844 : vector<16xf32>
        %parallel_loop3A_846 = arith.constant 2 : i32
        %parallel_loop3A_847 = arith.constant 0 : i32
        %parallel_loop3A_848 = arith.index_cast %parallel_loop3A_106 : i32 to index
        %parallel_loop3A_849 = arith.index_cast %parallel_loop3A_846 : i32 to index
        %parallel_loop3A_850 = arith.index_cast %parallel_loop3A_847 : i32 to index
        %parallel_loop3A_851 = arith.constant 16 : index
        %parallel_loop3A_852 = tpu.vector_load %arg7[%parallel_loop3A_848, %parallel_loop3A_849, %parallel_loop3A_850, %parallel_loop3A_851] {strides = array<i32>} : memref<32x3x2x128xf32, #tpu.memory_space<vmem>>, vector<1x1x1x16xf32>,
        %parallel_loop3A_853 = vector.shape_cast %parallel_loop3A_852 : vector<1x1x1x16xf32> to vector<16xf32>
        %parallel_loop3A_854 = vector.shape_cast %parallel_loop3A_845 : vector<16xf32> to vector<1x1x1x16xf32>
        tpu.vector_store %arg7[%parallel_loop3A_848, %parallel_loop3A_849, %parallel_loop3A_850, %parallel_loop3A_851], %parallel_loop3A_854 {strides = array<i32>} : memref<32x3x2x128xf32, #tpu.memory_space<vmem>>, vector<1x1x1x16xf32>,
        %parallel_loop3A_855 = arith.constant 4 : i32
        %parallel_loop3A_856 = arith.index_cast %parallel_loop3A_855 : i32 to index
        %parallel_loop3A_857 = arith.index_cast %parallel_loop3A_106 : i32 to index
        %parallel_loop3A_858 = arith.constant 32 : index
        %parallel_loop3A_859 = tpu.vector_load %arg5[%parallel_loop3A_856, %parallel_loop3A_857, %parallel_loop3A_858] {strides = array<i32>} : memref<7x32x128xf32, #tpu.memory_space<vmem>>, vector<1x1x16xf32>,
        %parallel_loop3A_860 = vector.shape_cast %parallel_loop3A_859 : vector<1x1x16xf32> to vector<16xf32>
        %parallel_loop3A_861 = arith.constant 5 : i32
        %parallel_loop3A_862 = arith.index_cast %parallel_loop3A_861 : i32 to index
        %parallel_loop3A_863 = arith.index_cast %parallel_loop3A_106 : i32 to index
        %parallel_loop3A_864 = arith.constant 32 : index
        %parallel_loop3A_865 = tpu.vector_load %arg5[%parallel_loop3A_862, %parallel_loop3A_863, %parallel_loop3A_864] {strides = array<i32>} : memref<7x32x128xf32, #tpu.memory_space<vmem>>, vector<1x1x16xf32>,
        %parallel_loop3A_866 = vector.shape_cast %parallel_loop3A_865 : vector<1x1x16xf32> to vector<16xf32>
        %parallel_loop3A_867 = arith.addf %parallel_loop3A_860, %parallel_loop3A_866 : vector<16xf32>
        %parallel_loop3A_868 = arith.constant 2 : i32
        %parallel_loop3A_869 = arith.constant 0 : i32
        %parallel_loop3A_870 = arith.index_cast %parallel_loop3A_106 : i32 to index
        %parallel_loop3A_871 = arith.index_cast %parallel_loop3A_868 : i32 to index
        %parallel_loop3A_872 = arith.index_cast %parallel_loop3A_869 : i32 to index
        %parallel_loop3A_873 = arith.constant 32 : index
        %parallel_loop3A_874 = tpu.vector_load %arg7[%parallel_loop3A_870, %parallel_loop3A_871, %parallel_loop3A_872, %parallel_loop3A_873] {strides = array<i32>} : memref<32x3x2x128xf32, #tpu.memory_space<vmem>>, vector<1x1x1x16xf32>,
        %parallel_loop3A_875 = vector.shape_cast %parallel_loop3A_874 : vector<1x1x1x16xf32> to vector<16xf32>
        %parallel_loop3A_876 = vector.shape_cast %parallel_loop3A_867 : vector<16xf32> to vector<1x1x1x16xf32>
        tpu.vector_store %arg7[%parallel_loop3A_870, %parallel_loop3A_871, %parallel_loop3A_872, %parallel_loop3A_873], %parallel_loop3A_876 {strides = array<i32>} : memref<32x3x2x128xf32, #tpu.memory_space<vmem>>, vector<1x1x1x16xf32>,
        %parallel_loop3A_877 = arith.constant 4 : i32
        %parallel_loop3A_878 = arith.index_cast %parallel_loop3A_877 : i32 to index
        %parallel_loop3A_879 = arith.index_cast %parallel_loop3A_106 : i32 to index
        %parallel_loop3A_880 = arith.constant 48 : index
        %parallel_loop3A_881 = tpu.vector_load %arg5[%parallel_loop3A_878, %parallel_loop3A_879, %parallel_loop3A_880] {strides = array<i32>} : memref<7x32x128xf32, #tpu.memory_space<vmem>>, vector<1x1x16xf32>,
        %parallel_loop3A_882 = vector.shape_cast %parallel_loop3A_881 : vector<1x1x16xf32> to vector<16xf32>
        %parallel_loop3A_883 = arith.constant 5 : i32
        %parallel_loop3A_884 = arith.index_cast %parallel_loop3A_883 : i32 to index
        %parallel_loop3A_885 = arith.index_cast %parallel_loop3A_106 : i32 to index
        %parallel_loop3A_886 = arith.constant 48 : index
        %parallel_loop3A_887 = tpu.vector_load %arg5[%parallel_loop3A_884, %parallel_loop3A_885, %parallel_loop3A_886] {strides = array<i32>} : memref<7x32x128xf32, #tpu.memory_space<vmem>>, vector<1x1x16xf32>,
        %parallel_loop3A_888 = vector.shape_cast %parallel_loop3A_887 : vector<1x1x16xf32> to vector<16xf32>
        %parallel_loop3A_889 = arith.addf %parallel_loop3A_882, %parallel_loop3A_888 : vector<16xf32>
        %parallel_loop3A_890 = arith.constant 2 : i32
        %parallel_loop3A_891 = arith.constant 0 : i32
        %parallel_loop3A_892 = arith.index_cast %parallel_loop3A_106 : i32 to index
        %parallel_loop3A_893 = arith.index_cast %parallel_loop3A_890 : i32 to index
        %parallel_loop3A_894 = arith.index_cast %parallel_loop3A_891 : i32 to index
        %parallel_loop3A_895 = arith.constant 48 : index
        %parallel_loop3A_896 = tpu.vector_load %arg7[%parallel_loop3A_892, %parallel_loop3A_893, %parallel_loop3A_894, %parallel_loop3A_895] {strides = array<i32>} : memref<32x3x2x128xf32, #tpu.memory_space<vmem>>, vector<1x1x1x16xf32>,
        %parallel_loop3A_897 = vector.shape_cast %parallel_loop3A_896 : vector<1x1x1x16xf32> to vector<16xf32>
        %parallel_loop3A_898 = vector.shape_cast %parallel_loop3A_889 : vector<16xf32> to vector<1x1x1x16xf32>
        tpu.vector_store %arg7[%parallel_loop3A_892, %parallel_loop3A_893, %parallel_loop3A_894, %parallel_loop3A_895], %parallel_loop3A_898 {strides = array<i32>} : memref<32x3x2x128xf32, #tpu.memory_space<vmem>>, vector<1x1x1x16xf32>,
        %parallel_loop3A_899 = arith.constant 4 : i32
        %parallel_loop3A_900 = arith.index_cast %parallel_loop3A_899 : i32 to index
        %parallel_loop3A_901 = arith.index_cast %parallel_loop3A_106 : i32 to index
        %parallel_loop3A_902 = arith.constant 64 : index
        %parallel_loop3A_903 = tpu.vector_load %arg5[%parallel_loop3A_900, %parallel_loop3A_901, %parallel_loop3A_902] {strides = array<i32>} : memref<7x32x128xf32, #tpu.memory_space<vmem>>, vector<1x1x16xf32>,
        %parallel_loop3A_904 = vector.shape_cast %parallel_loop3A_903 : vector<1x1x16xf32> to vector<16xf32>
        %parallel_loop3A_905 = arith.constant 5 : i32
        %parallel_loop3A_906 = arith.index_cast %parallel_loop3A_905 : i32 to index
        %parallel_loop3A_907 = arith.index_cast %parallel_loop3A_106 : i32 to index
        %parallel_loop3A_908 = arith.constant 64 : index
        %parallel_loop3A_909 = tpu.vector_load %arg5[%parallel_loop3A_906, %parallel_loop3A_907, %parallel_loop3A_908] {strides = array<i32>} : memref<7x32x128xf32, #tpu.memory_space<vmem>>, vector<1x1x16xf32>,
        %parallel_loop3A_910 = vector.shape_cast %parallel_loop3A_909 : vector<1x1x16xf32> to vector<16xf32>
        %parallel_loop3A_911 = arith.addf %parallel_loop3A_904, %parallel_loop3A_910 : vector<16xf32>
        %parallel_loop3A_912 = arith.constant 2 : i32
        %parallel_loop3A_913 = arith.constant 0 : i32
        %parallel_loop3A_914 = arith.index_cast %parallel_loop3A_106 : i32 to index
        %parallel_loop3A_915 = arith.index_cast %parallel_loop3A_912 : i32 to index
        %parallel_loop3A_916 = arith.index_cast %parallel_loop3A_913 : i32 to index
        %parallel_loop3A_917 = arith.constant 64 : index
        %parallel_loop3A_918 = tpu.vector_load %arg7[%parallel_loop3A_914, %parallel_loop3A_915, %parallel_loop3A_916, %parallel_loop3A_917] {strides = array<i32>} : memref<32x3x2x128xf32, #tpu.memory_space<vmem>>, vector<1x1x1x16xf32>,
        %parallel_loop3A_919 = vector.shape_cast %parallel_loop3A_918 : vector<1x1x1x16xf32> to vector<16xf32>
        %parallel_loop3A_920 = vector.shape_cast %parallel_loop3A_911 : vector<16xf32> to vector<1x1x1x16xf32>
        tpu.vector_store %arg7[%parallel_loop3A_914, %parallel_loop3A_915, %parallel_loop3A_916, %parallel_loop3A_917], %parallel_loop3A_920 {strides = array<i32>} : memref<32x3x2x128xf32, #tpu.memory_space<vmem>>, vector<1x1x1x16xf32>,
        %parallel_loop3A_921 = arith.constant 4 : i32
        %parallel_loop3A_922 = arith.index_cast %parallel_loop3A_921 : i32 to index
        %parallel_loop3A_923 = arith.index_cast %parallel_loop3A_106 : i32 to index
        %parallel_loop3A_924 = arith.constant 80 : index
        %parallel_loop3A_925 = tpu.vector_load %arg5[%parallel_loop3A_922, %parallel_loop3A_923, %parallel_loop3A_924] {strides = array<i32>} : memref<7x32x128xf32, #tpu.memory_space<vmem>>, vector<1x1x16xf32>,
        %parallel_loop3A_926 = vector.shape_cast %parallel_loop3A_925 : vector<1x1x16xf32> to vector<16xf32>
        %parallel_loop3A_927 = arith.constant 5 : i32
        %parallel_loop3A_928 = arith.index_cast %parallel_loop3A_927 : i32 to index
        %parallel_loop3A_929 = arith.index_cast %parallel_loop3A_106 : i32 to index
        %parallel_loop3A_930 = arith.constant 80 : index
        %parallel_loop3A_931 = tpu.vector_load %arg5[%parallel_loop3A_928, %parallel_loop3A_929, %parallel_loop3A_930] {strides = array<i32>} : memref<7x32x128xf32, #tpu.memory_space<vmem>>, vector<1x1x16xf32>,
        %parallel_loop3A_932 = vector.shape_cast %parallel_loop3A_931 : vector<1x1x16xf32> to vector<16xf32>
        %parallel_loop3A_933 = arith.addf %parallel_loop3A_926, %parallel_loop3A_932 : vector<16xf32>
        %parallel_loop3A_934 = arith.constant 2 : i32
        %parallel_loop3A_935 = arith.constant 0 : i32
        %parallel_loop3A_936 = arith.index_cast %parallel_loop3A_106 : i32 to index
        %parallel_loop3A_937 = arith.index_cast %parallel_loop3A_934 : i32 to index
        %parallel_loop3A_938 = arith.index_cast %parallel_loop3A_935 : i32 to index
        %parallel_loop3A_939 = arith.constant 80 : index
        %parallel_loop3A_940 = tpu.vector_load %arg7[%parallel_loop3A_936, %parallel_loop3A_937, %parallel_loop3A_938, %parallel_loop3A_939] {strides = array<i32>} : memref<32x3x2x128xf32, #tpu.memory_space<vmem>>, vector<1x1x1x16xf32>,
        %parallel_loop3A_941 = vector.shape_cast %parallel_loop3A_940 : vector<1x1x1x16xf32> to vector<16xf32>
        %parallel_loop3A_942 = vector.shape_cast %parallel_loop3A_933 : vector<16xf32> to vector<1x1x1x16xf32>
        tpu.vector_store %arg7[%parallel_loop3A_936, %parallel_loop3A_937, %parallel_loop3A_938, %parallel_loop3A_939], %parallel_loop3A_942 {strides = array<i32>} : memref<32x3x2x128xf32, #tpu.memory_space<vmem>>, vector<1x1x1x16xf32>,
        %parallel_loop3A_943 = arith.constant 4 : i32
        %parallel_loop3A_944 = arith.index_cast %parallel_loop3A_943 : i32 to index
        %parallel_loop3A_945 = arith.index_cast %parallel_loop3A_106 : i32 to index
        %parallel_loop3A_946 = arith.constant 96 : index
        %parallel_loop3A_947 = tpu.vector_load %arg5[%parallel_loop3A_944, %parallel_loop3A_945, %parallel_loop3A_946] {strides = array<i32>} : memref<7x32x128xf32, #tpu.memory_space<vmem>>, vector<1x1x16xf32>,
        %parallel_loop3A_948 = vector.shape_cast %parallel_loop3A_947 : vector<1x1x16xf32> to vector<16xf32>
        %parallel_loop3A_949 = arith.constant 5 : i32
        %parallel_loop3A_950 = arith.index_cast %parallel_loop3A_949 : i32 to index
        %parallel_loop3A_951 = arith.index_cast %parallel_loop3A_106 : i32 to index
        %parallel_loop3A_952 = arith.constant 96 : index
        %parallel_loop3A_953 = tpu.vector_load %arg5[%parallel_loop3A_950, %parallel_loop3A_951, %parallel_loop3A_952] {strides = array<i32>} : memref<7x32x128xf32, #tpu.memory_space<vmem>>, vector<1x1x16xf32>,
        %parallel_loop3A_954 = vector.shape_cast %parallel_loop3A_953 : vector<1x1x16xf32> to vector<16xf32>
        %parallel_loop3A_955 = arith.addf %parallel_loop3A_948, %parallel_loop3A_954 : vector<16xf32>
        %parallel_loop3A_956 = arith.constant 2 : i32
        %parallel_loop3A_957 = arith.constant 0 : i32
        %parallel_loop3A_958 = arith.index_cast %parallel_loop3A_106 : i32 to index
        %parallel_loop3A_959 = arith.index_cast %parallel_loop3A_956 : i32 to index
        %parallel_loop3A_960 = arith.index_cast %parallel_loop3A_957 : i32 to index
        %parallel_loop3A_961 = arith.constant 96 : index
        %parallel_loop3A_962 = tpu.vector_load %arg7[%parallel_loop3A_958, %parallel_loop3A_959, %parallel_loop3A_960, %parallel_loop3A_961] {strides = array<i32>} : memref<32x3x2x128xf32, #tpu.memory_space<vmem>>, vector<1x1x1x16xf32>,
        %parallel_loop3A_963 = vector.shape_cast %parallel_loop3A_962 : vector<1x1x1x16xf32> to vector<16xf32>
        %parallel_loop3A_964 = vector.shape_cast %parallel_loop3A_955 : vector<16xf32> to vector<1x1x1x16xf32>
        tpu.vector_store %arg7[%parallel_loop3A_958, %parallel_loop3A_959, %parallel_loop3A_960, %parallel_loop3A_961], %parallel_loop3A_964 {strides = array<i32>} : memref<32x3x2x128xf32, #tpu.memory_space<vmem>>, vector<1x1x1x16xf32>,
        %parallel_loop3A_965 = arith.constant 4 : i32
        %parallel_loop3A_966 = arith.index_cast %parallel_loop3A_965 : i32 to index
        %parallel_loop3A_967 = arith.index_cast %parallel_loop3A_106 : i32 to index
        %parallel_loop3A_968 = arith.constant 112 : index
        %parallel_loop3A_969 = tpu.vector_load %arg5[%parallel_loop3A_966, %parallel_loop3A_967, %parallel_loop3A_968] {strides = array<i32>} : memref<7x32x128xf32, #tpu.memory_space<vmem>>, vector<1x1x16xf32>,
        %parallel_loop3A_970 = vector.shape_cast %parallel_loop3A_969 : vector<1x1x16xf32> to vector<16xf32>
        %parallel_loop3A_971 = arith.constant 5 : i32
        %parallel_loop3A_972 = arith.index_cast %parallel_loop3A_971 : i32 to index
        %parallel_loop3A_973 = arith.index_cast %parallel_loop3A_106 : i32 to index
        %parallel_loop3A_974 = arith.constant 112 : index
        %parallel_loop3A_975 = tpu.vector_load %arg5[%parallel_loop3A_972, %parallel_loop3A_973, %parallel_loop3A_974] {strides = array<i32>} : memref<7x32x128xf32, #tpu.memory_space<vmem>>, vector<1x1x16xf32>,
        %parallel_loop3A_976 = vector.shape_cast %parallel_loop3A_975 : vector<1x1x16xf32> to vector<16xf32>
        %parallel_loop3A_977 = arith.addf %parallel_loop3A_970, %parallel_loop3A_976 : vector<16xf32>
        %parallel_loop3A_978 = arith.constant 2 : i32
        %parallel_loop3A_979 = arith.constant 0 : i32
        %parallel_loop3A_980 = arith.index_cast %parallel_loop3A_106 : i32 to index
        %parallel_loop3A_981 = arith.index_cast %parallel_loop3A_978 : i32 to index
        %parallel_loop3A_982 = arith.index_cast %parallel_loop3A_979 : i32 to index
        %parallel_loop3A_983 = arith.constant 112 : index
        %parallel_loop3A_984 = tpu.vector_load %arg7[%parallel_loop3A_980, %parallel_loop3A_981, %parallel_loop3A_982, %parallel_loop3A_983] {strides = array<i32>} : memref<32x3x2x128xf32, #tpu.memory_space<vmem>>, vector<1x1x1x16xf32>,
        %parallel_loop3A_985 = vector.shape_cast %parallel_loop3A_984 : vector<1x1x1x16xf32> to vector<16xf32>
        %parallel_loop3A_986 = vector.shape_cast %parallel_loop3A_977 : vector<16xf32> to vector<1x1x1x16xf32>
        tpu.vector_store %arg7[%parallel_loop3A_980, %parallel_loop3A_981, %parallel_loop3A_982, %parallel_loop3A_983], %parallel_loop3A_986 {strides = array<i32>} : memref<32x3x2x128xf32, #tpu.memory_space<vmem>>, vector<1x1x1x16xf32>,
        %parallel_loop3A_987 = arith.constant 5 : i32
        %parallel_loop3A_988 = arith.index_cast %parallel_loop3A_987 : i32 to index
        %parallel_loop3A_989 = arith.index_cast %parallel_loop3A_106 : i32 to index
        %parallel_loop3A_990 = arith.constant 0 : index
        %parallel_loop3A_991 = tpu.vector_load %arg5[%parallel_loop3A_988, %parallel_loop3A_989, %parallel_loop3A_990] {strides = array<i32>} : memref<7x32x128xf32, #tpu.memory_space<vmem>>, vector<1x1x16xf32>,
        %parallel_loop3A_992 = vector.shape_cast %parallel_loop3A_991 : vector<1x1x16xf32> to vector<16xf32>
        %parallel_loop3A_993 = arith.constant 6 : i32
        %parallel_loop3A_994 = arith.index_cast %parallel_loop3A_993 : i32 to index
        %parallel_loop3A_995 = arith.index_cast %parallel_loop3A_106 : i32 to index
        %parallel_loop3A_996 = arith.constant 0 : index
        %parallel_loop3A_997 = tpu.vector_load %arg5[%parallel_loop3A_994, %parallel_loop3A_995, %parallel_loop3A_996] {strides = array<i32>} : memref<7x32x128xf32, #tpu.memory_space<vmem>>, vector<1x1x16xf32>,
        %parallel_loop3A_998 = vector.shape_cast %parallel_loop3A_997 : vector<1x1x16xf32> to vector<16xf32>
        %parallel_loop3A_999 = arith.addf %parallel_loop3A_992, %parallel_loop3A_998 : vector<16xf32>
        %parallel_loop3A_1000 = arith.constant 2 : i32
        %parallel_loop3A_1001 = arith.constant 1 : i32
        %parallel_loop3A_1002 = arith.index_cast %parallel_loop3A_106 : i32 to index
        %parallel_loop3A_1003 = arith.index_cast %parallel_loop3A_1000 : i32 to index
        %parallel_loop3A_1004 = arith.index_cast %parallel_loop3A_1001 : i32 to index
        %parallel_loop3A_1005 = arith.constant 0 : index
        %parallel_loop3A_1006 = tpu.vector_load %arg7[%parallel_loop3A_1002, %parallel_loop3A_1003, %parallel_loop3A_1004, %parallel_loop3A_1005] {strides = array<i32>} : memref<32x3x2x128xf32, #tpu.memory_space<vmem>>, vector<1x1x1x16xf32>,
        %parallel_loop3A_1007 = vector.shape_cast %parallel_loop3A_1006 : vector<1x1x1x16xf32> to vector<16xf32>
        %parallel_loop3A_1008 = vector.shape_cast %parallel_loop3A_999 : vector<16xf32> to vector<1x1x1x16xf32>
        tpu.vector_store %arg7[%parallel_loop3A_1002, %parallel_loop3A_1003, %parallel_loop3A_1004, %parallel_loop3A_1005], %parallel_loop3A_1008 {strides = array<i32>} : memref<32x3x2x128xf32, #tpu.memory_space<vmem>>, vector<1x1x1x16xf32>,
        %parallel_loop3A_1009 = arith.constant 5 : i32
        %parallel_loop3A_1010 = arith.index_cast %parallel_loop3A_1009 : i32 to index
        %parallel_loop3A_1011 = arith.index_cast %parallel_loop3A_106 : i32 to index
        %parallel_loop3A_1012 = arith.constant 16 : index
        %parallel_loop3A_1013 = tpu.vector_load %arg5[%parallel_loop3A_1010, %parallel_loop3A_1011, %parallel_loop3A_1012] {strides = array<i32>} : memref<7x32x128xf32, #tpu.memory_space<vmem>>, vector<1x1x16xf32>,
        %parallel_loop3A_1014 = vector.shape_cast %parallel_loop3A_1013 : vector<1x1x16xf32> to vector<16xf32>
        %parallel_loop3A_1015 = arith.constant 6 : i32
        %parallel_loop3A_1016 = arith.index_cast %parallel_loop3A_1015 : i32 to index
        %parallel_loop3A_1017 = arith.index_cast %parallel_loop3A_106 : i32 to index
        %parallel_loop3A_1018 = arith.constant 16 : index
        %parallel_loop3A_1019 = tpu.vector_load %arg5[%parallel_loop3A_1016, %parallel_loop3A_1017, %parallel_loop3A_1018] {strides = array<i32>} : memref<7x32x128xf32, #tpu.memory_space<vmem>>, vector<1x1x16xf32>,
        %parallel_loop3A_1020 = vector.shape_cast %parallel_loop3A_1019 : vector<1x1x16xf32> to vector<16xf32>
        %parallel_loop3A_1021 = arith.addf %parallel_loop3A_1014, %parallel_loop3A_1020 : vector<16xf32>
        %parallel_loop3A_1022 = arith.constant 2 : i32
        %parallel_loop3A_1023 = arith.constant 1 : i32
        %parallel_loop3A_1024 = arith.index_cast %parallel_loop3A_106 : i32 to index
        %parallel_loop3A_1025 = arith.index_cast %parallel_loop3A_1022 : i32 to index
        %parallel_loop3A_1026 = arith.index_cast %parallel_loop3A_1023 : i32 to index
        %parallel_loop3A_1027 = arith.constant 16 : index
        %parallel_loop3A_1028 = tpu.vector_load %arg7[%parallel_loop3A_1024, %parallel_loop3A_1025, %parallel_loop3A_1026, %parallel_loop3A_1027] {strides = array<i32>} : memref<32x3x2x128xf32, #tpu.memory_space<vmem>>, vector<1x1x1x16xf32>,
        %parallel_loop3A_1029 = vector.shape_cast %parallel_loop3A_1028 : vector<1x1x1x16xf32> to vector<16xf32>
        %parallel_loop3A_1030 = vector.shape_cast %parallel_loop3A_1021 : vector<16xf32> to vector<1x1x1x16xf32>
        tpu.vector_store %arg7[%parallel_loop3A_1024, %parallel_loop3A_1025, %parallel_loop3A_1026, %parallel_loop3A_1027], %parallel_loop3A_1030 {strides = array<i32>} : memref<32x3x2x128xf32, #tpu.memory_space<vmem>>, vector<1x1x1x16xf32>,
        %parallel_loop3A_1031 = arith.constant 5 : i32
        %parallel_loop3A_1032 = arith.index_cast %parallel_loop3A_1031 : i32 to index
        %parallel_loop3A_1033 = arith.index_cast %parallel_loop3A_106 : i32 to index
        %parallel_loop3A_1034 = arith.constant 32 : index
        %parallel_loop3A_1035 = tpu.vector_load %arg5[%parallel_loop3A_1032, %parallel_loop3A_1033, %parallel_loop3A_1034] {strides = array<i32>} : memref<7x32x128xf32, #tpu.memory_space<vmem>>, vector<1x1x16xf32>,
        %parallel_loop3A_1036 = vector.shape_cast %parallel_loop3A_1035 : vector<1x1x16xf32> to vector<16xf32>
        %parallel_loop3A_1037 = arith.constant 6 : i32
        %parallel_loop3A_1038 = arith.index_cast %parallel_loop3A_1037 : i32 to index
        %parallel_loop3A_1039 = arith.index_cast %parallel_loop3A_106 : i32 to index
        %parallel_loop3A_1040 = arith.constant 32 : index
        %parallel_loop3A_1041 = tpu.vector_load %arg5[%parallel_loop3A_1038, %parallel_loop3A_1039, %parallel_loop3A_1040] {strides = array<i32>} : memref<7x32x128xf32, #tpu.memory_space<vmem>>, vector<1x1x16xf32>,
        %parallel_loop3A_1042 = vector.shape_cast %parallel_loop3A_1041 : vector<1x1x16xf32> to vector<16xf32>
        %parallel_loop3A_1043 = arith.addf %parallel_loop3A_1036, %parallel_loop3A_1042 : vector<16xf32>
        %parallel_loop3A_1044 = arith.constant 2 : i32
        %parallel_loop3A_1045 = arith.constant 1 : i32
        %parallel_loop3A_1046 = arith.index_cast %parallel_loop3A_106 : i32 to index
        %parallel_loop3A_1047 = arith.index_cast %parallel_loop3A_1044 : i32 to index
        %parallel_loop3A_1048 = arith.index_cast %parallel_loop3A_1045 : i32 to index
        %parallel_loop3A_1049 = arith.constant 32 : index
        %parallel_loop3A_1050 = tpu.vector_load %arg7[%parallel_loop3A_1046, %parallel_loop3A_1047, %parallel_loop3A_1048, %parallel_loop3A_1049] {strides = array<i32>} : memref<32x3x2x128xf32, #tpu.memory_space<vmem>>, vector<1x1x1x16xf32>,
        %parallel_loop3A_1051 = vector.shape_cast %parallel_loop3A_1050 : vector<1x1x1x16xf32> to vector<16xf32>
        %parallel_loop3A_1052 = vector.shape_cast %parallel_loop3A_1043 : vector<16xf32> to vector<1x1x1x16xf32>
        tpu.vector_store %arg7[%parallel_loop3A_1046, %parallel_loop3A_1047, %parallel_loop3A_1048, %parallel_loop3A_1049], %parallel_loop3A_1052 {strides = array<i32>} : memref<32x3x2x128xf32, #tpu.memory_space<vmem>>, vector<1x1x1x16xf32>,
        %parallel_loop3A_1053 = arith.constant 5 : i32
        %parallel_loop3A_1054 = arith.index_cast %parallel_loop3A_1053 : i32 to index
        %parallel_loop3A_1055 = arith.index_cast %parallel_loop3A_106 : i32 to index
        %parallel_loop3A_1056 = arith.constant 48 : index
        %parallel_loop3A_1057 = tpu.vector_load %arg5[%parallel_loop3A_1054, %parallel_loop3A_1055, %parallel_loop3A_1056] {strides = array<i32>} : memref<7x32x128xf32, #tpu.memory_space<vmem>>, vector<1x1x16xf32>,
        %parallel_loop3A_1058 = vector.shape_cast %parallel_loop3A_1057 : vector<1x1x16xf32> to vector<16xf32>
        %parallel_loop3A_1059 = arith.constant 6 : i32
        %parallel_loop3A_1060 = arith.index_cast %parallel_loop3A_1059 : i32 to index
        %parallel_loop3A_1061 = arith.index_cast %parallel_loop3A_106 : i32 to index
        %parallel_loop3A_1062 = arith.constant 48 : index
        %parallel_loop3A_1063 = tpu.vector_load %arg5[%parallel_loop3A_1060, %parallel_loop3A_1061, %parallel_loop3A_1062] {strides = array<i32>} : memref<7x32x128xf32, #tpu.memory_space<vmem>>, vector<1x1x16xf32>,
        %parallel_loop3A_1064 = vector.shape_cast %parallel_loop3A_1063 : vector<1x1x16xf32> to vector<16xf32>
        %parallel_loop3A_1065 = arith.addf %parallel_loop3A_1058, %parallel_loop3A_1064 : vector<16xf32>
        %parallel_loop3A_1066 = arith.constant 2 : i32
        %parallel_loop3A_1067 = arith.constant 1 : i32
        %parallel_loop3A_1068 = arith.index_cast %parallel_loop3A_106 : i32 to index
        %parallel_loop3A_1069 = arith.index_cast %parallel_loop3A_1066 : i32 to index
        %parallel_loop3A_1070 = arith.index_cast %parallel_loop3A_1067 : i32 to index
        %parallel_loop3A_1071 = arith.constant 48 : index
        %parallel_loop3A_1072 = tpu.vector_load %arg7[%parallel_loop3A_1068, %parallel_loop3A_1069, %parallel_loop3A_1070, %parallel_loop3A_1071] {strides = array<i32>} : memref<32x3x2x128xf32, #tpu.memory_space<vmem>>, vector<1x1x1x16xf32>,
        %parallel_loop3A_1073 = vector.shape_cast %parallel_loop3A_1072 : vector<1x1x1x16xf32> to vector<16xf32>
        %parallel_loop3A_1074 = vector.shape_cast %parallel_loop3A_1065 : vector<16xf32> to vector<1x1x1x16xf32>
        tpu.vector_store %arg7[%parallel_loop3A_1068, %parallel_loop3A_1069, %parallel_loop3A_1070, %parallel_loop3A_1071], %parallel_loop3A_1074 {strides = array<i32>} : memref<32x3x2x128xf32, #tpu.memory_space<vmem>>, vector<1x1x1x16xf32>,
        %parallel_loop3A_1075 = arith.constant 5 : i32
        %parallel_loop3A_1076 = arith.index_cast %parallel_loop3A_1075 : i32 to index
        %parallel_loop3A_1077 = arith.index_cast %parallel_loop3A_106 : i32 to index
        %parallel_loop3A_1078 = arith.constant 64 : index
        %parallel_loop3A_1079 = tpu.vector_load %arg5[%parallel_loop3A_1076, %parallel_loop3A_1077, %parallel_loop3A_1078] {strides = array<i32>} : memref<7x32x128xf32, #tpu.memory_space<vmem>>, vector<1x1x16xf32>,
        %parallel_loop3A_1080 = vector.shape_cast %parallel_loop3A_1079 : vector<1x1x16xf32> to vector<16xf32>
        %parallel_loop3A_1081 = arith.constant 6 : i32
        %parallel_loop3A_1082 = arith.index_cast %parallel_loop3A_1081 : i32 to index
        %parallel_loop3A_1083 = arith.index_cast %parallel_loop3A_106 : i32 to index
        %parallel_loop3A_1084 = arith.constant 64 : index
        %parallel_loop3A_1085 = tpu.vector_load %arg5[%parallel_loop3A_1082, %parallel_loop3A_1083, %parallel_loop3A_1084] {strides = array<i32>} : memref<7x32x128xf32, #tpu.memory_space<vmem>>, vector<1x1x16xf32>,
        %parallel_loop3A_1086 = vector.shape_cast %parallel_loop3A_1085 : vector<1x1x16xf32> to vector<16xf32>
        %parallel_loop3A_1087 = arith.addf %parallel_loop3A_1080, %parallel_loop3A_1086 : vector<16xf32>
        %parallel_loop3A_1088 = arith.constant 2 : i32
        %parallel_loop3A_1089 = arith.constant 1 : i32
        %parallel_loop3A_1090 = arith.index_cast %parallel_loop3A_106 : i32 to index
        %parallel_loop3A_1091 = arith.index_cast %parallel_loop3A_1088 : i32 to index
        %parallel_loop3A_1092 = arith.index_cast %parallel_loop3A_1089 : i32 to index
        %parallel_loop3A_1093 = arith.constant 64 : index
        %parallel_loop3A_1094 = tpu.vector_load %arg7[%parallel_loop3A_1090, %parallel_loop3A_1091, %parallel_loop3A_1092, %parallel_loop3A_1093] {strides = array<i32>} : memref<32x3x2x128xf32, #tpu.memory_space<vmem>>, vector<1x1x1x16xf32>,
        %parallel_loop3A_1095 = vector.shape_cast %parallel_loop3A_1094 : vector<1x1x1x16xf32> to vector<16xf32>
        %parallel_loop3A_1096 = vector.shape_cast %parallel_loop3A_1087 : vector<16xf32> to vector<1x1x1x16xf32>
        tpu.vector_store %arg7[%parallel_loop3A_1090, %parallel_loop3A_1091, %parallel_loop3A_1092, %parallel_loop3A_1093], %parallel_loop3A_1096 {strides = array<i32>} : memref<32x3x2x128xf32, #tpu.memory_space<vmem>>, vector<1x1x1x16xf32>,
        %parallel_loop3A_1097 = arith.constant 5 : i32
        %parallel_loop3A_1098 = arith.index_cast %parallel_loop3A_1097 : i32 to index
        %parallel_loop3A_1099 = arith.index_cast %parallel_loop3A_106 : i32 to index
        %parallel_loop3A_1100 = arith.constant 80 : index
        %parallel_loop3A_1101 = tpu.vector_load %arg5[%parallel_loop3A_1098, %parallel_loop3A_1099, %parallel_loop3A_1100] {strides = array<i32>} : memref<7x32x128xf32, #tpu.memory_space<vmem>>, vector<1x1x16xf32>,
        %parallel_loop3A_1102 = vector.shape_cast %parallel_loop3A_1101 : vector<1x1x16xf32> to vector<16xf32>
        %parallel_loop3A_1103 = arith.constant 6 : i32
        %parallel_loop3A_1104 = arith.index_cast %parallel_loop3A_1103 : i32 to index
        %parallel_loop3A_1105 = arith.index_cast %parallel_loop3A_106 : i32 to index
        %parallel_loop3A_1106 = arith.constant 80 : index
        %parallel_loop3A_1107 = tpu.vector_load %arg5[%parallel_loop3A_1104, %parallel_loop3A_1105, %parallel_loop3A_1106] {strides = array<i32>} : memref<7x32x128xf32, #tpu.memory_space<vmem>>, vector<1x1x16xf32>,
        %parallel_loop3A_1108 = vector.shape_cast %parallel_loop3A_1107 : vector<1x1x16xf32> to vector<16xf32>
        %parallel_loop3A_1109 = arith.addf %parallel_loop3A_1102, %parallel_loop3A_1108 : vector<16xf32>
        %parallel_loop3A_1110 = arith.constant 2 : i32
        %parallel_loop3A_1111 = arith.constant 1 : i32
        %parallel_loop3A_1112 = arith.index_cast %parallel_loop3A_106 : i32 to index
        %parallel_loop3A_1113 = arith.index_cast %parallel_loop3A_1110 : i32 to index
        %parallel_loop3A_1114 = arith.index_cast %parallel_loop3A_1111 : i32 to index
        %parallel_loop3A_1115 = arith.constant 80 : index
        %parallel_loop3A_1116 = tpu.vector_load %arg7[%parallel_loop3A_1112, %parallel_loop3A_1113, %parallel_loop3A_1114, %parallel_loop3A_1115] {strides = array<i32>} : memref<32x3x2x128xf32, #tpu.memory_space<vmem>>, vector<1x1x1x16xf32>,
        %parallel_loop3A_1117 = vector.shape_cast %parallel_loop3A_1116 : vector<1x1x1x16xf32> to vector<16xf32>
        %parallel_loop3A_1118 = vector.shape_cast %parallel_loop3A_1109 : vector<16xf32> to vector<1x1x1x16xf32>
        tpu.vector_store %arg7[%parallel_loop3A_1112, %parallel_loop3A_1113, %parallel_loop3A_1114, %parallel_loop3A_1115], %parallel_loop3A_1118 {strides = array<i32>} : memref<32x3x2x128xf32, #tpu.memory_space<vmem>>, vector<1x1x1x16xf32>,
        %parallel_loop3A_1119 = arith.constant 5 : i32
        %parallel_loop3A_1120 = arith.index_cast %parallel_loop3A_1119 : i32 to index
        %parallel_loop3A_1121 = arith.index_cast %parallel_loop3A_106 : i32 to index
        %parallel_loop3A_1122 = arith.constant 96 : index
        %parallel_loop3A_1123 = tpu.vector_load %arg5[%parallel_loop3A_1120, %parallel_loop3A_1121, %parallel_loop3A_1122] {strides = array<i32>} : memref<7x32x128xf32, #tpu.memory_space<vmem>>, vector<1x1x16xf32>,
        %parallel_loop3A_1124 = vector.shape_cast %parallel_loop3A_1123 : vector<1x1x16xf32> to vector<16xf32>
        %parallel_loop3A_1125 = arith.constant 6 : i32
        %parallel_loop3A_1126 = arith.index_cast %parallel_loop3A_1125 : i32 to index
        %parallel_loop3A_1127 = arith.index_cast %parallel_loop3A_106 : i32 to index
        %parallel_loop3A_1128 = arith.constant 96 : index
        %parallel_loop3A_1129 = tpu.vector_load %arg5[%parallel_loop3A_1126, %parallel_loop3A_1127, %parallel_loop3A_1128] {strides = array<i32>} : memref<7x32x128xf32, #tpu.memory_space<vmem>>, vector<1x1x16xf32>,
        %parallel_loop3A_1130 = vector.shape_cast %parallel_loop3A_1129 : vector<1x1x16xf32> to vector<16xf32>
        %parallel_loop3A_1131 = arith.addf %parallel_loop3A_1124, %parallel_loop3A_1130 : vector<16xf32>
        %parallel_loop3A_1132 = arith.constant 2 : i32
        %parallel_loop3A_1133 = arith.constant 1 : i32
        %parallel_loop3A_1134 = arith.index_cast %parallel_loop3A_106 : i32 to index
        %parallel_loop3A_1135 = arith.index_cast %parallel_loop3A_1132 : i32 to index
        %parallel_loop3A_1136 = arith.index_cast %parallel_loop3A_1133 : i32 to index
        %parallel_loop3A_1137 = arith.constant 96 : index
        %parallel_loop3A_1138 = tpu.vector_load %arg7[%parallel_loop3A_1134, %parallel_loop3A_1135, %parallel_loop3A_1136, %parallel_loop3A_1137] {strides = array<i32>} : memref<32x3x2x128xf32, #tpu.memory_space<vmem>>, vector<1x1x1x16xf32>,
        %parallel_loop3A_1139 = vector.shape_cast %parallel_loop3A_1138 : vector<1x1x1x16xf32> to vector<16xf32>
        %parallel_loop3A_1140 = vector.shape_cast %parallel_loop3A_1131 : vector<16xf32> to vector<1x1x1x16xf32>
        tpu.vector_store %arg7[%parallel_loop3A_1134, %parallel_loop3A_1135, %parallel_loop3A_1136, %parallel_loop3A_1137], %parallel_loop3A_1140 {strides = array<i32>} : memref<32x3x2x128xf32, #tpu.memory_space<vmem>>, vector<1x1x1x16xf32>,
        %parallel_loop3A_1141 = arith.constant 5 : i32
        %parallel_loop3A_1142 = arith.index_cast %parallel_loop3A_1141 : i32 to index
        %parallel_loop3A_1143 = arith.index_cast %parallel_loop3A_106 : i32 to index
        %parallel_loop3A_1144 = arith.constant 112 : index
        %parallel_loop3A_1145 = tpu.vector_load %arg5[%parallel_loop3A_1142, %parallel_loop3A_1143, %parallel_loop3A_1144] {strides = array<i32>} : memref<7x32x128xf32, #tpu.memory_space<vmem>>, vector<1x1x16xf32>,
        %parallel_loop3A_1146 = vector.shape_cast %parallel_loop3A_1145 : vector<1x1x16xf32> to vector<16xf32>
        %parallel_loop3A_1147 = arith.constant 6 : i32
        %parallel_loop3A_1148 = arith.index_cast %parallel_loop3A_1147 : i32 to index
        %parallel_loop3A_1149 = arith.index_cast %parallel_loop3A_106 : i32 to index
        %parallel_loop3A_1150 = arith.constant 112 : index
        %parallel_loop3A_1151 = tpu.vector_load %arg5[%parallel_loop3A_1148, %parallel_loop3A_1149, %parallel_loop3A_1150] {strides = array<i32>} : memref<7x32x128xf32, #tpu.memory_space<vmem>>, vector<1x1x16xf32>,
        %parallel_loop3A_1152 = vector.shape_cast %parallel_loop3A_1151 : vector<1x1x16xf32> to vector<16xf32>
        %parallel_loop3A_1153 = arith.addf %parallel_loop3A_1146, %parallel_loop3A_1152 : vector<16xf32>
        %parallel_loop3A_1154 = arith.constant 2 : i32
        %parallel_loop3A_1155 = arith.constant 1 : i32
        %parallel_loop3A_1156 = arith.index_cast %parallel_loop3A_106 : i32 to index
        %parallel_loop3A_1157 = arith.index_cast %parallel_loop3A_1154 : i32 to index
        %parallel_loop3A_1158 = arith.index_cast %parallel_loop3A_1155 : i32 to index
        %parallel_loop3A_1159 = arith.constant 112 : index
        %parallel_loop3A_1160 = tpu.vector_load %arg7[%parallel_loop3A_1156, %parallel_loop3A_1157, %parallel_loop3A_1158, %parallel_loop3A_1159] {strides = array<i32>} : memref<32x3x2x128xf32, #tpu.memory_space<vmem>>, vector<1x1x1x16xf32>,
        %parallel_loop3A_1161 = vector.shape_cast %parallel_loop3A_1160 : vector<1x1x1x16xf32> to vector<16xf32>
        %parallel_loop3A_1162 = vector.shape_cast %parallel_loop3A_1153 : vector<16xf32> to vector<1x1x1x16xf32>
        tpu.vector_store %arg7[%parallel_loop3A_1156, %parallel_loop3A_1157, %parallel_loop3A_1158, %parallel_loop3A_1159], %parallel_loop3A_1162 {strides = array<i32>} : memref<32x3x2x128xf32, #tpu.memory_space<vmem>>, vector<1x1x1x16xf32>,
      } {sc.loop_unroll_factor = 4 : i64, sc.parallel_access}
      %add3A_93 = arith.constant 1 : i32
      %add3A_94 = arith.addi %mul3A_36, %add3A_93 : i32
      %mul3A_95 = arith.constant 32 : i32
      %mul3A_96 = arith.muli %add3A_94, %mul3A_95 : i32
      %add3A_97 = arith.addi %mul3A_2, %mul3A_96 : i32
      %dma_start3A_98 = arith.constant 0 : i32
      %dma_start3A_99 = arith.constant 0 : i32
      %dma_start3A_100 = arith.constant 0 : i32
      %dma_start3A_101 = tpu.memref_slice %arg3[%add3A_97, %dma_start3A_98, %dma_start3A_99, %dma_start3A_100] : memref<16384x3x2x128xf32, #tpu.memory_space<hbm>> -> memref<32x3x2x128xf32, #tpu.memory_space<hbm>>
      %dma_start3A_102 = arith.constant 0 : i32
      %dma_start3A_103 = arith.constant 0 : i32
      %dma_start3A_104 = arith.constant 0 : i32
      %dma_start3A_105 = tpu.memref_slice %arg3[%add3A_97, %dma_start3A_102, %dma_start3A_103, %dma_start3A_104] : memref<16384x3x2x128xf32, #tpu.memory_space<hbm>> -> memref<32x3x2x128xf32, #tpu.memory_space<hbm>>
      tpu.enqueue_dma source(%arg7 : memref<32x3x2x128xf32, #tpu.memory_space<vmem>>) target(%dma_start3A_105 : memref<32x3x2x128xf32, #tpu.memory_space<hbm>>) target_semaphore(%arg11 : memref<!tpu.dma_semaphore, #tpu.memory_space<semaphore_mem>>)
    }
    %scan3A_14 = arith.constant 8 : i32
    %dma_wait3A = arith.constant 0 : i32
    %dma_wait3A_15 = arith.constant 0 : i32
    %dma_wait3A_16 = arith.constant 0 : i32
    %dma_wait3A_17 = arith.constant 0 : i32
    %dma_wait3A_18 = tpu.memref_slice %arg3[%dma_wait3A, %dma_wait3A_15, %dma_wait3A_16, %dma_wait3A_17] : memref<16384x3x2x128xf32, #tpu.memory_space<hbm>> -> memref<32x3x2x128xf32, #tpu.memory_space<hbm>>
    %dma_wait3A_19 = arith.constant 0 : i32
    %dma_wait3A_20 = arith.constant 0 : i32
    %dma_wait3A_21 = arith.constant 0 : i32
    %dma_wait3A_22 = arith.constant 0 : i32
    %dma_wait3A_23 = tpu.memref_slice %arg3[%dma_wait3A_19, %dma_wait3A_20, %dma_wait3A_21, %dma_wait3A_22] : memref<16384x3x2x128xf32, #tpu.memory_space<hbm>> -> memref<32x3x2x128xf32, #tpu.memory_space<hbm>>
    tpu.wait_dma2 semaphore(%arg10 : memref<!tpu.dma_semaphore, #tpu.memory_space<semaphore_mem>>) src(%arg6 : memref<32x3x2x128xf32, #tpu.memory_space<vmem>>) dst(%dma_wait3A_23 : memref<32x3x2x128xf32, #tpu.memory_space<hbm>>)
    %dma_wait3A_24 = arith.constant 0 : i32
    %dma_wait3A_25 = arith.constant 0 : i32
    %dma_wait3A_26 = arith.constant 0 : i32
    %dma_wait3A_27 = arith.constant 0 : i32
    %dma_wait3A_28 = tpu.memref_slice %arg3[%dma_wait3A_24, %dma_wait3A_25, %dma_wait3A_26, %dma_wait3A_27] : memref<16384x3x2x128xf32, #tpu.memory_space<hbm>> -> memref<32x3x2x128xf32, #tpu.memory_space<hbm>>
    %dma_wait3A_29 = arith.constant 0 : i32
    %dma_wait3A_30 = arith.constant 0 : i32
    %dma_wait3A_31 = arith.constant 0 : i32
    %dma_wait3A_32 = arith.constant 0 : i32
    %dma_wait3A_33 = tpu.memref_slice %arg3[%dma_wait3A_29, %dma_wait3A_30, %dma_wait3A_31, %dma_wait3A_32] : memref<16384x3x2x128xf32, #tpu.memory_space<hbm>> -> memref<32x3x2x128xf32, #tpu.memory_space<hbm>>
    tpu.wait_dma2 semaphore(%arg11 : memref<!tpu.dma_semaphore, #tpu.memory_space<semaphore_mem>>) src(%arg7 : memref<32x3x2x128xf32, #tpu.memory_space<vmem>>) dst(%dma_wait3A_33 : memref<32x3x2x128xf32, #tpu.memory_space<hbm>>)
    return
  }
}

</mosaic_0001>

<sc_bundles>
// kernel: kernel.3.cloned.1.call-start
scs
__scs_entry_jumppad:
0x0: {  	(pc) =	sbr.rel $0x88, $3  }
0x1: {  	(tag) =	ssettag $0x0;
	lr =	simm.s32 $0x1  }
0x2: {  	[smem:$0x3FA0] =	sst lr;
	_ =	strace $0xD0000000  }
0x3: {  	_ = 	snop  }
0x4: {  	_ = 	snop  }
0x5: {  	_ = 	snop  }
0x6: {  	_ = 	snop  }
0x7: {  	_ = 	snop  }
__scs_overlays_trampoline_lowered:
0x8: {  	[smem:$0x3FAF] =	sst s0  }
0x9: {  	[smem:$0x3FB0] =	sst s1  }
0xa: {  	[smem:$0x3FB1] =	sst s2  }
0xb: {  	[smem:$0x3FB2] =	sst s3  }
0xc: {  	[smem:$0x3FB3] =	sst s4  }
0xd: {  	[smem:$0x3FB4] =	sst s5  }
0xe: {  	[smem:$0x3FB5] =	sst s6  }
0xf: {  	[smem:$0x3FB6] =	sst s7  }
0x10: {  	[smem:$0x3FB7] =	sst s8  }
0x11: {  	[smem:$0x3FB8] =	sst s9;
	s0 =	simm.s32 @!p0 $0x0  }
0x12: {  	s1 =	sld [smem:$0x3F9E];
	s0 =	simm.s32 @p0 $0x1  }
0x13: {  	[smem:$0x3FB9] =	sst s0;
	s0 =	simm.s32 @!p1 $0x0  }
0x14: {  	s2 =	sld [smem:$0x3F9D];
	s0 =	simm.s32 @p1 $0x1  }
0x15: {  	[smem:$0x3FBA] =	sst s0;
	s0 =	simm.s32 @!p2 $0x0  }
0x16: {  	s3 =	sld [smem:$0x3FDB];
	s0 =	simm.s32 @p2 $0x1  }
0x17: {  	s4 =	simm.s32 $0x1BF5;
	[smem:$0x3FBC] =	sst s0  }
0x18: {  	s0 =	sld [smem:$0x3F9F];
	_ =	swait.ge [sflag:s4], $0x0  }
0x19: {  	s7 =	sld [smem:$0x3FA0]  }
0x1a: {  	s8 =	sadd.s32 $0xFFFFE003, lr  }
0x1b: {  	s9 =	sadd.s32 $0xFFFFFEF7, lr;
	s5 =	simm.s32 $0xFFFFFFFF;
	p2 =	slt.u32 s8, $0xFFFFF086  }
0x1c: {  	p1 =	slt.u32 s9, $0xF7A;
	s5 =	simm.s32 @!p2 $0x0  }
0x1d: {  	s5 =	simm.s32 @p1 $0x1;
	p0 =	seq.s32 s7, s2  }
0x1e: {  	s7 =	smul.u32 @!p0 $0xF7A, s2;
	p2 =	seq.s32 @!p0 s5, $0x0  }
0x1f: {  	s9 =	smul.u32 $0xF7A, s1;
	s8 =	simm.s32 @!p0 $0x1BF5;
	p2 =	por !p2, p0  }
0x20: {  	[sflag:s8] =	ssyncset.s32 @!p0 $0xFFFFF086;
	s6 =	sadd.s32 @!p0 s3, s7;
	s7 =	simm.s32 @!p0 $0x108  }
0x21: {  	s3 =	sadd.s32 s3, s9;
	s6 =	sadd.s32 @!p0 $0x88, s6;
	s7 =	simm.s32 @p2 $0x1082  }
0x22: {  	[simem:s7], [sflag:s8] =	dma.local @!p0 [hbm:s6], $0xF7A  }
0x23: {  	s9 =	sor.u32 $0xD0000000, s2;
	s6 =	simm.s32 $0x108;
	_ =	swait.ge @!p0 [sflag:s8], $0x0  }
0x24: {  	s3 =	sadd.s32 $0x88, s3;
	s6 =	simm.s32 @!p1 $0x1082;
	[sflag:s4] =	ssyncset.s32 $0xFFFFF086  }
0x25: {  	[simem:s6], [sflag:s4] =	dma.local [hbm:s3], $0xF7A  }
0x26: {  	[smem:$0x3FA0] =	sst s1;
	(tag) =	ssettag s2;
	_ =	strace s9  }
0x27: {  	s1 =	sld [smem:$0x3FB0]  }
0x28: {  	s2 =	sld [smem:$0x3FB1]  }
0x29: {  	s4 =	sld [smem:$0x3FB3]  }
0x2a: {  	p0 =	seq.s32 s5, $0x0;
	s5 =	sld [smem:$0x3FB4]  }
0x2b: {  	s6 =	sld [smem:$0x3FB5]  }
0x2c: {  	s7 =	sld [smem:$0x3FB6]  }
0x2d: {  	s3 =	simm.s32 $0x108;
	s8 =	sld [smem:$0x3FB7]  }
0x2e: {  	s3 =	simm.s32 @!p0 $0x1082;
	s9 =	sld [smem:$0x3FB8]  }
0x2f: {  	lr =	sadd.s32 s0, s3;
	s0 =	sld [smem:$0x3FAF]  }
0x30: {  	s3 =	sld [smem:$0x3FB2]  }
0x31: {  	[smem:$0x3FBB] =	sst s10  }
0x32: {  	s10 =	sld [smem:$0x3FB9];
	_ =	sdelay $0x3  }
0x33: {  	p0 =	seq.s32 s10, $0x1;
	s10 =	sld [smem:$0x3FBB];
	_ =	sdelay $0x3  }
0x34: {  	[smem:$0x3FBB] =	sst s10  }
0x35: {  	s10 =	sld [smem:$0x3FBA];
	_ =	sdelay $0x3  }
0x36: {  	p1 =	seq.s32 s10, $0x1;
	s10 =	sld [smem:$0x3FBB];
	_ =	sdelay $0x3  }
0x37: {  	[smem:$0x3FBB] =	sst s10  }
0x38: {  	s10 =	sld [smem:$0x3FBC]  }
0x39: {  	_ = 	snop;
	(pc) =	sbr.ind lr, $3  }
0x3a: {  	_ = 	snop  }
0x3b: {  	_ = 	snop  }
0x3c: {  	p2 =	seq.s32 s10, $0x1;
	s10 =	sld [smem:$0x3FBB]  }
0x3d: {  	_ =	shalt  }
0x3e: {  	_ =	shalt  }
0x3f: {  	_ =	shalt  }
0x40: {  	_ =	shalt  }
0x41: {  	_ =	shalt  }
0x42: {  	_ =	shalt  }
0x43: {  	_ =	shalt  }
0x44: {  	_ =	shalt  }
0x45: {  	_ =	shalt  }
0x46: {  	_ =	shalt  }
0x47: {  	_ =	shalt  }
0x48: {  	_ =	shalt  }
0x49: {  	_ =	shalt  }
0x4a: {  	_ =	shalt  }
0x4b: {  	_ =	shalt  }
0x4c: {  	_ =	shalt  }
0x4d: {  	_ =	shalt  }
0x4e: {  	_ =	shalt  }
0x4f: {  	_ =	shalt  }
0x50: {  	_ =	shalt  }
0x51: {  	_ =	shalt  }
0x52: {  	_ =	shalt  }
0x53: {  	_ =	shalt  }
0x54: {  	_ =	shalt  }
0x55: {  	_ =	shalt  }
0x56: {  	_ =	shalt  }
0x57: {  	_ =	shalt  }
0x58: {  	_ =	shalt  }
0x59: {  	_ =	shalt  }
0x5a: {  	_ =	shalt  }
0x5b: {  	_ =	shalt  }
0x5c: {  	_ =	shalt  }
0x5d: {  	_ =	shalt  }
0x5e: {  	_ =	shalt  }
0x5f: {  	_ =	shalt  }
0x60: {  	_ =	shalt  }
0x61: {  	_ =	shalt  }
0x62: {  	_ =	shalt  }
0x63: {  	_ =	shalt  }
0x64: {  	_ =	shalt  }
0x65: {  	_ =	shalt  }
0x66: {  	_ =	shalt  }
0x67: {  	_ =	shalt  }
0x68: {  	_ =	shalt  }
0x69: {  	_ =	shalt  }
0x6a: {  	_ =	shalt  }
0x6b: {  	_ =	shalt  }
0x6c: {  	_ =	shalt  }
0x6d: {  	_ =	shalt  }
0x6e: {  	_ =	shalt  }
0x6f: {  	_ =	shalt  }
0x70: {  	_ =	shalt  }
0x71: {  	_ =	shalt  }
0x72: {  	_ =	shalt  }
0x73: {  	_ =	shalt  }
0x74: {  	_ =	shalt  }
0x75: {  	_ =	shalt  }
0x76: {  	_ =	shalt  }
0x77: {  	_ =	shalt  }
0x78: {  	_ =	shalt  }
0x79: {  	_ =	shalt  }
0x7a: {  	_ =	shalt  }
0x7b: {  	_ =	shalt  }
0x7c: {  	_ =	shalt  }
0x7d: {  	_ =	shalt  }
0x7e: {  	_ =	shalt  }
0x7f: {  	_ =	shalt  }
0x80: {  	_ =	shalt  }
0x81: {  	_ =	shalt  }
0x82: {  	_ =	shalt  }
0x83: {  	_ =	shalt  }
0x84: {  	_ =	shalt  }
0x85: {  	_ =	shalt  }
0x86: {  	_ =	shalt  }
0x87: {  	_ =	shalt  }
.Lfunc_end0:
.L_simem_size_0:
called_computation_lowered:
.L_overlay_start_0:
0x88: {  	s2 =	sld [smem:$0x3FD9]  }
0x89: {  	s3 =	sld [smem:$0x3FFE];
	_ =	sdelay $0x1  }
0x8a: {  	s1 =	srdreg.scid  }
0x8b: {  	s0 =	sand.u32 $0x1, s1  }
0x8c: {  	s18 =	sshll.u32 s0, $0xA;
	s2 =	sadd.s32 s3, s2  }
0x8d: {  	s2 =	sadd.s32 s2, s18  }
0x8e: {  	[smem:$0x3FC7] =	sst s2  }
0x8f: {  	_ = 	snop  }
0x90: {  	s2 =	sld [smem:$0x3FC9]  }
0x91: {  	s19 =	sld [smem:$0x3FD0];
	(tm) =	ssettm $0x1  }
0x92: {  	s4 =	sld [smem:$0x3FFB];
	_ =	sdelay $0x3  }
0x93: {  	_ =	strace s4  }
0x94: {  	s4 =	sld [smem:$0x3FFC];
	_ =	sdelay $0x3  }
0x95: {  	_ =	strace s4  }
0x96: {  	s4 =	sld [smem:$0x3FFD];
	_ =	sdelay $0x3  }
0x97: {  	_ =	strace s4  }
0x98: {  	_ =	strace $0x8FFFFFFF  }
0x99: {  	s20 =	sld [smem:$0x3FDB];
	_ =	sdelay $0x1  }
0x9a: {  	s5 =	simm.s32 $_scs_section_size  }
0x9b: {  	s6 =	simm.s32 $_size__tile_overlayer_lowered;
	s7 =	simm.s32 $_tile_overlayer_lowered  }
0x9c: {  	s23 =	simm.s32 $0x1BFF;
	s22 =	sshll.u32 s7, $0x1;
	s4 =	sadd.s32 s5, s20  }
0x9d: {  	s8 =	simm.s32 $0x0;
	s21 =	sshll.u32 s6, $0x1;
	s6 =	sadd.s32 s22, s4  }
0x9e: {  	[timem:s8], [sflag:s23] =	dma.local [hbm:s6], s21  }
0x9f: {  	_ =	swait.ge [sflag:s23], s21  }
0xa0: {  	s5 =	ssub.s32 $0x0, s21;
	[sflag:s23] =	ssyncset.done $0x0  }
0xa1: {  	[sflag:s23] =	ssyncadd.s32 s5;
	_ =	sdelay $0x1  }
0xa2: {  	s24 =	simm.s32 $0x1B8B  }
0xa3: {  	_ =	swait.ge [sflag:s24], $0x1  }
0xa4: {  	[sflag:s24] =	ssyncset.done $0x0  }
0xa5: {  	s25 =	simm.s32 $0x1B8E;
	[sflag:s24] =	ssyncadd.s32 $0xFFFFFFFF  }
0xa6: {  	s26 =	simm.s32 $execute0_lowered;
	[smem:$0x3FD2] =	sst s25  }
0xa7: {  	s5 =	sshll.u32 s26, $0x1;
	_ =	strace $0x80000046;
	[dreg:$0x1] =	wrdreg $0xFFFFFFFF  }
0xa8: {  	s28 =	simm.s32 $_size_execute0_lowered;
	s4 =	sadd.s32 s4, s5;
	[dreg:$0x0] =	wrdreg $0x0  }
0xa9: {  	s5 =	sshll.u32 s28, $0x1;
	[dreg:$0x2] =	wrdreg s4  }
0xaa: {  	[dreg:$0x3] =	wrdreg s5  }
0xab: {  	[dreg:$0x4] =	wrdreg $0xC0  }
0xac: {  	_ =	task [dreg:s8], $0x5FFFF  }
0xad: {  	[dreg:$0x1] =	wrdreg $0xFFFFFFFF  }
0xae: {  	[dreg:$0x0] =	wrdreg $0x60  }
0xaf: {  	[dreg:$0x2] =	wrdreg s2  }
0xb0: {  	[dreg:$0x3] =	wrdreg s19  }
0xb1: {  	[dreg:$0x4] =	wrdreg $0x9  }
0xb2: {  	_ =	task.clear_ibuf [dreg:s8], $0x5FFFF;
	_ =	strace $0x90000046  }
0xb3: {  	s29 =	simm.s32 $0x9;
	_ =	strace $0x80000048  }
0xb4: {  	_ =	swait.ge [sflag:s29], $0x1  }
0xb5: {  	[sflag:s29] =	ssyncadd.s32 $0xFFFFFFFF  }
0xb6: {  	_ =	strace $0x90000048  }
0xb7: {  	_ =	sfence  }
0xb8: {  	s30 =	sld [smem:$0x0];
	_ =	sdelay $0x2  }
0xb9: {  	s31 =	sshll.u32 s1, $0xD;
	s1 =	sshrl.u32 s1, $0x2  }
0xba: {  	s3 =	sand.u32 $0x4000, s31;
	s1 =	sadd.s32 s1, s30  }
0xbb: {  	s0 =	sor.u32 s3, s0;
	s1 =	sshll.u32 s1, $0x11  }
0xbc: {  	s0 =	sor.u32 s1, s0  }
0xbd: {  	s0 =	sadd.s32 $0x8F2B, s0  }
0xbe: {  	[sflag:s0] =	ssyncadd.remote.s32 $0x1  }
0xbf: {  	_ =	sfence.sel $0xFFFF  }
0xc0: {  	[dreg:$0x0] =	wrdreg $0xFFFFFFFF;
	(pc) =	sbr.abs _section_cstart, $3  }
0xc1: {  	[dreg:$0x1] =	wrdreg $0xFFFFFFFF  }
0xc2: {  	_ =	task.clear_ibuf [dreg:s8], $0x2FFFF;
	_ =	strace $0x9FFFFFFF  }
0xc3: {  	(tm) =	ssettm $0x7FFFFFFF  }
tec
execute0_lowered:
.L_overlay_start_1:
0x0: {  	(tag) =	ssettag $0x1  }
0x1: {  	s0 =	srdreg.scid  }
0x2: {  	s2 =	rddreg [dreg:$0x0];
	s1 =	stileid.u32  }
0x3: {  	s3 =	rddreg [dreg:$0x1];
	s5 =	simm.s32 $0x0;
	s10 =	simm.s32 $0x1000  }
0x4: {  	s11 =	simm.s32 $0x200000;
	s12 =	simm.s32 $0x7000;
	s13 =	simm.s32 $0x1  }
0x5: {  	s14 =	simm.s32 $0xE000;
	s15 =	simm.s32 $0x2;
	s16 =	simm.s32 $0x4  }
0x6: {  	s17 =	simm.s32 $0x14000;
	s18 =	simm.s32 $0x3;
	s0 =	sand.u32 $0x1, s0  }
0x7: {  	s1 =	sshll.u32 s1, $0xA;
	s4 =	sshll.u32 s0, $0x9;
	s0 =	ssub.s32 $0x2, s0  }
0x8: {  	s19 =	simm.s32 $0x0;
	s4 =	sor.u32 s4, s1;
	s7 =	sshrl.u32 s0, $0x1  }
0x9: {  	[smem:$0x7FF] =	sst s5;
	s1 =	sshll.u32 s4, $0x4;
	s0 =	ssub.s32 s0, s7  }
0xa: {  	_ =	strace $0x80000047;
	s6 =	sadd.s32 s2, s1;
	s0 =	smax.u32 s0, $0x1  }
0xb: {  	s9 =	sor.u32 $0x20, s4;
	s7 =	sadd.s32 $0x400, s6;
	[dreg:$0x3] =	wrdreg s0  }
.LBB2_1:
0xc: {  	[tilespmem:s5], [sflag:$0x1] =	stream.strided.gather [hbm4b:s6+s10], $0x7000, s11, s10, $0x38;
	[tilespmem:$0x1A000] =	vst v63  }
0xd: {  	s20 =	simm.s32 $0x0  }
.LBB2_2:
0xe: {  	s22 =	sshll.u32 s20, $0x6  }
0xf: {  	s21 =	sor.u32 s9, s22  }
0x10: {  	s0 =	sshll.u32 s21, $0x4  }
0x11: {  	s0 =	sadd.s32 s2, s0  }
0x12: {  	[tilespmem:s12], [sflag:$0x2] =	stream.strided.gather [hbm4b:s0+s10], $0x7000, s11, s10, $0x38;
	[tilespmem:$0x1A000] =	vst v63  }
0x13: {  	_ =	swait.ge [sflag:s13], $0x7000  }
0x14: {  	p0 =	seq.s32 s20, $0x0;
	[sflag:s13] =	ssyncset.done $0x0  }
0x15: {  	s0 =	simm.s32 @!p0 $0x3;
	[sflag:s13] =	ssyncadd.s32 $0xFFFF9000  }
0x16: {  	_ =	swait.ge @!p0 [sflag:s0], $0x6000  }
0x17: {  	[sflag:s0] =	ssyncset.done @!p0 $0x0  }
0x18: {  	s23 =	sshll.u32 s20, $0xA;
	s24 =	simm.s32 $0x0;
	[sflag:s0] =	ssyncadd.s32 @!p0 $0xFFFFA000  }
.LBB2_3:
0x19: {  	s0 =	sshll.u32 s24, $0x7  }
0x1a: {  	s26 =	sand.u32 $0x3FFFFF80, s0  }
0x1b: {  	v0 =	vld [tilespmem:s26+$0x0]  }
0x1c: {  	v1 =	vld [tilespmem:s26+$0x1000];
	_ =	sdelay $0x3  }
0x1d: {  	s31 =	smul.u32 $0xC00, s24  }
0x1e: {  	v0 =	vadd.f32 v1, v0  }
0x1f: {  	s25 =	sshra.s32 s31, $0x2  }
0x20: {  	[tilespmem:s25+$0xE000] =	vst v0  }
0x21: {  	v0 =	vld [tilespmem:s26+$0x10]  }
0x22: {  	v28 =	vld [tilespmem:s26+$0x1010];
	_ =	sdelay $0x4  }
0x23: {  	v0 =	vadd.f32 v28, v0;
	_ =	sdelay $0x1  }
0x24: {  	[tilespmem:s25+$0xE010] =	vst v0  }
0x25: {  	v0 =	vld [tilespmem:s26+$0x20]  }
0x26: {  	v29 =	vld [tilespmem:s26+$0x1020];
	_ =	sdelay $0x4  }
0x27: {  	v0 =	vadd.f32 v29, v0;
	_ =	sdelay $0x1  }
0x28: {  	[tilespmem:s25+$0xE020] =	vst v0  }
0x29: {  	v0 =	vld [tilespmem:s26+$0x30]  }
0x2a: {  	v30 =	vld [tilespmem:s26+$0x1030];
	_ =	sdelay $0x4  }
0x2b: {  	v0 =	vadd.f32 v30, v0;
	_ =	sdelay $0x1  }
0x2c: {  	[tilespmem:s25+$0xE030] =	vst v0  }
0x2d: {  	v0 =	vld [tilespmem:s26+$0x40]  }
0x2e: {  	v31 =	vld [tilespmem:s26+$0x1040];
	_ =	sdelay $0x4  }
0x2f: {  	v0 =	vadd.f32 v31, v0;
	_ =	sdelay $0x1  }
0x30: {  	[tilespmem:s25+$0xE040] =	vst v0  }
0x31: {  	v0 =	vld [tilespmem:s26+$0x50]  }
0x32: {  	v32 =	vld [tilespmem:s26+$0x1050];
	_ =	sdelay $0x4  }
0x33: {  	v0 =	vadd.f32 v32, v0;
	_ =	sdelay $0x1  }
0x34: {  	[tilespmem:s25+$0xE050] =	vst v0  }
0x35: {  	v0 =	vld [tilespmem:s26+$0x60]  }
0x36: {  	v33 =	vld [tilespmem:s26+$0x1060];
	_ =	sdelay $0x4  }
0x37: {  	v0 =	vadd.f32 v33, v0;
	_ =	sdelay $0x1  }
0x38: {  	[tilespmem:s25+$0xE060] =	vst v0  }
0x39: {  	v0 =	vld [tilespmem:s26+$0x70]  }
0x3a: {  	v34 =	vld [tilespmem:s26+$0x1070];
	_ =	sdelay $0x4  }
0x3b: {  	v0 =	vadd.f32 v34, v0;
	_ =	sdelay $0x1  }
0x3c: {  	[tilespmem:s25+$0xE070] =	vst v0  }
0x3d: {  	v0 =	vld [tilespmem:s26+$0x1000]  }
0x3e: {  	v35 =	vld [tilespmem:s26+$0x2000];
	_ =	sdelay $0x4  }
0x3f: {  	v0 =	vadd.f32 v35, v0;
	_ =	sdelay $0x1  }
0x40: {  	[tilespmem:s25+$0xE080] =	vst v0  }
0x41: {  	v0 =	vld [tilespmem:s26+$0x1010]  }
0x42: {  	v36 =	vld [tilespmem:s26+$0x2010];
	_ =	sdelay $0x4  }
0x43: {  	v0 =	vadd.f32 v36, v0;
	_ =	sdelay $0x1  }
0x44: {  	[tilespmem:s25+$0xE090] =	vst v0  }
0x45: {  	v0 =	vld [tilespmem:s26+$0x1020]  }
0x46: {  	v37 =	vld [tilespmem:s26+$0x2020];
	_ =	sdelay $0x4  }
0x47: {  	v0 =	vadd.f32 v37, v0;
	_ =	sdelay $0x1  }
0x48: {  	[tilespmem:s25+$0xE0A0] =	vst v0  }
0x49: {  	v0 =	vld [tilespmem:s26+$0x1030]  }
0x4a: {  	v38 =	vld [tilespmem:s26+$0x2030];
	_ =	sdelay $0x4  }
0x4b: {  	v0 =	vadd.f32 v38, v0;
	_ =	sdelay $0x1  }
0x4c: {  	[tilespmem:s25+$0xE0B0] =	vst v0  }
0x4d: {  	v0 =	vld [tilespmem:s26+$0x1040]  }
0x4e: {  	v39 =	vld [tilespmem:s26+$0x2040];
	_ =	sdelay $0x4  }
0x4f: {  	v0 =	vadd.f32 v39, v0;
	_ =	sdelay $0x1  }
0x50: {  	[tilespmem:s25+$0xE0C0] =	vst v0  }
0x51: {  	v0 =	vld [tilespmem:s26+$0x1050]  }
0x52: {  	v40 =	vld [tilespmem:s26+$0x2050];
	_ =	sdelay $0x4  }
0x53: {  	v0 =	vadd.f32 v40, v0;
	_ =	sdelay $0x1  }
0x54: {  	[tilespmem:s25+$0xE0D0] =	vst v0  }
0x55: {  	v0 =	vld [tilespmem:s26+$0x1060]  }
0x56: {  	v41 =	vld [tilespmem:s26+$0x2060];
	_ =	sdelay $0x4  }
0x57: {  	v0 =	vadd.f32 v41, v0;
	_ =	sdelay $0x1  }
0x58: {  	[tilespmem:s25+$0xE0E0] =	vst v0  }
0x59: {  	v0 =	vld [tilespmem:s26+$0x1070]  }
0x5a: {  	v42 =	vld [tilespmem:s26+$0x2070];
	_ =	sdelay $0x4  }
0x5b: {  	v0 =	vadd.f32 v42, v0;
	_ =	sdelay $0x1  }
0x5c: {  	[tilespmem:s25+$0xE0F0] =	vst v0  }
0x5d: {  	v0 =	vld [tilespmem:s26+$0x2000]  }
0x5e: {  	v43 =	vld [tilespmem:s26+$0x3000];
	_ =	sdelay $0x4  }
0x5f: {  	v0 =	vadd.f32 v43, v0;
	_ =	sdelay $0x1  }
0x60: {  	[tilespmem:s25+$0xE100] =	vst v0  }
0x61: {  	v0 =	vld [tilespmem:s26+$0x2010]  }
0x62: {  	v44 =	vld [tilespmem:s26+$0x3010];
	_ =	sdelay $0x4  }
0x63: {  	v0 =	vadd.f32 v44, v0;
	_ =	sdelay $0x1  }
0x64: {  	[tilespmem:s25+$0xE110] =	vst v0  }
0x65: {  	v0 =	vld [tilespmem:s26+$0x2020]  }
0x66: {  	v45 =	vld [tilespmem:s26+$0x3020];
	_ =	sdelay $0x4  }
0x67: {  	v0 =	vadd.f32 v45, v0;
	_ =	sdelay $0x1  }
0x68: {  	[tilespmem:s25+$0xE120] =	vst v0  }
0x69: {  	v0 =	vld [tilespmem:s26+$0x2030]  }
0x6a: {  	v46 =	vld [tilespmem:s26+$0x3030];
	_ =	sdelay $0x4  }
0x6b: {  	v0 =	vadd.f32 v46, v0;
	_ =	sdelay $0x1  }
0x6c: {  	[tilespmem:s25+$0xE130] =	vst v0  }
0x6d: {  	v0 =	vld [tilespmem:s26+$0x2040]  }
0x6e: {  	v47 =	vld [tilespmem:s26+$0x3040];
	_ =	sdelay $0x4  }
0x6f: {  	v0 =	vadd.f32 v47, v0;
	_ =	sdelay $0x1  }
0x70: {  	[tilespmem:s25+$0xE140] =	vst v0  }
0x71: {  	v0 =	vld [tilespmem:s26+$0x2050]  }
0x72: {  	v48 =	vld [tilespmem:s26+$0x3050];
	_ =	sdelay $0x4  }
0x73: {  	v0 =	vadd.f32 v48, v0;
	_ =	sdelay $0x1  }
0x74: {  	[tilespmem:s25+$0xE150] =	vst v0  }
0x75: {  	v0 =	vld [tilespmem:s26+$0x2060]  }
0x76: {  	v49 =	vld [tilespmem:s26+$0x3060];
	_ =	sdelay $0x4  }
0x77: {  	v0 =	vadd.f32 v49, v0;
	_ =	sdelay $0x1  }
0x78: {  	[tilespmem:s25+$0xE160] =	vst v0  }
0x79: {  	v0 =	vld [tilespmem:s26+$0x2070]  }
0x7a: {  	v50 =	vld [tilespmem:s26+$0x3070];
	_ =	sdelay $0x4  }
0x7b: {  	v0 =	vadd.f32 v50, v0;
	_ =	sdelay $0x1  }
0x7c: {  	[tilespmem:s25+$0xE170] =	vst v0  }
0x7d: {  	v0 =	vld [tilespmem:s26+$0x3000]  }
0x7e: {  	v51 =	vld [tilespmem:s26+$0x4000];
	_ =	sdelay $0x4  }
0x7f: {  	v0 =	vadd.f32 v51, v0;
	_ =	sdelay $0x1  }
0x80: {  	s0 =	sor.u32 $0x1, s24;
	[tilespmem:s25+$0xE180] =	vst v0  }
0x81: {  	s1 =	sshll.u32 s0, $0x7;
	v0 =	vld [tilespmem:s26+$0x3010]  }
0x82: {  	s28 =	sand.u32 $0x3FFFFF80, s1;
	s1 =	sor.u32 $0x2, s24;
	v1 =	vld [tilespmem:s26+$0x4010]  }
0x83: {  	s29 =	sshll.u32 s1, $0x7;
	v2 =	vld [tilespmem:s28+$0x0]  }
0x84: {  	s8 =	sor.u32 $0x3, s24;
	s29 =	sand.u32 $0x3FFFFF80, s29;
	v3 =	vld [tilespmem:s28+$0x1000]  }
0x85: {  	s30 =	sshll.u32 s8, $0x7;
	v4 =	vld [tilespmem:s29+$0x0]  }
0x86: {  	s31 =	sand.u32 $0x3FFFFF80, s30;
	v5 =	vld [tilespmem:s29+$0x1000]  }
0x87: {  	v6 =	vld [tilespmem:s31+$0x0]  }
0x88: {  	s0 =	smul.u32 $0xC00, s0;
	v7 =	vld [tilespmem:s31+$0x1000]  }
0x89: {  	v2 =	vadd.f32 v3, v2  }
0x8a: {  	s30 =	sshra.s32 s0, $0x2;
	s1 =	smul.u32 $0xC00, s1  }
0x8b: {  	v52 =	vadd.f32 v5, v4;
	[tilespmem:s30+$0xE000] =	vst v2  }
0x8c: {  	s8 =	smul.u32 $0xC00, s8;
	s1 =	sshra.s32 s1, $0x2;
	v53 =	vld [tilespmem:s28+$0x10]  }
0x8d: {  	v55 =	vadd.f32 v7, v6;
	[tilespmem:s1+$0xE000] =	vst v52;
	v54 =	vld [tilespmem:s28+$0x1010]  }
0x8e: {  	s0 =	sshra.s32 s8, $0x2;
	v56 =	vld [tilespmem:s29+$0x10]  }
0x8f: {  	[tilespmem:s0+$0xE000] =	vst v55;
	v57 =	vld [tilespmem:s29+$0x1010]  }
0x90: {  	v2 =	vld [tilespmem:s31+$0x10]  }
0x91: {  	v58 =	vld [tilespmem:s31+$0x1010]  }
0x92: {  	v3 =	vadd.f32 v54, v53;
	_ =	sdelay $0x1  }
0x93: {  	v59 =	vadd.f32 v57, v56;
	[tilespmem:s30+$0xE010] =	vst v3  }
0x94: {  	v60 =	vld [tilespmem:s28+$0x20]  }
0x95: {  	v2 =	vadd.f32 v58, v2;
	[tilespmem:s1+$0xE010] =	vst v59;
	v61 =	vld [tilespmem:s28+$0x1020]  }
0x96: {  	v3 =	vld [tilespmem:s29+$0x20]  }
0x97: {  	[tilespmem:s0+$0xE010] =	vst v2;
	v62 =	vld [tilespmem:s29+$0x1020]  }
0x98: {  	v2 =	vld [tilespmem:s31+$0x20]  }
0x99: {  	v63 =	vld [tilespmem:s31+$0x1020]  }
0x9a: {  	v4 =	vadd.f32 v61, v60;
	_ =	sdelay $0x1  }
0x9b: {  	v3 =	vadd.f32 v62, v3;
	[tilespmem:s30+$0xE020] =	vst v4  }
0x9c: {  	v4 =	vld [tilespmem:s28+$0x30]  }
0x9d: {  	v2 =	vadd.f32 v63, v2;
	[tilespmem:s1+$0xE020] =	vst v3;
	v9 =	vld [tilespmem:s28+$0x1030]  }
0x9e: {  	v3 =	vld [tilespmem:s29+$0x30]  }
0x9f: {  	[tilespmem:s0+$0xE020] =	vst v2;
	v10 =	vld [tilespmem:s29+$0x1030]  }
0xa0: {  	v2 =	vld [tilespmem:s31+$0x30]  }
0xa1: {  	v11 =	vld [tilespmem:s31+$0x1030]  }
0xa2: {  	v4 =	vadd.f32 v9, v4;
	_ =	sdelay $0x1  }
0xa3: {  	v3 =	vadd.f32 v10, v3;
	[tilespmem:s30+$0xE030] =	vst v4  }
0xa4: {  	v4 =	vld [tilespmem:s28+$0x40]  }
0xa5: {  	v2 =	vadd.f32 v11, v2;
	[tilespmem:s1+$0xE030] =	vst v3;
	v12 =	vld [tilespmem:s28+$0x1040]  }
0xa6: {  	v3 =	vld [tilespmem:s29+$0x40]  }
0xa7: {  	[tilespmem:s0+$0xE030] =	vst v2;
	v13 =	vld [tilespmem:s29+$0x1040]  }
0xa8: {  	v2 =	vld [tilespmem:s31+$0x40]  }
0xa9: {  	v14 =	vld [tilespmem:s31+$0x1040]  }
0xaa: {  	v4 =	vadd.f32 v12, v4;
	_ =	sdelay $0x1  }
0xab: {  	v3 =	vadd.f32 v13, v3;
	[tilespmem:s30+$0xE040] =	vst v4  }
0xac: {  	v4 =	vld [tilespmem:s28+$0x50]  }
0xad: {  	v2 =	vadd.f32 v14, v2;
	[tilespmem:s1+$0xE040] =	vst v3;
	v15 =	vld [tilespmem:s28+$0x1050]  }
0xae: {  	v3 =	vld [tilespmem:s29+$0x50]  }
0xaf: {  	[tilespmem:s0+$0xE040] =	vst v2;
	v16 =	vld [tilespmem:s29+$0x1050]  }
0xb0: {  	v2 =	vld [tilespmem:s31+$0x50]  }
0xb1: {  	v17 =	vld [tilespmem:s31+$0x1050]  }
0xb2: {  	v4 =	vadd.f32 v15, v4;
	_ =	sdelay $0x1  }
0xb3: {  	v3 =	vadd.f32 v16, v3;
	[tilespmem:s30+$0xE050] =	vst v4  }
0xb4: {  	v4 =	vld [tilespmem:s28+$0x60]  }
0xb5: {  	v2 =	vadd.f32 v17, v2;
	[tilespmem:s1+$0xE050] =	vst v3;
	v18 =	vld [tilespmem:s28+$0x1060]  }
0xb6: {  	v3 =	vld [tilespmem:s29+$0x60]  }
0xb7: {  	[tilespmem:s0+$0xE050] =	vst v2;
	v19 =	vld [tilespmem:s29+$0x1060]  }
0xb8: {  	v2 =	vld [tilespmem:s31+$0x60]  }
0xb9: {  	v20 =	vld [tilespmem:s31+$0x1060]  }
0xba: {  	v4 =	vadd.f32 v18, v4;
	_ =	sdelay $0x1  }
0xbb: {  	v3 =	vadd.f32 v19, v3;
	[tilespmem:s30+$0xE060] =	vst v4  }
0xbc: {  	v4 =	vld [tilespmem:s28+$0x70]  }
0xbd: {  	v2 =	vadd.f32 v20, v2;
	[tilespmem:s1+$0xE060] =	vst v3;
	v21 =	vld [tilespmem:s28+$0x1070]  }
0xbe: {  	v3 =	vld [tilespmem:s29+$0x70]  }
0xbf: {  	[tilespmem:s0+$0xE060] =	vst v2;
	v22 =	vld [tilespmem:s29+$0x1070]  }
0xc0: {  	v2 =	vld [tilespmem:s31+$0x70]  }
0xc1: {  	v23 =	vld [tilespmem:s31+$0x1070]  }
0xc2: {  	v4 =	vadd.f32 v21, v4;
	_ =	sdelay $0x1  }
0xc3: {  	v3 =	vadd.f32 v22, v3;
	[tilespmem:s30+$0xE070] =	vst v4  }
0xc4: {  	v4 =	vld [tilespmem:s28+$0x1000]  }
0xc5: {  	v2 =	vadd.f32 v23, v2;
	[tilespmem:s1+$0xE070] =	vst v3;
	v24 =	vld [tilespmem:s28+$0x2000]  }
0xc6: {  	v3 =	vld [tilespmem:s29+$0x1000]  }
0xc7: {  	[tilespmem:s0+$0xE070] =	vst v2;
	v25 =	vld [tilespmem:s29+$0x2000]  }
0xc8: {  	v2 =	vld [tilespmem:s31+$0x1000]  }
0xc9: {  	v26 =	vld [tilespmem:s31+$0x2000]  }
0xca: {  	v4 =	vadd.f32 v24, v4;
	_ =	sdelay $0x1  }
0xcb: {  	v3 =	vadd.f32 v25, v3;
	[tilespmem:s30+$0xE080] =	vst v4  }
0xcc: {  	v4 =	vld [tilespmem:s28+$0x1010]  }
0xcd: {  	v2 =	vadd.f32 v26, v2;
	[tilespmem:s1+$0xE080] =	vst v3;
	v27 =	vld [tilespmem:s28+$0x2010]  }
0xce: {  	v3 =	vld [tilespmem:s29+$0x1010]  }
0xcf: {  	[tilespmem:s0+$0xE080] =	vst v2;
	v28 =	vld [tilespmem:s29+$0x2010]  }
0xd0: {  	v2 =	vld [tilespmem:s31+$0x1010]  }
0xd1: {  	v29 =	vld [tilespmem:s31+$0x2010]  }
0xd2: {  	v4 =	vadd.f32 v27, v4;
	_ =	sdelay $0x1  }
0xd3: {  	v3 =	vadd.f32 v28, v3;
	[tilespmem:s30+$0xE090] =	vst v4  }
0xd4: {  	v4 =	vld [tilespmem:s28+$0x1020]  }
0xd5: {  	v2 =	vadd.f32 v29, v2;
	[tilespmem:s1+$0xE090] =	vst v3;
	v30 =	vld [tilespmem:s28+$0x2020]  }
0xd6: {  	v3 =	vld [tilespmem:s29+$0x1020]  }
0xd7: {  	[tilespmem:s0+$0xE090] =	vst v2;
	v31 =	vld [tilespmem:s29+$0x2020]  }
0xd8: {  	v2 =	vld [tilespmem:s31+$0x1020]  }
0xd9: {  	v32 =	vld [tilespmem:s31+$0x2020]  }
0xda: {  	v4 =	vadd.f32 v30, v4;
	_ =	sdelay $0x1  }
0xdb: {  	v3 =	vadd.f32 v31, v3;
	[tilespmem:s30+$0xE0A0] =	vst v4  }
0xdc: {  	v4 =	vld [tilespmem:s28+$0x1030]  }
0xdd: {  	v2 =	vadd.f32 v32, v2;
	[tilespmem:s1+$0xE0A0] =	vst v3;
	v33 =	vld [tilespmem:s28+$0x2030]  }
0xde: {  	v3 =	vld [tilespmem:s29+$0x1030]  }
0xdf: {  	[tilespmem:s0+$0xE0A0] =	vst v2;
	v34 =	vld [tilespmem:s29+$0x2030]  }
0xe0: {  	v2 =	vld [tilespmem:s31+$0x1030]  }
0xe1: {  	v35 =	vld [tilespmem:s31+$0x2030]  }
0xe2: {  	v4 =	vadd.f32 v33, v4;
	_ =	sdelay $0x1  }
0xe3: {  	v3 =	vadd.f32 v34, v3;
	[tilespmem:s30+$0xE0B0] =	vst v4  }
0xe4: {  	v4 =	vld [tilespmem:s28+$0x1040]  }
0xe5: {  	v2 =	vadd.f32 v35, v2;
	[tilespmem:s1+$0xE0B0] =	vst v3;
	v36 =	vld [tilespmem:s28+$0x2040]  }
0xe6: {  	v3 =	vld [tilespmem:s29+$0x1040]  }
0xe7: {  	[tilespmem:s0+$0xE0B0] =	vst v2;
	v37 =	vld [tilespmem:s29+$0x2040]  }
0xe8: {  	v2 =	vld [tilespmem:s31+$0x1040]  }
0xe9: {  	v38 =	vld [tilespmem:s31+$0x2040]  }
0xea: {  	v4 =	vadd.f32 v36, v4;
	_ =	sdelay $0x1  }
0xeb: {  	v3 =	vadd.f32 v37, v3;
	[tilespmem:s30+$0xE0C0] =	vst v4  }
0xec: {  	v4 =	vld [tilespmem:s28+$0x1050]  }
0xed: {  	v2 =	vadd.f32 v38, v2;
	[tilespmem:s1+$0xE0C0] =	vst v3;
	v39 =	vld [tilespmem:s28+$0x2050]  }
0xee: {  	v3 =	vld [tilespmem:s29+$0x1050]  }
0xef: {  	[tilespmem:s0+$0xE0C0] =	vst v2;
	v40 =	vld [tilespmem:s29+$0x2050]  }
0xf0: {  	v2 =	vld [tilespmem:s31+$0x1050]  }
0xf1: {  	v41 =	vld [tilespmem:s31+$0x2050]  }
0xf2: {  	v4 =	vadd.f32 v39, v4;
	_ =	sdelay $0x1  }
0xf3: {  	v3 =	vadd.f32 v40, v3;
	[tilespmem:s30+$0xE0D0] =	vst v4  }
0xf4: {  	v4 =	vld [tilespmem:s28+$0x1060]  }
0xf5: {  	v2 =	vadd.f32 v41, v2;
	[tilespmem:s1+$0xE0D0] =	vst v3;
	v42 =	vld [tilespmem:s28+$0x2060]  }
0xf6: {  	v3 =	vld [tilespmem:s29+$0x1060]  }
0xf7: {  	[tilespmem:s0+$0xE0D0] =	vst v2;
	v43 =	vld [tilespmem:s29+$0x2060]  }
0xf8: {  	v2 =	vld [tilespmem:s31+$0x1060]  }
0xf9: {  	v44 =	vld [tilespmem:s31+$0x2060]  }
0xfa: {  	v4 =	vadd.f32 v42, v4;
	_ =	sdelay $0x1  }
0xfb: {  	v3 =	vadd.f32 v43, v3;
	[tilespmem:s30+$0xE0E0] =	vst v4  }
0xfc: {  	v4 =	vld [tilespmem:s28+$0x1070]  }
0xfd: {  	v2 =	vadd.f32 v44, v2;
	[tilespmem:s1+$0xE0E0] =	vst v3;
	v45 =	vld [tilespmem:s28+$0x2070]  }
0xfe: {  	v3 =	vld [tilespmem:s29+$0x1070]  }
0xff: {  	[tilespmem:s0+$0xE0E0] =	vst v2;
	v46 =	vld [tilespmem:s29+$0x2070]  }
0x100: {  	v2 =	vld [tilespmem:s31+$0x1070]  }
0x101: {  	v47 =	vld [tilespmem:s31+$0x2070]  }
0x102: {  	v4 =	vadd.f32 v45, v4;
	_ =	sdelay $0x1  }
0x103: {  	v3 =	vadd.f32 v46, v3;
	[tilespmem:s30+$0xE0F0] =	vst v4  }
0x104: {  	v4 =	vld [tilespmem:s28+$0x2000]  }
0x105: {  	v2 =	vadd.f32 v47, v2;
	[tilespmem:s1+$0xE0F0] =	vst v3;
	v48 =	vld [tilespmem:s28+$0x3000]  }
0x106: {  	v3 =	vld [tilespmem:s29+$0x2000]  }
0x107: {  	[tilespmem:s0+$0xE0F0] =	vst v2;
	v49 =	vld [tilespmem:s29+$0x3000]  }
0x108: {  	v2 =	vld [tilespmem:s31+$0x2000]  }
0x109: {  	v50 =	vld [tilespmem:s31+$0x3000]  }
0x10a: {  	v4 =	vadd.f32 v48, v4;
	_ =	sdelay $0x1  }
0x10b: {  	v3 =	vadd.f32 v49, v3;
	[tilespmem:s30+$0xE100] =	vst v4  }
0x10c: {  	v4 =	vld [tilespmem:s28+$0x2010]  }
0x10d: {  	v2 =	vadd.f32 v50, v2;
	[tilespmem:s1+$0xE100] =	vst v3;
	v51 =	vld [tilespmem:s28+$0x3010]  }
0x10e: {  	v3 =	vld [tilespmem:s29+$0x2010]  }
0x10f: {  	[tilespmem:s0+$0xE100] =	vst v2;
	v52 =	vld [tilespmem:s29+$0x3010]  }
0x110: {  	v2 =	vld [tilespmem:s31+$0x2010]  }
0x111: {  	v53 =	vld [tilespmem:s31+$0x3010]  }
0x112: {  	v4 =	vadd.f32 v51, v4;
	_ =	sdelay $0x1  }
0x113: {  	v3 =	vadd.f32 v52, v3;
	[tilespmem:s30+$0xE110] =	vst v4  }
0x114: {  	v4 =	vld [tilespmem:s28+$0x2020]  }
0x115: {  	v2 =	vadd.f32 v53, v2;
	[tilespmem:s1+$0xE110] =	vst v3;
	v54 =	vld [tilespmem:s28+$0x3020]  }
0x116: {  	v3 =	vld [tilespmem:s29+$0x2020]  }
0x117: {  	[tilespmem:s0+$0xE110] =	vst v2;
	v55 =	vld [tilespmem:s29+$0x3020]  }
0x118: {  	v2 =	vld [tilespmem:s31+$0x2020]  }
0x119: {  	v56 =	vld [tilespmem:s31+$0x3020]  }
0x11a: {  	v4 =	vadd.f32 v54, v4;
	_ =	sdelay $0x1  }
0x11b: {  	v3 =	vadd.f32 v55, v3;
	[tilespmem:s30+$0xE120] =	vst v4  }
0x11c: {  	v4 =	vld [tilespmem:s28+$0x2030]  }
0x11d: {  	v2 =	vadd.f32 v56, v2;
	[tilespmem:s1+$0xE120] =	vst v3;
	v57 =	vld [tilespmem:s28+$0x3030]  }
0x11e: {  	v3 =	vld [tilespmem:s29+$0x2030]  }
0x11f: {  	[tilespmem:s0+$0xE120] =	vst v2;
	v58 =	vld [tilespmem:s29+$0x3030]  }
0x120: {  	v2 =	vld [tilespmem:s31+$0x2030]  }
0x121: {  	v59 =	vld [tilespmem:s31+$0x3030]  }
0x122: {  	v4 =	vadd.f32 v57, v4;
	_ =	sdelay $0x1  }
0x123: {  	v3 =	vadd.f32 v58, v3;
	[tilespmem:s30+$0xE130] =	vst v4  }
0x124: {  	v4 =	vld [tilespmem:s28+$0x2040]  }
0x125: {  	v2 =	vadd.f32 v59, v2;
	[tilespmem:s1+$0xE130] =	vst v3;
	v60 =	vld [tilespmem:s28+$0x3040]  }
0x126: {  	v3 =	vld [tilespmem:s29+$0x2040]  }
0x127: {  	[tilespmem:s0+$0xE130] =	vst v2;
	v61 =	vld [tilespmem:s29+$0x3040]  }
0x128: {  	v2 =	vld [tilespmem:s31+$0x2040]  }
0x129: {  	v62 =	vld [tilespmem:s31+$0x3040]  }
0x12a: {  	v4 =	vadd.f32 v60, v4;
	_ =	sdelay $0x1  }
0x12b: {  	v3 =	vadd.f32 v61, v3;
	[tilespmem:s30+$0xE140] =	vst v4  }
0x12c: {  	v4 =	vld [tilespmem:s28+$0x2050]  }
0x12d: {  	v2 =	vadd.f32 v62, v2;
	[tilespmem:s1+$0xE140] =	vst v3;
	v63 =	vld [tilespmem:s28+$0x3050]  }
0x12e: {  	v3 =	vld [tilespmem:s29+$0x2050]  }
0x12f: {  	[tilespmem:s0+$0xE140] =	vst v2;
	v9 =	vld [tilespmem:s29+$0x3050]  }
0x130: {  	v2 =	vld [tilespmem:s31+$0x2050]  }
0x131: {  	v10 =	vld [tilespmem:s31+$0x3050]  }
0x132: {  	v4 =	vadd.f32 v63, v4;
	_ =	sdelay $0x1  }
0x133: {  	v3 =	vadd.f32 v9, v3;
	[tilespmem:s30+$0xE150] =	vst v4  }
0x134: {  	v4 =	vld [tilespmem:s28+$0x2060]  }
0x135: {  	v2 =	vadd.f32 v10, v2;
	[tilespmem:s1+$0xE150] =	vst v3;
	v11 =	vld [tilespmem:s28+$0x3060]  }
0x136: {  	v3 =	vld [tilespmem:s29+$0x2060]  }
0x137: {  	[tilespmem:s0+$0xE150] =	vst v2;
	v12 =	vld [tilespmem:s29+$0x3060]  }
0x138: {  	v2 =	vld [tilespmem:s31+$0x2060]  }
0x139: {  	v13 =	vld [tilespmem:s31+$0x3060]  }
0x13a: {  	v4 =	vadd.f32 v11, v4;
	_ =	sdelay $0x1  }
0x13b: {  	v3 =	vadd.f32 v12, v3;
	[tilespmem:s30+$0xE160] =	vst v4  }
0x13c: {  	v4 =	vld [tilespmem:s28+$0x2070]  }
0x13d: {  	v2 =	vadd.f32 v13, v2;
	[tilespmem:s1+$0xE160] =	vst v3;
	v14 =	vld [tilespmem:s28+$0x3070]  }
0x13e: {  	v3 =	vld [tilespmem:s29+$0x2070]  }
0x13f: {  	[tilespmem:s0+$0xE160] =	vst v2;
	v15 =	vld [tilespmem:s29+$0x3070]  }
0x140: {  	v2 =	vld [tilespmem:s31+$0x2070]  }
0x141: {  	v16 =	vld [tilespmem:s31+$0x3070]  }
0x142: {  	v4 =	vadd.f32 v14, v4;
	_ =	sdelay $0x1  }
0x143: {  	v3 =	vadd.f32 v15, v3;
	[tilespmem:s30+$0xE170] =	vst v4  }
0x144: {  	v4 =	vld [tilespmem:s28+$0x3000]  }
0x145: {  	v2 =	vadd.f32 v16, v2;
	[tilespmem:s1+$0xE170] =	vst v3;
	v17 =	vld [tilespmem:s28+$0x4000]  }
0x146: {  	v3 =	vld [tilespmem:s29+$0x3000]  }
0x147: {  	[tilespmem:s0+$0xE170] =	vst v2;
	v18 =	vld [tilespmem:s29+$0x4000]  }
0x148: {  	v2 =	vld [tilespmem:s31+$0x3000]  }
0x149: {  	v19 =	vld [tilespmem:s31+$0x4000]  }
0x14a: {  	v4 =	vadd.f32 v17, v4;
	_ =	sdelay $0x1  }
0x14b: {  	v3 =	vadd.f32 v18, v3;
	[tilespmem:s30+$0xE180] =	vst v4  }
0x14c: {  	v4 =	vld [tilespmem:s28+$0x3010]  }
0x14d: {  	v2 =	vadd.f32 v19, v2;
	[tilespmem:s1+$0xE180] =	vst v3;
	v20 =	vld [tilespmem:s28+$0x4010]  }
0x14e: {  	v3 =	vld [tilespmem:s29+$0x3010]  }
0x14f: {  	[tilespmem:s0+$0xE180] =	vst v2;
	v21 =	vld [tilespmem:s29+$0x4010]  }
0x150: {  	v0 =	vadd.f32 v1, v0;
	v22 =	vld [tilespmem:s31+$0x3010]  }
0x151: {  	v2 =	vld [tilespmem:s31+$0x4010]  }
0x152: {  	[tilespmem:s25+$0xE190] =	vst v0;
	v23 =	vadd.f32 v20, v4  }
0x153: {  	v24 =	vld [tilespmem:s26+$0x3020]  }
0x154: {  	v25 =	vld [tilespmem:s26+$0x4020];
	v26 =	vadd.f32 v21, v3;
	[tilespmem:s30+$0xE190] =	vst v23  }
0x155: {  	v27 =	vld [tilespmem:s28+$0x3020]  }
0x156: {  	v29 =	vadd.f32 v2, v22;
	[tilespmem:s1+$0xE190] =	vst v26;
	v28 =	vld [tilespmem:s28+$0x4020]  }
0x157: {  	v30 =	vld [tilespmem:s29+$0x3020]  }
0x158: {  	[tilespmem:s0+$0xE190] =	vst v29;
	v31 =	vld [tilespmem:s29+$0x4020]  }
0x159: {  	v32 =	vadd.f32 v25, v24;
	v33 =	vld [tilespmem:s31+$0x3020]  }
0x15a: {  	v34 =	vld [tilespmem:s31+$0x4020]  }
0x15b: {  	[tilespmem:s25+$0xE1A0] =	vst v32;
	v35 =	vadd.f32 v28, v27  }
0x15c: {  	v36 =	vld [tilespmem:s26+$0x3030]  }
0x15d: {  	v37 =	vld [tilespmem:s26+$0x4030];
	v38 =	vadd.f32 v31, v30;
	[tilespmem:s30+$0xE1A0] =	vst v35  }
0x15e: {  	v39 =	vld [tilespmem:s28+$0x3030]  }
0x15f: {  	v41 =	vadd.f32 v34, v33;
	[tilespmem:s1+$0xE1A0] =	vst v38;
	v40 =	vld [tilespmem:s28+$0x4030]  }
0x160: {  	v42 =	vld [tilespmem:s29+$0x3030]  }
0x161: {  	[tilespmem:s0+$0xE1A0] =	vst v41;
	v43 =	vld [tilespmem:s29+$0x4030]  }
0x162: {  	v44 =	vadd.f32 v37, v36;
	v45 =	vld [tilespmem:s31+$0x3030]  }
0x163: {  	v46 =	vld [tilespmem:s31+$0x4030]  }
0x164: {  	[tilespmem:s25+$0xE1B0] =	vst v44;
	v47 =	vadd.f32 v40, v39  }
0x165: {  	v48 =	vld [tilespmem:s26+$0x3040]  }
0x166: {  	v49 =	vld [tilespmem:s26+$0x4040];
	v50 =	vadd.f32 v43, v42;
	[tilespmem:s30+$0xE1B0] =	vst v47  }
0x167: {  	v51 =	vld [tilespmem:s28+$0x3040]  }
0x168: {  	v53 =	vadd.f32 v46, v45;
	[tilespmem:s1+$0xE1B0] =	vst v50;
	v52 =	vld [tilespmem:s28+$0x4040]  }
0x169: {  	v54 =	vld [tilespmem:s29+$0x3040]  }
0x16a: {  	[tilespmem:s0+$0xE1B0] =	vst v53;
	v55 =	vld [tilespmem:s29+$0x4040]  }
0x16b: {  	v56 =	vadd.f32 v49, v48;
	v57 =	vld [tilespmem:s31+$0x3040]  }
0x16c: {  	v58 =	vld [tilespmem:s31+$0x4040]  }
0x16d: {  	[tilespmem:s25+$0xE1C0] =	vst v56;
	v59 =	vadd.f32 v52, v51  }
0x16e: {  	v60 =	vld [tilespmem:s26+$0x3050]  }
0x16f: {  	v61 =	vld [tilespmem:s26+$0x4050];
	v62 =	vadd.f32 v55, v54;
	[tilespmem:s30+$0xE1C0] =	vst v59  }
0x170: {  	v63 =	vld [tilespmem:s28+$0x3050]  }
0x171: {  	v10 =	vadd.f32 v58, v57;
	[tilespmem:s1+$0xE1C0] =	vst v62;
	v9 =	vld [tilespmem:s28+$0x4050]  }
0x172: {  	v11 =	vld [tilespmem:s29+$0x3050]  }
0x173: {  	[tilespmem:s0+$0xE1C0] =	vst v10;
	v12 =	vld [tilespmem:s29+$0x4050]  }
0x174: {  	v13 =	vadd.f32 v61, v60;
	v14 =	vld [tilespmem:s31+$0x3050]  }
0x175: {  	v15 =	vld [tilespmem:s31+$0x4050]  }
0x176: {  	[tilespmem:s25+$0xE1D0] =	vst v13;
	v16 =	vadd.f32 v9, v63  }
0x177: {  	v17 =	vld [tilespmem:s26+$0x3060]  }
0x178: {  	v18 =	vld [tilespmem:s26+$0x4060];
	v19 =	vadd.f32 v12, v11;
	[tilespmem:s30+$0xE1D0] =	vst v16  }
0x179: {  	v20 =	vld [tilespmem:s28+$0x3060]  }
0x17a: {  	v22 =	vadd.f32 v15, v14;
	[tilespmem:s1+$0xE1D0] =	vst v19;
	v21 =	vld [tilespmem:s28+$0x4060]  }
0x17b: {  	v23 =	vld [tilespmem:s29+$0x3060]  }
0x17c: {  	[tilespmem:s0+$0xE1D0] =	vst v22;
	v24 =	vld [tilespmem:s29+$0x4060]  }
0x17d: {  	v25 =	vadd.f32 v18, v17;
	v26 =	vld [tilespmem:s31+$0x3060]  }
0x17e: {  	v27 =	vld [tilespmem:s31+$0x4060]  }
0x17f: {  	[tilespmem:s25+$0xE1E0] =	vst v25;
	v28 =	vadd.f32 v21, v20  }
0x180: {  	v29 =	vld [tilespmem:s26+$0x3070]  }
0x181: {  	v30 =	vld [tilespmem:s26+$0x4070];
	v31 =	vadd.f32 v24, v23;
	[tilespmem:s30+$0xE1E0] =	vst v28  }
0x182: {  	v32 =	vld [tilespmem:s28+$0x3070]  }
0x183: {  	v34 =	vadd.f32 v27, v26;
	[tilespmem:s1+$0xE1E0] =	vst v31;
	v33 =	vld [tilespmem:s28+$0x4070]  }
0x184: {  	v35 =	vld [tilespmem:s29+$0x3070]  }
0x185: {  	[tilespmem:s0+$0xE1E0] =	vst v34;
	v36 =	vld [tilespmem:s29+$0x4070]  }
0x186: {  	v37 =	vadd.f32 v30, v29;
	v38 =	vld [tilespmem:s31+$0x3070]  }
0x187: {  	v39 =	vld [tilespmem:s31+$0x4070]  }
0x188: {  	[tilespmem:s25+$0xE1F0] =	vst v37;
	v40 =	vadd.f32 v33, v32  }
0x189: {  	v41 =	vld [tilespmem:s26+$0x4000]  }
0x18a: {  	v42 =	vld [tilespmem:s26+$0x5000];
	v43 =	vadd.f32 v36, v35;
	[tilespmem:s30+$0xE1F0] =	vst v40  }
0x18b: {  	v44 =	vld [tilespmem:s28+$0x4000]  }
0x18c: {  	v46 =	vadd.f32 v39, v38;
	[tilespmem:s1+$0xE1F0] =	vst v43;
	v45 =	vld [tilespmem:s28+$0x5000]  }
0x18d: {  	v47 =	vld [tilespmem:s29+$0x4000]  }
0x18e: {  	[tilespmem:s0+$0xE1F0] =	vst v46;
	v48 =	vld [tilespmem:s29+$0x5000]  }
0x18f: {  	v49 =	vadd.f32 v42, v41;
	v50 =	vld [tilespmem:s31+$0x4000]  }
0x190: {  	v51 =	vld [tilespmem:s31+$0x5000]  }
0x191: {  	[tilespmem:s25+$0xE200] =	vst v49;
	v52 =	vadd.f32 v45, v44  }
0x192: {  	v53 =	vld [tilespmem:s26+$0x4010]  }
0x193: {  	v54 =	vld [tilespmem:s26+$0x5010];
	v55 =	vadd.f32 v48, v47;
	[tilespmem:s30+$0xE200] =	vst v52  }
0x194: {  	v56 =	vld [tilespmem:s28+$0x4010]  }
0x195: {  	v58 =	vadd.f32 v51, v50;
	[tilespmem:s1+$0xE200] =	vst v55;
	v57 =	vld [tilespmem:s28+$0x5010]  }
0x196: {  	v59 =	vld [tilespmem:s29+$0x4010]  }
0x197: {  	[tilespmem:s0+$0xE200] =	vst v58;
	v60 =	vld [tilespmem:s29+$0x5010]  }
0x198: {  	v61 =	vadd.f32 v54, v53;
	v62 =	vld [tilespmem:s31+$0x4010]  }
0x199: {  	v63 =	vld [tilespmem:s31+$0x5010]  }
0x19a: {  	[tilespmem:s25+$0xE210] =	vst v61;
	v8 =	vadd.f32 v57, v56  }
0x19b: {  	v9 =	vld [tilespmem:s26+$0x4020]  }
0x19c: {  	v10 =	vld [tilespmem:s26+$0x5020];
	v11 =	vadd.f32 v60, v59;
	[tilespmem:s30+$0xE210] =	vst v8  }
0x19d: {  	v12 =	vld [tilespmem:s28+$0x4020]  }
0x19e: {  	v14 =	vadd.f32 v63, v62;
	[tilespmem:s1+$0xE210] =	vst v11;
	v13 =	vld [tilespmem:s28+$0x5020]  }
0x19f: {  	v15 =	vld [tilespmem:s29+$0x4020]  }
0x1a0: {  	[tilespmem:s0+$0xE210] =	vst v14;
	v16 =	vld [tilespmem:s29+$0x5020]  }
0x1a1: {  	v17 =	vadd.f32 v10, v9;
	v18 =	vld [tilespmem:s31+$0x4020]  }
0x1a2: {  	v19 =	vld [tilespmem:s31+$0x5020]  }
0x1a3: {  	[tilespmem:s25+$0xE220] =	vst v17;
	v20 =	vadd.f32 v13, v12  }
0x1a4: {  	v21 =	vld [tilespmem:s26+$0x4030]  }
0x1a5: {  	v22 =	vld [tilespmem:s26+$0x5030];
	v23 =	vadd.f32 v16, v15;
	[tilespmem:s30+$0xE220] =	vst v20  }
0x1a6: {  	v24 =	vld [tilespmem:s28+$0x4030]  }
0x1a7: {  	v26 =	vadd.f32 v19, v18;
	[tilespmem:s1+$0xE220] =	vst v23;
	v25 =	vld [tilespmem:s28+$0x5030]  }
0x1a8: {  	v27 =	vld [tilespmem:s29+$0x4030]  }
0x1a9: {  	[tilespmem:s0+$0xE220] =	vst v26;
	v28 =	vld [tilespmem:s29+$0x5030]  }
0x1aa: {  	v29 =	vadd.f32 v22, v21;
	v30 =	vld [tilespmem:s31+$0x4030]  }
0x1ab: {  	v31 =	vld [tilespmem:s31+$0x5030]  }
0x1ac: {  	[tilespmem:s25+$0xE230] =	vst v29;
	v32 =	vadd.f32 v25, v24  }
0x1ad: {  	v33 =	vld [tilespmem:s26+$0x4040]  }
0x1ae: {  	v34 =	vld [tilespmem:s26+$0x5040];
	v35 =	vadd.f32 v28, v27;
	[tilespmem:s30+$0xE230] =	vst v32  }
0x1af: {  	v36 =	vld [tilespmem:s28+$0x4040]  }
0x1b0: {  	v38 =	vadd.f32 v31, v30;
	[tilespmem:s1+$0xE230] =	vst v35;
	v37 =	vld [tilespmem:s28+$0x5040]  }
0x1b1: {  	v39 =	vld [tilespmem:s29+$0x4040]  }
0x1b2: {  	[tilespmem:s0+$0xE230] =	vst v38;
	v40 =	vld [tilespmem:s29+$0x5040]  }
0x1b3: {  	v41 =	vadd.f32 v34, v33;
	v42 =	vld [tilespmem:s31+$0x4040]  }
0x1b4: {  	v43 =	vld [tilespmem:s31+$0x5040]  }
0x1b5: {  	[tilespmem:s25+$0xE240] =	vst v41;
	v44 =	vadd.f32 v37, v36  }
0x1b6: {  	v45 =	vld [tilespmem:s26+$0x4050]  }
0x1b7: {  	v46 =	vld [tilespmem:s26+$0x5050];
	v47 =	vadd.f32 v40, v39;
	[tilespmem:s30+$0xE240] =	vst v44  }
0x1b8: {  	v48 =	vld [tilespmem:s28+$0x4050]  }
0x1b9: {  	v50 =	vadd.f32 v43, v42;
	[tilespmem:s1+$0xE240] =	vst v47;
	v49 =	vld [tilespmem:s28+$0x5050]  }
0x1ba: {  	v51 =	vld [tilespmem:s29+$0x4050]  }
0x1bb: {  	[tilespmem:s0+$0xE240] =	vst v50;
	v52 =	vld [tilespmem:s29+$0x5050]  }
0x1bc: {  	v53 =	vadd.f32 v46, v45;
	v54 =	vld [tilespmem:s31+$0x4050]  }
0x1bd: {  	v55 =	vld [tilespmem:s31+$0x5050]  }
0x1be: {  	[tilespmem:s25+$0xE250] =	vst v53;
	v56 =	vadd.f32 v49, v48  }
0x1bf: {  	v57 =	vld [tilespmem:s26+$0x4060]  }
0x1c0: {  	v58 =	vld [tilespmem:s26+$0x5060];
	v59 =	vadd.f32 v52, v51;
	[tilespmem:s30+$0xE250] =	vst v56  }
0x1c1: {  	v60 =	vld [tilespmem:s28+$0x4060]  }
0x1c2: {  	v62 =	vadd.f32 v55, v54;
	[tilespmem:s1+$0xE250] =	vst v59;
	v61 =	vld [tilespmem:s28+$0x5060]  }
0x1c3: {  	v63 =	vld [tilespmem:s29+$0x4060]  }
0x1c4: {  	[tilespmem:s0+$0xE250] =	vst v62;
	v9 =	vld [tilespmem:s29+$0x5060]  }
0x1c5: {  	v10 =	vadd.f32 v58, v57;
	v11 =	vld [tilespmem:s31+$0x4060]  }
0x1c6: {  	v12 =	vld [tilespmem:s31+$0x5060]  }
0x1c7: {  	[tilespmem:s25+$0xE260] =	vst v10;
	v13 =	vadd.f32 v61, v60  }
0x1c8: {  	v14 =	vld [tilespmem:s26+$0x4070]  }
0x1c9: {  	v15 =	vld [tilespmem:s26+$0x5070];
	v16 =	vadd.f32 v9, v63;
	[tilespmem:s30+$0xE260] =	vst v13  }
0x1ca: {  	v17 =	vld [tilespmem:s28+$0x4070]  }
0x1cb: {  	v19 =	vadd.f32 v12, v11;
	[tilespmem:s1+$0xE260] =	vst v16;
	v18 =	vld [tilespmem:s28+$0x5070]  }
0x1cc: {  	v20 =	vld [tilespmem:s29+$0x4070]  }
0x1cd: {  	[tilespmem:s0+$0xE260] =	vst v19;
	v21 =	vld [tilespmem:s29+$0x5070]  }
0x1ce: {  	v22 =	vadd.f32 v15, v14;
	v23 =	vld [tilespmem:s31+$0x4070]  }
0x1cf: {  	v24 =	vld [tilespmem:s31+$0x5070]  }
0x1d0: {  	[tilespmem:s25+$0xE270] =	vst v22;
	v25 =	vadd.f32 v18, v17  }
0x1d1: {  	v26 =	vld [tilespmem:s26+$0x5000]  }
0x1d2: {  	v27 =	vld [tilespmem:s26+$0x6000];
	v28 =	vadd.f32 v21, v20;
	[tilespmem:s30+$0xE270] =	vst v25  }
0x1d3: {  	v29 =	vld [tilespmem:s28+$0x5000]  }
0x1d4: {  	v31 =	vadd.f32 v24, v23;
	[tilespmem:s1+$0xE270] =	vst v28;
	v30 =	vld [tilespmem:s28+$0x6000]  }
0x1d5: {  	v32 =	vld [tilespmem:s29+$0x5000]  }
0x1d6: {  	[tilespmem:s0+$0xE270] =	vst v31;
	v33 =	vld [tilespmem:s29+$0x6000]  }
0x1d7: {  	v34 =	vadd.f32 v27, v26;
	v35 =	vld [tilespmem:s31+$0x5000]  }
0x1d8: {  	v36 =	vld [tilespmem:s31+$0x6000]  }
0x1d9: {  	[tilespmem:s25+$0xE280] =	vst v34;
	v37 =	vadd.f32 v30, v29  }
0x1da: {  	v38 =	vld [tilespmem:s26+$0x5010]  }
0x1db: {  	v39 =	vld [tilespmem:s26+$0x6010];
	v40 =	vadd.f32 v33, v32;
	[tilespmem:s30+$0xE280] =	vst v37  }
0x1dc: {  	v41 =	vld [tilespmem:s28+$0x5010]  }
0x1dd: {  	v43 =	vadd.f32 v36, v35;
	[tilespmem:s1+$0xE280] =	vst v40;
	v42 =	vld [tilespmem:s28+$0x6010]  }
0x1de: {  	v44 =	vld [tilespmem:s29+$0x5010]  }
0x1df: {  	[tilespmem:s0+$0xE280] =	vst v43;
	v45 =	vld [tilespmem:s29+$0x6010]  }
0x1e0: {  	v46 =	vadd.f32 v39, v38;
	v47 =	vld [tilespmem:s31+$0x5010]  }
0x1e1: {  	v48 =	vld [tilespmem:s31+$0x6010]  }
0x1e2: {  	[tilespmem:s25+$0xE290] =	vst v46;
	v49 =	vadd.f32 v42, v41  }
0x1e3: {  	v50 =	vld [tilespmem:s26+$0x5020]  }
0x1e4: {  	v51 =	vld [tilespmem:s26+$0x6020];
	v52 =	vadd.f32 v45, v44;
	[tilespmem:s30+$0xE290] =	vst v49  }
0x1e5: {  	v53 =	vld [tilespmem:s28+$0x5020]  }
0x1e6: {  	v55 =	vadd.f32 v48, v47;
	[tilespmem:s1+$0xE290] =	vst v52;
	v54 =	vld [tilespmem:s28+$0x6020]  }
0x1e7: {  	v56 =	vld [tilespmem:s29+$0x5020]  }
0x1e8: {  	[tilespmem:s0+$0xE290] =	vst v55;
	v57 =	vld [tilespmem:s29+$0x6020]  }
0x1e9: {  	v58 =	vadd.f32 v51, v50;
	v59 =	vld [tilespmem:s31+$0x5020]  }
0x1ea: {  	v60 =	vld [tilespmem:s31+$0x6020]  }
0x1eb: {  	[tilespmem:s25+$0xE2A0] =	vst v58;
	v61 =	vadd.f32 v54, v53  }
0x1ec: {  	v62 =	vld [tilespmem:s26+$0x5030]  }
0x1ed: {  	v63 =	vld [tilespmem:s26+$0x6030];
	v9 =	vadd.f32 v57, v56;
	[tilespmem:s30+$0xE2A0] =	vst v61  }
0x1ee: {  	v10 =	vld [tilespmem:s28+$0x5030]  }
0x1ef: {  	v12 =	vadd.f32 v60, v59;
	[tilespmem:s1+$0xE2A0] =	vst v9;
	v11 =	vld [tilespmem:s28+$0x6030]  }
0x1f0: {  	v13 =	vld [tilespmem:s29+$0x5030]  }
0x1f1: {  	[tilespmem:s0+$0xE2A0] =	vst v12;
	v14 =	vld [tilespmem:s29+$0x6030]  }
0x1f2: {  	v15 =	vadd.f32 v63, v62;
	v16 =	vld [tilespmem:s31+$0x5030]  }
0x1f3: {  	v17 =	vld [tilespmem:s31+$0x6030]  }
0x1f4: {  	[tilespmem:s25+$0xE2B0] =	vst v15;
	v18 =	vadd.f32 v11, v10  }
0x1f5: {  	v19 =	vld [tilespmem:s26+$0x5040]  }
0x1f6: {  	v20 =	vld [tilespmem:s26+$0x6040];
	v21 =	vadd.f32 v14, v13;
	[tilespmem:s30+$0xE2B0] =	vst v18  }
0x1f7: {  	v22 =	vld [tilespmem:s28+$0x5040]  }
0x1f8: {  	v24 =	vadd.f32 v17, v16;
	[tilespmem:s1+$0xE2B0] =	vst v21;
	v23 =	vld [tilespmem:s28+$0x6040]  }
0x1f9: {  	v25 =	vld [tilespmem:s29+$0x5040]  }
0x1fa: {  	[tilespmem:s0+$0xE2B0] =	vst v24;
	v26 =	vld [tilespmem:s29+$0x6040]  }
0x1fb: {  	v27 =	vadd.f32 v20, v19;
	v28 =	vld [tilespmem:s31+$0x5040]  }
0x1fc: {  	v29 =	vld [tilespmem:s31+$0x6040]  }
0x1fd: {  	[tilespmem:s25+$0xE2C0] =	vst v27;
	v30 =	vadd.f32 v23, v22  }
0x1fe: {  	v31 =	vld [tilespmem:s26+$0x5050]  }
0x1ff: {  	v32 =	vld [tilespmem:s26+$0x6050];
	v33 =	vadd.f32 v26, v25;
	[tilespmem:s30+$0xE2C0] =	vst v30  }
0x200: {  	v34 =	vld [tilespmem:s28+$0x5050]  }
0x201: {  	v36 =	vadd.f32 v29, v28;
	[tilespmem:s1+$0xE2C0] =	vst v33;
	v35 =	vld [tilespmem:s28+$0x6050]  }
0x202: {  	v37 =	vld [tilespmem:s29+$0x5050]  }
0x203: {  	[tilespmem:s0+$0xE2C0] =	vst v36;
	v38 =	vld [tilespmem:s29+$0x6050]  }
0x204: {  	v39 =	vadd.f32 v32, v31;
	v40 =	vld [tilespmem:s31+$0x5050]  }
0x205: {  	v41 =	vld [tilespmem:s31+$0x6050]  }
0x206: {  	[tilespmem:s25+$0xE2D0] =	vst v39;
	v42 =	vadd.f32 v35, v34  }
0x207: {  	v43 =	vld [tilespmem:s26+$0x5060]  }
0x208: {  	v44 =	vld [tilespmem:s26+$0x6060];
	v45 =	vadd.f32 v38, v37;
	[tilespmem:s30+$0xE2D0] =	vst v42  }
0x209: {  	v46 =	vld [tilespmem:s28+$0x5060]  }
0x20a: {  	v48 =	vadd.f32 v41, v40;
	[tilespmem:s1+$0xE2D0] =	vst v45;
	v47 =	vld [tilespmem:s28+$0x6060]  }
0x20b: {  	v49 =	vld [tilespmem:s29+$0x5060]  }
0x20c: {  	[tilespmem:s0+$0xE2D0] =	vst v48;
	v50 =	vld [tilespmem:s29+$0x6060]  }
0x20d: {  	v51 =	vadd.f32 v44, v43;
	v52 =	vld [tilespmem:s31+$0x5060]  }
0x20e: {  	v53 =	vld [tilespmem:s31+$0x6060]  }
0x20f: {  	[tilespmem:s25+$0xE2E0] =	vst v51;
	v54 =	vadd.f32 v47, v46  }
0x210: {  	v55 =	vld [tilespmem:s26+$0x5070]  }
0x211: {  	v56 =	vld [tilespmem:s26+$0x6070];
	v57 =	vadd.f32 v50, v49;
	[tilespmem:s30+$0xE2E0] =	vst v54  }
0x212: {  	v58 =	vld [tilespmem:s28+$0x5070]  }
0x213: {  	v60 =	vadd.f32 v53, v52;
	[tilespmem:s1+$0xE2E0] =	vst v57;
	v59 =	vld [tilespmem:s28+$0x6070]  }
0x214: {  	v61 =	vld [tilespmem:s29+$0x5070]  }
0x215: {  	[tilespmem:s0+$0xE2E0] =	vst v60;
	v62 =	vld [tilespmem:s29+$0x6070]  }
0x216: {  	v0 =	vld [tilespmem:s31+$0x5070]  }
0x217: {  	v63 =	vld [tilespmem:s31+$0x6070];
	_ =	sdelay $0x1  }
0x218: {  	p1 =	slt.u32 s24, $0x1C;
	v4 =	vadd.f32 v56, v55  }
.Ltmp0:
0x219: {  	v3 =	vadd.f32 v59, v58;
	(pc) =	sbr.rel @p1 .LBB2_3-.Ltmp0, $4  }
0x21a: {  	[tilespmem:s25+$0xE2F0] =	vst v4;
	v1 =	vadd.f32 v62, v61  }
0x21b: {  	v0 =	vadd.f32 v63, v0;
	[tilespmem:s30+$0xE2F0] =	vst v3  }
0x21c: {  	s31 =	sadd.s32 $0x4, s24;
	[tilespmem:s1+$0xE2F0] =	vst v1  }
0x21d: {  	s24 =	smov.u32 s31;
	[tilespmem:s0+$0xE2F0] =	vst v0  }
0x21e: {  	p1 =	sne.s32 s20, $0x7  }
.Ltmp1:
0x21f: {  	s0 =	sadd.s32 s4, s22;
	(pc) =	sbr.rel @p1 .LBB2_6-.Ltmp1, $3  }
0x220: {  	s0 =	smul.u32 $0x60, s0;
	_ =	sdelay $0x1  }
0x221: {  	s0 =	sadd.s32 s3, s0  }
0x222: {  	[hbm4b:s0+s5] =	stream.linear.scatter [tilespmem:s14], [sflag:$0x3], $0x6000, $0x38;
	[tilespmem:$0x1A000] =	vst v63  }
.Ltmp2:
0x223: {  	(pc) =	sbr.rel .LBB2_7-.Ltmp2, $4  }
0x224: {  	_ = 	snop  }
0x225: {  	_ =	swait.ge [sflag:s15], $0x7000  }
0x226: {  	[sflag:s15] =	ssyncset.done $0x0  }
0x227: {  	[sflag:s15] =	ssyncadd.s32 $0xFFFF9000  }
.LBB2_6:
.Ltmp3:
0x228: {  	s0 =	sadd.s32 s23, s7;
	(pc) =	sbr.rel @p0 .LBB2_8-.Ltmp3, $4  }
0x229: {  	[tilespmem:s5], [sflag:$0x1] =	stream.strided.gather [hbm4b:s0+s10], $0x7000, s11, s10, $0x38;
	[tilespmem:$0x1A000] =	vst v63  }
0x22a: {  	_ =	swait.ge [sflag:s15], $0x7000  }
0x22b: {  	[sflag:s15] =	ssyncset.done $0x0  }
0x22c: {  	[sflag:s15] =	ssyncadd.s32 $0xFFFF9000  }
.LBB2_7:
0x22d: {  	_ =	swait.ge [sflag:s16], $0x6000  }
0x22e: {  	[sflag:s16] =	ssyncset.done $0x0  }
0x22f: {  	[sflag:s16] =	ssyncadd.s32 $0xFFFFA000  }
.LBB2_8:
0x230: {  	s22 =	simm.s32 $0x0  }
.LBB2_9:
0x231: {  	s0 =	sshll.u32 s22, $0x7  }
0x232: {  	s24 =	sand.u32 $0x3FFFFF80, s0  }
0x233: {  	v0 =	vld [tilespmem:s24+$0x7000]  }
0x234: {  	v1 =	vld [tilespmem:s24+$0x8000];
	_ =	sdelay $0x3  }
0x235: {  	s30 =	smul.u32 $0xC00, s22  }
0x236: {  	v0 =	vadd.f32 v1, v0  }
0x237: {  	s23 =	sshra.s32 s30, $0x2  }
0x238: {  	[tilespmem:s23+$0x14000] =	vst v0  }
0x239: {  	v0 =	vld [tilespmem:s24+$0x7010]  }
0x23a: {  	v28 =	vld [tilespmem:s24+$0x8010];
	_ =	sdelay $0x4  }
0x23b: {  	v0 =	vadd.f32 v28, v0;
	_ =	sdelay $0x1  }
0x23c: {  	[tilespmem:s23+$0x14010] =	vst v0  }
0x23d: {  	v0 =	vld [tilespmem:s24+$0x7020]  }
0x23e: {  	v29 =	vld [tilespmem:s24+$0x8020];
	_ =	sdelay $0x4  }
0x23f: {  	v0 =	vadd.f32 v29, v0;
	_ =	sdelay $0x1  }
0x240: {  	[tilespmem:s23+$0x14020] =	vst v0  }
0x241: {  	v0 =	vld [tilespmem:s24+$0x7030]  }
0x242: {  	v30 =	vld [tilespmem:s24+$0x8030];
	_ =	sdelay $0x4  }
0x243: {  	v0 =	vadd.f32 v30, v0;
	_ =	sdelay $0x1  }
0x244: {  	[tilespmem:s23+$0x14030] =	vst v0  }
0x245: {  	v0 =	vld [tilespmem:s24+$0x7040]  }
0x246: {  	v31 =	vld [tilespmem:s24+$0x8040];
	_ =	sdelay $0x4  }
0x247: {  	v0 =	vadd.f32 v31, v0;
	_ =	sdelay $0x1  }
0x248: {  	[tilespmem:s23+$0x14040] =	vst v0  }
0x249: {  	v0 =	vld [tilespmem:s24+$0x7050]  }
0x24a: {  	v32 =	vld [tilespmem:s24+$0x8050];
	_ =	sdelay $0x4  }
0x24b: {  	v0 =	vadd.f32 v32, v0;
	_ =	sdelay $0x1  }
0x24c: {  	[tilespmem:s23+$0x14050] =	vst v0  }
0x24d: {  	v0 =	vld [tilespmem:s24+$0x7060]  }
0x24e: {  	v33 =	vld [tilespmem:s24+$0x8060];
	_ =	sdelay $0x4  }
0x24f: {  	v0 =	vadd.f32 v33, v0;
	_ =	sdelay $0x1  }
0x250: {  	[tilespmem:s23+$0x14060] =	vst v0  }
0x251: {  	v0 =	vld [tilespmem:s24+$0x7070]  }
0x252: {  	v34 =	vld [tilespmem:s24+$0x8070];
	_ =	sdelay $0x4  }
0x253: {  	v0 =	vadd.f32 v34, v0;
	_ =	sdelay $0x1  }
0x254: {  	[tilespmem:s23+$0x14070] =	vst v0  }
0x255: {  	v0 =	vld [tilespmem:s24+$0x8000]  }
0x256: {  	v35 =	vld [tilespmem:s24+$0x9000];
	_ =	sdelay $0x4  }
0x257: {  	v0 =	vadd.f32 v35, v0;
	_ =	sdelay $0x1  }
0x258: {  	[tilespmem:s23+$0x14080] =	vst v0  }
0x259: {  	v0 =	vld [tilespmem:s24+$0x8010]  }
0x25a: {  	v36 =	vld [tilespmem:s24+$0x9010];
	_ =	sdelay $0x4  }
0x25b: {  	v0 =	vadd.f32 v36, v0;
	_ =	sdelay $0x1  }
0x25c: {  	[tilespmem:s23+$0x14090] =	vst v0  }
0x25d: {  	v0 =	vld [tilespmem:s24+$0x8020]  }
0x25e: {  	v37 =	vld [tilespmem:s24+$0x9020];
	_ =	sdelay $0x4  }
0x25f: {  	v0 =	vadd.f32 v37, v0;
	_ =	sdelay $0x1  }
0x260: {  	[tilespmem:s23+$0x140A0] =	vst v0  }
0x261: {  	v0 =	vld [tilespmem:s24+$0x8030]  }
0x262: {  	v38 =	vld [tilespmem:s24+$0x9030];
	_ =	sdelay $0x4  }
0x263: {  	v0 =	vadd.f32 v38, v0;
	_ =	sdelay $0x1  }
0x264: {  	[tilespmem:s23+$0x140B0] =	vst v0  }
0x265: {  	v0 =	vld [tilespmem:s24+$0x8040]  }
0x266: {  	v39 =	vld [tilespmem:s24+$0x9040];
	_ =	sdelay $0x4  }
0x267: {  	v0 =	vadd.f32 v39, v0;
	_ =	sdelay $0x1  }
0x268: {  	[tilespmem:s23+$0x140C0] =	vst v0  }
0x269: {  	v0 =	vld [tilespmem:s24+$0x8050]  }
0x26a: {  	v40 =	vld [tilespmem:s24+$0x9050];
	_ =	sdelay $0x4  }
0x26b: {  	v0 =	vadd.f32 v40, v0;
	_ =	sdelay $0x1  }
0x26c: {  	[tilespmem:s23+$0x140D0] =	vst v0  }
0x26d: {  	v0 =	vld [tilespmem:s24+$0x8060]  }
0x26e: {  	v41 =	vld [tilespmem:s24+$0x9060];
	_ =	sdelay $0x4  }
0x26f: {  	v0 =	vadd.f32 v41, v0;
	_ =	sdelay $0x1  }
0x270: {  	[tilespmem:s23+$0x140E0] =	vst v0  }
0x271: {  	v0 =	vld [tilespmem:s24+$0x8070]  }
0x272: {  	v42 =	vld [tilespmem:s24+$0x9070];
	_ =	sdelay $0x4  }
0x273: {  	v0 =	vadd.f32 v42, v0;
	_ =	sdelay $0x1  }
0x274: {  	[tilespmem:s23+$0x140F0] =	vst v0  }
0x275: {  	v0 =	vld [tilespmem:s24+$0x9000]  }
0x276: {  	v43 =	vld [tilespmem:s24+$0xA000];
	_ =	sdelay $0x4  }
0x277: {  	v0 =	vadd.f32 v43, v0;
	_ =	sdelay $0x1  }
0x278: {  	[tilespmem:s23+$0x14100] =	vst v0  }
0x279: {  	v0 =	vld [tilespmem:s24+$0x9010]  }
0x27a: {  	v44 =	vld [tilespmem:s24+$0xA010];
	_ =	sdelay $0x4  }
0x27b: {  	v0 =	vadd.f32 v44, v0;
	_ =	sdelay $0x1  }
0x27c: {  	[tilespmem:s23+$0x14110] =	vst v0  }
0x27d: {  	v0 =	vld [tilespmem:s24+$0x9020]  }
0x27e: {  	v45 =	vld [tilespmem:s24+$0xA020];
	_ =	sdelay $0x4  }
0x27f: {  	v0 =	vadd.f32 v45, v0;
	_ =	sdelay $0x1  }
0x280: {  	[tilespmem:s23+$0x14120] =	vst v0  }
0x281: {  	v0 =	vld [tilespmem:s24+$0x9030]  }
0x282: {  	v46 =	vld [tilespmem:s24+$0xA030];
	_ =	sdelay $0x4  }
0x283: {  	v0 =	vadd.f32 v46, v0;
	_ =	sdelay $0x1  }
0x284: {  	[tilespmem:s23+$0x14130] =	vst v0  }
0x285: {  	v0 =	vld [tilespmem:s24+$0x9040]  }
0x286: {  	v47 =	vld [tilespmem:s24+$0xA040];
	_ =	sdelay $0x4  }
0x287: {  	v0 =	vadd.f32 v47, v0;
	_ =	sdelay $0x1  }
0x288: {  	[tilespmem:s23+$0x14140] =	vst v0  }
0x289: {  	v0 =	vld [tilespmem:s24+$0x9050]  }
0x28a: {  	v48 =	vld [tilespmem:s24+$0xA050];
	_ =	sdelay $0x4  }
0x28b: {  	v0 =	vadd.f32 v48, v0;
	_ =	sdelay $0x1  }
0x28c: {  	[tilespmem:s23+$0x14150] =	vst v0  }
0x28d: {  	v0 =	vld [tilespmem:s24+$0x9060]  }
0x28e: {  	v49 =	vld [tilespmem:s24+$0xA060];
	_ =	sdelay $0x4  }
0x28f: {  	v0 =	vadd.f32 v49, v0;
	_ =	sdelay $0x1  }
0x290: {  	[tilespmem:s23+$0x14160] =	vst v0  }
0x291: {  	v0 =	vld [tilespmem:s24+$0x9070]  }
0x292: {  	v50 =	vld [tilespmem:s24+$0xA070];
	_ =	sdelay $0x4  }
0x293: {  	v0 =	vadd.f32 v50, v0;
	_ =	sdelay $0x1  }
0x294: {  	[tilespmem:s23+$0x14170] =	vst v0  }
0x295: {  	v0 =	vld [tilespmem:s24+$0xA000]  }
0x296: {  	v51 =	vld [tilespmem:s24+$0xB000];
	_ =	sdelay $0x4  }
0x297: {  	v0 =	vadd.f32 v51, v0;
	_ =	sdelay $0x1  }
0x298: {  	s31 =	sor.u32 $0x1, s22;
	[tilespmem:s23+$0x14180] =	vst v0  }
0x299: {  	s1 =	sshll.u32 s31, $0x7;
	v0 =	vld [tilespmem:s24+$0xA010]  }
0x29a: {  	s25 =	sand.u32 $0x3FFFFF80, s1;
	s1 =	sor.u32 $0x2, s22;
	v1 =	vld [tilespmem:s24+$0xB010]  }
0x29b: {  	s8 =	sshll.u32 s1, $0x7;
	v2 =	vld [tilespmem:s25+$0x7000]  }
0x29c: {  	s30 =	sor.u32 $0x3, s22;
	s26 =	sand.u32 $0x3FFFFF80, s8;
	v3 =	vld [tilespmem:s25+$0x8000]  }
0x29d: {  	s28 =	sshll.u32 s30, $0x7;
	v4 =	vld [tilespmem:s26+$0x7000]  }
0x29e: {  	s29 =	sand.u32 $0x3FFFFF80, s28;
	v5 =	vld [tilespmem:s26+$0x8000]  }
0x29f: {  	v6 =	vld [tilespmem:s29+$0x7000]  }
0x2a0: {  	s0 =	smul.u32 $0xC00, s31;
	v7 =	vld [tilespmem:s29+$0x8000]  }
0x2a1: {  	v2 =	vadd.f32 v3, v2  }
0x2a2: {  	s31 =	sshra.s32 s0, $0x2;
	s1 =	smul.u32 $0xC00, s1  }
0x2a3: {  	v52 =	vadd.f32 v5, v4;
	[tilespmem:s31+$0x14000] =	vst v2  }
0x2a4: {  	s30 =	smul.u32 $0xC00, s30;
	s1 =	sshra.s32 s1, $0x2;
	v53 =	vld [tilespmem:s25+$0x7010]  }
0x2a5: {  	v55 =	vadd.f32 v7, v6;
	[tilespmem:s1+$0x14000] =	vst v52;
	v54 =	vld [tilespmem:s25+$0x8010]  }
0x2a6: {  	s0 =	sshra.s32 s30, $0x2;
	v56 =	vld [tilespmem:s26+$0x7010]  }
0x2a7: {  	[tilespmem:s0+$0x14000] =	vst v55;
	v57 =	vld [tilespmem:s26+$0x8010]  }
0x2a8: {  	v2 =	vld [tilespmem:s29+$0x7010]  }
0x2a9: {  	v58 =	vld [tilespmem:s29+$0x8010]  }
0x2aa: {  	v3 =	vadd.f32 v54, v53;
	_ =	sdelay $0x1  }
0x2ab: {  	v59 =	vadd.f32 v57, v56;
	[tilespmem:s31+$0x14010] =	vst v3  }
0x2ac: {  	v60 =	vld [tilespmem:s25+$0x7020]  }
0x2ad: {  	v2 =	vadd.f32 v58, v2;
	[tilespmem:s1+$0x14010] =	vst v59;
	v61 =	vld [tilespmem:s25+$0x8020]  }
0x2ae: {  	v3 =	vld [tilespmem:s26+$0x7020]  }
0x2af: {  	[tilespmem:s0+$0x14010] =	vst v2;
	v62 =	vld [tilespmem:s26+$0x8020]  }
0x2b0: {  	v2 =	vld [tilespmem:s29+$0x7020]  }
0x2b1: {  	v63 =	vld [tilespmem:s29+$0x8020]  }
0x2b2: {  	v4 =	vadd.f32 v61, v60;
	_ =	sdelay $0x1  }
0x2b3: {  	v3 =	vadd.f32 v62, v3;
	[tilespmem:s31+$0x14020] =	vst v4  }
0x2b4: {  	v4 =	vld [tilespmem:s25+$0x7030]  }
0x2b5: {  	v2 =	vadd.f32 v63, v2;
	[tilespmem:s1+$0x14020] =	vst v3;
	v9 =	vld [tilespmem:s25+$0x8030]  }
0x2b6: {  	v3 =	vld [tilespmem:s26+$0x7030]  }
0x2b7: {  	[tilespmem:s0+$0x14020] =	vst v2;
	v10 =	vld [tilespmem:s26+$0x8030]  }
0x2b8: {  	v2 =	vld [tilespmem:s29+$0x7030]  }
0x2b9: {  	v11 =	vld [tilespmem:s29+$0x8030]  }
0x2ba: {  	v4 =	vadd.f32 v9, v4;
	_ =	sdelay $0x1  }
0x2bb: {  	v3 =	vadd.f32 v10, v3;
	[tilespmem:s31+$0x14030] =	vst v4  }
0x2bc: {  	v4 =	vld [tilespmem:s25+$0x7040]  }
0x2bd: {  	v2 =	vadd.f32 v11, v2;
	[tilespmem:s1+$0x14030] =	vst v3;
	v12 =	vld [tilespmem:s25+$0x8040]  }
0x2be: {  	v3 =	vld [tilespmem:s26+$0x7040]  }
0x2bf: {  	[tilespmem:s0+$0x14030] =	vst v2;
	v13 =	vld [tilespmem:s26+$0x8040]  }
0x2c0: {  	v2 =	vld [tilespmem:s29+$0x7040]  }
0x2c1: {  	v14 =	vld [tilespmem:s29+$0x8040]  }
0x2c2: {  	v4 =	vadd.f32 v12, v4;
	_ =	sdelay $0x1  }
0x2c3: {  	v3 =	vadd.f32 v13, v3;
	[tilespmem:s31+$0x14040] =	vst v4  }
0x2c4: {  	v4 =	vld [tilespmem:s25+$0x7050]  }
0x2c5: {  	v2 =	vadd.f32 v14, v2;
	[tilespmem:s1+$0x14040] =	vst v3;
	v15 =	vld [tilespmem:s25+$0x8050]  }
0x2c6: {  	v3 =	vld [tilespmem:s26+$0x7050]  }
0x2c7: {  	[tilespmem:s0+$0x14040] =	vst v2;
	v16 =	vld [tilespmem:s26+$0x8050]  }
0x2c8: {  	v2 =	vld [tilespmem:s29+$0x7050]  }
0x2c9: {  	v17 =	vld [tilespmem:s29+$0x8050]  }
0x2ca: {  	v4 =	vadd.f32 v15, v4;
	_ =	sdelay $0x1  }
0x2cb: {  	v3 =	vadd.f32 v16, v3;
	[tilespmem:s31+$0x14050] =	vst v4  }
0x2cc: {  	v4 =	vld [tilespmem:s25+$0x7060]  }
0x2cd: {  	v2 =	vadd.f32 v17, v2;
	[tilespmem:s1+$0x14050] =	vst v3;
	v18 =	vld [tilespmem:s25+$0x8060]  }
0x2ce: {  	v3 =	vld [tilespmem:s26+$0x7060]  }
0x2cf: {  	[tilespmem:s0+$0x14050] =	vst v2;
	v19 =	vld [tilespmem:s26+$0x8060]  }
0x2d0: {  	v2 =	vld [tilespmem:s29+$0x7060]  }
0x2d1: {  	v20 =	vld [tilespmem:s29+$0x8060]  }
0x2d2: {  	v4 =	vadd.f32 v18, v4;
	_ =	sdelay $0x1  }
0x2d3: {  	v3 =	vadd.f32 v19, v3;
	[tilespmem:s31+$0x14060] =	vst v4  }
0x2d4: {  	v4 =	vld [tilespmem:s25+$0x7070]  }
0x2d5: {  	v2 =	vadd.f32 v20, v2;
	[tilespmem:s1+$0x14060] =	vst v3;
	v21 =	vld [tilespmem:s25+$0x8070]  }
0x2d6: {  	v3 =	vld [tilespmem:s26+$0x7070]  }
0x2d7: {  	[tilespmem:s0+$0x14060] =	vst v2;
	v22 =	vld [tilespmem:s26+$0x8070]  }
0x2d8: {  	v2 =	vld [tilespmem:s29+$0x7070]  }
0x2d9: {  	v23 =	vld [tilespmem:s29+$0x8070]  }
0x2da: {  	v4 =	vadd.f32 v21, v4;
	_ =	sdelay $0x1  }
0x2db: {  	v3 =	vadd.f32 v22, v3;
	[tilespmem:s31+$0x14070] =	vst v4  }
0x2dc: {  	v4 =	vld [tilespmem:s25+$0x8000]  }
0x2dd: {  	v2 =	vadd.f32 v23, v2;
	[tilespmem:s1+$0x14070] =	vst v3;
	v24 =	vld [tilespmem:s25+$0x9000]  }
0x2de: {  	v3 =	vld [tilespmem:s26+$0x8000]  }
0x2df: {  	[tilespmem:s0+$0x14070] =	vst v2;
	v25 =	vld [tilespmem:s26+$0x9000]  }
0x2e0: {  	v2 =	vld [tilespmem:s29+$0x8000]  }
0x2e1: {  	v26 =	vld [tilespmem:s29+$0x9000]  }
0x2e2: {  	v4 =	vadd.f32 v24, v4;
	_ =	sdelay $0x1  }
0x2e3: {  	v3 =	vadd.f32 v25, v3;
	[tilespmem:s31+$0x14080] =	vst v4  }
0x2e4: {  	v4 =	vld [tilespmem:s25+$0x8010]  }
0x2e5: {  	v2 =	vadd.f32 v26, v2;
	[tilespmem:s1+$0x14080] =	vst v3;
	v27 =	vld [tilespmem:s25+$0x9010]  }
0x2e6: {  	v3 =	vld [tilespmem:s26+$0x8010]  }
0x2e7: {  	[tilespmem:s0+$0x14080] =	vst v2;
	v28 =	vld [tilespmem:s26+$0x9010]  }
0x2e8: {  	v2 =	vld [tilespmem:s29+$0x8010]  }
0x2e9: {  	v29 =	vld [tilespmem:s29+$0x9010]  }
0x2ea: {  	v4 =	vadd.f32 v27, v4;
	_ =	sdelay $0x1  }
0x2eb: {  	v3 =	vadd.f32 v28, v3;
	[tilespmem:s31+$0x14090] =	vst v4  }
0x2ec: {  	v4 =	vld [tilespmem:s25+$0x8020]  }
0x2ed: {  	v2 =	vadd.f32 v29, v2;
	[tilespmem:s1+$0x14090] =	vst v3;
	v30 =	vld [tilespmem:s25+$0x9020]  }
0x2ee: {  	v3 =	vld [tilespmem:s26+$0x8020]  }
0x2ef: {  	[tilespmem:s0+$0x14090] =	vst v2;
	v31 =	vld [tilespmem:s26+$0x9020]  }
0x2f0: {  	v2 =	vld [tilespmem:s29+$0x8020]  }
0x2f1: {  	v32 =	vld [tilespmem:s29+$0x9020]  }
0x2f2: {  	v4 =	vadd.f32 v30, v4;
	_ =	sdelay $0x1  }
0x2f3: {  	v3 =	vadd.f32 v31, v3;
	[tilespmem:s31+$0x140A0] =	vst v4  }
0x2f4: {  	v4 =	vld [tilespmem:s25+$0x8030]  }
0x2f5: {  	v2 =	vadd.f32 v32, v2;
	[tilespmem:s1+$0x140A0] =	vst v3;
	v33 =	vld [tilespmem:s25+$0x9030]  }
0x2f6: {  	v3 =	vld [tilespmem:s26+$0x8030]  }
0x2f7: {  	[tilespmem:s0+$0x140A0] =	vst v2;
	v34 =	vld [tilespmem:s26+$0x9030]  }
0x2f8: {  	v2 =	vld [tilespmem:s29+$0x8030]  }
0x2f9: {  	v35 =	vld [tilespmem:s29+$0x9030]  }
0x2fa: {  	v4 =	vadd.f32 v33, v4;
	_ =	sdelay $0x1  }
0x2fb: {  	v3 =	vadd.f32 v34, v3;
	[tilespmem:s31+$0x140B0] =	vst v4  }
0x2fc: {  	v4 =	vld [tilespmem:s25+$0x8040]  }
0x2fd: {  	v2 =	vadd.f32 v35, v2;
	[tilespmem:s1+$0x140B0] =	vst v3;
	v36 =	vld [tilespmem:s25+$0x9040]  }
0x2fe: {  	v3 =	vld [tilespmem:s26+$0x8040]  }
0x2ff: {  	[tilespmem:s0+$0x140B0] =	vst v2;
	v37 =	vld [tilespmem:s26+$0x9040]  }
0x300: {  	v2 =	vld [tilespmem:s29+$0x8040]  }
0x301: {  	v38 =	vld [tilespmem:s29+$0x9040]  }
0x302: {  	v4 =	vadd.f32 v36, v4;
	_ =	sdelay $0x1  }
0x303: {  	v3 =	vadd.f32 v37, v3;
	[tilespmem:s31+$0x140C0] =	vst v4  }
0x304: {  	v4 =	vld [tilespmem:s25+$0x8050]  }
0x305: {  	v2 =	vadd.f32 v38, v2;
	[tilespmem:s1+$0x140C0] =	vst v3;
	v39 =	vld [tilespmem:s25+$0x9050]  }
0x306: {  	v3 =	vld [tilespmem:s26+$0x8050]  }
0x307: {  	[tilespmem:s0+$0x140C0] =	vst v2;
	v40 =	vld [tilespmem:s26+$0x9050]  }
0x308: {  	v2 =	vld [tilespmem:s29+$0x8050]  }
0x309: {  	v41 =	vld [tilespmem:s29+$0x9050]  }
0x30a: {  	v4 =	vadd.f32 v39, v4;
	_ =	sdelay $0x1  }
0x30b: {  	v3 =	vadd.f32 v40, v3;
	[tilespmem:s31+$0x140D0] =	vst v4  }
0x30c: {  	v4 =	vld [tilespmem:s25+$0x8060]  }
0x30d: {  	v2 =	vadd.f32 v41, v2;
	[tilespmem:s1+$0x140D0] =	vst v3;
	v42 =	vld [tilespmem:s25+$0x9060]  }
0x30e: {  	v3 =	vld [tilespmem:s26+$0x8060]  }
0x30f: {  	[tilespmem:s0+$0x140D0] =	vst v2;
	v43 =	vld [tilespmem:s26+$0x9060]  }
0x310: {  	v2 =	vld [tilespmem:s29+$0x8060]  }
0x311: {  	v44 =	vld [tilespmem:s29+$0x9060]  }
0x312: {  	v4 =	vadd.f32 v42, v4;
	_ =	sdelay $0x1  }
0x313: {  	v3 =	vadd.f32 v43, v3;
	[tilespmem:s31+$0x140E0] =	vst v4  }
0x314: {  	v4 =	vld [tilespmem:s25+$0x8070]  }
0x315: {  	v2 =	vadd.f32 v44, v2;
	[tilespmem:s1+$0x140E0] =	vst v3;
	v45 =	vld [tilespmem:s25+$0x9070]  }
0x316: {  	v3 =	vld [tilespmem:s26+$0x8070]  }
0x317: {  	[tilespmem:s0+$0x140E0] =	vst v2;
	v46 =	vld [tilespmem:s26+$0x9070]  }
0x318: {  	v2 =	vld [tilespmem:s29+$0x8070]  }
0x319: {  	v47 =	vld [tilespmem:s29+$0x9070]  }
0x31a: {  	v4 =	vadd.f32 v45, v4;
	_ =	sdelay $0x1  }
0x31b: {  	v3 =	vadd.f32 v46, v3;
	[tilespmem:s31+$0x140F0] =	vst v4  }
0x31c: {  	v4 =	vld [tilespmem:s25+$0x9000]  }
0x31d: {  	v2 =	vadd.f32 v47, v2;
	[tilespmem:s1+$0x140F0] =	vst v3;
	v48 =	vld [tilespmem:s25+$0xA000]  }
0x31e: {  	v3 =	vld [tilespmem:s26+$0x9000]  }
0x31f: {  	[tilespmem:s0+$0x140F0] =	vst v2;
	v49 =	vld [tilespmem:s26+$0xA000]  }
0x320: {  	v2 =	vld [tilespmem:s29+$0x9000]  }
0x321: {  	v50 =	vld [tilespmem:s29+$0xA000]  }
0x322: {  	v4 =	vadd.f32 v48, v4;
	_ =	sdelay $0x1  }
0x323: {  	v3 =	vadd.f32 v49, v3;
	[tilespmem:s31+$0x14100] =	vst v4  }
0x324: {  	v4 =	vld [tilespmem:s25+$0x9010]  }
0x325: {  	v2 =	vadd.f32 v50, v2;
	[tilespmem:s1+$0x14100] =	vst v3;
	v51 =	vld [tilespmem:s25+$0xA010]  }
0x326: {  	v3 =	vld [tilespmem:s26+$0x9010]  }
0x327: {  	[tilespmem:s0+$0x14100] =	vst v2;
	v52 =	vld [tilespmem:s26+$0xA010]  }
0x328: {  	v2 =	vld [tilespmem:s29+$0x9010]  }
0x329: {  	v53 =	vld [tilespmem:s29+$0xA010]  }
0x32a: {  	v4 =	vadd.f32 v51, v4;
	_ =	sdelay $0x1  }
0x32b: {  	v3 =	vadd.f32 v52, v3;
	[tilespmem:s31+$0x14110] =	vst v4  }
0x32c: {  	v4 =	vld [tilespmem:s25+$0x9020]  }
0x32d: {  	v2 =	vadd.f32 v53, v2;
	[tilespmem:s1+$0x14110] =	vst v3;
	v54 =	vld [tilespmem:s25+$0xA020]  }
0x32e: {  	v3 =	vld [tilespmem:s26+$0x9020]  }
0x32f: {  	[tilespmem:s0+$0x14110] =	vst v2;
	v55 =	vld [tilespmem:s26+$0xA020]  }
0x330: {  	v2 =	vld [tilespmem:s29+$0x9020]  }
0x331: {  	v56 =	vld [tilespmem:s29+$0xA020]  }
0x332: {  	v4 =	vadd.f32 v54, v4;
	_ =	sdelay $0x1  }
0x333: {  	v3 =	vadd.f32 v55, v3;
	[tilespmem:s31+$0x14120] =	vst v4  }
0x334: {  	v4 =	vld [tilespmem:s25+$0x9030]  }
0x335: {  	v2 =	vadd.f32 v56, v2;
	[tilespmem:s1+$0x14120] =	vst v3;
	v57 =	vld [tilespmem:s25+$0xA030]  }
0x336: {  	v3 =	vld [tilespmem:s26+$0x9030]  }
0x337: {  	[tilespmem:s0+$0x14120] =	vst v2;
	v58 =	vld [tilespmem:s26+$0xA030]  }
0x338: {  	v2 =	vld [tilespmem:s29+$0x9030]  }
0x339: {  	v59 =	vld [tilespmem:s29+$0xA030]  }
0x33a: {  	v4 =	vadd.f32 v57, v4;
	_ =	sdelay $0x1  }
0x33b: {  	v3 =	vadd.f32 v58, v3;
	[tilespmem:s31+$0x14130] =	vst v4  }
0x33c: {  	v4 =	vld [tilespmem:s25+$0x9040]  }
0x33d: {  	v2 =	vadd.f32 v59, v2;
	[tilespmem:s1+$0x14130] =	vst v3;
	v60 =	vld [tilespmem:s25+$0xA040]  }
0x33e: {  	v3 =	vld [tilespmem:s26+$0x9040]  }
0x33f: {  	[tilespmem:s0+$0x14130] =	vst v2;
	v61 =	vld [tilespmem:s26+$0xA040]  }
0x340: {  	v2 =	vld [tilespmem:s29+$0x9040]  }
0x341: {  	v62 =	vld [tilespmem:s29+$0xA040]  }
0x342: {  	v4 =	vadd.f32 v60, v4;
	_ =	sdelay $0x1  }
0x343: {  	v3 =	vadd.f32 v61, v3;
	[tilespmem:s31+$0x14140] =	vst v4  }
0x344: {  	v4 =	vld [tilespmem:s25+$0x9050]  }
0x345: {  	v2 =	vadd.f32 v62, v2;
	[tilespmem:s1+$0x14140] =	vst v3;
	v63 =	vld [tilespmem:s25+$0xA050]  }
0x346: {  	v3 =	vld [tilespmem:s26+$0x9050]  }
0x347: {  	[tilespmem:s0+$0x14140] =	vst v2;
	v9 =	vld [tilespmem:s26+$0xA050]  }
0x348: {  	v2 =	vld [tilespmem:s29+$0x9050]  }
0x349: {  	v10 =	vld [tilespmem:s29+$0xA050]  }
0x34a: {  	v4 =	vadd.f32 v63, v4;
	_ =	sdelay $0x1  }
0x34b: {  	v3 =	vadd.f32 v9, v3;
	[tilespmem:s31+$0x14150] =	vst v4  }
0x34c: {  	v4 =	vld [tilespmem:s25+$0x9060]  }
0x34d: {  	v2 =	vadd.f32 v10, v2;
	[tilespmem:s1+$0x14150] =	vst v3;
	v11 =	vld [tilespmem:s25+$0xA060]  }
0x34e: {  	v3 =	vld [tilespmem:s26+$0x9060]  }
0x34f: {  	[tilespmem:s0+$0x14150] =	vst v2;
	v12 =	vld [tilespmem:s26+$0xA060]  }
0x350: {  	v2 =	vld [tilespmem:s29+$0x9060]  }
0x351: {  	v13 =	vld [tilespmem:s29+$0xA060]  }
0x352: {  	v4 =	vadd.f32 v11, v4;
	_ =	sdelay $0x1  }
0x353: {  	v3 =	vadd.f32 v12, v3;
	[tilespmem:s31+$0x14160] =	vst v4  }
0x354: {  	v4 =	vld [tilespmem:s25+$0x9070]  }
0x355: {  	v2 =	vadd.f32 v13, v2;
	[tilespmem:s1+$0x14160] =	vst v3;
	v14 =	vld [tilespmem:s25+$0xA070]  }
0x356: {  	v3 =	vld [tilespmem:s26+$0x9070]  }
0x357: {  	[tilespmem:s0+$0x14160] =	vst v2;
	v15 =	vld [tilespmem:s26+$0xA070]  }
0x358: {  	v2 =	vld [tilespmem:s29+$0x9070]  }
0x359: {  	v16 =	vld [tilespmem:s29+$0xA070]  }
0x35a: {  	v4 =	vadd.f32 v14, v4;
	_ =	sdelay $0x1  }
0x35b: {  	v3 =	vadd.f32 v15, v3;
	[tilespmem:s31+$0x14170] =	vst v4  }
0x35c: {  	v4 =	vld [tilespmem:s25+$0xA000]  }
0x35d: {  	v2 =	vadd.f32 v16, v2;
	[tilespmem:s1+$0x14170] =	vst v3;
	v17 =	vld [tilespmem:s25+$0xB000]  }
0x35e: {  	v3 =	vld [tilespmem:s26+$0xA000]  }
0x35f: {  	[tilespmem:s0+$0x14170] =	vst v2;
	v18 =	vld [tilespmem:s26+$0xB000]  }
0x360: {  	v2 =	vld [tilespmem:s29+$0xA000]  }
0x361: {  	v19 =	vld [tilespmem:s29+$0xB000]  }
0x362: {  	v4 =	vadd.f32 v17, v4;
	_ =	sdelay $0x1  }
0x363: {  	v3 =	vadd.f32 v18, v3;
	[tilespmem:s31+$0x14180] =	vst v4  }
0x364: {  	v4 =	vld [tilespmem:s25+$0xA010]  }
0x365: {  	v2 =	vadd.f32 v19, v2;
	[tilespmem:s1+$0x14180] =	vst v3;
	v20 =	vld [tilespmem:s25+$0xB010]  }
0x366: {  	v3 =	vld [tilespmem:s26+$0xA010]  }
0x367: {  	[tilespmem:s0+$0x14180] =	vst v2;
	v21 =	vld [tilespmem:s26+$0xB010]  }
0x368: {  	v0 =	vadd.f32 v1, v0;
	v22 =	vld [tilespmem:s29+$0xA010]  }
0x369: {  	v2 =	vld [tilespmem:s29+$0xB010]  }
0x36a: {  	[tilespmem:s23+$0x14190] =	vst v0;
	v23 =	vadd.f32 v20, v4  }
0x36b: {  	v24 =	vld [tilespmem:s24+$0xA020]  }
0x36c: {  	v25 =	vld [tilespmem:s24+$0xB020];
	v26 =	vadd.f32 v21, v3;
	[tilespmem:s31+$0x14190] =	vst v23  }
0x36d: {  	v27 =	vld [tilespmem:s25+$0xA020]  }
0x36e: {  	v29 =	vadd.f32 v2, v22;
	[tilespmem:s1+$0x14190] =	vst v26;
	v28 =	vld [tilespmem:s25+$0xB020]  }
0x36f: {  	v30 =	vld [tilespmem:s26+$0xA020]  }
0x370: {  	[tilespmem:s0+$0x14190] =	vst v29;
	v31 =	vld [tilespmem:s26+$0xB020]  }
0x371: {  	v32 =	vadd.f32 v25, v24;
	v33 =	vld [tilespmem:s29+$0xA020]  }
0x372: {  	v34 =	vld [tilespmem:s29+$0xB020]  }
0x373: {  	[tilespmem:s23+$0x141A0] =	vst v32;
	v35 =	vadd.f32 v28, v27  }
0x374: {  	v36 =	vld [tilespmem:s24+$0xA030]  }
0x375: {  	v37 =	vld [tilespmem:s24+$0xB030];
	v38 =	vadd.f32 v31, v30;
	[tilespmem:s31+$0x141A0] =	vst v35  }
0x376: {  	v39 =	vld [tilespmem:s25+$0xA030]  }
0x377: {  	v41 =	vadd.f32 v34, v33;
	[tilespmem:s1+$0x141A0] =	vst v38;
	v40 =	vld [tilespmem:s25+$0xB030]  }
0x378: {  	v42 =	vld [tilespmem:s26+$0xA030]  }
0x379: {  	[tilespmem:s0+$0x141A0] =	vst v41;
	v43 =	vld [tilespmem:s26+$0xB030]  }
0x37a: {  	v44 =	vadd.f32 v37, v36;
	v45 =	vld [tilespmem:s29+$0xA030]  }
0x37b: {  	v46 =	vld [tilespmem:s29+$0xB030]  }
0x37c: {  	[tilespmem:s23+$0x141B0] =	vst v44;
	v47 =	vadd.f32 v40, v39  }
0x37d: {  	v48 =	vld [tilespmem:s24+$0xA040]  }
0x37e: {  	v49 =	vld [tilespmem:s24+$0xB040];
	v50 =	vadd.f32 v43, v42;
	[tilespmem:s31+$0x141B0] =	vst v47  }
0x37f: {  	v51 =	vld [tilespmem:s25+$0xA040]  }
0x380: {  	v53 =	vadd.f32 v46, v45;
	[tilespmem:s1+$0x141B0] =	vst v50;
	v52 =	vld [tilespmem:s25+$0xB040]  }
0x381: {  	v54 =	vld [tilespmem:s26+$0xA040]  }
0x382: {  	[tilespmem:s0+$0x141B0] =	vst v53;
	v55 =	vld [tilespmem:s26+$0xB040]  }
0x383: {  	v56 =	vadd.f32 v49, v48;
	v57 =	vld [tilespmem:s29+$0xA040]  }
0x384: {  	v58 =	vld [tilespmem:s29+$0xB040]  }
0x385: {  	[tilespmem:s23+$0x141C0] =	vst v56;
	v59 =	vadd.f32 v52, v51  }
0x386: {  	v60 =	vld [tilespmem:s24+$0xA050]  }
0x387: {  	v61 =	vld [tilespmem:s24+$0xB050];
	v62 =	vadd.f32 v55, v54;
	[tilespmem:s31+$0x141C0] =	vst v59  }
0x388: {  	v63 =	vld [tilespmem:s25+$0xA050]  }
0x389: {  	v10 =	vadd.f32 v58, v57;
	[tilespmem:s1+$0x141C0] =	vst v62;
	v9 =	vld [tilespmem:s25+$0xB050]  }
0x38a: {  	v11 =	vld [tilespmem:s26+$0xA050]  }
0x38b: {  	[tilespmem:s0+$0x141C0] =	vst v10;
	v12 =	vld [tilespmem:s26+$0xB050]  }
0x38c: {  	v13 =	vadd.f32 v61, v60;
	v14 =	vld [tilespmem:s29+$0xA050]  }
0x38d: {  	v15 =	vld [tilespmem:s29+$0xB050]  }
0x38e: {  	[tilespmem:s23+$0x141D0] =	vst v13;
	v16 =	vadd.f32 v9, v63  }
0x38f: {  	v17 =	vld [tilespmem:s24+$0xA060]  }
0x390: {  	v18 =	vld [tilespmem:s24+$0xB060];
	v19 =	vadd.f32 v12, v11;
	[tilespmem:s31+$0x141D0] =	vst v16  }
0x391: {  	v20 =	vld [tilespmem:s25+$0xA060]  }
0x392: {  	v22 =	vadd.f32 v15, v14;
	[tilespmem:s1+$0x141D0] =	vst v19;
	v21 =	vld [tilespmem:s25+$0xB060]  }
0x393: {  	v23 =	vld [tilespmem:s26+$0xA060]  }
0x394: {  	[tilespmem:s0+$0x141D0] =	vst v22;
	v24 =	vld [tilespmem:s26+$0xB060]  }
0x395: {  	v25 =	vadd.f32 v18, v17;
	v26 =	vld [tilespmem:s29+$0xA060]  }
0x396: {  	v27 =	vld [tilespmem:s29+$0xB060]  }
0x397: {  	[tilespmem:s23+$0x141E0] =	vst v25;
	v28 =	vadd.f32 v21, v20  }
0x398: {  	v29 =	vld [tilespmem:s24+$0xA070]  }
0x399: {  	v30 =	vld [tilespmem:s24+$0xB070];
	v31 =	vadd.f32 v24, v23;
	[tilespmem:s31+$0x141E0] =	vst v28  }
0x39a: {  	v32 =	vld [tilespmem:s25+$0xA070]  }
0x39b: {  	v34 =	vadd.f32 v27, v26;
	[tilespmem:s1+$0x141E0] =	vst v31;
	v33 =	vld [tilespmem:s25+$0xB070]  }
0x39c: {  	v35 =	vld [tilespmem:s26+$0xA070]  }
0x39d: {  	[tilespmem:s0+$0x141E0] =	vst v34;
	v36 =	vld [tilespmem:s26+$0xB070]  }
0x39e: {  	v37 =	vadd.f32 v30, v29;
	v38 =	vld [tilespmem:s29+$0xA070]  }
0x39f: {  	v39 =	vld [tilespmem:s29+$0xB070]  }
0x3a0: {  	[tilespmem:s23+$0x141F0] =	vst v37;
	v40 =	vadd.f32 v33, v32  }
0x3a1: {  	v41 =	vld [tilespmem:s24+$0xB000]  }
0x3a2: {  	v42 =	vld [tilespmem:s24+$0xC000];
	v43 =	vadd.f32 v36, v35;
	[tilespmem:s31+$0x141F0] =	vst v40  }
0x3a3: {  	v44 =	vld [tilespmem:s25+$0xB000]  }
0x3a4: {  	v46 =	vadd.f32 v39, v38;
	[tilespmem:s1+$0x141F0] =	vst v43;
	v45 =	vld [tilespmem:s25+$0xC000]  }
0x3a5: {  	v47 =	vld [tilespmem:s26+$0xB000]  }
0x3a6: {  	[tilespmem:s0+$0x141F0] =	vst v46;
	v48 =	vld [tilespmem:s26+$0xC000]  }
0x3a7: {  	v49 =	vadd.f32 v42, v41;
	v50 =	vld [tilespmem:s29+$0xB000]  }
0x3a8: {  	v51 =	vld [tilespmem:s29+$0xC000]  }
0x3a9: {  	[tilespmem:s23+$0x14200] =	vst v49;
	v52 =	vadd.f32 v45, v44  }
0x3aa: {  	v53 =	vld [tilespmem:s24+$0xB010]  }
0x3ab: {  	v54 =	vld [tilespmem:s24+$0xC010];
	v55 =	vadd.f32 v48, v47;
	[tilespmem:s31+$0x14200] =	vst v52  }
0x3ac: {  	v56 =	vld [tilespmem:s25+$0xB010]  }
0x3ad: {  	v58 =	vadd.f32 v51, v50;
	[tilespmem:s1+$0x14200] =	vst v55;
	v57 =	vld [tilespmem:s25+$0xC010]  }
0x3ae: {  	v59 =	vld [tilespmem:s26+$0xB010]  }
0x3af: {  	[tilespmem:s0+$0x14200] =	vst v58;
	v60 =	vld [tilespmem:s26+$0xC010]  }
0x3b0: {  	v61 =	vadd.f32 v54, v53;
	v62 =	vld [tilespmem:s29+$0xB010]  }
0x3b1: {  	v63 =	vld [tilespmem:s29+$0xC010]  }
0x3b2: {  	[tilespmem:s23+$0x14210] =	vst v61;
	v8 =	vadd.f32 v57, v56  }
0x3b3: {  	v9 =	vld [tilespmem:s24+$0xB020]  }
0x3b4: {  	v10 =	vld [tilespmem:s24+$0xC020];
	v11 =	vadd.f32 v60, v59;
	[tilespmem:s31+$0x14210] =	vst v8  }
0x3b5: {  	v12 =	vld [tilespmem:s25+$0xB020]  }
0x3b6: {  	v14 =	vadd.f32 v63, v62;
	[tilespmem:s1+$0x14210] =	vst v11;
	v13 =	vld [tilespmem:s25+$0xC020]  }
0x3b7: {  	v15 =	vld [tilespmem:s26+$0xB020]  }
0x3b8: {  	[tilespmem:s0+$0x14210] =	vst v14;
	v16 =	vld [tilespmem:s26+$0xC020]  }
0x3b9: {  	v17 =	vadd.f32 v10, v9;
	v18 =	vld [tilespmem:s29+$0xB020]  }
0x3ba: {  	v19 =	vld [tilespmem:s29+$0xC020]  }
0x3bb: {  	[tilespmem:s23+$0x14220] =	vst v17;
	v20 =	vadd.f32 v13, v12  }
0x3bc: {  	v21 =	vld [tilespmem:s24+$0xB030]  }
0x3bd: {  	v22 =	vld [tilespmem:s24+$0xC030];
	v23 =	vadd.f32 v16, v15;
	[tilespmem:s31+$0x14220] =	vst v20  }
0x3be: {  	v24 =	vld [tilespmem:s25+$0xB030]  }
0x3bf: {  	v26 =	vadd.f32 v19, v18;
	[tilespmem:s1+$0x14220] =	vst v23;
	v25 =	vld [tilespmem:s25+$0xC030]  }
0x3c0: {  	v27 =	vld [tilespmem:s26+$0xB030]  }
0x3c1: {  	[tilespmem:s0+$0x14220] =	vst v26;
	v28 =	vld [tilespmem:s26+$0xC030]  }
0x3c2: {  	v29 =	vadd.f32 v22, v21;
	v30 =	vld [tilespmem:s29+$0xB030]  }
0x3c3: {  	v31 =	vld [tilespmem:s29+$0xC030]  }
0x3c4: {  	[tilespmem:s23+$0x14230] =	vst v29;
	v32 =	vadd.f32 v25, v24  }
0x3c5: {  	v33 =	vld [tilespmem:s24+$0xB040]  }
0x3c6: {  	v34 =	vld [tilespmem:s24+$0xC040];
	v35 =	vadd.f32 v28, v27;
	[tilespmem:s31+$0x14230] =	vst v32  }
0x3c7: {  	v36 =	vld [tilespmem:s25+$0xB040]  }
0x3c8: {  	v38 =	vadd.f32 v31, v30;
	[tilespmem:s1+$0x14230] =	vst v35;
	v37 =	vld [tilespmem:s25+$0xC040]  }
0x3c9: {  	v39 =	vld [tilespmem:s26+$0xB040]  }
0x3ca: {  	[tilespmem:s0+$0x14230] =	vst v38;
	v40 =	vld [tilespmem:s26+$0xC040]  }
0x3cb: {  	v41 =	vadd.f32 v34, v33;
	v42 =	vld [tilespmem:s29+$0xB040]  }
0x3cc: {  	v43 =	vld [tilespmem:s29+$0xC040]  }
0x3cd: {  	[tilespmem:s23+$0x14240] =	vst v41;
	v44 =	vadd.f32 v37, v36  }
0x3ce: {  	v45 =	vld [tilespmem:s24+$0xB050]  }
0x3cf: {  	v46 =	vld [tilespmem:s24+$0xC050];
	v47 =	vadd.f32 v40, v39;
	[tilespmem:s31+$0x14240] =	vst v44  }
0x3d0: {  	v48 =	vld [tilespmem:s25+$0xB050]  }
0x3d1: {  	v50 =	vadd.f32 v43, v42;
	[tilespmem:s1+$0x14240] =	vst v47;
	v49 =	vld [tilespmem:s25+$0xC050]  }
0x3d2: {  	v51 =	vld [tilespmem:s26+$0xB050]  }
0x3d3: {  	[tilespmem:s0+$0x14240] =	vst v50;
	v52 =	vld [tilespmem:s26+$0xC050]  }
0x3d4: {  	v53 =	vadd.f32 v46, v45;
	v54 =	vld [tilespmem:s29+$0xB050]  }
0x3d5: {  	v55 =	vld [tilespmem:s29+$0xC050]  }
0x3d6: {  	[tilespmem:s23+$0x14250] =	vst v53;
	v56 =	vadd.f32 v49, v48  }
0x3d7: {  	v57 =	vld [tilespmem:s24+$0xB060]  }
0x3d8: {  	v58 =	vld [tilespmem:s24+$0xC060];
	v59 =	vadd.f32 v52, v51;
	[tilespmem:s31+$0x14250] =	vst v56  }
0x3d9: {  	v60 =	vld [tilespmem:s25+$0xB060]  }
0x3da: {  	v62 =	vadd.f32 v55, v54;
	[tilespmem:s1+$0x14250] =	vst v59;
	v61 =	vld [tilespmem:s25+$0xC060]  }
0x3db: {  	v63 =	vld [tilespmem:s26+$0xB060]  }
0x3dc: {  	[tilespmem:s0+$0x14250] =	vst v62;
	v9 =	vld [tilespmem:s26+$0xC060]  }
0x3dd: {  	v10 =	vadd.f32 v58, v57;
	v11 =	vld [tilespmem:s29+$0xB060]  }
0x3de: {  	v12 =	vld [tilespmem:s29+$0xC060]  }
0x3df: {  	[tilespmem:s23+$0x14260] =	vst v10;
	v13 =	vadd.f32 v61, v60  }
0x3e0: {  	v14 =	vld [tilespmem:s24+$0xB070]  }
0x3e1: {  	v15 =	vld [tilespmem:s24+$0xC070];
	v16 =	vadd.f32 v9, v63;
	[tilespmem:s31+$0x14260] =	vst v13  }
0x3e2: {  	v17 =	vld [tilespmem:s25+$0xB070]  }
0x3e3: {  	v19 =	vadd.f32 v12, v11;
	[tilespmem:s1+$0x14260] =	vst v16;
	v18 =	vld [tilespmem:s25+$0xC070]  }
0x3e4: {  	v20 =	vld [tilespmem:s26+$0xB070]  }
0x3e5: {  	[tilespmem:s0+$0x14260] =	vst v19;
	v21 =	vld [tilespmem:s26+$0xC070]  }
0x3e6: {  	v22 =	vadd.f32 v15, v14;
	v23 =	vld [tilespmem:s29+$0xB070]  }
0x3e7: {  	v24 =	vld [tilespmem:s29+$0xC070]  }
0x3e8: {  	[tilespmem:s23+$0x14270] =	vst v22;
	v25 =	vadd.f32 v18, v17  }
0x3e9: {  	v26 =	vld [tilespmem:s24+$0xC000]  }
0x3ea: {  	v27 =	vld [tilespmem:s24+$0xD000];
	v28 =	vadd.f32 v21, v20;
	[tilespmem:s31+$0x14270] =	vst v25  }
0x3eb: {  	v29 =	vld [tilespmem:s25+$0xC000]  }
0x3ec: {  	v31 =	vadd.f32 v24, v23;
	[tilespmem:s1+$0x14270] =	vst v28;
	v30 =	vld [tilespmem:s25+$0xD000]  }
0x3ed: {  	v32 =	vld [tilespmem:s26+$0xC000]  }
0x3ee: {  	[tilespmem:s0+$0x14270] =	vst v31;
	v33 =	vld [tilespmem:s26+$0xD000]  }
0x3ef: {  	v34 =	vadd.f32 v27, v26;
	v35 =	vld [tilespmem:s29+$0xC000]  }
0x3f0: {  	v36 =	vld [tilespmem:s29+$0xD000]  }
0x3f1: {  	[tilespmem:s23+$0x14280] =	vst v34;
	v37 =	vadd.f32 v30, v29  }
0x3f2: {  	v38 =	vld [tilespmem:s24+$0xC010]  }
0x3f3: {  	v39 =	vld [tilespmem:s24+$0xD010];
	v40 =	vadd.f32 v33, v32;
	[tilespmem:s31+$0x14280] =	vst v37  }
0x3f4: {  	v41 =	vld [tilespmem:s25+$0xC010]  }
0x3f5: {  	v43 =	vadd.f32 v36, v35;
	[tilespmem:s1+$0x14280] =	vst v40;
	v42 =	vld [tilespmem:s25+$0xD010]  }
0x3f6: {  	v44 =	vld [tilespmem:s26+$0xC010]  }
0x3f7: {  	[tilespmem:s0+$0x14280] =	vst v43;
	v45 =	vld [tilespmem:s26+$0xD010]  }
0x3f8: {  	v46 =	vadd.f32 v39, v38;
	v47 =	vld [tilespmem:s29+$0xC010]  }
0x3f9: {  	v48 =	vld [tilespmem:s29+$0xD010]  }
0x3fa: {  	[tilespmem:s23+$0x14290] =	vst v46;
	v49 =	vadd.f32 v42, v41  }
0x3fb: {  	v50 =	vld [tilespmem:s24+$0xC020]  }
0x3fc: {  	v51 =	vld [tilespmem:s24+$0xD020];
	v52 =	vadd.f32 v45, v44;
	[tilespmem:s31+$0x14290] =	vst v49  }
0x3fd: {  	v53 =	vld [tilespmem:s25+$0xC020]  }
0x3fe: {  	v55 =	vadd.f32 v48, v47;
	[tilespmem:s1+$0x14290] =	vst v52;
	v54 =	vld [tilespmem:s25+$0xD020]  }
0x3ff: {  	v56 =	vld [tilespmem:s26+$0xC020]  }
0x400: {  	[tilespmem:s0+$0x14290] =	vst v55;
	v57 =	vld [tilespmem:s26+$0xD020]  }
0x401: {  	v58 =	vadd.f32 v51, v50;
	v59 =	vld [tilespmem:s29+$0xC020]  }
0x402: {  	v60 =	vld [tilespmem:s29+$0xD020]  }
0x403: {  	[tilespmem:s23+$0x142A0] =	vst v58;
	v61 =	vadd.f32 v54, v53  }
0x404: {  	v62 =	vld [tilespmem:s24+$0xC030]  }
0x405: {  	v63 =	vld [tilespmem:s24+$0xD030];
	v9 =	vadd.f32 v57, v56;
	[tilespmem:s31+$0x142A0] =	vst v61  }
0x406: {  	v10 =	vld [tilespmem:s25+$0xC030]  }
0x407: {  	v12 =	vadd.f32 v60, v59;
	[tilespmem:s1+$0x142A0] =	vst v9;
	v11 =	vld [tilespmem:s25+$0xD030]  }
0x408: {  	v13 =	vld [tilespmem:s26+$0xC030]  }
0x409: {  	[tilespmem:s0+$0x142A0] =	vst v12;
	v14 =	vld [tilespmem:s26+$0xD030]  }
0x40a: {  	v15 =	vadd.f32 v63, v62;
	v16 =	vld [tilespmem:s29+$0xC030]  }
0x40b: {  	v17 =	vld [tilespmem:s29+$0xD030]  }
0x40c: {  	[tilespmem:s23+$0x142B0] =	vst v15;
	v18 =	vadd.f32 v11, v10  }
0x40d: {  	v19 =	vld [tilespmem:s24+$0xC040]  }
0x40e: {  	v20 =	vld [tilespmem:s24+$0xD040];
	v21 =	vadd.f32 v14, v13;
	[tilespmem:s31+$0x142B0] =	vst v18  }
0x40f: {  	v22 =	vld [tilespmem:s25+$0xC040]  }
0x410: {  	v24 =	vadd.f32 v17, v16;
	[tilespmem:s1+$0x142B0] =	vst v21;
	v23 =	vld [tilespmem:s25+$0xD040]  }
0x411: {  	v25 =	vld [tilespmem:s26+$0xC040]  }
0x412: {  	[tilespmem:s0+$0x142B0] =	vst v24;
	v26 =	vld [tilespmem:s26+$0xD040]  }
0x413: {  	v27 =	vadd.f32 v20, v19;
	v28 =	vld [tilespmem:s29+$0xC040]  }
0x414: {  	v29 =	vld [tilespmem:s29+$0xD040]  }
0x415: {  	[tilespmem:s23+$0x142C0] =	vst v27;
	v30 =	vadd.f32 v23, v22  }
0x416: {  	v31 =	vld [tilespmem:s24+$0xC050]  }
0x417: {  	v32 =	vld [tilespmem:s24+$0xD050];
	v33 =	vadd.f32 v26, v25;
	[tilespmem:s31+$0x142C0] =	vst v30  }
0x418: {  	v34 =	vld [tilespmem:s25+$0xC050]  }
0x419: {  	v36 =	vadd.f32 v29, v28;
	[tilespmem:s1+$0x142C0] =	vst v33;
	v35 =	vld [tilespmem:s25+$0xD050]  }
0x41a: {  	v37 =	vld [tilespmem:s26+$0xC050]  }
0x41b: {  	[tilespmem:s0+$0x142C0] =	vst v36;
	v38 =	vld [tilespmem:s26+$0xD050]  }
0x41c: {  	v39 =	vadd.f32 v32, v31;
	v40 =	vld [tilespmem:s29+$0xC050]  }
0x41d: {  	v41 =	vld [tilespmem:s29+$0xD050]  }
0x41e: {  	[tilespmem:s23+$0x142D0] =	vst v39;
	v42 =	vadd.f32 v35, v34  }
0x41f: {  	v43 =	vld [tilespmem:s24+$0xC060]  }
0x420: {  	v44 =	vld [tilespmem:s24+$0xD060];
	v45 =	vadd.f32 v38, v37;
	[tilespmem:s31+$0x142D0] =	vst v42  }
0x421: {  	v46 =	vld [tilespmem:s25+$0xC060]  }
0x422: {  	v48 =	vadd.f32 v41, v40;
	[tilespmem:s1+$0x142D0] =	vst v45;
	v47 =	vld [tilespmem:s25+$0xD060]  }
0x423: {  	v49 =	vld [tilespmem:s26+$0xC060]  }
0x424: {  	[tilespmem:s0+$0x142D0] =	vst v48;
	v50 =	vld [tilespmem:s26+$0xD060]  }
0x425: {  	v51 =	vadd.f32 v44, v43;
	v52 =	vld [tilespmem:s29+$0xC060]  }
0x426: {  	v53 =	vld [tilespmem:s29+$0xD060]  }
0x427: {  	[tilespmem:s23+$0x142E0] =	vst v51;
	v54 =	vadd.f32 v47, v46  }
0x428: {  	v55 =	vld [tilespmem:s24+$0xC070]  }
0x429: {  	v56 =	vld [tilespmem:s24+$0xD070];
	v57 =	vadd.f32 v50, v49;
	[tilespmem:s31+$0x142E0] =	vst v54  }
0x42a: {  	v58 =	vld [tilespmem:s25+$0xC070]  }
0x42b: {  	v60 =	vadd.f32 v53, v52;
	[tilespmem:s1+$0x142E0] =	vst v57;
	v59 =	vld [tilespmem:s25+$0xD070]  }
0x42c: {  	v61 =	vld [tilespmem:s26+$0xC070]  }
0x42d: {  	[tilespmem:s0+$0x142E0] =	vst v60;
	v62 =	vld [tilespmem:s26+$0xD070]  }
0x42e: {  	v0 =	vld [tilespmem:s29+$0xC070]  }
0x42f: {  	v63 =	vld [tilespmem:s29+$0xD070];
	_ =	sdelay $0x1  }
0x430: {  	p0 =	slt.u32 s22, $0x1C;
	v4 =	vadd.f32 v56, v55  }
.Ltmp4:
0x431: {  	v3 =	vadd.f32 v59, v58;
	(pc) =	sbr.rel @p0 .LBB2_9-.Ltmp4, $4  }
0x432: {  	[tilespmem:s23+$0x142F0] =	vst v4;
	v1 =	vadd.f32 v62, v61  }
0x433: {  	v0 =	vadd.f32 v63, v0;
	[tilespmem:s31+$0x142F0] =	vst v3  }
0x434: {  	[tilespmem:s1+$0x142F0] =	vst v1;
	s31 =	sadd.s32 $0x4, s22  }
0x435: {  	[tilespmem:s0+$0x142F0] =	vst v0;
	s22 =	smov.u32 s31  }
0x436: {  	s20 =	sadd.s32 $0x1, s20  }
0x437: {  	p0 =	sne.s32 s20, $0x8  }
.Ltmp5:
0x438: {  	_ = 	snop;
	(pc) =	sbr.rel @p0 .LBB2_2-.Ltmp5, $3  }
0x439: {  	s0 =	smul.u32 $0x60, s21;
	_ =	sdelay $0x1  }
0x43a: {  	s0 =	sadd.s32 s3, s0  }
0x43b: {  	[hbm4b:s0+s5] =	stream.linear.scatter [tilespmem:s17], [sflag:$0x4], $0x6000, $0x38;
	[tilespmem:$0x1A000] =	vst v63  }
0x43c: {  	_ =	swait.ge [sflag:s18], $0x6000  }
0x43d: {  	[sflag:s18] =	ssyncset.done $0x0  }
0x43e: {  	[sflag:s18] =	ssyncadd.s32 $0xFFFFA000  }
0x43f: {  	_ =	swait.ge [sflag:s16], $0x6000  }
0x440: {  	s19 =	sadd.s32 $0x1, s19;
	s0 =	rddreg [dreg:$0x3]  }
0x441: {  	p0 =	sne.s32 s19, s0  }
.Ltmp6:
0x442: {  	_ = 	snop;
	(pc) =	sbr.rel @p0 .LBB2_1-.Ltmp6, $3  }
0x443: {  	_ =	sdelay $0x1  }
0x444: {  	[sflag:s16] =	ssyncset.done $0x0  }
0x445: {  	[sflag:s16] =	ssyncadd.s32 $0xFFFFA000  }
0x446: {  	_ =	sfence.sel $0x180000  }
0x447: {  	[bflag:$0x0] =	sbarrier.arrive $0xFFFF  }
0x448: {  	_ =	strace $0x90000047  }
0x449: {  	s0 =	stileid.u32;
	[bflag:$0x2] =	sbarrier.arrive $0xFFFF  }
0x44a: {  	p0 =	sne.s32 s0, $0x0;
	s0 =	rddreg [dreg:$0x2]  }
0x44b: {  	s0 =	sadd.s32 @!p0 $0x100000, s0  }
0x44c: {  	[sflag:s0] =	ssyncadd.tile.s32 @!p0 $0x1;
	_ =	shalt  }
.Lfunc_end2:
_tile_overlayer_lowered:
.L_overlay_start_2:
0x44d: {  	(tag) =	ssettag $0x2  }
0x44e: {  	s0 =	rddreg [dreg:$0x0];
	s2 =	stileid.u32  }
0x44f: {  	s1 =	rddreg [dreg:$0x1];
	p0 =	sne.s32 s2, $0x0  }
0x450: {  	s3 =	rddreg [dreg:$0x2];
	[bflag:$0x3] =	sbarrier.arrive $0xFFFF;
	s2 =	simm.s32 @!p0 $0x1C05  }
0x451: {  	[timem:s3], [sflag:s2] =	dma.local @!p0 [hbm:s0], s1  }
0x452: {  	s0 =	simm.s32 @!p0 $0x5  }
0x453: {  	_ =	swait.ge @!p0 [sflag:s0], s1  }
0x454: {  	s1 =	ssub.s32 @!p0 $0x0, s1;
	[sflag:s0] =	ssyncset.done @!p0 $0x0  }
0x455: {  	[sflag:s0] =	ssyncadd.s32 @!p0 s1  }
0x456: {  	[bflag:$0x3] =	sbarrier.arrive $0xFFFF  }
0x457: {  	_ =	shalt  }

</sc_bundles>
